<compile_context>
chip_gen: v7x
topology: tpu7x:2x2x1
jax: 0.10.2.dev20260603
libtpu: 0.0.44.dev20260713+nightly
codegen_flags: <defaults>
</compile_context>

<pallas_src>
import functools

import jax
import jax.numpy as jnp
from jax import lax
from jax.experimental import pallas as pl
from jax.experimental.pallas import tpu as pltpu
from jax.experimental.pallas import tpu_sc as plsc

N = 10000
E = 320000
F_IN = 128
H1, C1 = 8, 8
HC1 = H1 * C1
C2 = 16

NC, NS = 2, 16
NCC = 2
NW = NCC * NS
CH = 256
NB = CH // 128
SLOTS = 3
EP = 327680
EPT = EP // NW
NCHUNK = EPT // CH
W_DEN = 8
NPAD = N + 16


def _matmul2_kernel(x_ref, wt_ref, wa_ref, tab_ref, att_ref):
    xb = x_ref[...]
    tab_ref[...] = jnp.dot(xb, wt_ref[...], preferred_element_type=jnp.float32)
    att_ref[...] = jnp.dot(xb, wa_ref[...], preferred_element_type=jnp.float32)


def _project(x, wtab, watt):
    f_in = x.shape[1]
    w_h = wtab.shape[1]
    w_att = watt.shape[1]
    blk = 1000
    return pl.pallas_call(
        _matmul2_kernel,
        grid=(N // blk,),
        in_specs=[
            pl.BlockSpec((blk, f_in), lambda i: (i, 0)),
            pl.BlockSpec((f_in, w_h), lambda i: (0, 0)),
            pl.BlockSpec((f_in, w_att), lambda i: (0, 0)),
        ],
        out_specs=[
            pl.BlockSpec((blk, w_h), lambda i: (i, 0)),
            pl.BlockSpec((blk, w_att), lambda i: (i, 0)),
        ],
        out_shape=[
            jax.ShapeDtypeStruct((N, w_h), jnp.float32),
            jax.ShapeDtypeStruct((N, w_att), jnp.float32),
        ],
    )(x, wtab, watt)


def _make_edge_kernel(n_heads, w_h, w_att, stage):
    mesh = plsc.VectorSubcoreMesh(
        core_axis_name="c", subcore_axis_name="s", num_cores=NCC,
        num_subcores=NS
    )

    scratch = [
        pltpu.VMEM((SLOTS * NB, 128), jnp.int32),
        pltpu.VMEM((SLOTS * NB, 128), jnp.int32),
        pltpu.VMEM((SLOTS * CH, w_h), jnp.float32),
        pltpu.VMEM((SLOTS * CH, w_att), jnp.float32),
        pltpu.VMEM((SLOTS * CH, w_att), jnp.float32),
        pltpu.VMEM((SLOTS * CH, W_DEN), jnp.float32),
        pltpu.VMEM_SHARED((NPAD, w_h), jnp.float32),
        pltpu.VMEM_SHARED((NPAD, W_DEN), jnp.float32),
    ]
    if stage:
        scratch += [
            pltpu.VMEM_SHARED((N, w_att), jnp.float32),
        ]
    scratch += [
        pltpu.SemaphoreType.DMA,
        pltpu.SemaphoreType.DMA,
        pltpu.SemaphoreType.DMA,
    ]

    @functools.partial(
        pl.kernel,
        mesh=mesh,
        compiler_params=pltpu.CompilerParams(
            needs_layout_passes=False, use_tc_tiling_on_sc=False),
        out_type=(
            jax.ShapeDtypeStruct((NCC, N, w_h), jnp.float32),
            jax.ShapeDtypeStruct((NCC, N, W_DEN), jnp.float32),
        ),
        scratch_types=scratch,
    )
    def edge_kernel(src_hbm, dst_hbm, tab_hbm, att_hbm, acc_hbm, den_hbm,
                    *refs):
        if stage:
            (src_v, dst_v, rows_v, arows_v, brows_v, w_v, acc, den,
             att_sh, gsem, gsem2, ssem) = refs
            tab_src, att_src = tab_hbm, att_sh
        else:
            (src_v, dst_v, rows_v, arows_v, brows_v, w_v, acc, den,
             gsem, gsem2, ssem) = refs
            tab_src, att_src = tab_hbm, att_hbm

        c = lax.axis_index("c")
        s = lax.axis_index("s")
        wid = c * NS + s

        iota = lax.iota(jnp.int32, 16)
        row01 = iota >> 3
        col8 = iota & 7
        zeros16 = jnp.zeros((16,), jnp.float32)
        zeros16i = jnp.zeros((16,), jnp.int32)

        def gather_cps(g):
            sl = lax.rem(g, SLOTS)
            cps = []
            for j in range(NB):
                cps.append(pltpu.make_async_copy(
                    tab_src.at[src_v.at[sl * NB + j]],
                    rows_v.at[pl.ds(sl * CH + j * 128, 128)], gsem))
                cps.append(pltpu.make_async_copy(
                    att_src.at[src_v.at[sl * NB + j]],
                    arows_v.at[pl.ds(sl * CH + j * 128, 128)], gsem2))
                cps.append(pltpu.make_async_copy(
                    att_src.at[dst_v.at[sl * NB + j]],
                    brows_v.at[pl.ds(sl * CH + j * 128, 128)], gsem2))
            return cps

        def fire_gathers(g):
            sl = lax.rem(g, SLOTS)
            row0 = wid * (EPT // 128) + g * NB
            pltpu.sync_copy(src_hbm.at[pl.ds(row0, NB)],
                            src_v.at[pl.ds(sl * NB, NB)])
            pltpu.sync_copy(dst_hbm.at[pl.ds(row0, NB)],
                            dst_v.at[pl.ds(sl * NB, NB)])
            for cp in gather_cps(g):
                cp.start()

        def scatter_cps(g):
            sl = lax.rem(g, SLOTS)
            cps = []
            for j in range(NB):
                cps.append(pltpu.make_async_copy(
                    rows_v.at[pl.ds(sl * CH + j * 128, 128)],
                    acc.at[dst_v.at[sl * NB + j]], ssem))
                cps.append(pltpu.make_async_copy(
                    w_v.at[pl.ds(sl * CH + j * 128, 128)],
                    den.at[dst_v.at[sl * NB + j]], ssem))
            return cps

        zb = (SLOTS - 1) * CH

        @plsc.parallel_loop(0, CH, unroll=8)
        def _(i):
            for k in range(w_h // 16):
                rows_v[zb + i, pl.ds(16 * k, 16)] = zeros16

        @plsc.parallel_loop(0, CH // 2, unroll=8)
        def _(i):
            plsc.store_scatter(w_v, [zb + 2 * i + row01, col8], zeros16)

        r0 = s * 624
        if stage:
            pltpu.sync_copy(att_hbm.at[pl.ds(r0, 624)],
                            att_sh.at[pl.ds(r0, 624)])
        z = rows_v.at[pl.ds(zb, CH)]
        zw = w_v.at[pl.ds(zb, CH)]
        pltpu.sync_copy(z, acc.at[pl.ds(r0, CH)])
        pltpu.sync_copy(z, acc.at[pl.ds(r0 + CH, CH)])
        pltpu.sync_copy(rows_v.at[pl.ds(zb, 624 - 2 * CH)],
                        acc.at[pl.ds(r0 + 2 * CH, 624 - 2 * CH)])
        pltpu.sync_copy(zw, den.at[pl.ds(r0, CH)])
        pltpu.sync_copy(zw, den.at[pl.ds(r0 + CH, CH)])
        pltpu.sync_copy(w_v.at[pl.ds(zb, 624 - 2 * CH)],
                        den.at[pl.ds(r0 + 2 * CH, 624 - 2 * CH)])

        @pl.when(s == NS - 1)
        def _():
            pltpu.sync_copy(rows_v.at[pl.ds(zb, 16)], acc.at[pl.ds(9984, 16)])
            pltpu.sync_copy(w_v.at[pl.ds(zb, 16)], den.at[pl.ds(9984, 16)])
            if stage:
                pltpu.sync_copy(att_hbm.at[pl.ds(9984, 16)],
                                att_sh.at[pl.ds(9984, 16)])

        plsc.subcore_barrier()
        fire_gathers(0)

        def chunk_body(g, _):
            @pl.when(g >= 2)
            def _():
                for cp in scatter_cps(g - 2):
                    cp.wait()

            @pl.when(g + 1 < NCHUNK)
            def _():
                fire_gathers(g + 1)

            for cp in gather_cps(g):
                cp.wait()

            sl = lax.rem(g, SLOTS)
            so = sl * CH

            if n_heads == 8:
                @plsc.parallel_loop(0, CH // 2, unroll=4)
                def _(i):
                    e0 = 2 * i
                    r01 = e0 + row01
                    as_g = plsc.load_gather(arows_v, [so + r01, col8])
                    ad_g = plsc.load_gather(brows_v, [so + r01, 8 + col8])
                    a = as_g + ad_g
                    w = jnp.exp(jnp.maximum(a, 0.2 * a))
                    plsc.store_scatter(w_v, [so + r01, col8], w)

                pats = [row01, 2 + row01, 4 + row01, 6 + row01]

                @plsc.parallel_loop(0, CH, unroll=8)
                def _(e):
                    re = so + e
                    for k in range(4):
                        h = rows_v[re, pl.ds(16 * k, 16)]
                        wg = plsc.load_gather(w_v, [re + zeros16i, pats[k]])
                        rows_v[re, pl.ds(16 * k, 16)] = h * wg
            else:
                c_one = jnp.full((16,), 1, jnp.int32)

                @plsc.parallel_loop(0, CH // 16, unroll=4)
                def _(i):
                    j = 16 * i + iota
                    as_g = plsc.load_gather(arows_v, [so + j, zeros16i])
                    ad_g = plsc.load_gather(brows_v, [so + j, c_one])
                    a = as_g + ad_g
                    w = jnp.exp(jnp.maximum(a, 0.2 * a))
                    plsc.store_scatter(w_v, [so + j, zeros16i], w)

                @plsc.parallel_loop(0, CH, unroll=8)
                def _(e):
                    re = so + e
                    ws = plsc.load_gather(w_v, [re + zeros16i, zeros16i])
                    h = rows_v[re, pl.ds(0, 16)]
                    rows_v[re, pl.ds(0, 16)] = h * ws

            for cp in scatter_cps(g):
                cp.start(add=True)
            return 0

        lax.fori_loop(0, NCHUNK, chunk_body, 0)

        for cp in scatter_cps(NCHUNK - 2):
            cp.wait()
        for cp in scatter_cps(NCHUNK - 1):
            cp.wait()

        plsc.subcore_barrier()
        pltpu.sync_copy(
            acc.at[pl.ds(r0, 624)], acc_hbm.at[c, pl.ds(r0, 624)])
        pltpu.sync_copy(
            den.at[pl.ds(r0, 624)], den_hbm.at[c, pl.ds(r0, 624)])

        @pl.when(s == NS - 1)
        def _():
            pltpu.sync_copy(
                acc.at[pl.ds(9984, 16)], acc_hbm.at[c, pl.ds(9984, 16)])
            pltpu.sync_copy(
                den.at[pl.ds(9984, 16)], den_hbm.at[c, pl.ds(9984, 16)])

    return edge_kernel


def _combine1_kernel(acc_ref, den_ref, tab_ref, att_ref, r8_ref, wt2_ref,
                     wat2_ref, b1_ref, tab2_ref, att2_ref):
    h = tab_ref[...]
    att = att_ref[...]
    alpha = att[:, 0:8] + att[:, 8:16]
    wself = jnp.exp(jnp.maximum(alpha, 0.2 * alpha))
    r8 = r8_ref[...]
    den8 = sum(den_ref[i] for i in range(NCC)) + wself
    den64 = jnp.dot(den8, r8, preferred_element_type=jnp.float32)
    w64 = jnp.dot(wself, r8, preferred_element_type=jnp.float32)
    num = sum(acc_ref[i] for i in range(NCC)) + w64 * h
    o1 = num / den64 + b1_ref[...]
    e1 = jnp.where(o1 > 0, o1, jnp.exp(jnp.minimum(o1, 0.0)) - 1.0)
    tab2_ref[...] = jnp.dot(e1, wt2_ref[...], preferred_element_type=jnp.float32)
    att2_ref[...] = jnp.dot(e1, wat2_ref[...],
                            preferred_element_type=jnp.float32)


def _combine2_kernel(acc_ref, den_ref, tab_ref, att_ref, b2_ref, out_ref):
    h2 = tab_ref[...]
    att = att_ref[...]
    alpha = att[:, 0:1] + att[:, 1:2]
    wself = jnp.exp(jnp.maximum(alpha, 0.2 * alpha))
    den = sum(den_ref[i][:, 0:1] for i in range(NCC)) + wself
    num = sum(acc_ref[i] for i in range(NCC)) + wself * h2
    out_ref[...] = num / den + b2_ref[...]


def kernel(x, edge_index, W1, att_src1, att_dst1, b1, W2, att_src2, att_dst2, b2):
    f32 = jnp.float32

    a_src1 = att_src1.reshape(H1, C1)
    a_dst1 = att_dst1.reshape(H1, C1)
    eye8 = jnp.eye(H1, dtype=f32)
    A_src1 = (eye8[:, None, :] * a_src1[:, :, None]).reshape(HC1, H1)
    A_dst1 = (eye8[:, None, :] * a_dst1[:, :, None]).reshape(HC1, H1)
    watt1 = jnp.concatenate([W1 @ A_src1, W1 @ A_dst1], axis=1)

    a_src2 = att_src2.reshape(C2)
    a_dst2 = att_dst2.reshape(C2)
    watt2 = jnp.concatenate(
        [(W2 @ a_src2)[:, None], (W2 @ a_dst2)[:, None],
         jnp.zeros((HC1, 6), f32)], axis=1)
    r8 = jnp.repeat(jnp.eye(H1, dtype=f32), C1, axis=1)
    b1row = b1[None, :]
    b2row = b2[None, :]

    src_e = edge_index[0].astype(jnp.int32)
    dst_e = edge_index[1].astype(jnp.int32)
    dst_m = jnp.where(src_e == dst_e, N, dst_e)
    src2d = jnp.concatenate(
        [src_e, jnp.zeros((EP - E,), jnp.int32)]).reshape(EP // 128, 128)
    dst2d = jnp.concatenate(
        [dst_m, jnp.full((EP - E,), N, jnp.int32)]).reshape(EP // 128, 128)

    tab1, att1 = _project(x, W1, watt1)
    att1p = jnp.concatenate([att1, jnp.zeros((16, 16), f32)])
    acc1, den1 = _make_edge_kernel(8, HC1, 16, False)(src2d, dst2d, tab1, att1p)

    blk = 1000
    tab2, att2 = pl.pallas_call(
        _combine1_kernel,
        grid=(N // blk,),
        in_specs=[
            pl.BlockSpec((NCC, blk, HC1), lambda i: (0, i, 0)),
            pl.BlockSpec((NCC, blk, W_DEN), lambda i: (0, i, 0)),
            pl.BlockSpec((blk, HC1), lambda i: (i, 0)),
            pl.BlockSpec((blk, 16), lambda i: (i, 0)),
            pl.BlockSpec((H1, HC1), lambda i: (0, 0)),
            pl.BlockSpec((HC1, C2), lambda i: (0, 0)),
            pl.BlockSpec((HC1, 8), lambda i: (0, 0)),
            pl.BlockSpec((1, HC1), lambda i: (0, 0)),
        ],
        out_specs=[
            pl.BlockSpec((blk, C2), lambda i: (i, 0)),
            pl.BlockSpec((blk, 8), lambda i: (i, 0)),
        ],
        out_shape=[
            jax.ShapeDtypeStruct((N, C2), f32),
            jax.ShapeDtypeStruct((N, 8), f32),
        ],
    )(acc1, den1, tab1, att1, r8, W2, watt2, b1row)

    att2p = jnp.concatenate([att2, jnp.zeros((16, 8), f32)])
    acc2, den2 = _make_edge_kernel(1, C2, 8, False)(src2d, dst2d, tab2, att2p)

    out = pl.pallas_call(
        _combine2_kernel,
        grid=(N // blk,),
        in_specs=[
            pl.BlockSpec((NCC, blk, C2), lambda i: (0, i, 0)),
            pl.BlockSpec((NCC, blk, W_DEN), lambda i: (0, i, 0)),
            pl.BlockSpec((blk, C2), lambda i: (i, 0)),
            pl.BlockSpec((blk, 8), lambda i: (i, 0)),
            pl.BlockSpec((1, C2), lambda i: (0, 0)),
        ],
        out_specs=pl.BlockSpec((blk, C2), lambda i: (i, 0)),
        out_shape=jax.ShapeDtypeStruct((N, C2), f32),
    )(acc2, den2, tab2, att2, b2row)

    return out

# --- scband reference (transcript-rebuilt; emitter-appended) ---
"""Pipeline reference for scband-gat-33337536151788 (READ-ONLY COPY).

The authoritative reference and input builder live on the scoring server;
editing this copy changes nothing except your own understanding.
"""

import jax, jax.numpy as jnp
import numpy as np

N = 10000
E = 320000
F_IN = 128
H1, C1 = 8, 8
C2 = 16


def _gat_layer(x, src, dst, mask, W, a_src, a_dst, H, C):
    # PyG GATConv: shared linear for src/dst, additive attention, per-dst softmax
    h = (x @ W).reshape(-1, H, C)
    alpha_src = (h * a_src).sum(-1)
    alpha_dst = (h * a_dst).sum(-1)
    alpha = alpha_src[src] + alpha_dst[dst]
    alpha = jax.nn.leaky_relu(alpha, 0.2)
    alpha = jnp.where(mask[:, None], alpha, -jnp.inf)
    m = jax.ops.segment_max(alpha, dst, num_segments=N)
    alpha = jnp.exp(alpha - m[dst])
    s = jax.ops.segment_sum(alpha, dst, num_segments=N)
    alpha = alpha / (s[dst] + 1e-16)
    out = jax.ops.segment_sum(h[src] * alpha[:, :, None], dst, num_segments=N)
    return out


def _prep_edges(edge_index):
    # GATConv default add_self_loops=True: remove existing self loops, then add one per node
    src, dst = edge_index[0], edge_index[1]
    mask = src != dst
    ar = jnp.arange(N, dtype=src.dtype)
    full_src = jnp.concatenate([src, ar])
    full_dst = jnp.concatenate([dst, ar])
    full_mask = jnp.concatenate([mask, jnp.ones((N,), dtype=bool)])
    return full_src, full_dst, full_mask


def _forward(x, src, dst, mask, W1, att_src1, att_dst1, b1, W2, att_src2, att_dst2, b2):
    h = _gat_layer(x, src, dst, mask, W1, att_src1, att_dst1, H1, C1)
    h = h.reshape(N, H1 * C1) + b1  # concat=True
    h = jax.nn.elu(h)
    o = _gat_layer(h, src, dst, mask, W2, att_src2, att_dst2, 1, C2)
    o = o.reshape(N, C2) + b2  # heads=1
    return o


def setup_inputs(seed: int = 0):
    key = jax.random.key(seed)
    ks = jax.random.split(key, 10)
    x = jax.random.normal(ks[0], (N, F_IN), dtype=jnp.float32)
    edge_index = jax.random.randint(ks[1], (2, E), 0, N, dtype=jnp.int32)
    W1 = jax.random.normal(ks[2], (F_IN, H1 * C1), dtype=jnp.float32) / np.sqrt(F_IN)
    att_src1 = jax.random.normal(ks[3], (1, H1, C1), dtype=jnp.float32) * 0.1
    att_dst1 = jax.random.normal(ks[4], (1, H1, C1), dtype=jnp.float32) * 0.1
    b1 = jnp.zeros((H1 * C1,), dtype=jnp.float32)
    W2 = jax.random.normal(ks[5], (H1 * C1, C2), dtype=jnp.float32) / np.sqrt(H1 * C1)
    att_src2 = jax.random.normal(ks[6], (1, 1, C2), dtype=jnp.float32) * 0.1
    att_dst2 = jax.random.normal(ks[7], (1, 1, C2), dtype=jnp.float32) * 0.1
    b2 = jnp.zeros((C2,), dtype=jnp.float32)
    return {"x": x, "edge_index": edge_index, "W1": W1, "att_src1": att_src1, "att_dst1": att_dst1, "b1": b1, "W2": W2, "att_src2": att_src2, "att_dst2": att_dst2, "b2": b2}


def reference(x, edge_index, W1, att_src1, att_dst1, b1, W2, att_src2, att_dst2, b2):
    src, dst, mask = _prep_edges(edge_index)
    return _forward(x, src, dst, mask, W1, att_src1, att_dst1, b1, W2, att_src2, att_dst2, b2)

if __name__ == "__main__":
    import jax
    _d = setup_inputs()
    print(jax.jit(kernel)(*tuple(_d.values())))

</pallas_src>

<mosaic_0001>
#map = affine_map<(d0, d1) -> (0, 0)>
#map1 = affine_map<(d0, d1) -> (0, 0, 0)>
module attributes {stable_mosaic.version = 14 : i64} {
  func.func @edge_kernel(%arg0: i32, %arg1: i32, %arg2: memref<2560x128xi32, #tpu.memory_space<hbm>>, %arg3: memref<2560x128xi32, #tpu.memory_space<hbm>>, %arg4: memref<10000x64xf32, #tpu.memory_space<hbm>>, %arg5: memref<10016x16xf32, #tpu.memory_space<hbm>>, %arg6: memref<2x10000x64xf32, #tpu.memory_space<hbm>>, %arg7: memref<2x10000x8xf32, #tpu.memory_space<hbm>>, %arg8: memref<6x128xi32, #tpu.memory_space<vmem>>, %arg9: memref<6x128xi32, #tpu.memory_space<vmem>>, %arg10: memref<768x64xf32, #tpu.memory_space<vmem>>, %arg11: memref<768x16xf32, #tpu.memory_space<vmem>>, %arg12: memref<768x16xf32, #tpu.memory_space<vmem>>, %arg13: memref<768x8xf32, #tpu.memory_space<vmem>>, %arg14: memref<10016x64xf32, #tpu.memory_space<vmem_shared>>, %arg15: memref<10016x8xf32, #tpu.memory_space<vmem_shared>>, %arg16: memref<!tpu.dma_semaphore, #tpu.memory_space<semaphore_mem>>, %arg17: memref<!tpu.dma_semaphore, #tpu.memory_space<semaphore_mem>>, %arg18: memref<!tpu.dma_semaphore, #tpu.memory_space<semaphore_mem>>) attributes {dimension_semantics = [#tpu.dimension_semantics<core_parallel>, #tpu.dimension_semantics<subcore_parallel>], iteration_bounds = array<i64: 2, 16>, scalar_prefetch = 0 : i64, scratch_operands = 11 : i64, tpu.core_type = #tpu.core_type<sc_vector_subcore>, window_params = [{transform_indices = #map}, {transform_indices = #map}, {transform_indices = #map}, {transform_indices = #map}, {transform_indices = #map1}, {transform_indices = #map1}]} {
    %mul3A = arith.constant 16 : i32
    %mul3A_0 = arith.muli %arg0, %mul3A : i32
    %add3A = arith.addi %mul3A_0, %arg1 : i32
    %iota3A = tpu.iota {dimensions = array<i32: 0>} : vector<16xi32>
    %shift_right_arithmetic3A = arith.constant 3 : i32
    %shift_right_arithmetic3A_1 = vector.broadcast %shift_right_arithmetic3A : i32 to vector<16xi32>
    %shift_right_arithmetic3A_2 = arith.shrsi %iota3A, %shift_right_arithmetic3A_1 : vector<16xi32>
    %and3A = arith.constant 7 : i32
    %and3A_3 = vector.broadcast %and3A : i32 to vector<16xi32>
    %and3A_4 = arith.andi %iota3A, %and3A_3 : vector<16xi32>
    %broadcast_in_dim3A = arith.constant 0.000000e+00 : f32
    %broadcast_in_dim3A_5 = vector.broadcast %broadcast_in_dim3A : f32 to vector<16xf32>
    %broadcast_in_dim3A_6 = arith.constant 0 : i32
    %broadcast_in_dim3A_7 = vector.broadcast %broadcast_in_dim3A_6 : i32 to vector<16xi32>
    %parallel_loop3A = arith.constant 0 : i32
    %parallel_loop3A_8 = arith.constant 256 : i32
    %parallel_loop3A_9 = arith.constant 1 : i32
    scf.for %parallel_loop3A_278 = %parallel_loop3A to %parallel_loop3A_8 step %parallel_loop3A_9  : i32 {
      %parallel_loop3A_279 = arith.constant 512 : i32
      %parallel_loop3A_280 = arith.addi %parallel_loop3A_279, %parallel_loop3A_278 : i32
      %parallel_loop3A_281 = arith.index_cast %parallel_loop3A_280 : i32 to index
      %parallel_loop3A_282 = arith.constant 0 : index
      %parallel_loop3A_283 = tpu.vector_load %arg10[%parallel_loop3A_281, %parallel_loop3A_282] {strides = array<i32>} : memref<768x64xf32, #tpu.memory_space<vmem>>, vector<16xf32>,
      tpu.vector_store %arg10[%parallel_loop3A_281, %parallel_loop3A_282], %broadcast_in_dim3A_5 {strides = array<i32>} : memref<768x64xf32, #tpu.memory_space<vmem>>, vector<16xf32>,
      %parallel_loop3A_284 = arith.constant 512 : i32
      %parallel_loop3A_285 = arith.addi %parallel_loop3A_284, %parallel_loop3A_278 : i32
      %parallel_loop3A_286 = arith.index_cast %parallel_loop3A_285 : i32 to index
      %parallel_loop3A_287 = arith.constant 16 : index
      %parallel_loop3A_288 = tpu.vector_load %arg10[%parallel_loop3A_286, %parallel_loop3A_287] {strides = array<i32>} : memref<768x64xf32, #tpu.memory_space<vmem>>, vector<16xf32>,
      tpu.vector_store %arg10[%parallel_loop3A_286, %parallel_loop3A_287], %broadcast_in_dim3A_5 {strides = array<i32>} : memref<768x64xf32, #tpu.memory_space<vmem>>, vector<16xf32>,
      %parallel_loop3A_289 = arith.constant 512 : i32
      %parallel_loop3A_290 = arith.addi %parallel_loop3A_289, %parallel_loop3A_278 : i32
      %parallel_loop3A_291 = arith.index_cast %parallel_loop3A_290 : i32 to index
      %parallel_loop3A_292 = arith.constant 32 : index
      %parallel_loop3A_293 = tpu.vector_load %arg10[%parallel_loop3A_291, %parallel_loop3A_292] {strides = array<i32>} : memref<768x64xf32, #tpu.memory_space<vmem>>, vector<16xf32>,
      tpu.vector_store %arg10[%parallel_loop3A_291, %parallel_loop3A_292], %broadcast_in_dim3A_5 {strides = array<i32>} : memref<768x64xf32, #tpu.memory_space<vmem>>, vector<16xf32>,
      %parallel_loop3A_294 = arith.constant 512 : i32
      %parallel_loop3A_295 = arith.addi %parallel_loop3A_294, %parallel_loop3A_278 : i32
      %parallel_loop3A_296 = arith.index_cast %parallel_loop3A_295 : i32 to index
      %parallel_loop3A_297 = arith.constant 48 : index
      %parallel_loop3A_298 = tpu.vector_load %arg10[%parallel_loop3A_296, %parallel_loop3A_297] {strides = array<i32>} : memref<768x64xf32, #tpu.memory_space<vmem>>, vector<16xf32>,
      tpu.vector_store %arg10[%parallel_loop3A_296, %parallel_loop3A_297], %broadcast_in_dim3A_5 {strides = array<i32>} : memref<768x64xf32, #tpu.memory_space<vmem>>, vector<16xf32>,
    } {sc.loop_unroll_factor = 8 : i64, sc.parallel_access}
    %parallel_loop3A_10 = arith.constant 0 : i32
    %parallel_loop3A_11 = arith.constant 128 : i32
    %parallel_loop3A_12 = arith.constant 1 : i32
    scf.for %parallel_loop3A_278 = %parallel_loop3A_10 to %parallel_loop3A_11 step %parallel_loop3A_12  : i32 {
      %parallel_loop3A_279 = arith.constant 2 : i32
      %parallel_loop3A_280 = arith.muli %parallel_loop3A_279, %parallel_loop3A_278 : i32
      %parallel_loop3A_281 = arith.constant 512 : i32
      %parallel_loop3A_282 = arith.addi %parallel_loop3A_281, %parallel_loop3A_280 : i32
      %parallel_loop3A_283 = vector.broadcast %parallel_loop3A_282 : i32 to vector<16xi32>
      %parallel_loop3A_284 = arith.addi %parallel_loop3A_283, %shift_right_arithmetic3A_2 : vector<16xi32>
      tpu.vector_store_idx %arg13[%parallel_loop3A_284, %and3A_4], %broadcast_in_dim3A_5 : memref<768x8xf32, #tpu.memory_space<vmem>>[vector<16xi32>, vector<16xi32>], vector<16xf32>,
    } {sc.loop_unroll_factor = 8 : i64, sc.parallel_access}
    %mul3A_13 = arith.constant 624 : i32
    %mul3A_14 = arith.muli %arg1, %mul3A_13 : i32
    "tpu.region"() ({
      %run_scoped3A = tpu.sem_alloc : memref<!tpu.dma_semaphore, #tpu.memory_space<semaphore_mem>>
      %dma_start3A_278 = arith.constant 512 : i32
      %dma_start3A_279 = arith.constant 0 : i32
      %dma_start3A_280 = tpu.memref_slice %arg10[%dma_start3A_278, %dma_start3A_279] : memref<768x64xf32, #tpu.memory_space<vmem>> -> memref<256x64xf32, #tpu.memory_space<vmem>>
      %dma_start3A_281 = arith.constant 0 : i32
      %dma_start3A_282 = tpu.memref_slice %arg14[%mul3A_14, %dma_start3A_281] : memref<10016x64xf32, #tpu.memory_space<vmem_shared>> -> memref<256x64xf32, #tpu.memory_space<vmem_shared>>
      %dma_start3A_283 = arith.constant 0 : i32
      %dma_start3A_284 = tpu.memref_slice %arg14[%mul3A_14, %dma_start3A_283] : memref<10016x64xf32, #tpu.memory_space<vmem_shared>> -> memref<256x64xf32, #tpu.memory_space<vmem_shared>>
      %dma_start3A_285 = arith.constant 512 : i32
      %dma_start3A_286 = arith.constant 0 : i32
      %dma_start3A_287 = tpu.memref_slice %arg10[%dma_start3A_285, %dma_start3A_286] : memref<768x64xf32, #tpu.memory_space<vmem>> -> memref<256x64xf32, #tpu.memory_space<vmem>>
      tpu.enqueue_dma source(%dma_start3A_287 : memref<256x64xf32, #tpu.memory_space<vmem>>) target(%dma_start3A_284 : memref<256x64xf32, #tpu.memory_space<vmem_shared>>) target_semaphore(%run_scoped3A : memref<!tpu.dma_semaphore, #tpu.memory_space<semaphore_mem>>)
      %dma_wait3A_288 = arith.constant 512 : i32
      %dma_wait3A_289 = arith.constant 0 : i32
      %dma_wait3A_290 = tpu.memref_slice %arg10[%dma_wait3A_288, %dma_wait3A_289] : memref<768x64xf32, #tpu.memory_space<vmem>> -> memref<256x64xf32, #tpu.memory_space<vmem>>
      %dma_wait3A_291 = arith.constant 0 : i32
      %dma_wait3A_292 = tpu.memref_slice %arg14[%mul3A_14, %dma_wait3A_291] : memref<10016x64xf32, #tpu.memory_space<vmem_shared>> -> memref<256x64xf32, #tpu.memory_space<vmem_shared>>
      %dma_wait3A_293 = arith.constant 0 : i32
      %dma_wait3A_294 = tpu.memref_slice %arg14[%mul3A_14, %dma_wait3A_293] : memref<10016x64xf32, #tpu.memory_space<vmem_shared>> -> memref<256x64xf32, #tpu.memory_space<vmem_shared>>
      %dma_wait3A_295 = arith.constant 512 : i32
      %dma_wait3A_296 = arith.constant 0 : i32
      %dma_wait3A_297 = tpu.memref_slice %arg10[%dma_wait3A_295, %dma_wait3A_296] : memref<768x64xf32, #tpu.memory_space<vmem>> -> memref<256x64xf32, #tpu.memory_space<vmem>>
      tpu.wait_dma2 semaphore(%run_scoped3A : memref<!tpu.dma_semaphore, #tpu.memory_space<semaphore_mem>>) src(%dma_wait3A_297 : memref<256x64xf32, #tpu.memory_space<vmem>>) dst(%dma_wait3A_294 : memref<256x64xf32, #tpu.memory_space<vmem_shared>>)
      tpu.yield
    }) : () -> ()
    %add3A_15 = arith.constant 256 : i32
    %add3A_16 = arith.addi %mul3A_14, %add3A_15 : i32
    "tpu.region"() ({
      %run_scoped3A = tpu.sem_alloc : memref<!tpu.dma_semaphore, #tpu.memory_space<semaphore_mem>>
      %dma_start3A_278 = arith.constant 512 : i32
      %dma_start3A_279 = arith.constant 0 : i32
      %dma_start3A_280 = tpu.memref_slice %arg10[%dma_start3A_278, %dma_start3A_279] : memref<768x64xf32, #tpu.memory_space<vmem>> -> memref<256x64xf32, #tpu.memory_space<vmem>>
      %dma_start3A_281 = arith.constant 0 : i32
      %dma_start3A_282 = tpu.memref_slice %arg14[%add3A_16, %dma_start3A_281] : memref<10016x64xf32, #tpu.memory_space<vmem_shared>> -> memref<256x64xf32, #tpu.memory_space<vmem_shared>>
      %dma_start3A_283 = arith.constant 0 : i32
      %dma_start3A_284 = tpu.memref_slice %arg14[%add3A_16, %dma_start3A_283] : memref<10016x64xf32, #tpu.memory_space<vmem_shared>> -> memref<256x64xf32, #tpu.memory_space<vmem_shared>>
      %dma_start3A_285 = arith.constant 512 : i32
      %dma_start3A_286 = arith.constant 0 : i32
      %dma_start3A_287 = tpu.memref_slice %arg10[%dma_start3A_285, %dma_start3A_286] : memref<768x64xf32, #tpu.memory_space<vmem>> -> memref<256x64xf32, #tpu.memory_space<vmem>>
      tpu.enqueue_dma source(%dma_start3A_287 : memref<256x64xf32, #tpu.memory_space<vmem>>) target(%dma_start3A_284 : memref<256x64xf32, #tpu.memory_space<vmem_shared>>) target_semaphore(%run_scoped3A : memref<!tpu.dma_semaphore, #tpu.memory_space<semaphore_mem>>)
      %dma_wait3A_288 = arith.constant 512 : i32
      %dma_wait3A_289 = arith.constant 0 : i32
      %dma_wait3A_290 = tpu.memref_slice %arg10[%dma_wait3A_288, %dma_wait3A_289] : memref<768x64xf32, #tpu.memory_space<vmem>> -> memref<256x64xf32, #tpu.memory_space<vmem>>
      %dma_wait3A_291 = arith.constant 0 : i32
      %dma_wait3A_292 = tpu.memref_slice %arg14[%add3A_16, %dma_wait3A_291] : memref<10016x64xf32, #tpu.memory_space<vmem_shared>> -> memref<256x64xf32, #tpu.memory_space<vmem_shared>>
      %dma_wait3A_293 = arith.constant 0 : i32
      %dma_wait3A_294 = tpu.memref_slice %arg14[%add3A_16, %dma_wait3A_293] : memref<10016x64xf32, #tpu.memory_space<vmem_shared>> -> memref<256x64xf32, #tpu.memory_space<vmem_shared>>
      %dma_wait3A_295 = arith.constant 512 : i32
      %dma_wait3A_296 = arith.constant 0 : i32
      %dma_wait3A_297 = tpu.memref_slice %arg10[%dma_wait3A_295, %dma_wait3A_296] : memref<768x64xf32, #tpu.memory_space<vmem>> -> memref<256x64xf32, #tpu.memory_space<vmem>>
      tpu.wait_dma2 semaphore(%run_scoped3A : memref<!tpu.dma_semaphore, #tpu.memory_space<semaphore_mem>>) src(%dma_wait3A_297 : memref<256x64xf32, #tpu.memory_space<vmem>>) dst(%dma_wait3A_294 : memref<256x64xf32, #tpu.memory_space<vmem_shared>>)
      tpu.yield
    }) : () -> ()
    %add3A_17 = arith.constant 512 : i32
    %add3A_18 = arith.addi %mul3A_14, %add3A_17 : i32
    "tpu.region"() ({
      %run_scoped3A = tpu.sem_alloc : memref<!tpu.dma_semaphore, #tpu.memory_space<semaphore_mem>>
      %dma_start3A_278 = arith.constant 512 : i32
      %dma_start3A_279 = arith.constant 0 : i32
      %dma_start3A_280 = tpu.memref_slice %arg10[%dma_start3A_278, %dma_start3A_279] : memref<768x64xf32, #tpu.memory_space<vmem>> -> memref<112x64xf32, #tpu.memory_space<vmem>>
      %dma_start3A_281 = arith.constant 0 : i32
      %dma_start3A_282 = tpu.memref_slice %arg14[%add3A_18, %dma_start3A_281] : memref<10016x64xf32, #tpu.memory_space<vmem_shared>> -> memref<112x64xf32, #tpu.memory_space<vmem_shared>>
      %dma_start3A_283 = arith.constant 0 : i32
      %dma_start3A_284 = tpu.memref_slice %arg14[%add3A_18, %dma_start3A_283] : memref<10016x64xf32, #tpu.memory_space<vmem_shared>> -> memref<112x64xf32, #tpu.memory_space<vmem_shared>>
      %dma_start3A_285 = arith.constant 512 : i32
      %dma_start3A_286 = arith.constant 0 : i32
      %dma_start3A_287 = tpu.memref_slice %arg10[%dma_start3A_285, %dma_start3A_286] : memref<768x64xf32, #tpu.memory_space<vmem>> -> memref<112x64xf32, #tpu.memory_space<vmem>>
      tpu.enqueue_dma source(%dma_start3A_287 : memref<112x64xf32, #tpu.memory_space<vmem>>) target(%dma_start3A_284 : memref<112x64xf32, #tpu.memory_space<vmem_shared>>) target_semaphore(%run_scoped3A : memref<!tpu.dma_semaphore, #tpu.memory_space<semaphore_mem>>)
      %dma_wait3A_288 = arith.constant 512 : i32
      %dma_wait3A_289 = arith.constant 0 : i32
      %dma_wait3A_290 = tpu.memref_slice %arg10[%dma_wait3A_288, %dma_wait3A_289] : memref<768x64xf32, #tpu.memory_space<vmem>> -> memref<112x64xf32, #tpu.memory_space<vmem>>
      %dma_wait3A_291 = arith.constant 0 : i32
      %dma_wait3A_292 = tpu.memref_slice %arg14[%add3A_18, %dma_wait3A_291] : memref<10016x64xf32, #tpu.memory_space<vmem_shared>> -> memref<112x64xf32, #tpu.memory_space<vmem_shared>>
      %dma_wait3A_293 = arith.constant 0 : i32
      %dma_wait3A_294 = tpu.memref_slice %arg14[%add3A_18, %dma_wait3A_293] : memref<10016x64xf32, #tpu.memory_space<vmem_shared>> -> memref<112x64xf32, #tpu.memory_space<vmem_shared>>
      %dma_wait3A_295 = arith.constant 512 : i32
      %dma_wait3A_296 = arith.constant 0 : i32
      %dma_wait3A_297 = tpu.memref_slice %arg10[%dma_wait3A_295, %dma_wait3A_296] : memref<768x64xf32, #tpu.memory_space<vmem>> -> memref<112x64xf32, #tpu.memory_space<vmem>>
      tpu.wait_dma2 semaphore(%run_scoped3A : memref<!tpu.dma_semaphore, #tpu.memory_space<semaphore_mem>>) src(%dma_wait3A_297 : memref<112x64xf32, #tpu.memory_space<vmem>>) dst(%dma_wait3A_294 : memref<112x64xf32, #tpu.memory_space<vmem_shared>>)
      tpu.yield
    }) : () -> ()
    "tpu.region"() ({
      %run_scoped3A = tpu.sem_alloc : memref<!tpu.dma_semaphore, #tpu.memory_space<semaphore_mem>>
      %dma_start3A_278 = arith.constant 512 : i32
      %dma_start3A_279 = arith.constant 0 : i32
      %dma_start3A_280 = tpu.memref_slice %arg13[%dma_start3A_278, %dma_start3A_279] : memref<768x8xf32, #tpu.memory_space<vmem>> -> memref<256x8xf32, #tpu.memory_space<vmem>>
      %dma_start3A_281 = arith.constant 0 : i32
      %dma_start3A_282 = tpu.memref_slice %arg15[%mul3A_14, %dma_start3A_281] : memref<10016x8xf32, #tpu.memory_space<vmem_shared>> -> memref<256x8xf32, #tpu.memory_space<vmem_shared>>
      %dma_start3A_283 = arith.constant 0 : i32
      %dma_start3A_284 = tpu.memref_slice %arg15[%mul3A_14, %dma_start3A_283] : memref<10016x8xf32, #tpu.memory_space<vmem_shared>> -> memref<256x8xf32, #tpu.memory_space<vmem_shared>>
      %dma_start3A_285 = arith.constant 512 : i32
      %dma_start3A_286 = arith.constant 0 : i32
      %dma_start3A_287 = tpu.memref_slice %arg13[%dma_start3A_285, %dma_start3A_286] : memref<768x8xf32, #tpu.memory_space<vmem>> -> memref<256x8xf32, #tpu.memory_space<vmem>>
      tpu.enqueue_dma source(%dma_start3A_287 : memref<256x8xf32, #tpu.memory_space<vmem>>) target(%dma_start3A_284 : memref<256x8xf32, #tpu.memory_space<vmem_shared>>) target_semaphore(%run_scoped3A : memref<!tpu.dma_semaphore, #tpu.memory_space<semaphore_mem>>)
      %dma_wait3A_288 = arith.constant 512 : i32
      %dma_wait3A_289 = arith.constant 0 : i32
      %dma_wait3A_290 = tpu.memref_slice %arg13[%dma_wait3A_288, %dma_wait3A_289] : memref<768x8xf32, #tpu.memory_space<vmem>> -> memref<256x8xf32, #tpu.memory_space<vmem>>
      %dma_wait3A_291 = arith.constant 0 : i32
      %dma_wait3A_292 = tpu.memref_slice %arg15[%mul3A_14, %dma_wait3A_291] : memref<10016x8xf32, #tpu.memory_space<vmem_shared>> -> memref<256x8xf32, #tpu.memory_space<vmem_shared>>
      %dma_wait3A_293 = arith.constant 0 : i32
      %dma_wait3A_294 = tpu.memref_slice %arg15[%mul3A_14, %dma_wait3A_293] : memref<10016x8xf32, #tpu.memory_space<vmem_shared>> -> memref<256x8xf32, #tpu.memory_space<vmem_shared>>
      %dma_wait3A_295 = arith.constant 512 : i32
      %dma_wait3A_296 = arith.constant 0 : i32
      %dma_wait3A_297 = tpu.memref_slice %arg13[%dma_wait3A_295, %dma_wait3A_296] : memref<768x8xf32, #tpu.memory_space<vmem>> -> memref<256x8xf32, #tpu.memory_space<vmem>>
      tpu.wait_dma2 semaphore(%run_scoped3A : memref<!tpu.dma_semaphore, #tpu.memory_space<semaphore_mem>>) src(%dma_wait3A_297 : memref<256x8xf32, #tpu.memory_space<vmem>>) dst(%dma_wait3A_294 : memref<256x8xf32, #tpu.memory_space<vmem_shared>>)
      tpu.yield
    }) : () -> ()
    %add3A_19 = arith.constant 256 : i32
    %add3A_20 = arith.addi %mul3A_14, %add3A_19 : i32
    "tpu.region"() ({
      %run_scoped3A = tpu.sem_alloc : memref<!tpu.dma_semaphore, #tpu.memory_space<semaphore_mem>>
      %dma_start3A_278 = arith.constant 512 : i32
      %dma_start3A_279 = arith.constant 0 : i32
      %dma_start3A_280 = tpu.memref_slice %arg13[%dma_start3A_278, %dma_start3A_279] : memref<768x8xf32, #tpu.memory_space<vmem>> -> memref<256x8xf32, #tpu.memory_space<vmem>>
      %dma_start3A_281 = arith.constant 0 : i32
      %dma_start3A_282 = tpu.memref_slice %arg15[%add3A_20, %dma_start3A_281] : memref<10016x8xf32, #tpu.memory_space<vmem_shared>> -> memref<256x8xf32, #tpu.memory_space<vmem_shared>>
      %dma_start3A_283 = arith.constant 0 : i32
      %dma_start3A_284 = tpu.memref_slice %arg15[%add3A_20, %dma_start3A_283] : memref<10016x8xf32, #tpu.memory_space<vmem_shared>> -> memref<256x8xf32, #tpu.memory_space<vmem_shared>>
      %dma_start3A_285 = arith.constant 512 : i32
      %dma_start3A_286 = arith.constant 0 : i32
      %dma_start3A_287 = tpu.memref_slice %arg13[%dma_start3A_285, %dma_start3A_286] : memref<768x8xf32, #tpu.memory_space<vmem>> -> memref<256x8xf32, #tpu.memory_space<vmem>>
      tpu.enqueue_dma source(%dma_start3A_287 : memref<256x8xf32, #tpu.memory_space<vmem>>) target(%dma_start3A_284 : memref<256x8xf32, #tpu.memory_space<vmem_shared>>) target_semaphore(%run_scoped3A : memref<!tpu.dma_semaphore, #tpu.memory_space<semaphore_mem>>)
      %dma_wait3A_288 = arith.constant 512 : i32
      %dma_wait3A_289 = arith.constant 0 : i32
      %dma_wait3A_290 = tpu.memref_slice %arg13[%dma_wait3A_288, %dma_wait3A_289] : memref<768x8xf32, #tpu.memory_space<vmem>> -> memref<256x8xf32, #tpu.memory_space<vmem>>
      %dma_wait3A_291 = arith.constant 0 : i32
      %dma_wait3A_292 = tpu.memref_slice %arg15[%add3A_20, %dma_wait3A_291] : memref<10016x8xf32, #tpu.memory_space<vmem_shared>> -> memref<256x8xf32, #tpu.memory_space<vmem_shared>>
      %dma_wait3A_293 = arith.constant 0 : i32
      %dma_wait3A_294 = tpu.memref_slice %arg15[%add3A_20, %dma_wait3A_293] : memref<10016x8xf32, #tpu.memory_space<vmem_shared>> -> memref<256x8xf32, #tpu.memory_space<vmem_shared>>
      %dma_wait3A_295 = arith.constant 512 : i32
      %dma_wait3A_296 = arith.constant 0 : i32
      %dma_wait3A_297 = tpu.memref_slice %arg13[%dma_wait3A_295, %dma_wait3A_296] : memref<768x8xf32, #tpu.memory_space<vmem>> -> memref<256x8xf32, #tpu.memory_space<vmem>>
      tpu.wait_dma2 semaphore(%run_scoped3A : memref<!tpu.dma_semaphore, #tpu.memory_space<semaphore_mem>>) src(%dma_wait3A_297 : memref<256x8xf32, #tpu.memory_space<vmem>>) dst(%dma_wait3A_294 : memref<256x8xf32, #tpu.memory_space<vmem_shared>>)
      tpu.yield
    }) : () -> ()
    %add3A_21 = arith.constant 512 : i32
    %add3A_22 = arith.addi %mul3A_14, %add3A_21 : i32
    "tpu.region"() ({
      %run_scoped3A = tpu.sem_alloc : memref<!tpu.dma_semaphore, #tpu.memory_space<semaphore_mem>>
      %dma_start3A_278 = arith.constant 512 : i32
      %dma_start3A_279 = arith.constant 0 : i32
      %dma_start3A_280 = tpu.memref_slice %arg13[%dma_start3A_278, %dma_start3A_279] : memref<768x8xf32, #tpu.memory_space<vmem>> -> memref<112x8xf32, #tpu.memory_space<vmem>>
      %dma_start3A_281 = arith.constant 0 : i32
      %dma_start3A_282 = tpu.memref_slice %arg15[%add3A_22, %dma_start3A_281] : memref<10016x8xf32, #tpu.memory_space<vmem_shared>> -> memref<112x8xf32, #tpu.memory_space<vmem_shared>>
      %dma_start3A_283 = arith.constant 0 : i32
      %dma_start3A_284 = tpu.memref_slice %arg15[%add3A_22, %dma_start3A_283] : memref<10016x8xf32, #tpu.memory_space<vmem_shared>> -> memref<112x8xf32, #tpu.memory_space<vmem_shared>>
      %dma_start3A_285 = arith.constant 512 : i32
      %dma_start3A_286 = arith.constant 0 : i32
      %dma_start3A_287 = tpu.memref_slice %arg13[%dma_start3A_285, %dma_start3A_286] : memref<768x8xf32, #tpu.memory_space<vmem>> -> memref<112x8xf32, #tpu.memory_space<vmem>>
      tpu.enqueue_dma source(%dma_start3A_287 : memref<112x8xf32, #tpu.memory_space<vmem>>) target(%dma_start3A_284 : memref<112x8xf32, #tpu.memory_space<vmem_shared>>) target_semaphore(%run_scoped3A : memref<!tpu.dma_semaphore, #tpu.memory_space<semaphore_mem>>)
      %dma_wait3A_288 = arith.constant 512 : i32
      %dma_wait3A_289 = arith.constant 0 : i32
      %dma_wait3A_290 = tpu.memref_slice %arg13[%dma_wait3A_288, %dma_wait3A_289] : memref<768x8xf32, #tpu.memory_space<vmem>> -> memref<112x8xf32, #tpu.memory_space<vmem>>
      %dma_wait3A_291 = arith.constant 0 : i32
      %dma_wait3A_292 = tpu.memref_slice %arg15[%add3A_22, %dma_wait3A_291] : memref<10016x8xf32, #tpu.memory_space<vmem_shared>> -> memref<112x8xf32, #tpu.memory_space<vmem_shared>>
      %dma_wait3A_293 = arith.constant 0 : i32
      %dma_wait3A_294 = tpu.memref_slice %arg15[%add3A_22, %dma_wait3A_293] : memref<10016x8xf32, #tpu.memory_space<vmem_shared>> -> memref<112x8xf32, #tpu.memory_space<vmem_shared>>
      %dma_wait3A_295 = arith.constant 512 : i32
      %dma_wait3A_296 = arith.constant 0 : i32
      %dma_wait3A_297 = tpu.memref_slice %arg13[%dma_wait3A_295, %dma_wait3A_296] : memref<768x8xf32, #tpu.memory_space<vmem>> -> memref<112x8xf32, #tpu.memory_space<vmem>>
      tpu.wait_dma2 semaphore(%run_scoped3A : memref<!tpu.dma_semaphore, #tpu.memory_space<semaphore_mem>>) src(%dma_wait3A_297 : memref<112x8xf32, #tpu.memory_space<vmem>>) dst(%dma_wait3A_294 : memref<112x8xf32, #tpu.memory_space<vmem_shared>>)
      tpu.yield
    }) : () -> ()
    %eq3A = arith.constant 15 : i32
    %eq3A_23 = arith.cmpi eq, %arg1, %eq3A : i32
    %convert_element_type3A = arith.extui %eq3A_23 : i1 to i32
    %cond3A = arith.constant 0 : i32
    %cond3A_24 = arith.cmpi ne, %convert_element_type3A, %cond3A : i32
    scf.if %cond3A_24 {
      "tpu.region"() ({
        %run_scoped3A = tpu.sem_alloc : memref<!tpu.dma_semaphore, #tpu.memory_space<semaphore_mem>>
        %dma_start3A_278 = arith.constant 512 : i32
        %dma_start3A_279 = arith.constant 0 : i32
        %dma_start3A_280 = tpu.memref_slice %arg10[%dma_start3A_278, %dma_start3A_279] : memref<768x64xf32, #tpu.memory_space<vmem>> -> memref<16x64xf32, #tpu.memory_space<vmem>>
        %dma_start3A_281 = arith.constant 9984 : i32
        %dma_start3A_282 = arith.constant 0 : i32
        %dma_start3A_283 = tpu.memref_slice %arg14[%dma_start3A_281, %dma_start3A_282] : memref<10016x64xf32, #tpu.memory_space<vmem_shared>> -> memref<16x64xf32, #tpu.memory_space<vmem_shared>>
        %dma_start3A_284 = arith.constant 9984 : i32
        %dma_start3A_285 = arith.constant 0 : i32
        %dma_start3A_286 = tpu.memref_slice %arg14[%dma_start3A_284, %dma_start3A_285] : memref<10016x64xf32, #tpu.memory_space<vmem_shared>> -> memref<16x64xf32, #tpu.memory_space<vmem_shared>>
        %dma_start3A_287 = arith.constant 512 : i32
        %dma_start3A_288 = arith.constant 0 : i32
        %dma_start3A_289 = tpu.memref_slice %arg10[%dma_start3A_287, %dma_start3A_288] : memref<768x64xf32, #tpu.memory_space<vmem>> -> memref<16x64xf32, #tpu.memory_space<vmem>>
        tpu.enqueue_dma source(%dma_start3A_289 : memref<16x64xf32, #tpu.memory_space<vmem>>) target(%dma_start3A_286 : memref<16x64xf32, #tpu.memory_space<vmem_shared>>) target_semaphore(%run_scoped3A : memref<!tpu.dma_semaphore, #tpu.memory_space<semaphore_mem>>)
        %dma_wait3A_290 = arith.constant 512 : i32
        %dma_wait3A_291 = arith.constant 0 : i32
        %dma_wait3A_292 = tpu.memref_slice %arg10[%dma_wait3A_290, %dma_wait3A_291] : memref<768x64xf32, #tpu.memory_space<vmem>> -> memref<16x64xf32, #tpu.memory_space<vmem>>
        %dma_wait3A_293 = arith.constant 9984 : i32
        %dma_wait3A_294 = arith.constant 0 : i32
        %dma_wait3A_295 = tpu.memref_slice %arg14[%dma_wait3A_293, %dma_wait3A_294] : memref<10016x64xf32, #tpu.memory_space<vmem_shared>> -> memref<16x64xf32, #tpu.memory_space<vmem_shared>>
        %dma_wait3A_296 = arith.constant 9984 : i32
        %dma_wait3A_297 = arith.constant 0 : i32
        %dma_wait3A_298 = tpu.memref_slice %arg14[%dma_wait3A_296, %dma_wait3A_297] : memref<10016x64xf32, #tpu.memory_space<vmem_shared>> -> memref<16x64xf32, #tpu.memory_space<vmem_shared>>
        %dma_wait3A_299 = arith.constant 512 : i32
        %dma_wait3A_300 = arith.constant 0 : i32
        %dma_wait3A_301 = tpu.memref_slice %arg10[%dma_wait3A_299, %dma_wait3A_300] : memref<768x64xf32, #tpu.memory_space<vmem>> -> memref<16x64xf32, #tpu.memory_space<vmem>>
        tpu.wait_dma2 semaphore(%run_scoped3A : memref<!tpu.dma_semaphore, #tpu.memory_space<semaphore_mem>>) src(%dma_wait3A_301 : memref<16x64xf32, #tpu.memory_space<vmem>>) dst(%dma_wait3A_298 : memref<16x64xf32, #tpu.memory_space<vmem_shared>>)
        tpu.yield
      }) : () -> ()
      "tpu.region"() ({
        %run_scoped3A = tpu.sem_alloc : memref<!tpu.dma_semaphore, #tpu.memory_space<semaphore_mem>>
        %dma_start3A_278 = arith.constant 512 : i32
        %dma_start3A_279 = arith.constant 0 : i32
        %dma_start3A_280 = tpu.memref_slice %arg13[%dma_start3A_278, %dma_start3A_279] : memref<768x8xf32, #tpu.memory_space<vmem>> -> memref<16x8xf32, #tpu.memory_space<vmem>>
        %dma_start3A_281 = arith.constant 9984 : i32
        %dma_start3A_282 = arith.constant 0 : i32
        %dma_start3A_283 = tpu.memref_slice %arg15[%dma_start3A_281, %dma_start3A_282] : memref<10016x8xf32, #tpu.memory_space<vmem_shared>> -> memref<16x8xf32, #tpu.memory_space<vmem_shared>>
        %dma_start3A_284 = arith.constant 9984 : i32
        %dma_start3A_285 = arith.constant 0 : i32
        %dma_start3A_286 = tpu.memref_slice %arg15[%dma_start3A_284, %dma_start3A_285] : memref<10016x8xf32, #tpu.memory_space<vmem_shared>> -> memref<16x8xf32, #tpu.memory_space<vmem_shared>>
        %dma_start3A_287 = arith.constant 512 : i32
        %dma_start3A_288 = arith.constant 0 : i32
        %dma_start3A_289 = tpu.memref_slice %arg13[%dma_start3A_287, %dma_start3A_288] : memref<768x8xf32, #tpu.memory_space<vmem>> -> memref<16x8xf32, #tpu.memory_space<vmem>>
        tpu.enqueue_dma source(%dma_start3A_289 : memref<16x8xf32, #tpu.memory_space<vmem>>) target(%dma_start3A_286 : memref<16x8xf32, #tpu.memory_space<vmem_shared>>) target_semaphore(%run_scoped3A : memref<!tpu.dma_semaphore, #tpu.memory_space<semaphore_mem>>)
        %dma_wait3A_290 = arith.constant 512 : i32
        %dma_wait3A_291 = arith.constant 0 : i32
        %dma_wait3A_292 = tpu.memref_slice %arg13[%dma_wait3A_290, %dma_wait3A_291] : memref<768x8xf32, #tpu.memory_space<vmem>> -> memref<16x8xf32, #tpu.memory_space<vmem>>
        %dma_wait3A_293 = arith.constant 9984 : i32
        %dma_wait3A_294 = arith.constant 0 : i32
        %dma_wait3A_295 = tpu.memref_slice %arg15[%dma_wait3A_293, %dma_wait3A_294] : memref<10016x8xf32, #tpu.memory_space<vmem_shared>> -> memref<16x8xf32, #tpu.memory_space<vmem_shared>>
        %dma_wait3A_296 = arith.constant 9984 : i32
        %dma_wait3A_297 = arith.constant 0 : i32
        %dma_wait3A_298 = tpu.memref_slice %arg15[%dma_wait3A_296, %dma_wait3A_297] : memref<10016x8xf32, #tpu.memory_space<vmem_shared>> -> memref<16x8xf32, #tpu.memory_space<vmem_shared>>
        %dma_wait3A_299 = arith.constant 512 : i32
        %dma_wait3A_300 = arith.constant 0 : i32
        %dma_wait3A_301 = tpu.memref_slice %arg13[%dma_wait3A_299, %dma_wait3A_300] : memref<768x8xf32, #tpu.memory_space<vmem>> -> memref<16x8xf32, #tpu.memory_space<vmem>>
        tpu.wait_dma2 semaphore(%run_scoped3A : memref<!tpu.dma_semaphore, #tpu.memory_space<semaphore_mem>>) src(%dma_wait3A_301 : memref<16x8xf32, #tpu.memory_space<vmem>>) dst(%dma_wait3A_298 : memref<16x8xf32, #tpu.memory_space<vmem_shared>>)
        tpu.yield
      }) : () -> ()
    } else {
    }
    %barrier3A = arith.constant 0 : index
    tpu.barrier barrier_id(%barrier3A)
    %rem3A = arith.constant 0 : i32
    %rem3A_25 = arith.constant 3 : i32
    %rem3A_26 = arith.remsi %rem3A, %rem3A_25 : i32
    %mul3A_27 = arith.constant 80 : i32
    %mul3A_28 = arith.muli %add3A, %mul3A_27 : i32
    %add3A_29 = arith.constant 0 : i32
    %add3A_30 = arith.addi %mul3A_28, %add3A_29 : i32
    %mul3A_31 = arith.constant 2 : i32
    %mul3A_32 = arith.muli %rem3A_26, %mul3A_31 : i32
    "tpu.region"() ({
      %run_scoped3A = tpu.sem_alloc : memref<!tpu.dma_semaphore, #tpu.memory_space<semaphore_mem>>
      %dma_start3A_278 = arith.constant 0 : i32
      %dma_start3A_279 = tpu.memref_slice %arg8[%mul3A_32, %dma_start3A_278] : memref<6x128xi32, #tpu.memory_space<vmem>> -> memref<2x128xi32, #tpu.memory_space<vmem>>
      %dma_start3A_280 = arith.constant 0 : i32
      %dma_start3A_281 = tpu.memref_slice %arg2[%add3A_30, %dma_start3A_280] : memref<2560x128xi32, #tpu.memory_space<hbm>> -> memref<2x128xi32, #tpu.memory_space<hbm>>
      %dma_start3A_282 = arith.constant 0 : i32
      %dma_start3A_283 = tpu.memref_slice %arg8[%mul3A_32, %dma_start3A_282] : memref<6x128xi32, #tpu.memory_space<vmem>> -> memref<2x128xi32, #tpu.memory_space<vmem>>
      %dma_start3A_284 = arith.constant 0 : i32
      %dma_start3A_285 = tpu.memref_slice %arg2[%add3A_30, %dma_start3A_284] : memref<2560x128xi32, #tpu.memory_space<hbm>> -> memref<2x128xi32, #tpu.memory_space<hbm>>
      tpu.enqueue_dma source(%dma_start3A_285 : memref<2x128xi32, #tpu.memory_space<hbm>>) target(%dma_start3A_283 : memref<2x128xi32, #tpu.memory_space<vmem>>) target_semaphore(%run_scoped3A : memref<!tpu.dma_semaphore, #tpu.memory_space<semaphore_mem>>)
      %dma_wait3A_286 = arith.constant 0 : i32
      %dma_wait3A_287 = tpu.memref_slice %arg8[%mul3A_32, %dma_wait3A_286] : memref<6x128xi32, #tpu.memory_space<vmem>> -> memref<2x128xi32, #tpu.memory_space<vmem>>
      %dma_wait3A_288 = arith.constant 0 : i32
      %dma_wait3A_289 = tpu.memref_slice %arg2[%add3A_30, %dma_wait3A_288] : memref<2560x128xi32, #tpu.memory_space<hbm>> -> memref<2x128xi32, #tpu.memory_space<hbm>>
      %dma_wait3A_290 = arith.constant 0 : i32
      %dma_wait3A_291 = tpu.memref_slice %arg8[%mul3A_32, %dma_wait3A_290] : memref<6x128xi32, #tpu.memory_space<vmem>> -> memref<2x128xi32, #tpu.memory_space<vmem>>
      %dma_wait3A_292 = arith.constant 0 : i32
      %dma_wait3A_293 = tpu.memref_slice %arg2[%add3A_30, %dma_wait3A_292] : memref<2560x128xi32, #tpu.memory_space<hbm>> -> memref<2x128xi32, #tpu.memory_space<hbm>>
      tpu.wait_dma2 semaphore(%run_scoped3A : memref<!tpu.dma_semaphore, #tpu.memory_space<semaphore_mem>>) src(%dma_wait3A_293 : memref<2x128xi32, #tpu.memory_space<hbm>>) dst(%dma_wait3A_291 : memref<2x128xi32, #tpu.memory_space<vmem>>)
      tpu.yield
    }) : () -> ()
    %mul3A_33 = arith.constant 2 : i32
    %mul3A_34 = arith.muli %rem3A_26, %mul3A_33 : i32
    "tpu.region"() ({
      %run_scoped3A = tpu.sem_alloc : memref<!tpu.dma_semaphore, #tpu.memory_space<semaphore_mem>>
      %dma_start3A_278 = arith.constant 0 : i32
      %dma_start3A_279 = tpu.memref_slice %arg9[%mul3A_34, %dma_start3A_278] : memref<6x128xi32, #tpu.memory_space<vmem>> -> memref<2x128xi32, #tpu.memory_space<vmem>>
      %dma_start3A_280 = arith.constant 0 : i32
      %dma_start3A_281 = tpu.memref_slice %arg3[%add3A_30, %dma_start3A_280] : memref<2560x128xi32, #tpu.memory_space<hbm>> -> memref<2x128xi32, #tpu.memory_space<hbm>>
      %dma_start3A_282 = arith.constant 0 : i32
      %dma_start3A_283 = tpu.memref_slice %arg9[%mul3A_34, %dma_start3A_282] : memref<6x128xi32, #tpu.memory_space<vmem>> -> memref<2x128xi32, #tpu.memory_space<vmem>>
      %dma_start3A_284 = arith.constant 0 : i32
      %dma_start3A_285 = tpu.memref_slice %arg3[%add3A_30, %dma_start3A_284] : memref<2560x128xi32, #tpu.memory_space<hbm>> -> memref<2x128xi32, #tpu.memory_space<hbm>>
      tpu.enqueue_dma source(%dma_start3A_285 : memref<2x128xi32, #tpu.memory_space<hbm>>) target(%dma_start3A_283 : memref<2x128xi32, #tpu.memory_space<vmem>>) target_semaphore(%run_scoped3A : memref<!tpu.dma_semaphore, #tpu.memory_space<semaphore_mem>>)
      %dma_wait3A_286 = arith.constant 0 : i32
      %dma_wait3A_287 = tpu.memref_slice %arg9[%mul3A_34, %dma_wait3A_286] : memref<6x128xi32, #tpu.memory_space<vmem>> -> memref<2x128xi32, #tpu.memory_space<vmem>>
      %dma_wait3A_288 = arith.constant 0 : i32
      %dma_wait3A_289 = tpu.memref_slice %arg3[%add3A_30, %dma_wait3A_288] : memref<2560x128xi32, #tpu.memory_space<hbm>> -> memref<2x128xi32, #tpu.memory_space<hbm>>
      %dma_wait3A_290 = arith.constant 0 : i32
      %dma_wait3A_291 = tpu.memref_slice %arg9[%mul3A_34, %dma_wait3A_290] : memref<6x128xi32, #tpu.memory_space<vmem>> -> memref<2x128xi32, #tpu.memory_space<vmem>>
      %dma_wait3A_292 = arith.constant 0 : i32
      %dma_wait3A_293 = tpu.memref_slice %arg3[%add3A_30, %dma_wait3A_292] : memref<2560x128xi32, #tpu.memory_space<hbm>> -> memref<2x128xi32, #tpu.memory_space<hbm>>
      tpu.wait_dma2 semaphore(%run_scoped3A : memref<!tpu.dma_semaphore, #tpu.memory_space<semaphore_mem>>) src(%dma_wait3A_293 : memref<2x128xi32, #tpu.memory_space<hbm>>) dst(%dma_wait3A_291 : memref<2x128xi32, #tpu.memory_space<vmem>>)
      tpu.yield
    }) : () -> ()
    %rem3A_35 = arith.constant 0 : i32
    %rem3A_36 = arith.constant 3 : i32
    %rem3A_37 = arith.remsi %rem3A_35, %rem3A_36 : i32
    %mul3A_38 = arith.constant 2 : i32
    %mul3A_39 = arith.muli %rem3A_37, %mul3A_38 : i32
    %add3A_40 = arith.constant 0 : i32
    %add3A_41 = arith.addi %mul3A_39, %add3A_40 : i32
    %mul3A_42 = arith.constant 256 : i32
    %mul3A_43 = arith.muli %rem3A_37, %mul3A_42 : i32
    %add3A_44 = arith.constant 0 : i32
    %add3A_45 = arith.addi %mul3A_43, %add3A_44 : i32
    %mul3A_46 = arith.constant 2 : i32
    %mul3A_47 = arith.muli %rem3A_37, %mul3A_46 : i32
    %add3A_48 = arith.constant 0 : i32
    %add3A_49 = arith.addi %mul3A_47, %add3A_48 : i32
    %mul3A_50 = arith.constant 256 : i32
    %mul3A_51 = arith.muli %rem3A_37, %mul3A_50 : i32
    %add3A_52 = arith.constant 0 : i32
    %add3A_53 = arith.addi %mul3A_51, %add3A_52 : i32
    %mul3A_54 = arith.constant 2 : i32
    %mul3A_55 = arith.muli %rem3A_37, %mul3A_54 : i32
    %add3A_56 = arith.constant 0 : i32
    %add3A_57 = arith.addi %mul3A_55, %add3A_56 : i32
    %mul3A_58 = arith.constant 256 : i32
    %mul3A_59 = arith.muli %rem3A_37, %mul3A_58 : i32
    %add3A_60 = arith.constant 0 : i32
    %add3A_61 = arith.addi %mul3A_59, %add3A_60 : i32
    %mul3A_62 = arith.constant 2 : i32
    %mul3A_63 = arith.muli %rem3A_37, %mul3A_62 : i32
    %add3A_64 = arith.constant 1 : i32
    %add3A_65 = arith.addi %mul3A_63, %add3A_64 : i32
    %mul3A_66 = arith.constant 256 : i32
    %mul3A_67 = arith.muli %rem3A_37, %mul3A_66 : i32
    %add3A_68 = arith.constant 128 : i32
    %add3A_69 = arith.addi %mul3A_67, %add3A_68 : i32
    %mul3A_70 = arith.constant 2 : i32
    %mul3A_71 = arith.muli %rem3A_37, %mul3A_70 : i32
    %add3A_72 = arith.constant 1 : i32
    %add3A_73 = arith.addi %mul3A_71, %add3A_72 : i32
    %mul3A_74 = arith.constant 256 : i32
    %mul3A_75 = arith.muli %rem3A_37, %mul3A_74 : i32
    %add3A_76 = arith.constant 128 : i32
    %add3A_77 = arith.addi %mul3A_75, %add3A_76 : i32
    %mul3A_78 = arith.constant 2 : i32
    %mul3A_79 = arith.muli %rem3A_37, %mul3A_78 : i32
    %add3A_80 = arith.constant 1 : i32
    %add3A_81 = arith.addi %mul3A_79, %add3A_80 : i32
    %mul3A_82 = arith.constant 256 : i32
    %mul3A_83 = arith.muli %rem3A_37, %mul3A_82 : i32
    %add3A_84 = arith.constant 128 : i32
    %add3A_85 = arith.addi %mul3A_83, %add3A_84 : i32
    %dma_start3A = arith.constant 0 : i32
    %dma_start3A_86 = tpu.memref_slice %arg10[%add3A_45, %dma_start3A] : memref<768x64xf32, #tpu.memory_space<vmem>> -> memref<128x64xf32, #tpu.memory_space<vmem>>
    %dma_start3A_87 = arith.constant 0 : i32
    %dma_start3A_88 = tpu.memref_slice %arg8[%add3A_41, %dma_start3A_87] : memref<6x128xi32, #tpu.memory_space<vmem>> -> memref<1x128xi32, #tpu.memory_space<vmem>>
    %dma_start3A_89 = tpu.memref_squeeze %dma_start3A_88 : memref<1x128xi32, #tpu.memory_space<vmem>> -> memref<128xi32, #tpu.memory_space<vmem>>
    %dma_start3A_90 = arith.constant 0 : i32
    %dma_start3A_91 = arith.constant 0 : i32
    %dma_start3A_92 = tpu.memref_slice %arg4[%dma_start3A_90, %dma_start3A_91] : memref<10000x64xf32, #tpu.memory_space<hbm>> -> memref<10000x64xf32, #tpu.memory_space<hbm>>
    tpu.enqueue_indirect_dma source(%dma_start3A_92 : memref<10000x64xf32, #tpu.memory_space<hbm>>) target(%dma_start3A_86 : memref<128x64xf32, #tpu.memory_space<vmem>>) offsets(%dma_start3A_89 : memref<128xi32, #tpu.memory_space<vmem>>) semaphore(%arg16 : memref<!tpu.dma_semaphore, #tpu.memory_space<semaphore_mem>>)
    %dma_start3A_93 = arith.constant 0 : i32
    %dma_start3A_94 = tpu.memref_slice %arg11[%add3A_53, %dma_start3A_93] : memref<768x16xf32, #tpu.memory_space<vmem>> -> memref<128x16xf32, #tpu.memory_space<vmem>>
    %dma_start3A_95 = arith.constant 0 : i32
    %dma_start3A_96 = tpu.memref_slice %arg8[%add3A_49, %dma_start3A_95] : memref<6x128xi32, #tpu.memory_space<vmem>> -> memref<1x128xi32, #tpu.memory_space<vmem>>
    %dma_start3A_97 = tpu.memref_squeeze %dma_start3A_96 : memref<1x128xi32, #tpu.memory_space<vmem>> -> memref<128xi32, #tpu.memory_space<vmem>>
    %dma_start3A_98 = arith.constant 0 : i32
    %dma_start3A_99 = arith.constant 0 : i32
    %dma_start3A_100 = tpu.memref_slice %arg5[%dma_start3A_98, %dma_start3A_99] : memref<10016x16xf32, #tpu.memory_space<hbm>> -> memref<10016x16xf32, #tpu.memory_space<hbm>>
    tpu.enqueue_indirect_dma source(%dma_start3A_100 : memref<10016x16xf32, #tpu.memory_space<hbm>>) target(%dma_start3A_94 : memref<128x16xf32, #tpu.memory_space<vmem>>) offsets(%dma_start3A_97 : memref<128xi32, #tpu.memory_space<vmem>>) semaphore(%arg17 : memref<!tpu.dma_semaphore, #tpu.memory_space<semaphore_mem>>)
    %dma_start3A_101 = arith.constant 0 : i32
    %dma_start3A_102 = tpu.memref_slice %arg12[%add3A_61, %dma_start3A_101] : memref<768x16xf32, #tpu.memory_space<vmem>> -> memref<128x16xf32, #tpu.memory_space<vmem>>
    %dma_start3A_103 = arith.constant 0 : i32
    %dma_start3A_104 = tpu.memref_slice %arg9[%add3A_57, %dma_start3A_103] : memref<6x128xi32, #tpu.memory_space<vmem>> -> memref<1x128xi32, #tpu.memory_space<vmem>>
    %dma_start3A_105 = tpu.memref_squeeze %dma_start3A_104 : memref<1x128xi32, #tpu.memory_space<vmem>> -> memref<128xi32, #tpu.memory_space<vmem>>
    %dma_start3A_106 = arith.constant 0 : i32
    %dma_start3A_107 = arith.constant 0 : i32
    %dma_start3A_108 = tpu.memref_slice %arg5[%dma_start3A_106, %dma_start3A_107] : memref<10016x16xf32, #tpu.memory_space<hbm>> -> memref<10016x16xf32, #tpu.memory_space<hbm>>
    tpu.enqueue_indirect_dma source(%dma_start3A_108 : memref<10016x16xf32, #tpu.memory_space<hbm>>) target(%dma_start3A_102 : memref<128x16xf32, #tpu.memory_space<vmem>>) offsets(%dma_start3A_105 : memref<128xi32, #tpu.memory_space<vmem>>) semaphore(%arg17 : memref<!tpu.dma_semaphore, #tpu.memory_space<semaphore_mem>>)
    %dma_start3A_109 = arith.constant 0 : i32
    %dma_start3A_110 = tpu.memref_slice %arg10[%add3A_69, %dma_start3A_109] : memref<768x64xf32, #tpu.memory_space<vmem>> -> memref<128x64xf32, #tpu.memory_space<vmem>>
    %dma_start3A_111 = arith.constant 0 : i32
    %dma_start3A_112 = tpu.memref_slice %arg8[%add3A_65, %dma_start3A_111] : memref<6x128xi32, #tpu.memory_space<vmem>> -> memref<1x128xi32, #tpu.memory_space<vmem>>
    %dma_start3A_113 = tpu.memref_squeeze %dma_start3A_112 : memref<1x128xi32, #tpu.memory_space<vmem>> -> memref<128xi32, #tpu.memory_space<vmem>>
    %dma_start3A_114 = arith.constant 0 : i32
    %dma_start3A_115 = arith.constant 0 : i32
    %dma_start3A_116 = tpu.memref_slice %arg4[%dma_start3A_114, %dma_start3A_115] : memref<10000x64xf32, #tpu.memory_space<hbm>> -> memref<10000x64xf32, #tpu.memory_space<hbm>>
    tpu.enqueue_indirect_dma source(%dma_start3A_116 : memref<10000x64xf32, #tpu.memory_space<hbm>>) target(%dma_start3A_110 : memref<128x64xf32, #tpu.memory_space<vmem>>) offsets(%dma_start3A_113 : memref<128xi32, #tpu.memory_space<vmem>>) semaphore(%arg16 : memref<!tpu.dma_semaphore, #tpu.memory_space<semaphore_mem>>)
    %dma_start3A_117 = arith.constant 0 : i32
    %dma_start3A_118 = tpu.memref_slice %arg11[%add3A_77, %dma_start3A_117] : memref<768x16xf32, #tpu.memory_space<vmem>> -> memref<128x16xf32, #tpu.memory_space<vmem>>
    %dma_start3A_119 = arith.constant 0 : i32
    %dma_start3A_120 = tpu.memref_slice %arg8[%add3A_73, %dma_start3A_119] : memref<6x128xi32, #tpu.memory_space<vmem>> -> memref<1x128xi32, #tpu.memory_space<vmem>>
    %dma_start3A_121 = tpu.memref_squeeze %dma_start3A_120 : memref<1x128xi32, #tpu.memory_space<vmem>> -> memref<128xi32, #tpu.memory_space<vmem>>
    %dma_start3A_122 = arith.constant 0 : i32
    %dma_start3A_123 = arith.constant 0 : i32
    %dma_start3A_124 = tpu.memref_slice %arg5[%dma_start3A_122, %dma_start3A_123] : memref<10016x16xf32, #tpu.memory_space<hbm>> -> memref<10016x16xf32, #tpu.memory_space<hbm>>
    tpu.enqueue_indirect_dma source(%dma_start3A_124 : memref<10016x16xf32, #tpu.memory_space<hbm>>) target(%dma_start3A_118 : memref<128x16xf32, #tpu.memory_space<vmem>>) offsets(%dma_start3A_121 : memref<128xi32, #tpu.memory_space<vmem>>) semaphore(%arg17 : memref<!tpu.dma_semaphore, #tpu.memory_space<semaphore_mem>>)
    %dma_start3A_125 = arith.constant 0 : i32
    %dma_start3A_126 = tpu.memref_slice %arg12[%add3A_85, %dma_start3A_125] : memref<768x16xf32, #tpu.memory_space<vmem>> -> memref<128x16xf32, #tpu.memory_space<vmem>>
    %dma_start3A_127 = arith.constant 0 : i32
    %dma_start3A_128 = tpu.memref_slice %arg9[%add3A_81, %dma_start3A_127] : memref<6x128xi32, #tpu.memory_space<vmem>> -> memref<1x128xi32, #tpu.memory_space<vmem>>
    %dma_start3A_129 = tpu.memref_squeeze %dma_start3A_128 : memref<1x128xi32, #tpu.memory_space<vmem>> -> memref<128xi32, #tpu.memory_space<vmem>>
    %dma_start3A_130 = arith.constant 0 : i32
    %dma_start3A_131 = arith.constant 0 : i32
    %dma_start3A_132 = tpu.memref_slice %arg5[%dma_start3A_130, %dma_start3A_131] : memref<10016x16xf32, #tpu.memory_space<hbm>> -> memref<10016x16xf32, #tpu.memory_space<hbm>>
    tpu.enqueue_indirect_dma source(%dma_start3A_132 : memref<10016x16xf32, #tpu.memory_space<hbm>>) target(%dma_start3A_126 : memref<128x16xf32, #tpu.memory_space<vmem>>) offsets(%dma_start3A_129 : memref<128xi32, #tpu.memory_space<vmem>>) semaphore(%arg17 : memref<!tpu.dma_semaphore, #tpu.memory_space<semaphore_mem>>)
    %scan3A = arith.constant 0 : i32
    %scan3A_133 = arith.constant 0 : i32
    %scan3A_134 = arith.constant 40 : i32
    %scan3A_135 = arith.addi %scan3A_133, %scan3A_134 : i32
    %scan3A_136 = arith.constant 1 : i32
    %scan3A_137 = scf.for %scan3A_278 = %scan3A_133 to %scan3A_135 step %scan3A_136 iter_args(%scan3A_279 = %scan3A) -> (i32)  : i32 {
      %ge3A = arith.constant 2 : i32
      %ge3A_280 = arith.cmpi sge, %scan3A_278, %ge3A : i32
      %convert_element_type3A_281 = arith.extui %ge3A_280 : i1 to i32
      %cond3A_282 = arith.constant 0 : i32
      %cond3A_283 = arith.cmpi ne, %convert_element_type3A_281, %cond3A_282 : i32
      scf.if %cond3A_283 {
        %sub3A = arith.constant 2 : i32
        %sub3A_474 = arith.subi %scan3A_278, %sub3A : i32
        %rem3A_475 = arith.constant 3 : i32
        %rem3A_476 = arith.remsi %sub3A_474, %rem3A_475 : i32
        %mul3A_477 = arith.constant 256 : i32
        %mul3A_478 = arith.muli %rem3A_476, %mul3A_477 : i32
        %add3A_479 = arith.constant 0 : i32
        %add3A_480 = arith.addi %mul3A_478, %add3A_479 : i32
        %mul3A_481 = arith.constant 2 : i32
        %mul3A_482 = arith.muli %rem3A_476, %mul3A_481 : i32
        %add3A_483 = arith.constant 0 : i32
        %add3A_484 = arith.addi %mul3A_482, %add3A_483 : i32
        %mul3A_485 = arith.constant 256 : i32
        %mul3A_486 = arith.muli %rem3A_476, %mul3A_485 : i32
        %add3A_487 = arith.constant 0 : i32
        %add3A_488 = arith.addi %mul3A_486, %add3A_487 : i32
        %mul3A_489 = arith.constant 2 : i32
        %mul3A_490 = arith.muli %rem3A_476, %mul3A_489 : i32
        %add3A_491 = arith.constant 0 : i32
        %add3A_492 = arith.addi %mul3A_490, %add3A_491 : i32
        %mul3A_493 = arith.constant 256 : i32
        %mul3A_494 = arith.muli %rem3A_476, %mul3A_493 : i32
        %add3A_495 = arith.constant 128 : i32
        %add3A_496 = arith.addi %mul3A_494, %add3A_495 : i32
        %mul3A_497 = arith.constant 2 : i32
        %mul3A_498 = arith.muli %rem3A_476, %mul3A_497 : i32
        %add3A_499 = arith.constant 1 : i32
        %add3A_500 = arith.addi %mul3A_498, %add3A_499 : i32
        %mul3A_501 = arith.constant 256 : i32
        %mul3A_502 = arith.muli %rem3A_476, %mul3A_501 : i32
        %add3A_503 = arith.constant 128 : i32
        %add3A_504 = arith.addi %mul3A_502, %add3A_503 : i32
        %mul3A_505 = arith.constant 2 : i32
        %mul3A_506 = arith.muli %rem3A_476, %mul3A_505 : i32
        %add3A_507 = arith.constant 1 : i32
        %add3A_508 = arith.addi %mul3A_506, %add3A_507 : i32
        %dma_wait3A_509 = arith.constant 0 : i32
        %dma_wait3A_510 = tpu.memref_slice %arg10[%add3A_480, %dma_wait3A_509] : memref<768x64xf32, #tpu.memory_space<vmem>> -> memref<128x64xf32, #tpu.memory_space<vmem>>
        %dma_wait3A_511 = arith.constant 0 : i32
        %dma_wait3A_512 = tpu.memref_slice %arg9[%add3A_484, %dma_wait3A_511] : memref<6x128xi32, #tpu.memory_space<vmem>> -> memref<1x128xi32, #tpu.memory_space<vmem>>
        %dma_wait3A_513 = tpu.memref_squeeze %dma_wait3A_512 : memref<1x128xi32, #tpu.memory_space<vmem>> -> memref<128xi32, #tpu.memory_space<vmem>>
        %dma_wait3A_514 = arith.constant 0 : i32
        %dma_wait3A_515 = arith.constant 0 : i32
        %dma_wait3A_516 = tpu.memref_slice %arg14[%dma_wait3A_514, %dma_wait3A_515] : memref<10016x64xf32, #tpu.memory_space<vmem_shared>> -> memref<10016x64xf32, #tpu.memory_space<vmem_shared>>
        tpu.wait_indirect_dma semaphore(%arg18 : memref<!tpu.dma_semaphore, #tpu.memory_space<semaphore_mem>>) src(%dma_wait3A_510 : memref<128x64xf32, #tpu.memory_space<vmem>>) dst(%dma_wait3A_516 : memref<10016x64xf32, #tpu.memory_space<vmem_shared>>)
        %dma_wait3A_517 = arith.constant 0 : i32
        %dma_wait3A_518 = tpu.memref_slice %arg13[%add3A_488, %dma_wait3A_517] : memref<768x8xf32, #tpu.memory_space<vmem>> -> memref<128x8xf32, #tpu.memory_space<vmem>>
        %dma_wait3A_519 = arith.constant 0 : i32
        %dma_wait3A_520 = tpu.memref_slice %arg9[%add3A_492, %dma_wait3A_519] : memref<6x128xi32, #tpu.memory_space<vmem>> -> memref<1x128xi32, #tpu.memory_space<vmem>>
        %dma_wait3A_521 = tpu.memref_squeeze %dma_wait3A_520 : memref<1x128xi32, #tpu.memory_space<vmem>> -> memref<128xi32, #tpu.memory_space<vmem>>
        %dma_wait3A_522 = arith.constant 0 : i32
        %dma_wait3A_523 = arith.constant 0 : i32
        %dma_wait3A_524 = tpu.memref_slice %arg15[%dma_wait3A_522, %dma_wait3A_523] : memref<10016x8xf32, #tpu.memory_space<vmem_shared>> -> memref<10016x8xf32, #tpu.memory_space<vmem_shared>>
        tpu.wait_indirect_dma semaphore(%arg18 : memref<!tpu.dma_semaphore, #tpu.memory_space<semaphore_mem>>) src(%dma_wait3A_518 : memref<128x8xf32, #tpu.memory_space<vmem>>) dst(%dma_wait3A_524 : memref<10016x8xf32, #tpu.memory_space<vmem_shared>>)
        %dma_wait3A_525 = arith.constant 0 : i32
        %dma_wait3A_526 = tpu.memref_slice %arg10[%add3A_496, %dma_wait3A_525] : memref<768x64xf32, #tpu.memory_space<vmem>> -> memref<128x64xf32, #tpu.memory_space<vmem>>
        %dma_wait3A_527 = arith.constant 0 : i32
        %dma_wait3A_528 = tpu.memref_slice %arg9[%add3A_500, %dma_wait3A_527] : memref<6x128xi32, #tpu.memory_space<vmem>> -> memref<1x128xi32, #tpu.memory_space<vmem>>
        %dma_wait3A_529 = tpu.memref_squeeze %dma_wait3A_528 : memref<1x128xi32, #tpu.memory_space<vmem>> -> memref<128xi32, #tpu.memory_space<vmem>>
        %dma_wait3A_530 = arith.constant 0 : i32
        %dma_wait3A_531 = arith.constant 0 : i32
        %dma_wait3A_532 = tpu.memref_slice %arg14[%dma_wait3A_530, %dma_wait3A_531] : memref<10016x64xf32, #tpu.memory_space<vmem_shared>> -> memref<10016x64xf32, #tpu.memory_space<vmem_shared>>
        tpu.wait_indirect_dma semaphore(%arg18 : memref<!tpu.dma_semaphore, #tpu.memory_space<semaphore_mem>>) src(%dma_wait3A_526 : memref<128x64xf32, #tpu.memory_space<vmem>>) dst(%dma_wait3A_532 : memref<10016x64xf32, #tpu.memory_space<vmem_shared>>)
        %dma_wait3A_533 = arith.constant 0 : i32
        %dma_wait3A_534 = tpu.memref_slice %arg13[%add3A_504, %dma_wait3A_533] : memref<768x8xf32, #tpu.memory_space<vmem>> -> memref<128x8xf32, #tpu.memory_space<vmem>>
        %dma_wait3A_535 = arith.constant 0 : i32
        %dma_wait3A_536 = tpu.memref_slice %arg9[%add3A_508, %dma_wait3A_535] : memref<6x128xi32, #tpu.memory_space<vmem>> -> memref<1x128xi32, #tpu.memory_space<vmem>>
        %dma_wait3A_537 = tpu.memref_squeeze %dma_wait3A_536 : memref<1x128xi32, #tpu.memory_space<vmem>> -> memref<128xi32, #tpu.memory_space<vmem>>
        %dma_wait3A_538 = arith.constant 0 : i32
        %dma_wait3A_539 = arith.constant 0 : i32
        %dma_wait3A_540 = tpu.memref_slice %arg15[%dma_wait3A_538, %dma_wait3A_539] : memref<10016x8xf32, #tpu.memory_space<vmem_shared>> -> memref<10016x8xf32, #tpu.memory_space<vmem_shared>>
        tpu.wait_indirect_dma semaphore(%arg18 : memref<!tpu.dma_semaphore, #tpu.memory_space<semaphore_mem>>) src(%dma_wait3A_534 : memref<128x8xf32, #tpu.memory_space<vmem>>) dst(%dma_wait3A_540 : memref<10016x8xf32, #tpu.memory_space<vmem_shared>>)
      } else {
      }
      %add3A_284 = arith.constant 1 : i32
      %add3A_285 = arith.addi %scan3A_278, %add3A_284 : i32
      %lt3A = arith.constant 40 : i32
      %lt3A_286 = arith.cmpi slt, %add3A_285, %lt3A : i32
      %convert_element_type3A_287 = arith.extui %lt3A_286 : i1 to i32
      %cond3A_288 = arith.constant 0 : i32
      %cond3A_289 = arith.cmpi ne, %convert_element_type3A_287, %cond3A_288 : i32
      scf.if %cond3A_289 {
        %add3A_474 = arith.constant 1 : i32
        %add3A_475 = arith.addi %scan3A_278, %add3A_474 : i32
        %rem3A_476 = arith.constant 3 : i32
        %rem3A_477 = arith.remsi %add3A_475, %rem3A_476 : i32
        %mul3A_478 = arith.constant 80 : i32
        %mul3A_479 = arith.muli %add3A, %mul3A_478 : i32
        %mul3A_480 = arith.constant 2 : i32
        %mul3A_481 = arith.muli %add3A_475, %mul3A_480 : i32
        %add3A_482 = arith.addi %mul3A_479, %mul3A_481 : i32
        %mul3A_483 = arith.constant 2 : i32
        %mul3A_484 = arith.muli %rem3A_477, %mul3A_483 : i32
        "tpu.region"() ({
          %run_scoped3A = tpu.sem_alloc : memref<!tpu.dma_semaphore, #tpu.memory_space<semaphore_mem>>
          %dma_start3A_585 = arith.constant 0 : i32
          %dma_start3A_586 = tpu.memref_slice %arg8[%mul3A_484, %dma_start3A_585] : memref<6x128xi32, #tpu.memory_space<vmem>> -> memref<2x128xi32, #tpu.memory_space<vmem>>
          %dma_start3A_587 = arith.constant 0 : i32
          %dma_start3A_588 = tpu.memref_slice %arg2[%add3A_482, %dma_start3A_587] : memref<2560x128xi32, #tpu.memory_space<hbm>> -> memref<2x128xi32, #tpu.memory_space<hbm>>
          %dma_start3A_589 = arith.constant 0 : i32
          %dma_start3A_590 = tpu.memref_slice %arg8[%mul3A_484, %dma_start3A_589] : memref<6x128xi32, #tpu.memory_space<vmem>> -> memref<2x128xi32, #tpu.memory_space<vmem>>
          %dma_start3A_591 = arith.constant 0 : i32
          %dma_start3A_592 = tpu.memref_slice %arg2[%add3A_482, %dma_start3A_591] : memref<2560x128xi32, #tpu.memory_space<hbm>> -> memref<2x128xi32, #tpu.memory_space<hbm>>
          tpu.enqueue_dma source(%dma_start3A_592 : memref<2x128xi32, #tpu.memory_space<hbm>>) target(%dma_start3A_590 : memref<2x128xi32, #tpu.memory_space<vmem>>) target_semaphore(%run_scoped3A : memref<!tpu.dma_semaphore, #tpu.memory_space<semaphore_mem>>)
          %dma_wait3A_593 = arith.constant 0 : i32
          %dma_wait3A_594 = tpu.memref_slice %arg8[%mul3A_484, %dma_wait3A_593] : memref<6x128xi32, #tpu.memory_space<vmem>> -> memref<2x128xi32, #tpu.memory_space<vmem>>
          %dma_wait3A_595 = arith.constant 0 : i32
          %dma_wait3A_596 = tpu.memref_slice %arg2[%add3A_482, %dma_wait3A_595] : memref<2560x128xi32, #tpu.memory_space<hbm>> -> memref<2x128xi32, #tpu.memory_space<hbm>>
          %dma_wait3A_597 = arith.constant 0 : i32
          %dma_wait3A_598 = tpu.memref_slice %arg8[%mul3A_484, %dma_wait3A_597] : memref<6x128xi32, #tpu.memory_space<vmem>> -> memref<2x128xi32, #tpu.memory_space<vmem>>
          %dma_wait3A_599 = arith.constant 0 : i32
          %dma_wait3A_600 = tpu.memref_slice %arg2[%add3A_482, %dma_wait3A_599] : memref<2560x128xi32, #tpu.memory_space<hbm>> -> memref<2x128xi32, #tpu.memory_space<hbm>>
          tpu.wait_dma2 semaphore(%run_scoped3A : memref<!tpu.dma_semaphore, #tpu.memory_space<semaphore_mem>>) src(%dma_wait3A_600 : memref<2x128xi32, #tpu.memory_space<hbm>>) dst(%dma_wait3A_598 : memref<2x128xi32, #tpu.memory_space<vmem>>)
          tpu.yield
        }) : () -> ()
        %mul3A_485 = arith.constant 2 : i32
        %mul3A_486 = arith.muli %rem3A_477, %mul3A_485 : i32
        "tpu.region"() ({
          %run_scoped3A = tpu.sem_alloc : memref<!tpu.dma_semaphore, #tpu.memory_space<semaphore_mem>>
          %dma_start3A_585 = arith.constant 0 : i32
          %dma_start3A_586 = tpu.memref_slice %arg9[%mul3A_486, %dma_start3A_585] : memref<6x128xi32, #tpu.memory_space<vmem>> -> memref<2x128xi32, #tpu.memory_space<vmem>>
          %dma_start3A_587 = arith.constant 0 : i32
          %dma_start3A_588 = tpu.memref_slice %arg3[%add3A_482, %dma_start3A_587] : memref<2560x128xi32, #tpu.memory_space<hbm>> -> memref<2x128xi32, #tpu.memory_space<hbm>>
          %dma_start3A_589 = arith.constant 0 : i32
          %dma_start3A_590 = tpu.memref_slice %arg9[%mul3A_486, %dma_start3A_589] : memref<6x128xi32, #tpu.memory_space<vmem>> -> memref<2x128xi32, #tpu.memory_space<vmem>>
          %dma_start3A_591 = arith.constant 0 : i32
          %dma_start3A_592 = tpu.memref_slice %arg3[%add3A_482, %dma_start3A_591] : memref<2560x128xi32, #tpu.memory_space<hbm>> -> memref<2x128xi32, #tpu.memory_space<hbm>>
          tpu.enqueue_dma source(%dma_start3A_592 : memref<2x128xi32, #tpu.memory_space<hbm>>) target(%dma_start3A_590 : memref<2x128xi32, #tpu.memory_space<vmem>>) target_semaphore(%run_scoped3A : memref<!tpu.dma_semaphore, #tpu.memory_space<semaphore_mem>>)
          %dma_wait3A_593 = arith.constant 0 : i32
          %dma_wait3A_594 = tpu.memref_slice %arg9[%mul3A_486, %dma_wait3A_593] : memref<6x128xi32, #tpu.memory_space<vmem>> -> memref<2x128xi32, #tpu.memory_space<vmem>>
          %dma_wait3A_595 = arith.constant 0 : i32
          %dma_wait3A_596 = tpu.memref_slice %arg3[%add3A_482, %dma_wait3A_595] : memref<2560x128xi32, #tpu.memory_space<hbm>> -> memref<2x128xi32, #tpu.memory_space<hbm>>
          %dma_wait3A_597 = arith.constant 0 : i32
          %dma_wait3A_598 = tpu.memref_slice %arg9[%mul3A_486, %dma_wait3A_597] : memref<6x128xi32, #tpu.memory_space<vmem>> -> memref<2x128xi32, #tpu.memory_space<vmem>>
          %dma_wait3A_599 = arith.constant 0 : i32
          %dma_wait3A_600 = tpu.memref_slice %arg3[%add3A_482, %dma_wait3A_599] : memref<2560x128xi32, #tpu.memory_space<hbm>> -> memref<2x128xi32, #tpu.memory_space<hbm>>
          tpu.wait_dma2 semaphore(%run_scoped3A : memref<!tpu.dma_semaphore, #tpu.memory_space<semaphore_mem>>) src(%dma_wait3A_600 : memref<2x128xi32, #tpu.memory_space<hbm>>) dst(%dma_wait3A_598 : memref<2x128xi32, #tpu.memory_space<vmem>>)
          tpu.yield
        }) : () -> ()
        %rem3A_487 = arith.constant 3 : i32
        %rem3A_488 = arith.remsi %add3A_475, %rem3A_487 : i32
        %mul3A_489 = arith.constant 2 : i32
        %mul3A_490 = arith.muli %rem3A_488, %mul3A_489 : i32
        %add3A_491 = arith.constant 0 : i32
        %add3A_492 = arith.addi %mul3A_490, %add3A_491 : i32
        %mul3A_493 = arith.constant 256 : i32
        %mul3A_494 = arith.muli %rem3A_488, %mul3A_493 : i32
        %add3A_495 = arith.constant 0 : i32
        %add3A_496 = arith.addi %mul3A_494, %add3A_495 : i32
        %mul3A_497 = arith.constant 2 : i32
        %mul3A_498 = arith.muli %rem3A_488, %mul3A_497 : i32
        %add3A_499 = arith.constant 0 : i32
        %add3A_500 = arith.addi %mul3A_498, %add3A_499 : i32
        %mul3A_501 = arith.constant 256 : i32
        %mul3A_502 = arith.muli %rem3A_488, %mul3A_501 : i32
        %add3A_503 = arith.constant 0 : i32
        %add3A_504 = arith.addi %mul3A_502, %add3A_503 : i32
        %mul3A_505 = arith.constant 2 : i32
        %mul3A_506 = arith.muli %rem3A_488, %mul3A_505 : i32
        %add3A_507 = arith.constant 0 : i32
        %add3A_508 = arith.addi %mul3A_506, %add3A_507 : i32
        %mul3A_509 = arith.constant 256 : i32
        %mul3A_510 = arith.muli %rem3A_488, %mul3A_509 : i32
        %add3A_511 = arith.constant 0 : i32
        %add3A_512 = arith.addi %mul3A_510, %add3A_511 : i32
        %mul3A_513 = arith.constant 2 : i32
        %mul3A_514 = arith.muli %rem3A_488, %mul3A_513 : i32
        %add3A_515 = arith.constant 1 : i32
        %add3A_516 = arith.addi %mul3A_514, %add3A_515 : i32
        %mul3A_517 = arith.constant 256 : i32
        %mul3A_518 = arith.muli %rem3A_488, %mul3A_517 : i32
        %add3A_519 = arith.constant 128 : i32
        %add3A_520 = arith.addi %mul3A_518, %add3A_519 : i32
        %mul3A_521 = arith.constant 2 : i32
        %mul3A_522 = arith.muli %rem3A_488, %mul3A_521 : i32
        %add3A_523 = arith.constant 1 : i32
        %add3A_524 = arith.addi %mul3A_522, %add3A_523 : i32
        %mul3A_525 = arith.constant 256 : i32
        %mul3A_526 = arith.muli %rem3A_488, %mul3A_525 : i32
        %add3A_527 = arith.constant 128 : i32
        %add3A_528 = arith.addi %mul3A_526, %add3A_527 : i32
        %mul3A_529 = arith.constant 2 : i32
        %mul3A_530 = arith.muli %rem3A_488, %mul3A_529 : i32
        %add3A_531 = arith.constant 1 : i32
        %add3A_532 = arith.addi %mul3A_530, %add3A_531 : i32
        %mul3A_533 = arith.constant 256 : i32
        %mul3A_534 = arith.muli %rem3A_488, %mul3A_533 : i32
        %add3A_535 = arith.constant 128 : i32
        %add3A_536 = arith.addi %mul3A_534, %add3A_535 : i32
        %dma_start3A_537 = arith.constant 0 : i32
        %dma_start3A_538 = tpu.memref_slice %arg10[%add3A_496, %dma_start3A_537] : memref<768x64xf32, #tpu.memory_space<vmem>> -> memref<128x64xf32, #tpu.memory_space<vmem>>
        %dma_start3A_539 = arith.constant 0 : i32
        %dma_start3A_540 = tpu.memref_slice %arg8[%add3A_492, %dma_start3A_539] : memref<6x128xi32, #tpu.memory_space<vmem>> -> memref<1x128xi32, #tpu.memory_space<vmem>>
        %dma_start3A_541 = tpu.memref_squeeze %dma_start3A_540 : memref<1x128xi32, #tpu.memory_space<vmem>> -> memref<128xi32, #tpu.memory_space<vmem>>
        %dma_start3A_542 = arith.constant 0 : i32
        %dma_start3A_543 = arith.constant 0 : i32
        %dma_start3A_544 = tpu.memref_slice %arg4[%dma_start3A_542, %dma_start3A_543] : memref<10000x64xf32, #tpu.memory_space<hbm>> -> memref<10000x64xf32, #tpu.memory_space<hbm>>
        tpu.enqueue_indirect_dma source(%dma_start3A_544 : memref<10000x64xf32, #tpu.memory_space<hbm>>) target(%dma_start3A_538 : memref<128x64xf32, #tpu.memory_space<vmem>>) offsets(%dma_start3A_541 : memref<128xi32, #tpu.memory_space<vmem>>) semaphore(%arg16 : memref<!tpu.dma_semaphore, #tpu.memory_space<semaphore_mem>>)
        %dma_start3A_545 = arith.constant 0 : i32
        %dma_start3A_546 = tpu.memref_slice %arg11[%add3A_504, %dma_start3A_545] : memref<768x16xf32, #tpu.memory_space<vmem>> -> memref<128x16xf32, #tpu.memory_space<vmem>>
        %dma_start3A_547 = arith.constant 0 : i32
        %dma_start3A_548 = tpu.memref_slice %arg8[%add3A_500, %dma_start3A_547] : memref<6x128xi32, #tpu.memory_space<vmem>> -> memref<1x128xi32, #tpu.memory_space<vmem>>
        %dma_start3A_549 = tpu.memref_squeeze %dma_start3A_548 : memref<1x128xi32, #tpu.memory_space<vmem>> -> memref<128xi32, #tpu.memory_space<vmem>>
        %dma_start3A_550 = arith.constant 0 : i32
        %dma_start3A_551 = arith.constant 0 : i32
        %dma_start3A_552 = tpu.memref_slice %arg5[%dma_start3A_550, %dma_start3A_551] : memref<10016x16xf32, #tpu.memory_space<hbm>> -> memref<10016x16xf32, #tpu.memory_space<hbm>>
        tpu.enqueue_indirect_dma source(%dma_start3A_552 : memref<10016x16xf32, #tpu.memory_space<hbm>>) target(%dma_start3A_546 : memref<128x16xf32, #tpu.memory_space<vmem>>) offsets(%dma_start3A_549 : memref<128xi32, #tpu.memory_space<vmem>>) semaphore(%arg17 : memref<!tpu.dma_semaphore, #tpu.memory_space<semaphore_mem>>)
        %dma_start3A_553 = arith.constant 0 : i32
        %dma_start3A_554 = tpu.memref_slice %arg12[%add3A_512, %dma_start3A_553] : memref<768x16xf32, #tpu.memory_space<vmem>> -> memref<128x16xf32, #tpu.memory_space<vmem>>
        %dma_start3A_555 = arith.constant 0 : i32
        %dma_start3A_556 = tpu.memref_slice %arg9[%add3A_508, %dma_start3A_555] : memref<6x128xi32, #tpu.memory_space<vmem>> -> memref<1x128xi32, #tpu.memory_space<vmem>>
        %dma_start3A_557 = tpu.memref_squeeze %dma_start3A_556 : memref<1x128xi32, #tpu.memory_space<vmem>> -> memref<128xi32, #tpu.memory_space<vmem>>
        %dma_start3A_558 = arith.constant 0 : i32
        %dma_start3A_559 = arith.constant 0 : i32
        %dma_start3A_560 = tpu.memref_slice %arg5[%dma_start3A_558, %dma_start3A_559] : memref<10016x16xf32, #tpu.memory_space<hbm>> -> memref<10016x16xf32, #tpu.memory_space<hbm>>
        tpu.enqueue_indirect_dma source(%dma_start3A_560 : memref<10016x16xf32, #tpu.memory_space<hbm>>) target(%dma_start3A_554 : memref<128x16xf32, #tpu.memory_space<vmem>>) offsets(%dma_start3A_557 : memref<128xi32, #tpu.memory_space<vmem>>) semaphore(%arg17 : memref<!tpu.dma_semaphore, #tpu.memory_space<semaphore_mem>>)
        %dma_start3A_561 = arith.constant 0 : i32
        %dma_start3A_562 = tpu.memref_slice %arg10[%add3A_520, %dma_start3A_561] : memref<768x64xf32, #tpu.memory_space<vmem>> -> memref<128x64xf32, #tpu.memory_space<vmem>>
        %dma_start3A_563 = arith.constant 0 : i32
        %dma_start3A_564 = tpu.memref_slice %arg8[%add3A_516, %dma_start3A_563] : memref<6x128xi32, #tpu.memory_space<vmem>> -> memref<1x128xi32, #tpu.memory_space<vmem>>
        %dma_start3A_565 = tpu.memref_squeeze %dma_start3A_564 : memref<1x128xi32, #tpu.memory_space<vmem>> -> memref<128xi32, #tpu.memory_space<vmem>>
        %dma_start3A_566 = arith.constant 0 : i32
        %dma_start3A_567 = arith.constant 0 : i32
        %dma_start3A_568 = tpu.memref_slice %arg4[%dma_start3A_566, %dma_start3A_567] : memref<10000x64xf32, #tpu.memory_space<hbm>> -> memref<10000x64xf32, #tpu.memory_space<hbm>>
        tpu.enqueue_indirect_dma source(%dma_start3A_568 : memref<10000x64xf32, #tpu.memory_space<hbm>>) target(%dma_start3A_562 : memref<128x64xf32, #tpu.memory_space<vmem>>) offsets(%dma_start3A_565 : memref<128xi32, #tpu.memory_space<vmem>>) semaphore(%arg16 : memref<!tpu.dma_semaphore, #tpu.memory_space<semaphore_mem>>)
        %dma_start3A_569 = arith.constant 0 : i32
        %dma_start3A_570 = tpu.memref_slice %arg11[%add3A_528, %dma_start3A_569] : memref<768x16xf32, #tpu.memory_space<vmem>> -> memref<128x16xf32, #tpu.memory_space<vmem>>
        %dma_start3A_571 = arith.constant 0 : i32
        %dma_start3A_572 = tpu.memref_slice %arg8[%add3A_524, %dma_start3A_571] : memref<6x128xi32, #tpu.memory_space<vmem>> -> memref<1x128xi32, #tpu.memory_space<vmem>>
        %dma_start3A_573 = tpu.memref_squeeze %dma_start3A_572 : memref<1x128xi32, #tpu.memory_space<vmem>> -> memref<128xi32, #tpu.memory_space<vmem>>
        %dma_start3A_574 = arith.constant 0 : i32
        %dma_start3A_575 = arith.constant 0 : i32
        %dma_start3A_576 = tpu.memref_slice %arg5[%dma_start3A_574, %dma_start3A_575] : memref<10016x16xf32, #tpu.memory_space<hbm>> -> memref<10016x16xf32, #tpu.memory_space<hbm>>
        tpu.enqueue_indirect_dma source(%dma_start3A_576 : memref<10016x16xf32, #tpu.memory_space<hbm>>) target(%dma_start3A_570 : memref<128x16xf32, #tpu.memory_space<vmem>>) offsets(%dma_start3A_573 : memref<128xi32, #tpu.memory_space<vmem>>) semaphore(%arg17 : memref<!tpu.dma_semaphore, #tpu.memory_space<semaphore_mem>>)
        %dma_start3A_577 = arith.constant 0 : i32
        %dma_start3A_578 = tpu.memref_slice %arg12[%add3A_536, %dma_start3A_577] : memref<768x16xf32, #tpu.memory_space<vmem>> -> memref<128x16xf32, #tpu.memory_space<vmem>>
        %dma_start3A_579 = arith.constant 0 : i32
        %dma_start3A_580 = tpu.memref_slice %arg9[%add3A_532, %dma_start3A_579] : memref<6x128xi32, #tpu.memory_space<vmem>> -> memref<1x128xi32, #tpu.memory_space<vmem>>
        %dma_start3A_581 = tpu.memref_squeeze %dma_start3A_580 : memref<1x128xi32, #tpu.memory_space<vmem>> -> memref<128xi32, #tpu.memory_space<vmem>>
        %dma_start3A_582 = arith.constant 0 : i32
        %dma_start3A_583 = arith.constant 0 : i32
        %dma_start3A_584 = tpu.memref_slice %arg5[%dma_start3A_582, %dma_start3A_583] : memref<10016x16xf32, #tpu.memory_space<hbm>> -> memref<10016x16xf32, #tpu.memory_space<hbm>>
        tpu.enqueue_indirect_dma source(%dma_start3A_584 : memref<10016x16xf32, #tpu.memory_space<hbm>>) target(%dma_start3A_578 : memref<128x16xf32, #tpu.memory_space<vmem>>) offsets(%dma_start3A_581 : memref<128xi32, #tpu.memory_space<vmem>>) semaphore(%arg17 : memref<!tpu.dma_semaphore, #tpu.memory_space<semaphore_mem>>)
      } else {
      }
      %rem3A_290 = arith.constant 3 : i32
      %rem3A_291 = arith.remsi %scan3A_278, %rem3A_290 : i32
      %mul3A_292 = arith.constant 2 : i32
      %mul3A_293 = arith.muli %rem3A_291, %mul3A_292 : i32
      %add3A_294 = arith.constant 0 : i32
      %add3A_295 = arith.addi %mul3A_293, %add3A_294 : i32
      %mul3A_296 = arith.constant 256 : i32
      %mul3A_297 = arith.muli %rem3A_291, %mul3A_296 : i32
      %add3A_298 = arith.constant 0 : i32
      %add3A_299 = arith.addi %mul3A_297, %add3A_298 : i32
      %mul3A_300 = arith.constant 2 : i32
      %mul3A_301 = arith.muli %rem3A_291, %mul3A_300 : i32
      %add3A_302 = arith.constant 0 : i32
      %add3A_303 = arith.addi %mul3A_301, %add3A_302 : i32
      %mul3A_304 = arith.constant 256 : i32
      %mul3A_305 = arith.muli %rem3A_291, %mul3A_304 : i32
      %add3A_306 = arith.constant 0 : i32
      %add3A_307 = arith.addi %mul3A_305, %add3A_306 : i32
      %mul3A_308 = arith.constant 2 : i32
      %mul3A_309 = arith.muli %rem3A_291, %mul3A_308 : i32
      %add3A_310 = arith.constant 0 : i32
      %add3A_311 = arith.addi %mul3A_309, %add3A_310 : i32
      %mul3A_312 = arith.constant 256 : i32
      %mul3A_313 = arith.muli %rem3A_291, %mul3A_312 : i32
      %add3A_314 = arith.constant 0 : i32
      %add3A_315 = arith.addi %mul3A_313, %add3A_314 : i32
      %mul3A_316 = arith.constant 2 : i32
      %mul3A_317 = arith.muli %rem3A_291, %mul3A_316 : i32
      %add3A_318 = arith.constant 1 : i32
      %add3A_319 = arith.addi %mul3A_317, %add3A_318 : i32
      %mul3A_320 = arith.constant 256 : i32
      %mul3A_321 = arith.muli %rem3A_291, %mul3A_320 : i32
      %add3A_322 = arith.constant 128 : i32
      %add3A_323 = arith.addi %mul3A_321, %add3A_322 : i32
      %mul3A_324 = arith.constant 2 : i32
      %mul3A_325 = arith.muli %rem3A_291, %mul3A_324 : i32
      %add3A_326 = arith.constant 1 : i32
      %add3A_327 = arith.addi %mul3A_325, %add3A_326 : i32
      %mul3A_328 = arith.constant 256 : i32
      %mul3A_329 = arith.muli %rem3A_291, %mul3A_328 : i32
      %add3A_330 = arith.constant 128 : i32
      %add3A_331 = arith.addi %mul3A_329, %add3A_330 : i32
      %mul3A_332 = arith.constant 2 : i32
      %mul3A_333 = arith.muli %rem3A_291, %mul3A_332 : i32
      %add3A_334 = arith.constant 1 : i32
      %add3A_335 = arith.addi %mul3A_333, %add3A_334 : i32
      %mul3A_336 = arith.constant 256 : i32
      %mul3A_337 = arith.muli %rem3A_291, %mul3A_336 : i32
      %add3A_338 = arith.constant 128 : i32
      %add3A_339 = arith.addi %mul3A_337, %add3A_338 : i32
      %dma_wait3A_340 = arith.constant 0 : i32
      %dma_wait3A_341 = tpu.memref_slice %arg10[%add3A_299, %dma_wait3A_340] : memref<768x64xf32, #tpu.memory_space<vmem>> -> memref<128x64xf32, #tpu.memory_space<vmem>>
      %dma_wait3A_342 = arith.constant 0 : i32
      %dma_wait3A_343 = tpu.memref_slice %arg8[%add3A_295, %dma_wait3A_342] : memref<6x128xi32, #tpu.memory_space<vmem>> -> memref<1x128xi32, #tpu.memory_space<vmem>>
      %dma_wait3A_344 = tpu.memref_squeeze %dma_wait3A_343 : memref<1x128xi32, #tpu.memory_space<vmem>> -> memref<128xi32, #tpu.memory_space<vmem>>
      %dma_wait3A_345 = arith.constant 0 : i32
      %dma_wait3A_346 = arith.constant 0 : i32
      %dma_wait3A_347 = tpu.memref_slice %arg4[%dma_wait3A_345, %dma_wait3A_346] : memref<10000x64xf32, #tpu.memory_space<hbm>> -> memref<10000x64xf32, #tpu.memory_space<hbm>>
      tpu.wait_indirect_dma semaphore(%arg16 : memref<!tpu.dma_semaphore, #tpu.memory_space<semaphore_mem>>) src(%dma_wait3A_347 : memref<10000x64xf32, #tpu.memory_space<hbm>>) dst(%dma_wait3A_341 : memref<128x64xf32, #tpu.memory_space<vmem>>)
      %dma_wait3A_348 = arith.constant 0 : i32
      %dma_wait3A_349 = tpu.memref_slice %arg11[%add3A_307, %dma_wait3A_348] : memref<768x16xf32, #tpu.memory_space<vmem>> -> memref<128x16xf32, #tpu.memory_space<vmem>>
      %dma_wait3A_350 = arith.constant 0 : i32
      %dma_wait3A_351 = tpu.memref_slice %arg8[%add3A_303, %dma_wait3A_350] : memref<6x128xi32, #tpu.memory_space<vmem>> -> memref<1x128xi32, #tpu.memory_space<vmem>>
      %dma_wait3A_352 = tpu.memref_squeeze %dma_wait3A_351 : memref<1x128xi32, #tpu.memory_space<vmem>> -> memref<128xi32, #tpu.memory_space<vmem>>
      %dma_wait3A_353 = arith.constant 0 : i32
      %dma_wait3A_354 = arith.constant 0 : i32
      %dma_wait3A_355 = tpu.memref_slice %arg5[%dma_wait3A_353, %dma_wait3A_354] : memref<10016x16xf32, #tpu.memory_space<hbm>> -> memref<10016x16xf32, #tpu.memory_space<hbm>>
      tpu.wait_indirect_dma semaphore(%arg17 : memref<!tpu.dma_semaphore, #tpu.memory_space<semaphore_mem>>) src(%dma_wait3A_355 : memref<10016x16xf32, #tpu.memory_space<hbm>>) dst(%dma_wait3A_349 : memref<128x16xf32, #tpu.memory_space<vmem>>)
      %dma_wait3A_356 = arith.constant 0 : i32
      %dma_wait3A_357 = tpu.memref_slice %arg12[%add3A_315, %dma_wait3A_356] : memref<768x16xf32, #tpu.memory_space<vmem>> -> memref<128x16xf32, #tpu.memory_space<vmem>>
      %dma_wait3A_358 = arith.constant 0 : i32
      %dma_wait3A_359 = tpu.memref_slice %arg9[%add3A_311, %dma_wait3A_358] : memref<6x128xi32, #tpu.memory_space<vmem>> -> memref<1x128xi32, #tpu.memory_space<vmem>>
      %dma_wait3A_360 = tpu.memref_squeeze %dma_wait3A_359 : memref<1x128xi32, #tpu.memory_space<vmem>> -> memref<128xi32, #tpu.memory_space<vmem>>
      %dma_wait3A_361 = arith.constant 0 : i32
      %dma_wait3A_362 = arith.constant 0 : i32
      %dma_wait3A_363 = tpu.memref_slice %arg5[%dma_wait3A_361, %dma_wait3A_362] : memref<10016x16xf32, #tpu.memory_space<hbm>> -> memref<10016x16xf32, #tpu.memory_space<hbm>>
      tpu.wait_indirect_dma semaphore(%arg17 : memref<!tpu.dma_semaphore, #tpu.memory_space<semaphore_mem>>) src(%dma_wait3A_363 : memref<10016x16xf32, #tpu.memory_space<hbm>>) dst(%dma_wait3A_357 : memref<128x16xf32, #tpu.memory_space<vmem>>)
      %dma_wait3A_364 = arith.constant 0 : i32
      %dma_wait3A_365 = tpu.memref_slice %arg10[%add3A_323, %dma_wait3A_364] : memref<768x64xf32, #tpu.memory_space<vmem>> -> memref<128x64xf32, #tpu.memory_space<vmem>>
      %dma_wait3A_366 = arith.constant 0 : i32
      %dma_wait3A_367 = tpu.memref_slice %arg8[%add3A_319, %dma_wait3A_366] : memref<6x128xi32, #tpu.memory_space<vmem>> -> memref<1x128xi32, #tpu.memory_space<vmem>>
      %dma_wait3A_368 = tpu.memref_squeeze %dma_wait3A_367 : memref<1x128xi32, #tpu.memory_space<vmem>> -> memref<128xi32, #tpu.memory_space<vmem>>
      %dma_wait3A_369 = arith.constant 0 : i32
      %dma_wait3A_370 = arith.constant 0 : i32
      %dma_wait3A_371 = tpu.memref_slice %arg4[%dma_wait3A_369, %dma_wait3A_370] : memref<10000x64xf32, #tpu.memory_space<hbm>> -> memref<10000x64xf32, #tpu.memory_space<hbm>>
      tpu.wait_indirect_dma semaphore(%arg16 : memref<!tpu.dma_semaphore, #tpu.memory_space<semaphore_mem>>) src(%dma_wait3A_371 : memref<10000x64xf32, #tpu.memory_space<hbm>>) dst(%dma_wait3A_365 : memref<128x64xf32, #tpu.memory_space<vmem>>)
      %dma_wait3A_372 = arith.constant 0 : i32
      %dma_wait3A_373 = tpu.memref_slice %arg11[%add3A_331, %dma_wait3A_372] : memref<768x16xf32, #tpu.memory_space<vmem>> -> memref<128x16xf32, #tpu.memory_space<vmem>>
      %dma_wait3A_374 = arith.constant 0 : i32
      %dma_wait3A_375 = tpu.memref_slice %arg8[%add3A_327, %dma_wait3A_374] : memref<6x128xi32, #tpu.memory_space<vmem>> -> memref<1x128xi32, #tpu.memory_space<vmem>>
      %dma_wait3A_376 = tpu.memref_squeeze %dma_wait3A_375 : memref<1x128xi32, #tpu.memory_space<vmem>> -> memref<128xi32, #tpu.memory_space<vmem>>
      %dma_wait3A_377 = arith.constant 0 : i32
      %dma_wait3A_378 = arith.constant 0 : i32
      %dma_wait3A_379 = tpu.memref_slice %arg5[%dma_wait3A_377, %dma_wait3A_378] : memref<10016x16xf32, #tpu.memory_space<hbm>> -> memref<10016x16xf32, #tpu.memory_space<hbm>>
      tpu.wait_indirect_dma semaphore(%arg17 : memref<!tpu.dma_semaphore, #tpu.memory_space<semaphore_mem>>) src(%dma_wait3A_379 : memref<10016x16xf32, #tpu.memory_space<hbm>>) dst(%dma_wait3A_373 : memref<128x16xf32, #tpu.memory_space<vmem>>)
      %dma_wait3A_380 = arith.constant 0 : i32
      %dma_wait3A_381 = tpu.memref_slice %arg12[%add3A_339, %dma_wait3A_380] : memref<768x16xf32, #tpu.memory_space<vmem>> -> memref<128x16xf32, #tpu.memory_space<vmem>>
      %dma_wait3A_382 = arith.constant 0 : i32
      %dma_wait3A_383 = tpu.memref_slice %arg9[%add3A_335, %dma_wait3A_382] : memref<6x128xi32, #tpu.memory_space<vmem>> -> memref<1x128xi32, #tpu.memory_space<vmem>>
      %dma_wait3A_384 = tpu.memref_squeeze %dma_wait3A_383 : memref<1x128xi32, #tpu.memory_space<vmem>> -> memref<128xi32, #tpu.memory_space<vmem>>
      %dma_wait3A_385 = arith.constant 0 : i32
      %dma_wait3A_386 = arith.constant 0 : i32
      %dma_wait3A_387 = tpu.memref_slice %arg5[%dma_wait3A_385, %dma_wait3A_386] : memref<10016x16xf32, #tpu.memory_space<hbm>> -> memref<10016x16xf32, #tpu.memory_space<hbm>>
      tpu.wait_indirect_dma semaphore(%arg17 : memref<!tpu.dma_semaphore, #tpu.memory_space<semaphore_mem>>) src(%dma_wait3A_387 : memref<10016x16xf32, #tpu.memory_space<hbm>>) dst(%dma_wait3A_381 : memref<128x16xf32, #tpu.memory_space<vmem>>)
      %rem3A_388 = arith.constant 3 : i32
      %rem3A_389 = arith.remsi %scan3A_278, %rem3A_388 : i32
      %mul3A_390 = arith.constant 256 : i32
      %mul3A_391 = arith.muli %rem3A_389, %mul3A_390 : i32
      %parallel_loop3A_392 = arith.constant 0 : i32
      %parallel_loop3A_393 = arith.constant 128 : i32
      %parallel_loop3A_394 = arith.constant 1 : i32
      scf.for %parallel_loop3A_474 = %parallel_loop3A_392 to %parallel_loop3A_393 step %parallel_loop3A_394  : i32 {
        %parallel_loop3A_475 = arith.constant 2 : i32
        %parallel_loop3A_476 = arith.muli %parallel_loop3A_475, %parallel_loop3A_474 : i32
        %parallel_loop3A_477 = vector.broadcast %parallel_loop3A_476 : i32 to vector<16xi32>
        %parallel_loop3A_478 = arith.addi %parallel_loop3A_477, %shift_right_arithmetic3A_2 : vector<16xi32>
        %parallel_loop3A_479 = vector.broadcast %mul3A_391 : i32 to vector<16xi32>
        %parallel_loop3A_480 = arith.addi %parallel_loop3A_479, %parallel_loop3A_478 : vector<16xi32>
        %parallel_loop3A_481 = tpu.vector_load_idx %arg11[%parallel_loop3A_480, %and3A_4] : memref<768x16xf32, #tpu.memory_space<vmem>>[vector<16xi32>, vector<16xi32>], vector<16xf32>,
        %parallel_loop3A_482 = vector.broadcast %mul3A_391 : i32 to vector<16xi32>
        %parallel_loop3A_483 = arith.addi %parallel_loop3A_482, %parallel_loop3A_478 : vector<16xi32>
        %parallel_loop3A_484 = arith.constant 8 : i32
        %parallel_loop3A_485 = vector.broadcast %parallel_loop3A_484 : i32 to vector<16xi32>
        %parallel_loop3A_486 = arith.addi %parallel_loop3A_485, %and3A_4 : vector<16xi32>
        %parallel_loop3A_487 = tpu.vector_load_idx %arg12[%parallel_loop3A_483, %parallel_loop3A_486] : memref<768x16xf32, #tpu.memory_space<vmem>>[vector<16xi32>, vector<16xi32>], vector<16xf32>,
        %parallel_loop3A_488 = arith.addf %parallel_loop3A_481, %parallel_loop3A_487 : vector<16xf32>
        %parallel_loop3A_489 = arith.constant 2.000000e-01 : f32
        %parallel_loop3A_490 = vector.broadcast %parallel_loop3A_489 : f32 to vector<16xf32>
        %parallel_loop3A_491 = arith.mulf %parallel_loop3A_490, %parallel_loop3A_488 : vector<16xf32>
        %parallel_loop3A_492 = arith.maximumf %parallel_loop3A_488, %parallel_loop3A_491 : vector<16xf32>
        %parallel_loop3A_493 = math.exp %parallel_loop3A_492 : vector<16xf32>
        %parallel_loop3A_494 = vector.broadcast %mul3A_391 : i32 to vector<16xi32>
        %parallel_loop3A_495 = arith.addi %parallel_loop3A_494, %parallel_loop3A_478 : vector<16xi32>
        tpu.vector_store_idx %arg13[%parallel_loop3A_495, %and3A_4], %parallel_loop3A_493 : memref<768x8xf32, #tpu.memory_space<vmem>>[vector<16xi32>, vector<16xi32>], vector<16xf32>,
      } {sc.loop_unroll_factor = 4 : i64, sc.parallel_access}
      %add3A_395 = arith.constant 2 : i32
      %add3A_396 = vector.broadcast %add3A_395 : i32 to vector<16xi32>
      %add3A_397 = arith.addi %add3A_396, %shift_right_arithmetic3A_2 : vector<16xi32>
      %add3A_398 = arith.constant 4 : i32
      %add3A_399 = vector.broadcast %add3A_398 : i32 to vector<16xi32>
      %add3A_400 = arith.addi %add3A_399, %shift_right_arithmetic3A_2 : vector<16xi32>
      %add3A_401 = arith.constant 6 : i32
      %add3A_402 = vector.broadcast %add3A_401 : i32 to vector<16xi32>
      %add3A_403 = arith.addi %add3A_402, %shift_right_arithmetic3A_2 : vector<16xi32>
      %parallel_loop3A_404 = arith.constant 0 : i32
      %parallel_loop3A_405 = arith.constant 256 : i32
      %parallel_loop3A_406 = arith.constant 1 : i32
      scf.for %parallel_loop3A_474 = %parallel_loop3A_404 to %parallel_loop3A_405 step %parallel_loop3A_406  : i32 {
        %parallel_loop3A_475 = arith.addi %mul3A_391, %parallel_loop3A_474 : i32
        %parallel_loop3A_476 = arith.index_cast %parallel_loop3A_475 : i32 to index
        %parallel_loop3A_477 = arith.constant 0 : index
        %parallel_loop3A_478 = tpu.vector_load %arg10[%parallel_loop3A_476, %parallel_loop3A_477] {strides = array<i32>} : memref<768x64xf32, #tpu.memory_space<vmem>>, vector<16xf32>,
        %parallel_loop3A_479 = vector.broadcast %parallel_loop3A_475 : i32 to vector<16xi32>
        %parallel_loop3A_480 = arith.addi %parallel_loop3A_479, %broadcast_in_dim3A_7 : vector<16xi32>
        %parallel_loop3A_481 = tpu.vector_load_idx %arg13[%parallel_loop3A_480, %shift_right_arithmetic3A_2] : memref<768x8xf32, #tpu.memory_space<vmem>>[vector<16xi32>, vector<16xi32>], vector<16xf32>,
        %parallel_loop3A_482 = arith.mulf %parallel_loop3A_478, %parallel_loop3A_481 : vector<16xf32>
        %parallel_loop3A_483 = arith.index_cast %parallel_loop3A_475 : i32 to index
        %parallel_loop3A_484 = arith.constant 0 : index
        %parallel_loop3A_485 = tpu.vector_load %arg10[%parallel_loop3A_483, %parallel_loop3A_484] {strides = array<i32>} : memref<768x64xf32, #tpu.memory_space<vmem>>, vector<16xf32>,
        tpu.vector_store %arg10[%parallel_loop3A_483, %parallel_loop3A_484], %parallel_loop3A_482 {strides = array<i32>} : memref<768x64xf32, #tpu.memory_space<vmem>>, vector<16xf32>,
        %parallel_loop3A_486 = arith.index_cast %parallel_loop3A_475 : i32 to index
        %parallel_loop3A_487 = arith.constant 16 : index
        %parallel_loop3A_488 = tpu.vector_load %arg10[%parallel_loop3A_486, %parallel_loop3A_487] {strides = array<i32>} : memref<768x64xf32, #tpu.memory_space<vmem>>, vector<16xf32>,
        %parallel_loop3A_489 = vector.broadcast %parallel_loop3A_475 : i32 to vector<16xi32>
        %parallel_loop3A_490 = arith.addi %parallel_loop3A_489, %broadcast_in_dim3A_7 : vector<16xi32>
        %parallel_loop3A_491 = tpu.vector_load_idx %arg13[%parallel_loop3A_490, %add3A_397] : memref<768x8xf32, #tpu.memory_space<vmem>>[vector<16xi32>, vector<16xi32>], vector<16xf32>,
        %parallel_loop3A_492 = arith.mulf %parallel_loop3A_488, %parallel_loop3A_491 : vector<16xf32>
        %parallel_loop3A_493 = arith.index_cast %parallel_loop3A_475 : i32 to index
        %parallel_loop3A_494 = arith.constant 16 : index
        %parallel_loop3A_495 = tpu.vector_load %arg10[%parallel_loop3A_493, %parallel_loop3A_494] {strides = array<i32>} : memref<768x64xf32, #tpu.memory_space<vmem>>, vector<16xf32>,
        tpu.vector_store %arg10[%parallel_loop3A_493, %parallel_loop3A_494], %parallel_loop3A_492 {strides = array<i32>} : memref<768x64xf32, #tpu.memory_space<vmem>>, vector<16xf32>,
        %parallel_loop3A_496 = arith.index_cast %parallel_loop3A_475 : i32 to index
        %parallel_loop3A_497 = arith.constant 32 : index
        %parallel_loop3A_498 = tpu.vector_load %arg10[%parallel_loop3A_496, %parallel_loop3A_497] {strides = array<i32>} : memref<768x64xf32, #tpu.memory_space<vmem>>, vector<16xf32>,
        %parallel_loop3A_499 = vector.broadcast %parallel_loop3A_475 : i32 to vector<16xi32>
        %parallel_loop3A_500 = arith.addi %parallel_loop3A_499, %broadcast_in_dim3A_7 : vector<16xi32>
        %parallel_loop3A_501 = tpu.vector_load_idx %arg13[%parallel_loop3A_500, %add3A_400] : memref<768x8xf32, #tpu.memory_space<vmem>>[vector<16xi32>, vector<16xi32>], vector<16xf32>,
        %parallel_loop3A_502 = arith.mulf %parallel_loop3A_498, %parallel_loop3A_501 : vector<16xf32>
        %parallel_loop3A_503 = arith.index_cast %parallel_loop3A_475 : i32 to index
        %parallel_loop3A_504 = arith.constant 32 : index
        %parallel_loop3A_505 = tpu.vector_load %arg10[%parallel_loop3A_503, %parallel_loop3A_504] {strides = array<i32>} : memref<768x64xf32, #tpu.memory_space<vmem>>, vector<16xf32>,
        tpu.vector_store %arg10[%parallel_loop3A_503, %parallel_loop3A_504], %parallel_loop3A_502 {strides = array<i32>} : memref<768x64xf32, #tpu.memory_space<vmem>>, vector<16xf32>,
        %parallel_loop3A_506 = arith.index_cast %parallel_loop3A_475 : i32 to index
        %parallel_loop3A_507 = arith.constant 48 : index
        %parallel_loop3A_508 = tpu.vector_load %arg10[%parallel_loop3A_506, %parallel_loop3A_507] {strides = array<i32>} : memref<768x64xf32, #tpu.memory_space<vmem>>, vector<16xf32>,
        %parallel_loop3A_509 = vector.broadcast %parallel_loop3A_475 : i32 to vector<16xi32>
        %parallel_loop3A_510 = arith.addi %parallel_loop3A_509, %broadcast_in_dim3A_7 : vector<16xi32>
        %parallel_loop3A_511 = tpu.vector_load_idx %arg13[%parallel_loop3A_510, %add3A_403] : memref<768x8xf32, #tpu.memory_space<vmem>>[vector<16xi32>, vector<16xi32>], vector<16xf32>,
        %parallel_loop3A_512 = arith.mulf %parallel_loop3A_508, %parallel_loop3A_511 : vector<16xf32>
        %parallel_loop3A_513 = arith.index_cast %parallel_loop3A_475 : i32 to index
        %parallel_loop3A_514 = arith.constant 48 : index
        %parallel_loop3A_515 = tpu.vector_load %arg10[%parallel_loop3A_513, %parallel_loop3A_514] {strides = array<i32>} : memref<768x64xf32, #tpu.memory_space<vmem>>, vector<16xf32>,
        tpu.vector_store %arg10[%parallel_loop3A_513, %parallel_loop3A_514], %parallel_loop3A_512 {strides = array<i32>} : memref<768x64xf32, #tpu.memory_space<vmem>>, vector<16xf32>,
      } {sc.loop_unroll_factor = 8 : i64, sc.parallel_access}
      %rem3A_407 = arith.constant 3 : i32
      %rem3A_408 = arith.remsi %scan3A_278, %rem3A_407 : i32
      %mul3A_409 = arith.constant 256 : i32
      %mul3A_410 = arith.muli %rem3A_408, %mul3A_409 : i32
      %add3A_411 = arith.constant 0 : i32
      %add3A_412 = arith.addi %mul3A_410, %add3A_411 : i32
      %mul3A_413 = arith.constant 2 : i32
      %mul3A_414 = arith.muli %rem3A_408, %mul3A_413 : i32
      %add3A_415 = arith.constant 0 : i32
      %add3A_416 = arith.addi %mul3A_414, %add3A_415 : i32
      %mul3A_417 = arith.constant 256 : i32
      %mul3A_418 = arith.muli %rem3A_408, %mul3A_417 : i32
      %add3A_419 = arith.constant 0 : i32
      %add3A_420 = arith.addi %mul3A_418, %add3A_419 : i32
      %mul3A_421 = arith.constant 2 : i32
      %mul3A_422 = arith.muli %rem3A_408, %mul3A_421 : i32
      %add3A_423 = arith.constant 0 : i32
      %add3A_424 = arith.addi %mul3A_422, %add3A_423 : i32
      %mul3A_425 = arith.constant 256 : i32
      %mul3A_426 = arith.muli %rem3A_408, %mul3A_425 : i32
      %add3A_427 = arith.constant 128 : i32
      %add3A_428 = arith.addi %mul3A_426, %add3A_427 : i32
      %mul3A_429 = arith.constant 2 : i32
      %mul3A_430 = arith.muli %rem3A_408, %mul3A_429 : i32
      %add3A_431 = arith.constant 1 : i32
      %add3A_432 = arith.addi %mul3A_430, %add3A_431 : i32
      %mul3A_433 = arith.constant 256 : i32
      %mul3A_434 = arith.muli %rem3A_408, %mul3A_433 : i32
      %add3A_435 = arith.constant 128 : i32
      %add3A_436 = arith.addi %mul3A_434, %add3A_435 : i32
      %mul3A_437 = arith.constant 2 : i32
      %mul3A_438 = arith.muli %rem3A_408, %mul3A_437 : i32
      %add3A_439 = arith.constant 1 : i32
      %add3A_440 = arith.addi %mul3A_438, %add3A_439 : i32
      %dma_start3A_441 = arith.constant 0 : i32
      %dma_start3A_442 = tpu.memref_slice %arg10[%add3A_412, %dma_start3A_441] : memref<768x64xf32, #tpu.memory_space<vmem>> -> memref<128x64xf32, #tpu.memory_space<vmem>>
      %dma_start3A_443 = arith.constant 0 : i32
      %dma_start3A_444 = tpu.memref_slice %arg9[%add3A_416, %dma_start3A_443] : memref<6x128xi32, #tpu.memory_space<vmem>> -> memref<1x128xi32, #tpu.memory_space<vmem>>
      %dma_start3A_445 = tpu.memref_squeeze %dma_start3A_444 : memref<1x128xi32, #tpu.memory_space<vmem>> -> memref<128xi32, #tpu.memory_space<vmem>>
      %dma_start3A_446 = arith.constant 0 : i32
      %dma_start3A_447 = arith.constant 0 : i32
      %dma_start3A_448 = tpu.memref_slice %arg14[%dma_start3A_446, %dma_start3A_447] : memref<10016x64xf32, #tpu.memory_space<vmem_shared>> -> memref<10016x64xf32, #tpu.memory_space<vmem_shared>>
      tpu.enqueue_indirect_dma source(%dma_start3A_442 : memref<128x64xf32, #tpu.memory_space<vmem>>) target(%dma_start3A_448 : memref<10016x64xf32, #tpu.memory_space<vmem_shared>>) offsets(%dma_start3A_445 : memref<128xi32, #tpu.memory_space<vmem>>) semaphore(%arg18 : memref<!tpu.dma_semaphore, #tpu.memory_space<semaphore_mem>>) {add = true}
      %dma_start3A_449 = arith.constant 0 : i32
      %dma_start3A_450 = tpu.memref_slice %arg13[%add3A_420, %dma_start3A_449] : memref<768x8xf32, #tpu.memory_space<vmem>> -> memref<128x8xf32, #tpu.memory_space<vmem>>
      %dma_start3A_451 = arith.constant 0 : i32
      %dma_start3A_452 = tpu.memref_slice %arg9[%add3A_424, %dma_start3A_451] : memref<6x128xi32, #tpu.memory_space<vmem>> -> memref<1x128xi32, #tpu.memory_space<vmem>>
      %dma_start3A_453 = tpu.memref_squeeze %dma_start3A_452 : memref<1x128xi32, #tpu.memory_space<vmem>> -> memref<128xi32, #tpu.memory_space<vmem>>
      %dma_start3A_454 = arith.constant 0 : i32
      %dma_start3A_455 = arith.constant 0 : i32
      %dma_start3A_456 = tpu.memref_slice %arg15[%dma_start3A_454, %dma_start3A_455] : memref<10016x8xf32, #tpu.memory_space<vmem_shared>> -> memref<10016x8xf32, #tpu.memory_space<vmem_shared>>
      tpu.enqueue_indirect_dma source(%dma_start3A_450 : memref<128x8xf32, #tpu.memory_space<vmem>>) target(%dma_start3A_456 : memref<10016x8xf32, #tpu.memory_space<vmem_shared>>) offsets(%dma_start3A_453 : memref<128xi32, #tpu.memory_space<vmem>>) semaphore(%arg18 : memref<!tpu.dma_semaphore, #tpu.memory_space<semaphore_mem>>) {add = true}
      %dma_start3A_457 = arith.constant 0 : i32
      %dma_start3A_458 = tpu.memref_slice %arg10[%add3A_428, %dma_start3A_457] : memref<768x64xf32, #tpu.memory_space<vmem>> -> memref<128x64xf32, #tpu.memory_space<vmem>>
      %dma_start3A_459 = arith.constant 0 : i32
      %dma_start3A_460 = tpu.memref_slice %arg9[%add3A_432, %dma_start3A_459] : memref<6x128xi32, #tpu.memory_space<vmem>> -> memref<1x128xi32, #tpu.memory_space<vmem>>
      %dma_start3A_461 = tpu.memref_squeeze %dma_start3A_460 : memref<1x128xi32, #tpu.memory_space<vmem>> -> memref<128xi32, #tpu.memory_space<vmem>>
      %dma_start3A_462 = arith.constant 0 : i32
      %dma_start3A_463 = arith.constant 0 : i32
      %dma_start3A_464 = tpu.memref_slice %arg14[%dma_start3A_462, %dma_start3A_463] : memref<10016x64xf32, #tpu.memory_space<vmem_shared>> -> memref<10016x64xf32, #tpu.memory_space<vmem_shared>>
      tpu.enqueue_indirect_dma source(%dma_start3A_458 : memref<128x64xf32, #tpu.memory_space<vmem>>) target(%dma_start3A_464 : memref<10016x64xf32, #tpu.memory_space<vmem_shared>>) offsets(%dma_start3A_461 : memref<128xi32, #tpu.memory_space<vmem>>) semaphore(%arg18 : memref<!tpu.dma_semaphore, #tpu.memory_space<semaphore_mem>>) {add = true}
      %dma_start3A_465 = arith.constant 0 : i32
      %dma_start3A_466 = tpu.memref_slice %arg13[%add3A_436, %dma_start3A_465] : memref<768x8xf32, #tpu.memory_space<vmem>> -> memref<128x8xf32, #tpu.memory_space<vmem>>
      %dma_start3A_467 = arith.constant 0 : i32
      %dma_start3A_468 = tpu.memref_slice %arg9[%add3A_440, %dma_start3A_467] : memref<6x128xi32, #tpu.memory_space<vmem>> -> memref<1x128xi32, #tpu.memory_space<vmem>>
      %dma_start3A_469 = tpu.memref_squeeze %dma_start3A_468 : memref<1x128xi32, #tpu.memory_space<vmem>> -> memref<128xi32, #tpu.memory_space<vmem>>
      %dma_start3A_470 = arith.constant 0 : i32
      %dma_start3A_471 = arith.constant 0 : i32
      %dma_start3A_472 = tpu.memref_slice %arg15[%dma_start3A_470, %dma_start3A_471] : memref<10016x8xf32, #tpu.memory_space<vmem_shared>> -> memref<10016x8xf32, #tpu.memory_space<vmem_shared>>
      tpu.enqueue_indirect_dma source(%dma_start3A_466 : memref<128x8xf32, #tpu.memory_space<vmem>>) target(%dma_start3A_472 : memref<10016x8xf32, #tpu.memory_space<vmem_shared>>) offsets(%dma_start3A_469 : memref<128xi32, #tpu.memory_space<vmem>>) semaphore(%arg18 : memref<!tpu.dma_semaphore, #tpu.memory_space<semaphore_mem>>) {add = true}
      %scan3A_473 = arith.constant 0 : i32
      scf.yield %scan3A_473 : i32
    }
    %scan3A_138 = arith.constant 40 : i32
    %rem3A_139 = arith.constant 38 : i32
    %rem3A_140 = arith.constant 3 : i32
    %rem3A_141 = arith.remsi %rem3A_139, %rem3A_140 : i32
    %mul3A_142 = arith.constant 256 : i32
    %mul3A_143 = arith.muli %rem3A_141, %mul3A_142 : i32
    %add3A_144 = arith.constant 0 : i32
    %add3A_145 = arith.addi %mul3A_143, %add3A_144 : i32
    %mul3A_146 = arith.constant 2 : i32
    %mul3A_147 = arith.muli %rem3A_141, %mul3A_146 : i32
    %add3A_148 = arith.constant 0 : i32
    %add3A_149 = arith.addi %mul3A_147, %add3A_148 : i32
    %mul3A_150 = arith.constant 256 : i32
    %mul3A_151 = arith.muli %rem3A_141, %mul3A_150 : i32
    %add3A_152 = arith.constant 0 : i32
    %add3A_153 = arith.addi %mul3A_151, %add3A_152 : i32
    %mul3A_154 = arith.constant 2 : i32
    %mul3A_155 = arith.muli %rem3A_141, %mul3A_154 : i32
    %add3A_156 = arith.constant 0 : i32
    %add3A_157 = arith.addi %mul3A_155, %add3A_156 : i32
    %mul3A_158 = arith.constant 256 : i32
    %mul3A_159 = arith.muli %rem3A_141, %mul3A_158 : i32
    %add3A_160 = arith.constant 128 : i32
    %add3A_161 = arith.addi %mul3A_159, %add3A_160 : i32
    %mul3A_162 = arith.constant 2 : i32
    %mul3A_163 = arith.muli %rem3A_141, %mul3A_162 : i32
    %add3A_164 = arith.constant 1 : i32
    %add3A_165 = arith.addi %mul3A_163, %add3A_164 : i32
    %mul3A_166 = arith.constant 256 : i32
    %mul3A_167 = arith.muli %rem3A_141, %mul3A_166 : i32
    %add3A_168 = arith.constant 128 : i32
    %add3A_169 = arith.addi %mul3A_167, %add3A_168 : i32
    %mul3A_170 = arith.constant 2 : i32
    %mul3A_171 = arith.muli %rem3A_141, %mul3A_170 : i32
    %add3A_172 = arith.constant 1 : i32
    %add3A_173 = arith.addi %mul3A_171, %add3A_172 : i32
    %dma_wait3A = arith.constant 0 : i32
    %dma_wait3A_174 = tpu.memref_slice %arg10[%add3A_145, %dma_wait3A] : memref<768x64xf32, #tpu.memory_space<vmem>> -> memref<128x64xf32, #tpu.memory_space<vmem>>
    %dma_wait3A_175 = arith.constant 0 : i32
    %dma_wait3A_176 = tpu.memref_slice %arg9[%add3A_149, %dma_wait3A_175] : memref<6x128xi32, #tpu.memory_space<vmem>> -> memref<1x128xi32, #tpu.memory_space<vmem>>
    %dma_wait3A_177 = tpu.memref_squeeze %dma_wait3A_176 : memref<1x128xi32, #tpu.memory_space<vmem>> -> memref<128xi32, #tpu.memory_space<vmem>>
    %dma_wait3A_178 = arith.constant 0 : i32
    %dma_wait3A_179 = arith.constant 0 : i32
    %dma_wait3A_180 = tpu.memref_slice %arg14[%dma_wait3A_178, %dma_wait3A_179] : memref<10016x64xf32, #tpu.memory_space<vmem_shared>> -> memref<10016x64xf32, #tpu.memory_space<vmem_shared>>
    tpu.wait_indirect_dma semaphore(%arg18 : memref<!tpu.dma_semaphore, #tpu.memory_space<semaphore_mem>>) src(%dma_wait3A_174 : memref<128x64xf32, #tpu.memory_space<vmem>>) dst(%dma_wait3A_180 : memref<10016x64xf32, #tpu.memory_space<vmem_shared>>)
    %dma_wait3A_181 = arith.constant 0 : i32
    %dma_wait3A_182 = tpu.memref_slice %arg13[%add3A_153, %dma_wait3A_181] : memref<768x8xf32, #tpu.memory_space<vmem>> -> memref<128x8xf32, #tpu.memory_space<vmem>>
    %dma_wait3A_183 = arith.constant 0 : i32
    %dma_wait3A_184 = tpu.memref_slice %arg9[%add3A_157, %dma_wait3A_183] : memref<6x128xi32, #tpu.memory_space<vmem>> -> memref<1x128xi32, #tpu.memory_space<vmem>>
    %dma_wait3A_185 = tpu.memref_squeeze %dma_wait3A_184 : memref<1x128xi32, #tpu.memory_space<vmem>> -> memref<128xi32, #tpu.memory_space<vmem>>
    %dma_wait3A_186 = arith.constant 0 : i32
    %dma_wait3A_187 = arith.constant 0 : i32
    %dma_wait3A_188 = tpu.memref_slice %arg15[%dma_wait3A_186, %dma_wait3A_187] : memref<10016x8xf32, #tpu.memory_space<vmem_shared>> -> memref<10016x8xf32, #tpu.memory_space<vmem_shared>>
    tpu.wait_indirect_dma semaphore(%arg18 : memref<!tpu.dma_semaphore, #tpu.memory_space<semaphore_mem>>) src(%dma_wait3A_182 : memref<128x8xf32, #tpu.memory_space<vmem>>) dst(%dma_wait3A_188 : memref<10016x8xf32, #tpu.memory_space<vmem_shared>>)
    %dma_wait3A_189 = arith.constant 0 : i32
    %dma_wait3A_190 = tpu.memref_slice %arg10[%add3A_161, %dma_wait3A_189] : memref<768x64xf32, #tpu.memory_space<vmem>> -> memref<128x64xf32, #tpu.memory_space<vmem>>
    %dma_wait3A_191 = arith.constant 0 : i32
    %dma_wait3A_192 = tpu.memref_slice %arg9[%add3A_165, %dma_wait3A_191] : memref<6x128xi32, #tpu.memory_space<vmem>> -> memref<1x128xi32, #tpu.memory_space<vmem>>
    %dma_wait3A_193 = tpu.memref_squeeze %dma_wait3A_192 : memref<1x128xi32, #tpu.memory_space<vmem>> -> memref<128xi32, #tpu.memory_space<vmem>>
    %dma_wait3A_194 = arith.constant 0 : i32
    %dma_wait3A_195 = arith.constant 0 : i32
    %dma_wait3A_196 = tpu.memref_slice %arg14[%dma_wait3A_194, %dma_wait3A_195] : memref<10016x64xf32, #tpu.memory_space<vmem_shared>> -> memref<10016x64xf32, #tpu.memory_space<vmem_shared>>
    tpu.wait_indirect_dma semaphore(%arg18 : memref<!tpu.dma_semaphore, #tpu.memory_space<semaphore_mem>>) src(%dma_wait3A_190 : memref<128x64xf32, #tpu.memory_space<vmem>>) dst(%dma_wait3A_196 : memref<10016x64xf32, #tpu.memory_space<vmem_shared>>)
    %dma_wait3A_197 = arith.constant 0 : i32
    %dma_wait3A_198 = tpu.memref_slice %arg13[%add3A_169, %dma_wait3A_197] : memref<768x8xf32, #tpu.memory_space<vmem>> -> memref<128x8xf32, #tpu.memory_space<vmem>>
    %dma_wait3A_199 = arith.constant 0 : i32
    %dma_wait3A_200 = tpu.memref_slice %arg9[%add3A_173, %dma_wait3A_199] : memref<6x128xi32, #tpu.memory_space<vmem>> -> memref<1x128xi32, #tpu.memory_space<vmem>>
    %dma_wait3A_201 = tpu.memref_squeeze %dma_wait3A_200 : memref<1x128xi32, #tpu.memory_space<vmem>> -> memref<128xi32, #tpu.memory_space<vmem>>
    %dma_wait3A_202 = arith.constant 0 : i32
    %dma_wait3A_203 = arith.constant 0 : i32
    %dma_wait3A_204 = tpu.memref_slice %arg15[%dma_wait3A_202, %dma_wait3A_203] : memref<10016x8xf32, #tpu.memory_space<vmem_shared>> -> memref<10016x8xf32, #tpu.memory_space<vmem_shared>>
    tpu.wait_indirect_dma semaphore(%arg18 : memref<!tpu.dma_semaphore, #tpu.memory_space<semaphore_mem>>) src(%dma_wait3A_198 : memref<128x8xf32, #tpu.memory_space<vmem>>) dst(%dma_wait3A_204 : memref<10016x8xf32, #tpu.memory_space<vmem_shared>>)
    %rem3A_205 = arith.constant 39 : i32
    %rem3A_206 = arith.constant 3 : i32
    %rem3A_207 = arith.remsi %rem3A_205, %rem3A_206 : i32
    %mul3A_208 = arith.constant 256 : i32
    %mul3A_209 = arith.muli %rem3A_207, %mul3A_208 : i32
    %add3A_210 = arith.constant 0 : i32
    %add3A_211 = arith.addi %mul3A_209, %add3A_210 : i32
    %mul3A_212 = arith.constant 2 : i32
    %mul3A_213 = arith.muli %rem3A_207, %mul3A_212 : i32
    %add3A_214 = arith.constant 0 : i32
    %add3A_215 = arith.addi %mul3A_213, %add3A_214 : i32
    %mul3A_216 = arith.constant 256 : i32
    %mul3A_217 = arith.muli %rem3A_207, %mul3A_216 : i32
    %add3A_218 = arith.constant 0 : i32
    %add3A_219 = arith.addi %mul3A_217, %add3A_218 : i32
    %mul3A_220 = arith.constant 2 : i32
    %mul3A_221 = arith.muli %rem3A_207, %mul3A_220 : i32
    %add3A_222 = arith.constant 0 : i32
    %add3A_223 = arith.addi %mul3A_221, %add3A_222 : i32
    %mul3A_224 = arith.constant 256 : i32
    %mul3A_225 = arith.muli %rem3A_207, %mul3A_224 : i32
    %add3A_226 = arith.constant 128 : i32
    %add3A_227 = arith.addi %mul3A_225, %add3A_226 : i32
    %mul3A_228 = arith.constant 2 : i32
    %mul3A_229 = arith.muli %rem3A_207, %mul3A_228 : i32
    %add3A_230 = arith.constant 1 : i32
    %add3A_231 = arith.addi %mul3A_229, %add3A_230 : i32
    %mul3A_232 = arith.constant 256 : i32
    %mul3A_233 = arith.muli %rem3A_207, %mul3A_232 : i32
    %add3A_234 = arith.constant 128 : i32
    %add3A_235 = arith.addi %mul3A_233, %add3A_234 : i32
    %mul3A_236 = arith.constant 2 : i32
    %mul3A_237 = arith.muli %rem3A_207, %mul3A_236 : i32
    %add3A_238 = arith.constant 1 : i32
    %add3A_239 = arith.addi %mul3A_237, %add3A_238 : i32
    %dma_wait3A_240 = arith.constant 0 : i32
    %dma_wait3A_241 = tpu.memref_slice %arg10[%add3A_211, %dma_wait3A_240] : memref<768x64xf32, #tpu.memory_space<vmem>> -> memref<128x64xf32, #tpu.memory_space<vmem>>
    %dma_wait3A_242 = arith.constant 0 : i32
    %dma_wait3A_243 = tpu.memref_slice %arg9[%add3A_215, %dma_wait3A_242] : memref<6x128xi32, #tpu.memory_space<vmem>> -> memref<1x128xi32, #tpu.memory_space<vmem>>
    %dma_wait3A_244 = tpu.memref_squeeze %dma_wait3A_243 : memref<1x128xi32, #tpu.memory_space<vmem>> -> memref<128xi32, #tpu.memory_space<vmem>>
    %dma_wait3A_245 = arith.constant 0 : i32
    %dma_wait3A_246 = arith.constant 0 : i32
    %dma_wait3A_247 = tpu.memref_slice %arg14[%dma_wait3A_245, %dma_wait3A_246] : memref<10016x64xf32, #tpu.memory_space<vmem_shared>> -> memref<10016x64xf32, #tpu.memory_space<vmem_shared>>
    tpu.wait_indirect_dma semaphore(%arg18 : memref<!tpu.dma_semaphore, #tpu.memory_space<semaphore_mem>>) src(%dma_wait3A_241 : memref<128x64xf32, #tpu.memory_space<vmem>>) dst(%dma_wait3A_247 : memref<10016x64xf32, #tpu.memory_space<vmem_shared>>)
    %dma_wait3A_248 = arith.constant 0 : i32
    %dma_wait3A_249 = tpu.memref_slice %arg13[%add3A_219, %dma_wait3A_248] : memref<768x8xf32, #tpu.memory_space<vmem>> -> memref<128x8xf32, #tpu.memory_space<vmem>>
    %dma_wait3A_250 = arith.constant 0 : i32
    %dma_wait3A_251 = tpu.memref_slice %arg9[%add3A_223, %dma_wait3A_250] : memref<6x128xi32, #tpu.memory_space<vmem>> -> memref<1x128xi32, #tpu.memory_space<vmem>>
    %dma_wait3A_252 = tpu.memref_squeeze %dma_wait3A_251 : memref<1x128xi32, #tpu.memory_space<vmem>> -> memref<128xi32, #tpu.memory_space<vmem>>
    %dma_wait3A_253 = arith.constant 0 : i32
    %dma_wait3A_254 = arith.constant 0 : i32
    %dma_wait3A_255 = tpu.memref_slice %arg15[%dma_wait3A_253, %dma_wait3A_254] : memref<10016x8xf32, #tpu.memory_space<vmem_shared>> -> memref<10016x8xf32, #tpu.memory_space<vmem_shared>>
    tpu.wait_indirect_dma semaphore(%arg18 : memref<!tpu.dma_semaphore, #tpu.memory_space<semaphore_mem>>) src(%dma_wait3A_249 : memref<128x8xf32, #tpu.memory_space<vmem>>) dst(%dma_wait3A_255 : memref<10016x8xf32, #tpu.memory_space<vmem_shared>>)
    %dma_wait3A_256 = arith.constant 0 : i32
    %dma_wait3A_257 = tpu.memref_slice %arg10[%add3A_227, %dma_wait3A_256] : memref<768x64xf32, #tpu.memory_space<vmem>> -> memref<128x64xf32, #tpu.memory_space<vmem>>
    %dma_wait3A_258 = arith.constant 0 : i32
    %dma_wait3A_259 = tpu.memref_slice %arg9[%add3A_231, %dma_wait3A_258] : memref<6x128xi32, #tpu.memory_space<vmem>> -> memref<1x128xi32, #tpu.memory_space<vmem>>
    %dma_wait3A_260 = tpu.memref_squeeze %dma_wait3A_259 : memref<1x128xi32, #tpu.memory_space<vmem>> -> memref<128xi32, #tpu.memory_space<vmem>>
    %dma_wait3A_261 = arith.constant 0 : i32
    %dma_wait3A_262 = arith.constant 0 : i32
    %dma_wait3A_263 = tpu.memref_slice %arg14[%dma_wait3A_261, %dma_wait3A_262] : memref<10016x64xf32, #tpu.memory_space<vmem_shared>> -> memref<10016x64xf32, #tpu.memory_space<vmem_shared>>
    tpu.wait_indirect_dma semaphore(%arg18 : memref<!tpu.dma_semaphore, #tpu.memory_space<semaphore_mem>>) src(%dma_wait3A_257 : memref<128x64xf32, #tpu.memory_space<vmem>>) dst(%dma_wait3A_263 : memref<10016x64xf32, #tpu.memory_space<vmem_shared>>)
    %dma_wait3A_264 = arith.constant 0 : i32
    %dma_wait3A_265 = tpu.memref_slice %arg13[%add3A_235, %dma_wait3A_264] : memref<768x8xf32, #tpu.memory_space<vmem>> -> memref<128x8xf32, #tpu.memory_space<vmem>>
    %dma_wait3A_266 = arith.constant 0 : i32
    %dma_wait3A_267 = tpu.memref_slice %arg9[%add3A_239, %dma_wait3A_266] : memref<6x128xi32, #tpu.memory_space<vmem>> -> memref<1x128xi32, #tpu.memory_space<vmem>>
    %dma_wait3A_268 = tpu.memref_squeeze %dma_wait3A_267 : memref<1x128xi32, #tpu.memory_space<vmem>> -> memref<128xi32, #tpu.memory_space<vmem>>
    %dma_wait3A_269 = arith.constant 0 : i32
    %dma_wait3A_270 = arith.constant 0 : i32
    %dma_wait3A_271 = tpu.memref_slice %arg15[%dma_wait3A_269, %dma_wait3A_270] : memref<10016x8xf32, #tpu.memory_space<vmem_shared>> -> memref<10016x8xf32, #tpu.memory_space<vmem_shared>>
    tpu.wait_indirect_dma semaphore(%arg18 : memref<!tpu.dma_semaphore, #tpu.memory_space<semaphore_mem>>) src(%dma_wait3A_265 : memref<128x8xf32, #tpu.memory_space<vmem>>) dst(%dma_wait3A_271 : memref<10016x8xf32, #tpu.memory_space<vmem_shared>>)
    %barrier3A_272 = arith.constant 0 : index
    tpu.barrier barrier_id(%barrier3A_272)
    "tpu.region"() ({
      %run_scoped3A = tpu.sem_alloc : memref<!tpu.dma_semaphore, #tpu.memory_space<semaphore_mem>>
      %dma_start3A_278 = arith.constant 0 : i32
      %dma_start3A_279 = tpu.memref_slice %arg6[%arg0, %mul3A_14, %dma_start3A_278] : memref<2x10000x64xf32, #tpu.memory_space<hbm>> -> memref<1x624x64xf32, #tpu.memory_space<hbm>>
      %dma_start3A_280 = tpu.memref_squeeze %dma_start3A_279 : memref<1x624x64xf32, #tpu.memory_space<hbm>> -> memref<624x64xf32, #tpu.memory_space<hbm>>
      %dma_start3A_281 = arith.constant 0 : i32
      %dma_start3A_282 = tpu.memref_slice %arg14[%mul3A_14, %dma_start3A_281] : memref<10016x64xf32, #tpu.memory_space<vmem_shared>> -> memref<624x64xf32, #tpu.memory_space<vmem_shared>>
      tpu.enqueue_dma source(%dma_start3A_282 : memref<624x64xf32, #tpu.memory_space<vmem_shared>>) target(%dma_start3A_280 : memref<624x64xf32, #tpu.memory_space<hbm>>) target_semaphore(%run_scoped3A : memref<!tpu.dma_semaphore, #tpu.memory_space<semaphore_mem>>)
      %dma_wait3A_283 = arith.constant 0 : i32
      %dma_wait3A_284 = tpu.memref_slice %arg6[%arg0, %mul3A_14, %dma_wait3A_283] : memref<2x10000x64xf32, #tpu.memory_space<hbm>> -> memref<1x624x64xf32, #tpu.memory_space<hbm>>
      %dma_wait3A_285 = tpu.memref_squeeze %dma_wait3A_284 : memref<1x624x64xf32, #tpu.memory_space<hbm>> -> memref<624x64xf32, #tpu.memory_space<hbm>>
      %dma_wait3A_286 = arith.constant 0 : i32
      %dma_wait3A_287 = tpu.memref_slice %arg14[%mul3A_14, %dma_wait3A_286] : memref<10016x64xf32, #tpu.memory_space<vmem_shared>> -> memref<624x64xf32, #tpu.memory_space<vmem_shared>>
      tpu.wait_dma2 semaphore(%run_scoped3A : memref<!tpu.dma_semaphore, #tpu.memory_space<semaphore_mem>>) src(%dma_wait3A_287 : memref<624x64xf32, #tpu.memory_space<vmem_shared>>) dst(%dma_wait3A_285 : memref<624x64xf32, #tpu.memory_space<hbm>>)
      tpu.yield
    }) : () -> ()
    "tpu.region"() ({
      %run_scoped3A = tpu.sem_alloc : memref<!tpu.dma_semaphore, #tpu.memory_space<semaphore_mem>>
      %dma_start3A_278 = arith.constant 0 : i32
      %dma_start3A_279 = tpu.memref_slice %arg7[%arg0, %mul3A_14, %dma_start3A_278] : memref<2x10000x8xf32, #tpu.memory_space<hbm>> -> memref<1x624x8xf32, #tpu.memory_space<hbm>>
      %dma_start3A_280 = tpu.memref_squeeze %dma_start3A_279 : memref<1x624x8xf32, #tpu.memory_space<hbm>> -> memref<624x8xf32, #tpu.memory_space<hbm>>
      %dma_start3A_281 = arith.constant 0 : i32
      %dma_start3A_282 = tpu.memref_slice %arg15[%mul3A_14, %dma_start3A_281] : memref<10016x8xf32, #tpu.memory_space<vmem_shared>> -> memref<624x8xf32, #tpu.memory_space<vmem_shared>>
      tpu.enqueue_dma source(%dma_start3A_282 : memref<624x8xf32, #tpu.memory_space<vmem_shared>>) target(%dma_start3A_280 : memref<624x8xf32, #tpu.memory_space<hbm>>) target_semaphore(%run_scoped3A : memref<!tpu.dma_semaphore, #tpu.memory_space<semaphore_mem>>)
      %dma_wait3A_283 = arith.constant 0 : i32
      %dma_wait3A_284 = tpu.memref_slice %arg7[%arg0, %mul3A_14, %dma_wait3A_283] : memref<2x10000x8xf32, #tpu.memory_space<hbm>> -> memref<1x624x8xf32, #tpu.memory_space<hbm>>
      %dma_wait3A_285 = tpu.memref_squeeze %dma_wait3A_284 : memref<1x624x8xf32, #tpu.memory_space<hbm>> -> memref<624x8xf32, #tpu.memory_space<hbm>>
      %dma_wait3A_286 = arith.constant 0 : i32
      %dma_wait3A_287 = tpu.memref_slice %arg15[%mul3A_14, %dma_wait3A_286] : memref<10016x8xf32, #tpu.memory_space<vmem_shared>> -> memref<624x8xf32, #tpu.memory_space<vmem_shared>>
      tpu.wait_dma2 semaphore(%run_scoped3A : memref<!tpu.dma_semaphore, #tpu.memory_space<semaphore_mem>>) src(%dma_wait3A_287 : memref<624x8xf32, #tpu.memory_space<vmem_shared>>) dst(%dma_wait3A_285 : memref<624x8xf32, #tpu.memory_space<hbm>>)
      tpu.yield
    }) : () -> ()
    %eq3A_273 = arith.constant 15 : i32
    %eq3A_274 = arith.cmpi eq, %arg1, %eq3A_273 : i32
    %convert_element_type3A_275 = arith.extui %eq3A_274 : i1 to i32
    %cond3A_276 = arith.constant 0 : i32
    %cond3A_277 = arith.cmpi ne, %convert_element_type3A_275, %cond3A_276 : i32
    scf.if %cond3A_277 {
      "tpu.region"() ({
        %run_scoped3A = tpu.sem_alloc : memref<!tpu.dma_semaphore, #tpu.memory_space<semaphore_mem>>
        %dma_start3A_278 = arith.constant 9984 : i32
        %dma_start3A_279 = arith.constant 0 : i32
        %dma_start3A_280 = tpu.memref_slice %arg6[%arg0, %dma_start3A_278, %dma_start3A_279] : memref<2x10000x64xf32, #tpu.memory_space<hbm>> -> memref<1x16x64xf32, #tpu.memory_space<hbm>>
        %dma_start3A_281 = tpu.memref_squeeze %dma_start3A_280 : memref<1x16x64xf32, #tpu.memory_space<hbm>> -> memref<16x64xf32, #tpu.memory_space<hbm>>
        %dma_start3A_282 = arith.constant 9984 : i32
        %dma_start3A_283 = arith.constant 0 : i32
        %dma_start3A_284 = tpu.memref_slice %arg14[%dma_start3A_282, %dma_start3A_283] : memref<10016x64xf32, #tpu.memory_space<vmem_shared>> -> memref<16x64xf32, #tpu.memory_space<vmem_shared>>
        tpu.enqueue_dma source(%dma_start3A_284 : memref<16x64xf32, #tpu.memory_space<vmem_shared>>) target(%dma_start3A_281 : memref<16x64xf32, #tpu.memory_space<hbm>>) target_semaphore(%run_scoped3A : memref<!tpu.dma_semaphore, #tpu.memory_space<semaphore_mem>>)
        %dma_wait3A_285 = arith.constant 9984 : i32
        %dma_wait3A_286 = arith.constant 0 : i32
        %dma_wait3A_287 = tpu.memref_slice %arg6[%arg0, %dma_wait3A_285, %dma_wait3A_286] : memref<2x10000x64xf32, #tpu.memory_space<hbm>> -> memref<1x16x64xf32, #tpu.memory_space<hbm>>
        %dma_wait3A_288 = tpu.memref_squeeze %dma_wait3A_287 : memref<1x16x64xf32, #tpu.memory_space<hbm>> -> memref<16x64xf32, #tpu.memory_space<hbm>>
        %dma_wait3A_289 = arith.constant 9984 : i32
        %dma_wait3A_290 = arith.constant 0 : i32
        %dma_wait3A_291 = tpu.memref_slice %arg14[%dma_wait3A_289, %dma_wait3A_290] : memref<10016x64xf32, #tpu.memory_space<vmem_shared>> -> memref<16x64xf32, #tpu.memory_space<vmem_shared>>
        tpu.wait_dma2 semaphore(%run_scoped3A : memref<!tpu.dma_semaphore, #tpu.memory_space<semaphore_mem>>) src(%dma_wait3A_291 : memref<16x64xf32, #tpu.memory_space<vmem_shared>>) dst(%dma_wait3A_288 : memref<16x64xf32, #tpu.memory_space<hbm>>)
        tpu.yield
      }) : () -> ()
      "tpu.region"() ({
        %run_scoped3A = tpu.sem_alloc : memref<!tpu.dma_semaphore, #tpu.memory_space<semaphore_mem>>
        %dma_start3A_278 = arith.constant 9984 : i32
        %dma_start3A_279 = arith.constant 0 : i32
        %dma_start3A_280 = tpu.memref_slice %arg7[%arg0, %dma_start3A_278, %dma_start3A_279] : memref<2x10000x8xf32, #tpu.memory_space<hbm>> -> memref<1x16x8xf32, #tpu.memory_space<hbm>>
        %dma_start3A_281 = tpu.memref_squeeze %dma_start3A_280 : memref<1x16x8xf32, #tpu.memory_space<hbm>> -> memref<16x8xf32, #tpu.memory_space<hbm>>
        %dma_start3A_282 = arith.constant 9984 : i32
        %dma_start3A_283 = arith.constant 0 : i32
        %dma_start3A_284 = tpu.memref_slice %arg15[%dma_start3A_282, %dma_start3A_283] : memref<10016x8xf32, #tpu.memory_space<vmem_shared>> -> memref<16x8xf32, #tpu.memory_space<vmem_shared>>
        tpu.enqueue_dma source(%dma_start3A_284 : memref<16x8xf32, #tpu.memory_space<vmem_shared>>) target(%dma_start3A_281 : memref<16x8xf32, #tpu.memory_space<hbm>>) target_semaphore(%run_scoped3A : memref<!tpu.dma_semaphore, #tpu.memory_space<semaphore_mem>>)
        %dma_wait3A_285 = arith.constant 9984 : i32
        %dma_wait3A_286 = arith.constant 0 : i32
        %dma_wait3A_287 = tpu.memref_slice %arg7[%arg0, %dma_wait3A_285, %dma_wait3A_286] : memref<2x10000x8xf32, #tpu.memory_space<hbm>> -> memref<1x16x8xf32, #tpu.memory_space<hbm>>
        %dma_wait3A_288 = tpu.memref_squeeze %dma_wait3A_287 : memref<1x16x8xf32, #tpu.memory_space<hbm>> -> memref<16x8xf32, #tpu.memory_space<hbm>>
        %dma_wait3A_289 = arith.constant 9984 : i32
        %dma_wait3A_290 = arith.constant 0 : i32
        %dma_wait3A_291 = tpu.memref_slice %arg15[%dma_wait3A_289, %dma_wait3A_290] : memref<10016x8xf32, #tpu.memory_space<vmem_shared>> -> memref<16x8xf32, #tpu.memory_space<vmem_shared>>
        tpu.wait_dma2 semaphore(%run_scoped3A : memref<!tpu.dma_semaphore, #tpu.memory_space<semaphore_mem>>) src(%dma_wait3A_291 : memref<16x8xf32, #tpu.memory_space<vmem_shared>>) dst(%dma_wait3A_288 : memref<16x8xf32, #tpu.memory_space<hbm>>)
        tpu.yield
      }) : () -> ()
    } else {
    }
    return
  }
}

#map = affine_map<(d0, d1) -> (0, 0)>
#map1 = affine_map<(d0, d1) -> (0, 0, 0)>
module attributes {stable_mosaic.version = 14 : i64} {
  func.func @edge_kernel(%arg0: i32, %arg1: i32, %arg2: memref<2560x128xi32, #tpu.memory_space<hbm>>, %arg3: memref<2560x128xi32, #tpu.memory_space<hbm>>, %arg4: memref<10000x16xf32, #tpu.memory_space<hbm>>, %arg5: memref<10016x8xf32, #tpu.memory_space<hbm>>, %arg6: memref<2x10000x16xf32, #tpu.memory_space<hbm>>, %arg7: memref<2x10000x8xf32, #tpu.memory_space<hbm>>, %arg8: memref<6x128xi32, #tpu.memory_space<vmem>>, %arg9: memref<6x128xi32, #tpu.memory_space<vmem>>, %arg10: memref<768x16xf32, #tpu.memory_space<vmem>>, %arg11: memref<768x8xf32, #tpu.memory_space<vmem>>, %arg12: memref<768x8xf32, #tpu.memory_space<vmem>>, %arg13: memref<768x8xf32, #tpu.memory_space<vmem>>, %arg14: memref<10016x16xf32, #tpu.memory_space<vmem_shared>>, %arg15: memref<10016x8xf32, #tpu.memory_space<vmem_shared>>, %arg16: memref<!tpu.dma_semaphore, #tpu.memory_space<semaphore_mem>>, %arg17: memref<!tpu.dma_semaphore, #tpu.memory_space<semaphore_mem>>, %arg18: memref<!tpu.dma_semaphore, #tpu.memory_space<semaphore_mem>>) attributes {dimension_semantics = [#tpu.dimension_semantics<core_parallel>, #tpu.dimension_semantics<subcore_parallel>], iteration_bounds = array<i64: 2, 16>, scalar_prefetch = 0 : i64, scratch_operands = 11 : i64, tpu.core_type = #tpu.core_type<sc_vector_subcore>, window_params = [{transform_indices = #map}, {transform_indices = #map}, {transform_indices = #map}, {transform_indices = #map}, {transform_indices = #map1}, {transform_indices = #map1}]} {
    %mul3A = arith.constant 16 : i32
    %mul3A_0 = arith.muli %arg0, %mul3A : i32
    %add3A = arith.addi %mul3A_0, %arg1 : i32
    %iota3A = tpu.iota {dimensions = array<i32: 0>} : vector<16xi32>
    %shift_right_arithmetic3A = arith.constant 3 : i32
    %shift_right_arithmetic3A_1 = vector.broadcast %shift_right_arithmetic3A : i32 to vector<16xi32>
    %shift_right_arithmetic3A_2 = arith.shrsi %iota3A, %shift_right_arithmetic3A_1 : vector<16xi32>
    %and3A = arith.constant 7 : i32
    %and3A_3 = vector.broadcast %and3A : i32 to vector<16xi32>
    %and3A_4 = arith.andi %iota3A, %and3A_3 : vector<16xi32>
    %broadcast_in_dim3A = arith.constant 0.000000e+00 : f32
    %broadcast_in_dim3A_5 = vector.broadcast %broadcast_in_dim3A : f32 to vector<16xf32>
    %broadcast_in_dim3A_6 = arith.constant 0 : i32
    %broadcast_in_dim3A_7 = vector.broadcast %broadcast_in_dim3A_6 : i32 to vector<16xi32>
    %parallel_loop3A = arith.constant 0 : i32
    %parallel_loop3A_8 = arith.constant 256 : i32
    %parallel_loop3A_9 = arith.constant 1 : i32
    scf.for %parallel_loop3A_278 = %parallel_loop3A to %parallel_loop3A_8 step %parallel_loop3A_9  : i32 {
      %parallel_loop3A_279 = arith.constant 512 : i32
      %parallel_loop3A_280 = arith.addi %parallel_loop3A_279, %parallel_loop3A_278 : i32
      %parallel_loop3A_281 = arith.index_cast %parallel_loop3A_280 : i32 to index
      %parallel_loop3A_282 = arith.constant 0 : index
      %parallel_loop3A_283 = tpu.vector_load %arg10[%parallel_loop3A_281, %parallel_loop3A_282] {strides = array<i32>} : memref<768x16xf32, #tpu.memory_space<vmem>>, vector<16xf32>,
      tpu.vector_store %arg10[%parallel_loop3A_281, %parallel_loop3A_282], %broadcast_in_dim3A_5 {strides = array<i32>} : memref<768x16xf32, #tpu.memory_space<vmem>>, vector<16xf32>,
    } {sc.loop_unroll_factor = 8 : i64, sc.parallel_access}
    %parallel_loop3A_10 = arith.constant 0 : i32
    %parallel_loop3A_11 = arith.constant 128 : i32
    %parallel_loop3A_12 = arith.constant 1 : i32
    scf.for %parallel_loop3A_278 = %parallel_loop3A_10 to %parallel_loop3A_11 step %parallel_loop3A_12  : i32 {
      %parallel_loop3A_279 = arith.constant 2 : i32
      %parallel_loop3A_280 = arith.muli %parallel_loop3A_279, %parallel_loop3A_278 : i32
      %parallel_loop3A_281 = arith.constant 512 : i32
      %parallel_loop3A_282 = arith.addi %parallel_loop3A_281, %parallel_loop3A_280 : i32
      %parallel_loop3A_283 = vector.broadcast %parallel_loop3A_282 : i32 to vector<16xi32>
      %parallel_loop3A_284 = arith.addi %parallel_loop3A_283, %shift_right_arithmetic3A_2 : vector<16xi32>
      tpu.vector_store_idx %arg13[%parallel_loop3A_284, %and3A_4], %broadcast_in_dim3A_5 : memref<768x8xf32, #tpu.memory_space<vmem>>[vector<16xi32>, vector<16xi32>], vector<16xf32>,
    } {sc.loop_unroll_factor = 8 : i64, sc.parallel_access}
    %mul3A_13 = arith.constant 624 : i32
    %mul3A_14 = arith.muli %arg1, %mul3A_13 : i32
    "tpu.region"() ({
      %run_scoped3A = tpu.sem_alloc : memref<!tpu.dma_semaphore, #tpu.memory_space<semaphore_mem>>
      %dma_start3A_278 = arith.constant 512 : i32
      %dma_start3A_279 = arith.constant 0 : i32
      %dma_start3A_280 = tpu.memref_slice %arg10[%dma_start3A_278, %dma_start3A_279] : memref<768x16xf32, #tpu.memory_space<vmem>> -> memref<256x16xf32, #tpu.memory_space<vmem>>
      %dma_start3A_281 = arith.constant 0 : i32
      %dma_start3A_282 = tpu.memref_slice %arg14[%mul3A_14, %dma_start3A_281] : memref<10016x16xf32, #tpu.memory_space<vmem_shared>> -> memref<256x16xf32, #tpu.memory_space<vmem_shared>>
      %dma_start3A_283 = arith.constant 0 : i32
      %dma_start3A_284 = tpu.memref_slice %arg14[%mul3A_14, %dma_start3A_283] : memref<10016x16xf32, #tpu.memory_space<vmem_shared>> -> memref<256x16xf32, #tpu.memory_space<vmem_shared>>
      %dma_start3A_285 = arith.constant 512 : i32
      %dma_start3A_286 = arith.constant 0 : i32
      %dma_start3A_287 = tpu.memref_slice %arg10[%dma_start3A_285, %dma_start3A_286] : memref<768x16xf32, #tpu.memory_space<vmem>> -> memref<256x16xf32, #tpu.memory_space<vmem>>
      tpu.enqueue_dma source(%dma_start3A_287 : memref<256x16xf32, #tpu.memory_space<vmem>>) target(%dma_start3A_284 : memref<256x16xf32, #tpu.memory_space<vmem_shared>>) target_semaphore(%run_scoped3A : memref<!tpu.dma_semaphore, #tpu.memory_space<semaphore_mem>>)
      %dma_wait3A_288 = arith.constant 512 : i32
      %dma_wait3A_289 = arith.constant 0 : i32
      %dma_wait3A_290 = tpu.memref_slice %arg10[%dma_wait3A_288, %dma_wait3A_289] : memref<768x16xf32, #tpu.memory_space<vmem>> -> memref<256x16xf32, #tpu.memory_space<vmem>>
      %dma_wait3A_291 = arith.constant 0 : i32
      %dma_wait3A_292 = tpu.memref_slice %arg14[%mul3A_14, %dma_wait3A_291] : memref<10016x16xf32, #tpu.memory_space<vmem_shared>> -> memref<256x16xf32, #tpu.memory_space<vmem_shared>>
      %dma_wait3A_293 = arith.constant 0 : i32
      %dma_wait3A_294 = tpu.memref_slice %arg14[%mul3A_14, %dma_wait3A_293] : memref<10016x16xf32, #tpu.memory_space<vmem_shared>> -> memref<256x16xf32, #tpu.memory_space<vmem_shared>>
      %dma_wait3A_295 = arith.constant 512 : i32
      %dma_wait3A_296 = arith.constant 0 : i32
      %dma_wait3A_297 = tpu.memref_slice %arg10[%dma_wait3A_295, %dma_wait3A_296] : memref<768x16xf32, #tpu.memory_space<vmem>> -> memref<256x16xf32, #tpu.memory_space<vmem>>
      tpu.wait_dma2 semaphore(%run_scoped3A : memref<!tpu.dma_semaphore, #tpu.memory_space<semaphore_mem>>) src(%dma_wait3A_297 : memref<256x16xf32, #tpu.memory_space<vmem>>) dst(%dma_wait3A_294 : memref<256x16xf32, #tpu.memory_space<vmem_shared>>)
      tpu.yield
    }) : () -> ()
    %add3A_15 = arith.constant 256 : i32
    %add3A_16 = arith.addi %mul3A_14, %add3A_15 : i32
    "tpu.region"() ({
      %run_scoped3A = tpu.sem_alloc : memref<!tpu.dma_semaphore, #tpu.memory_space<semaphore_mem>>
      %dma_start3A_278 = arith.constant 512 : i32
      %dma_start3A_279 = arith.constant 0 : i32
      %dma_start3A_280 = tpu.memref_slice %arg10[%dma_start3A_278, %dma_start3A_279] : memref<768x16xf32, #tpu.memory_space<vmem>> -> memref<256x16xf32, #tpu.memory_space<vmem>>
      %dma_start3A_281 = arith.constant 0 : i32
      %dma_start3A_282 = tpu.memref_slice %arg14[%add3A_16, %dma_start3A_281] : memref<10016x16xf32, #tpu.memory_space<vmem_shared>> -> memref<256x16xf32, #tpu.memory_space<vmem_shared>>
      %dma_start3A_283 = arith.constant 0 : i32
      %dma_start3A_284 = tpu.memref_slice %arg14[%add3A_16, %dma_start3A_283] : memref<10016x16xf32, #tpu.memory_space<vmem_shared>> -> memref<256x16xf32, #tpu.memory_space<vmem_shared>>
      %dma_start3A_285 = arith.constant 512 : i32
      %dma_start3A_286 = arith.constant 0 : i32
      %dma_start3A_287 = tpu.memref_slice %arg10[%dma_start3A_285, %dma_start3A_286] : memref<768x16xf32, #tpu.memory_space<vmem>> -> memref<256x16xf32, #tpu.memory_space<vmem>>
      tpu.enqueue_dma source(%dma_start3A_287 : memref<256x16xf32, #tpu.memory_space<vmem>>) target(%dma_start3A_284 : memref<256x16xf32, #tpu.memory_space<vmem_shared>>) target_semaphore(%run_scoped3A : memref<!tpu.dma_semaphore, #tpu.memory_space<semaphore_mem>>)
      %dma_wait3A_288 = arith.constant 512 : i32
      %dma_wait3A_289 = arith.constant 0 : i32
      %dma_wait3A_290 = tpu.memref_slice %arg10[%dma_wait3A_288, %dma_wait3A_289] : memref<768x16xf32, #tpu.memory_space<vmem>> -> memref<256x16xf32, #tpu.memory_space<vmem>>
      %dma_wait3A_291 = arith.constant 0 : i32
      %dma_wait3A_292 = tpu.memref_slice %arg14[%add3A_16, %dma_wait3A_291] : memref<10016x16xf32, #tpu.memory_space<vmem_shared>> -> memref<256x16xf32, #tpu.memory_space<vmem_shared>>
      %dma_wait3A_293 = arith.constant 0 : i32
      %dma_wait3A_294 = tpu.memref_slice %arg14[%add3A_16, %dma_wait3A_293] : memref<10016x16xf32, #tpu.memory_space<vmem_shared>> -> memref<256x16xf32, #tpu.memory_space<vmem_shared>>
      %dma_wait3A_295 = arith.constant 512 : i32
      %dma_wait3A_296 = arith.constant 0 : i32
      %dma_wait3A_297 = tpu.memref_slice %arg10[%dma_wait3A_295, %dma_wait3A_296] : memref<768x16xf32, #tpu.memory_space<vmem>> -> memref<256x16xf32, #tpu.memory_space<vmem>>
      tpu.wait_dma2 semaphore(%run_scoped3A : memref<!tpu.dma_semaphore, #tpu.memory_space<semaphore_mem>>) src(%dma_wait3A_297 : memref<256x16xf32, #tpu.memory_space<vmem>>) dst(%dma_wait3A_294 : memref<256x16xf32, #tpu.memory_space<vmem_shared>>)
      tpu.yield
    }) : () -> ()
    %add3A_17 = arith.constant 512 : i32
    %add3A_18 = arith.addi %mul3A_14, %add3A_17 : i32
    "tpu.region"() ({
      %run_scoped3A = tpu.sem_alloc : memref<!tpu.dma_semaphore, #tpu.memory_space<semaphore_mem>>
      %dma_start3A_278 = arith.constant 512 : i32
      %dma_start3A_279 = arith.constant 0 : i32
      %dma_start3A_280 = tpu.memref_slice %arg10[%dma_start3A_278, %dma_start3A_279] : memref<768x16xf32, #tpu.memory_space<vmem>> -> memref<112x16xf32, #tpu.memory_space<vmem>>
      %dma_start3A_281 = arith.constant 0 : i32
      %dma_start3A_282 = tpu.memref_slice %arg14[%add3A_18, %dma_start3A_281] : memref<10016x16xf32, #tpu.memory_space<vmem_shared>> -> memref<112x16xf32, #tpu.memory_space<vmem_shared>>
      %dma_start3A_283 = arith.constant 0 : i32
      %dma_start3A_284 = tpu.memref_slice %arg14[%add3A_18, %dma_start3A_283] : memref<10016x16xf32, #tpu.memory_space<vmem_shared>> -> memref<112x16xf32, #tpu.memory_space<vmem_shared>>
      %dma_start3A_285 = arith.constant 512 : i32
      %dma_start3A_286 = arith.constant 0 : i32
      %dma_start3A_287 = tpu.memref_slice %arg10[%dma_start3A_285, %dma_start3A_286] : memref<768x16xf32, #tpu.memory_space<vmem>> -> memref<112x16xf32, #tpu.memory_space<vmem>>
      tpu.enqueue_dma source(%dma_start3A_287 : memref<112x16xf32, #tpu.memory_space<vmem>>) target(%dma_start3A_284 : memref<112x16xf32, #tpu.memory_space<vmem_shared>>) target_semaphore(%run_scoped3A : memref<!tpu.dma_semaphore, #tpu.memory_space<semaphore_mem>>)
      %dma_wait3A_288 = arith.constant 512 : i32
      %dma_wait3A_289 = arith.constant 0 : i32
      %dma_wait3A_290 = tpu.memref_slice %arg10[%dma_wait3A_288, %dma_wait3A_289] : memref<768x16xf32, #tpu.memory_space<vmem>> -> memref<112x16xf32, #tpu.memory_space<vmem>>
      %dma_wait3A_291 = arith.constant 0 : i32
      %dma_wait3A_292 = tpu.memref_slice %arg14[%add3A_18, %dma_wait3A_291] : memref<10016x16xf32, #tpu.memory_space<vmem_shared>> -> memref<112x16xf32, #tpu.memory_space<vmem_shared>>
      %dma_wait3A_293 = arith.constant 0 : i32
      %dma_wait3A_294 = tpu.memref_slice %arg14[%add3A_18, %dma_wait3A_293] : memref<10016x16xf32, #tpu.memory_space<vmem_shared>> -> memref<112x16xf32, #tpu.memory_space<vmem_shared>>
      %dma_wait3A_295 = arith.constant 512 : i32
      %dma_wait3A_296 = arith.constant 0 : i32
      %dma_wait3A_297 = tpu.memref_slice %arg10[%dma_wait3A_295, %dma_wait3A_296] : memref<768x16xf32, #tpu.memory_space<vmem>> -> memref<112x16xf32, #tpu.memory_space<vmem>>
      tpu.wait_dma2 semaphore(%run_scoped3A : memref<!tpu.dma_semaphore, #tpu.memory_space<semaphore_mem>>) src(%dma_wait3A_297 : memref<112x16xf32, #tpu.memory_space<vmem>>) dst(%dma_wait3A_294 : memref<112x16xf32, #tpu.memory_space<vmem_shared>>)
      tpu.yield
    }) : () -> ()
    "tpu.region"() ({
      %run_scoped3A = tpu.sem_alloc : memref<!tpu.dma_semaphore, #tpu.memory_space<semaphore_mem>>
      %dma_start3A_278 = arith.constant 512 : i32
      %dma_start3A_279 = arith.constant 0 : i32
      %dma_start3A_280 = tpu.memref_slice %arg13[%dma_start3A_278, %dma_start3A_279] : memref<768x8xf32, #tpu.memory_space<vmem>> -> memref<256x8xf32, #tpu.memory_space<vmem>>
      %dma_start3A_281 = arith.constant 0 : i32
      %dma_start3A_282 = tpu.memref_slice %arg15[%mul3A_14, %dma_start3A_281] : memref<10016x8xf32, #tpu.memory_space<vmem_shared>> -> memref<256x8xf32, #tpu.memory_space<vmem_shared>>
      %dma_start3A_283 = arith.constant 0 : i32
      %dma_start3A_284 = tpu.memref_slice %arg15[%mul3A_14, %dma_start3A_283] : memref<10016x8xf32, #tpu.memory_space<vmem_shared>> -> memref<256x8xf32, #tpu.memory_space<vmem_shared>>
      %dma_start3A_285 = arith.constant 512 : i32
      %dma_start3A_286 = arith.constant 0 : i32
      %dma_start3A_287 = tpu.memref_slice %arg13[%dma_start3A_285, %dma_start3A_286] : memref<768x8xf32, #tpu.memory_space<vmem>> -> memref<256x8xf32, #tpu.memory_space<vmem>>
      tpu.enqueue_dma source(%dma_start3A_287 : memref<256x8xf32, #tpu.memory_space<vmem>>) target(%dma_start3A_284 : memref<256x8xf32, #tpu.memory_space<vmem_shared>>) target_semaphore(%run_scoped3A : memref<!tpu.dma_semaphore, #tpu.memory_space<semaphore_mem>>)
      %dma_wait3A_288 = arith.constant 512 : i32
      %dma_wait3A_289 = arith.constant 0 : i32
      %dma_wait3A_290 = tpu.memref_slice %arg13[%dma_wait3A_288, %dma_wait3A_289] : memref<768x8xf32, #tpu.memory_space<vmem>> -> memref<256x8xf32, #tpu.memory_space<vmem>>
      %dma_wait3A_291 = arith.constant 0 : i32
      %dma_wait3A_292 = tpu.memref_slice %arg15[%mul3A_14, %dma_wait3A_291] : memref<10016x8xf32, #tpu.memory_space<vmem_shared>> -> memref<256x8xf32, #tpu.memory_space<vmem_shared>>
      %dma_wait3A_293 = arith.constant 0 : i32
      %dma_wait3A_294 = tpu.memref_slice %arg15[%mul3A_14, %dma_wait3A_293] : memref<10016x8xf32, #tpu.memory_space<vmem_shared>> -> memref<256x8xf32, #tpu.memory_space<vmem_shared>>
      %dma_wait3A_295 = arith.constant 512 : i32
      %dma_wait3A_296 = arith.constant 0 : i32
      %dma_wait3A_297 = tpu.memref_slice %arg13[%dma_wait3A_295, %dma_wait3A_296] : memref<768x8xf32, #tpu.memory_space<vmem>> -> memref<256x8xf32, #tpu.memory_space<vmem>>
      tpu.wait_dma2 semaphore(%run_scoped3A : memref<!tpu.dma_semaphore, #tpu.memory_space<semaphore_mem>>) src(%dma_wait3A_297 : memref<256x8xf32, #tpu.memory_space<vmem>>) dst(%dma_wait3A_294 : memref<256x8xf32, #tpu.memory_space<vmem_shared>>)
      tpu.yield
    }) : () -> ()
    %add3A_19 = arith.constant 256 : i32
    %add3A_20 = arith.addi %mul3A_14, %add3A_19 : i32
    "tpu.region"() ({
      %run_scoped3A = tpu.sem_alloc : memref<!tpu.dma_semaphore, #tpu.memory_space<semaphore_mem>>
      %dma_start3A_278 = arith.constant 512 : i32
      %dma_start3A_279 = arith.constant 0 : i32
      %dma_start3A_280 = tpu.memref_slice %arg13[%dma_start3A_278, %dma_start3A_279] : memref<768x8xf32, #tpu.memory_space<vmem>> -> memref<256x8xf32, #tpu.memory_space<vmem>>
      %dma_start3A_281 = arith.constant 0 : i32
      %dma_start3A_282 = tpu.memref_slice %arg15[%add3A_20, %dma_start3A_281] : memref<10016x8xf32, #tpu.memory_space<vmem_shared>> -> memref<256x8xf32, #tpu.memory_space<vmem_shared>>
      %dma_start3A_283 = arith.constant 0 : i32
      %dma_start3A_284 = tpu.memref_slice %arg15[%add3A_20, %dma_start3A_283] : memref<10016x8xf32, #tpu.memory_space<vmem_shared>> -> memref<256x8xf32, #tpu.memory_space<vmem_shared>>
      %dma_start3A_285 = arith.constant 512 : i32
      %dma_start3A_286 = arith.constant 0 : i32
      %dma_start3A_287 = tpu.memref_slice %arg13[%dma_start3A_285, %dma_start3A_286] : memref<768x8xf32, #tpu.memory_space<vmem>> -> memref<256x8xf32, #tpu.memory_space<vmem>>
      tpu.enqueue_dma source(%dma_start3A_287 : memref<256x8xf32, #tpu.memory_space<vmem>>) target(%dma_start3A_284 : memref<256x8xf32, #tpu.memory_space<vmem_shared>>) target_semaphore(%run_scoped3A : memref<!tpu.dma_semaphore, #tpu.memory_space<semaphore_mem>>)
      %dma_wait3A_288 = arith.constant 512 : i32
      %dma_wait3A_289 = arith.constant 0 : i32
      %dma_wait3A_290 = tpu.memref_slice %arg13[%dma_wait3A_288, %dma_wait3A_289] : memref<768x8xf32, #tpu.memory_space<vmem>> -> memref<256x8xf32, #tpu.memory_space<vmem>>
      %dma_wait3A_291 = arith.constant 0 : i32
      %dma_wait3A_292 = tpu.memref_slice %arg15[%add3A_20, %dma_wait3A_291] : memref<10016x8xf32, #tpu.memory_space<vmem_shared>> -> memref<256x8xf32, #tpu.memory_space<vmem_shared>>
      %dma_wait3A_293 = arith.constant 0 : i32
      %dma_wait3A_294 = tpu.memref_slice %arg15[%add3A_20, %dma_wait3A_293] : memref<10016x8xf32, #tpu.memory_space<vmem_shared>> -> memref<256x8xf32, #tpu.memory_space<vmem_shared>>
      %dma_wait3A_295 = arith.constant 512 : i32
      %dma_wait3A_296 = arith.constant 0 : i32
      %dma_wait3A_297 = tpu.memref_slice %arg13[%dma_wait3A_295, %dma_wait3A_296] : memref<768x8xf32, #tpu.memory_space<vmem>> -> memref<256x8xf32, #tpu.memory_space<vmem>>
      tpu.wait_dma2 semaphore(%run_scoped3A : memref<!tpu.dma_semaphore, #tpu.memory_space<semaphore_mem>>) src(%dma_wait3A_297 : memref<256x8xf32, #tpu.memory_space<vmem>>) dst(%dma_wait3A_294 : memref<256x8xf32, #tpu.memory_space<vmem_shared>>)
      tpu.yield
    }) : () -> ()
    %add3A_21 = arith.constant 512 : i32
    %add3A_22 = arith.addi %mul3A_14, %add3A_21 : i32
    "tpu.region"() ({
      %run_scoped3A = tpu.sem_alloc : memref<!tpu.dma_semaphore, #tpu.memory_space<semaphore_mem>>
      %dma_start3A_278 = arith.constant 512 : i32
      %dma_start3A_279 = arith.constant 0 : i32
      %dma_start3A_280 = tpu.memref_slice %arg13[%dma_start3A_278, %dma_start3A_279] : memref<768x8xf32, #tpu.memory_space<vmem>> -> memref<112x8xf32, #tpu.memory_space<vmem>>
      %dma_start3A_281 = arith.constant 0 : i32
      %dma_start3A_282 = tpu.memref_slice %arg15[%add3A_22, %dma_start3A_281] : memref<10016x8xf32, #tpu.memory_space<vmem_shared>> -> memref<112x8xf32, #tpu.memory_space<vmem_shared>>
      %dma_start3A_283 = arith.constant 0 : i32
      %dma_start3A_284 = tpu.memref_slice %arg15[%add3A_22, %dma_start3A_283] : memref<10016x8xf32, #tpu.memory_space<vmem_shared>> -> memref<112x8xf32, #tpu.memory_space<vmem_shared>>
      %dma_start3A_285 = arith.constant 512 : i32
      %dma_start3A_286 = arith.constant 0 : i32
      %dma_start3A_287 = tpu.memref_slice %arg13[%dma_start3A_285, %dma_start3A_286] : memref<768x8xf32, #tpu.memory_space<vmem>> -> memref<112x8xf32, #tpu.memory_space<vmem>>
      tpu.enqueue_dma source(%dma_start3A_287 : memref<112x8xf32, #tpu.memory_space<vmem>>) target(%dma_start3A_284 : memref<112x8xf32, #tpu.memory_space<vmem_shared>>) target_semaphore(%run_scoped3A : memref<!tpu.dma_semaphore, #tpu.memory_space<semaphore_mem>>)
      %dma_wait3A_288 = arith.constant 512 : i32
      %dma_wait3A_289 = arith.constant 0 : i32
      %dma_wait3A_290 = tpu.memref_slice %arg13[%dma_wait3A_288, %dma_wait3A_289] : memref<768x8xf32, #tpu.memory_space<vmem>> -> memref<112x8xf32, #tpu.memory_space<vmem>>
      %dma_wait3A_291 = arith.constant 0 : i32
      %dma_wait3A_292 = tpu.memref_slice %arg15[%add3A_22, %dma_wait3A_291] : memref<10016x8xf32, #tpu.memory_space<vmem_shared>> -> memref<112x8xf32, #tpu.memory_space<vmem_shared>>
      %dma_wait3A_293 = arith.constant 0 : i32
      %dma_wait3A_294 = tpu.memref_slice %arg15[%add3A_22, %dma_wait3A_293] : memref<10016x8xf32, #tpu.memory_space<vmem_shared>> -> memref<112x8xf32, #tpu.memory_space<vmem_shared>>
      %dma_wait3A_295 = arith.constant 512 : i32
      %dma_wait3A_296 = arith.constant 0 : i32
      %dma_wait3A_297 = tpu.memref_slice %arg13[%dma_wait3A_295, %dma_wait3A_296] : memref<768x8xf32, #tpu.memory_space<vmem>> -> memref<112x8xf32, #tpu.memory_space<vmem>>
      tpu.wait_dma2 semaphore(%run_scoped3A : memref<!tpu.dma_semaphore, #tpu.memory_space<semaphore_mem>>) src(%dma_wait3A_297 : memref<112x8xf32, #tpu.memory_space<vmem>>) dst(%dma_wait3A_294 : memref<112x8xf32, #tpu.memory_space<vmem_shared>>)
      tpu.yield
    }) : () -> ()
    %eq3A = arith.constant 15 : i32
    %eq3A_23 = arith.cmpi eq, %arg1, %eq3A : i32
    %convert_element_type3A = arith.extui %eq3A_23 : i1 to i32
    %cond3A = arith.constant 0 : i32
    %cond3A_24 = arith.cmpi ne, %convert_element_type3A, %cond3A : i32
    scf.if %cond3A_24 {
      "tpu.region"() ({
        %run_scoped3A = tpu.sem_alloc : memref<!tpu.dma_semaphore, #tpu.memory_space<semaphore_mem>>
        %dma_start3A_278 = arith.constant 512 : i32
        %dma_start3A_279 = arith.constant 0 : i32
        %dma_start3A_280 = tpu.memref_slice %arg10[%dma_start3A_278, %dma_start3A_279] : memref<768x16xf32, #tpu.memory_space<vmem>> -> memref<16x16xf32, #tpu.memory_space<vmem>>
        %dma_start3A_281 = arith.constant 9984 : i32
        %dma_start3A_282 = arith.constant 0 : i32
        %dma_start3A_283 = tpu.memref_slice %arg14[%dma_start3A_281, %dma_start3A_282] : memref<10016x16xf32, #tpu.memory_space<vmem_shared>> -> memref<16x16xf32, #tpu.memory_space<vmem_shared>>
        %dma_start3A_284 = arith.constant 9984 : i32
        %dma_start3A_285 = arith.constant 0 : i32
        %dma_start3A_286 = tpu.memref_slice %arg14[%dma_start3A_284, %dma_start3A_285] : memref<10016x16xf32, #tpu.memory_space<vmem_shared>> -> memref<16x16xf32, #tpu.memory_space<vmem_shared>>
        %dma_start3A_287 = arith.constant 512 : i32
        %dma_start3A_288 = arith.constant 0 : i32
        %dma_start3A_289 = tpu.memref_slice %arg10[%dma_start3A_287, %dma_start3A_288] : memref<768x16xf32, #tpu.memory_space<vmem>> -> memref<16x16xf32, #tpu.memory_space<vmem>>
        tpu.enqueue_dma source(%dma_start3A_289 : memref<16x16xf32, #tpu.memory_space<vmem>>) target(%dma_start3A_286 : memref<16x16xf32, #tpu.memory_space<vmem_shared>>) target_semaphore(%run_scoped3A : memref<!tpu.dma_semaphore, #tpu.memory_space<semaphore_mem>>)
        %dma_wait3A_290 = arith.constant 512 : i32
        %dma_wait3A_291 = arith.constant 0 : i32
        %dma_wait3A_292 = tpu.memref_slice %arg10[%dma_wait3A_290, %dma_wait3A_291] : memref<768x16xf32, #tpu.memory_space<vmem>> -> memref<16x16xf32, #tpu.memory_space<vmem>>
        %dma_wait3A_293 = arith.constant 9984 : i32
        %dma_wait3A_294 = arith.constant 0 : i32
        %dma_wait3A_295 = tpu.memref_slice %arg14[%dma_wait3A_293, %dma_wait3A_294] : memref<10016x16xf32, #tpu.memory_space<vmem_shared>> -> memref<16x16xf32, #tpu.memory_space<vmem_shared>>
        %dma_wait3A_296 = arith.constant 9984 : i32
        %dma_wait3A_297 = arith.constant 0 : i32
        %dma_wait3A_298 = tpu.memref_slice %arg14[%dma_wait3A_296, %dma_wait3A_297] : memref<10016x16xf32, #tpu.memory_space<vmem_shared>> -> memref<16x16xf32, #tpu.memory_space<vmem_shared>>
        %dma_wait3A_299 = arith.constant 512 : i32
        %dma_wait3A_300 = arith.constant 0 : i32
        %dma_wait3A_301 = tpu.memref_slice %arg10[%dma_wait3A_299, %dma_wait3A_300] : memref<768x16xf32, #tpu.memory_space<vmem>> -> memref<16x16xf32, #tpu.memory_space<vmem>>
        tpu.wait_dma2 semaphore(%run_scoped3A : memref<!tpu.dma_semaphore, #tpu.memory_space<semaphore_mem>>) src(%dma_wait3A_301 : memref<16x16xf32, #tpu.memory_space<vmem>>) dst(%dma_wait3A_298 : memref<16x16xf32, #tpu.memory_space<vmem_shared>>)
        tpu.yield
      }) : () -> ()
      "tpu.region"() ({
        %run_scoped3A = tpu.sem_alloc : memref<!tpu.dma_semaphore, #tpu.memory_space<semaphore_mem>>
        %dma_start3A_278 = arith.constant 512 : i32
        %dma_start3A_279 = arith.constant 0 : i32
        %dma_start3A_280 = tpu.memref_slice %arg13[%dma_start3A_278, %dma_start3A_279] : memref<768x8xf32, #tpu.memory_space<vmem>> -> memref<16x8xf32, #tpu.memory_space<vmem>>
        %dma_start3A_281 = arith.constant 9984 : i32
        %dma_start3A_282 = arith.constant 0 : i32
        %dma_start3A_283 = tpu.memref_slice %arg15[%dma_start3A_281, %dma_start3A_282] : memref<10016x8xf32, #tpu.memory_space<vmem_shared>> -> memref<16x8xf32, #tpu.memory_space<vmem_shared>>
        %dma_start3A_284 = arith.constant 9984 : i32
        %dma_start3A_285 = arith.constant 0 : i32
        %dma_start3A_286 = tpu.memref_slice %arg15[%dma_start3A_284, %dma_start3A_285] : memref<10016x8xf32, #tpu.memory_space<vmem_shared>> -> memref<16x8xf32, #tpu.memory_space<vmem_shared>>
        %dma_start3A_287 = arith.constant 512 : i32
        %dma_start3A_288 = arith.constant 0 : i32
        %dma_start3A_289 = tpu.memref_slice %arg13[%dma_start3A_287, %dma_start3A_288] : memref<768x8xf32, #tpu.memory_space<vmem>> -> memref<16x8xf32, #tpu.memory_space<vmem>>
        tpu.enqueue_dma source(%dma_start3A_289 : memref<16x8xf32, #tpu.memory_space<vmem>>) target(%dma_start3A_286 : memref<16x8xf32, #tpu.memory_space<vmem_shared>>) target_semaphore(%run_scoped3A : memref<!tpu.dma_semaphore, #tpu.memory_space<semaphore_mem>>)
        %dma_wait3A_290 = arith.constant 512 : i32
        %dma_wait3A_291 = arith.constant 0 : i32
        %dma_wait3A_292 = tpu.memref_slice %arg13[%dma_wait3A_290, %dma_wait3A_291] : memref<768x8xf32, #tpu.memory_space<vmem>> -> memref<16x8xf32, #tpu.memory_space<vmem>>
        %dma_wait3A_293 = arith.constant 9984 : i32
        %dma_wait3A_294 = arith.constant 0 : i32
        %dma_wait3A_295 = tpu.memref_slice %arg15[%dma_wait3A_293, %dma_wait3A_294] : memref<10016x8xf32, #tpu.memory_space<vmem_shared>> -> memref<16x8xf32, #tpu.memory_space<vmem_shared>>
        %dma_wait3A_296 = arith.constant 9984 : i32
        %dma_wait3A_297 = arith.constant 0 : i32
        %dma_wait3A_298 = tpu.memref_slice %arg15[%dma_wait3A_296, %dma_wait3A_297] : memref<10016x8xf32, #tpu.memory_space<vmem_shared>> -> memref<16x8xf32, #tpu.memory_space<vmem_shared>>
        %dma_wait3A_299 = arith.constant 512 : i32
        %dma_wait3A_300 = arith.constant 0 : i32
        %dma_wait3A_301 = tpu.memref_slice %arg13[%dma_wait3A_299, %dma_wait3A_300] : memref<768x8xf32, #tpu.memory_space<vmem>> -> memref<16x8xf32, #tpu.memory_space<vmem>>
        tpu.wait_dma2 semaphore(%run_scoped3A : memref<!tpu.dma_semaphore, #tpu.memory_space<semaphore_mem>>) src(%dma_wait3A_301 : memref<16x8xf32, #tpu.memory_space<vmem>>) dst(%dma_wait3A_298 : memref<16x8xf32, #tpu.memory_space<vmem_shared>>)
        tpu.yield
      }) : () -> ()
    } else {
    }
    %barrier3A = arith.constant 0 : index
    tpu.barrier barrier_id(%barrier3A)
    %rem3A = arith.constant 0 : i32
    %rem3A_25 = arith.constant 3 : i32
    %rem3A_26 = arith.remsi %rem3A, %rem3A_25 : i32
    %mul3A_27 = arith.constant 80 : i32
    %mul3A_28 = arith.muli %add3A, %mul3A_27 : i32
    %add3A_29 = arith.constant 0 : i32
    %add3A_30 = arith.addi %mul3A_28, %add3A_29 : i32
    %mul3A_31 = arith.constant 2 : i32
    %mul3A_32 = arith.muli %rem3A_26, %mul3A_31 : i32
    "tpu.region"() ({
      %run_scoped3A = tpu.sem_alloc : memref<!tpu.dma_semaphore, #tpu.memory_space<semaphore_mem>>
      %dma_start3A_278 = arith.constant 0 : i32
      %dma_start3A_279 = tpu.memref_slice %arg8[%mul3A_32, %dma_start3A_278] : memref<6x128xi32, #tpu.memory_space<vmem>> -> memref<2x128xi32, #tpu.memory_space<vmem>>
      %dma_start3A_280 = arith.constant 0 : i32
      %dma_start3A_281 = tpu.memref_slice %arg2[%add3A_30, %dma_start3A_280] : memref<2560x128xi32, #tpu.memory_space<hbm>> -> memref<2x128xi32, #tpu.memory_space<hbm>>
      %dma_start3A_282 = arith.constant 0 : i32
      %dma_start3A_283 = tpu.memref_slice %arg8[%mul3A_32, %dma_start3A_282] : memref<6x128xi32, #tpu.memory_space<vmem>> -> memref<2x128xi32, #tpu.memory_space<vmem>>
      %dma_start3A_284 = arith.constant 0 : i32
      %dma_start3A_285 = tpu.memref_slice %arg2[%add3A_30, %dma_start3A_284] : memref<2560x128xi32, #tpu.memory_space<hbm>> -> memref<2x128xi32, #tpu.memory_space<hbm>>
      tpu.enqueue_dma source(%dma_start3A_285 : memref<2x128xi32, #tpu.memory_space<hbm>>) target(%dma_start3A_283 : memref<2x128xi32, #tpu.memory_space<vmem>>) target_semaphore(%run_scoped3A : memref<!tpu.dma_semaphore, #tpu.memory_space<semaphore_mem>>)
      %dma_wait3A_286 = arith.constant 0 : i32
      %dma_wait3A_287 = tpu.memref_slice %arg8[%mul3A_32, %dma_wait3A_286] : memref<6x128xi32, #tpu.memory_space<vmem>> -> memref<2x128xi32, #tpu.memory_space<vmem>>
      %dma_wait3A_288 = arith.constant 0 : i32
      %dma_wait3A_289 = tpu.memref_slice %arg2[%add3A_30, %dma_wait3A_288] : memref<2560x128xi32, #tpu.memory_space<hbm>> -> memref<2x128xi32, #tpu.memory_space<hbm>>
      %dma_wait3A_290 = arith.constant 0 : i32
      %dma_wait3A_291 = tpu.memref_slice %arg8[%mul3A_32, %dma_wait3A_290] : memref<6x128xi32, #tpu.memory_space<vmem>> -> memref<2x128xi32, #tpu.memory_space<vmem>>
      %dma_wait3A_292 = arith.constant 0 : i32
      %dma_wait3A_293 = tpu.memref_slice %arg2[%add3A_30, %dma_wait3A_292] : memref<2560x128xi32, #tpu.memory_space<hbm>> -> memref<2x128xi32, #tpu.memory_space<hbm>>
      tpu.wait_dma2 semaphore(%run_scoped3A : memref<!tpu.dma_semaphore, #tpu.memory_space<semaphore_mem>>) src(%dma_wait3A_293 : memref<2x128xi32, #tpu.memory_space<hbm>>) dst(%dma_wait3A_291 : memref<2x128xi32, #tpu.memory_space<vmem>>)
      tpu.yield
    }) : () -> ()
    %mul3A_33 = arith.constant 2 : i32
    %mul3A_34 = arith.muli %rem3A_26, %mul3A_33 : i32
    "tpu.region"() ({
      %run_scoped3A = tpu.sem_alloc : memref<!tpu.dma_semaphore, #tpu.memory_space<semaphore_mem>>
      %dma_start3A_278 = arith.constant 0 : i32
      %dma_start3A_279 = tpu.memref_slice %arg9[%mul3A_34, %dma_start3A_278] : memref<6x128xi32, #tpu.memory_space<vmem>> -> memref<2x128xi32, #tpu.memory_space<vmem>>
      %dma_start3A_280 = arith.constant 0 : i32
      %dma_start3A_281 = tpu.memref_slice %arg3[%add3A_30, %dma_start3A_280] : memref<2560x128xi32, #tpu.memory_space<hbm>> -> memref<2x128xi32, #tpu.memory_space<hbm>>
      %dma_start3A_282 = arith.constant 0 : i32
      %dma_start3A_283 = tpu.memref_slice %arg9[%mul3A_34, %dma_start3A_282] : memref<6x128xi32, #tpu.memory_space<vmem>> -> memref<2x128xi32, #tpu.memory_space<vmem>>
      %dma_start3A_284 = arith.constant 0 : i32
      %dma_start3A_285 = tpu.memref_slice %arg3[%add3A_30, %dma_start3A_284] : memref<2560x128xi32, #tpu.memory_space<hbm>> -> memref<2x128xi32, #tpu.memory_space<hbm>>
      tpu.enqueue_dma source(%dma_start3A_285 : memref<2x128xi32, #tpu.memory_space<hbm>>) target(%dma_start3A_283 : memref<2x128xi32, #tpu.memory_space<vmem>>) target_semaphore(%run_scoped3A : memref<!tpu.dma_semaphore, #tpu.memory_space<semaphore_mem>>)
      %dma_wait3A_286 = arith.constant 0 : i32
      %dma_wait3A_287 = tpu.memref_slice %arg9[%mul3A_34, %dma_wait3A_286] : memref<6x128xi32, #tpu.memory_space<vmem>> -> memref<2x128xi32, #tpu.memory_space<vmem>>
      %dma_wait3A_288 = arith.constant 0 : i32
      %dma_wait3A_289 = tpu.memref_slice %arg3[%add3A_30, %dma_wait3A_288] : memref<2560x128xi32, #tpu.memory_space<hbm>> -> memref<2x128xi32, #tpu.memory_space<hbm>>
      %dma_wait3A_290 = arith.constant 0 : i32
      %dma_wait3A_291 = tpu.memref_slice %arg9[%mul3A_34, %dma_wait3A_290] : memref<6x128xi32, #tpu.memory_space<vmem>> -> memref<2x128xi32, #tpu.memory_space<vmem>>
      %dma_wait3A_292 = arith.constant 0 : i32
      %dma_wait3A_293 = tpu.memref_slice %arg3[%add3A_30, %dma_wait3A_292] : memref<2560x128xi32, #tpu.memory_space<hbm>> -> memref<2x128xi32, #tpu.memory_space<hbm>>
      tpu.wait_dma2 semaphore(%run_scoped3A : memref<!tpu.dma_semaphore, #tpu.memory_space<semaphore_mem>>) src(%dma_wait3A_293 : memref<2x128xi32, #tpu.memory_space<hbm>>) dst(%dma_wait3A_291 : memref<2x128xi32, #tpu.memory_space<vmem>>)
      tpu.yield
    }) : () -> ()
    %rem3A_35 = arith.constant 0 : i32
    %rem3A_36 = arith.constant 3 : i32
    %rem3A_37 = arith.remsi %rem3A_35, %rem3A_36 : i32
    %mul3A_38 = arith.constant 2 : i32
    %mul3A_39 = arith.muli %rem3A_37, %mul3A_38 : i32
    %add3A_40 = arith.constant 0 : i32
    %add3A_41 = arith.addi %mul3A_39, %add3A_40 : i32
    %mul3A_42 = arith.constant 256 : i32
    %mul3A_43 = arith.muli %rem3A_37, %mul3A_42 : i32
    %add3A_44 = arith.constant 0 : i32
    %add3A_45 = arith.addi %mul3A_43, %add3A_44 : i32
    %mul3A_46 = arith.constant 2 : i32
    %mul3A_47 = arith.muli %rem3A_37, %mul3A_46 : i32
    %add3A_48 = arith.constant 0 : i32
    %add3A_49 = arith.addi %mul3A_47, %add3A_48 : i32
    %mul3A_50 = arith.constant 256 : i32
    %mul3A_51 = arith.muli %rem3A_37, %mul3A_50 : i32
    %add3A_52 = arith.constant 0 : i32
    %add3A_53 = arith.addi %mul3A_51, %add3A_52 : i32
    %mul3A_54 = arith.constant 2 : i32
    %mul3A_55 = arith.muli %rem3A_37, %mul3A_54 : i32
    %add3A_56 = arith.constant 0 : i32
    %add3A_57 = arith.addi %mul3A_55, %add3A_56 : i32
    %mul3A_58 = arith.constant 256 : i32
    %mul3A_59 = arith.muli %rem3A_37, %mul3A_58 : i32
    %add3A_60 = arith.constant 0 : i32
    %add3A_61 = arith.addi %mul3A_59, %add3A_60 : i32
    %mul3A_62 = arith.constant 2 : i32
    %mul3A_63 = arith.muli %rem3A_37, %mul3A_62 : i32
    %add3A_64 = arith.constant 1 : i32
    %add3A_65 = arith.addi %mul3A_63, %add3A_64 : i32
    %mul3A_66 = arith.constant 256 : i32
    %mul3A_67 = arith.muli %rem3A_37, %mul3A_66 : i32
    %add3A_68 = arith.constant 128 : i32
    %add3A_69 = arith.addi %mul3A_67, %add3A_68 : i32
    %mul3A_70 = arith.constant 2 : i32
    %mul3A_71 = arith.muli %rem3A_37, %mul3A_70 : i32
    %add3A_72 = arith.constant 1 : i32
    %add3A_73 = arith.addi %mul3A_71, %add3A_72 : i32
    %mul3A_74 = arith.constant 256 : i32
    %mul3A_75 = arith.muli %rem3A_37, %mul3A_74 : i32
    %add3A_76 = arith.constant 128 : i32
    %add3A_77 = arith.addi %mul3A_75, %add3A_76 : i32
    %mul3A_78 = arith.constant 2 : i32
    %mul3A_79 = arith.muli %rem3A_37, %mul3A_78 : i32
    %add3A_80 = arith.constant 1 : i32
    %add3A_81 = arith.addi %mul3A_79, %add3A_80 : i32
    %mul3A_82 = arith.constant 256 : i32
    %mul3A_83 = arith.muli %rem3A_37, %mul3A_82 : i32
    %add3A_84 = arith.constant 128 : i32
    %add3A_85 = arith.addi %mul3A_83, %add3A_84 : i32
    %dma_start3A = arith.constant 0 : i32
    %dma_start3A_86 = tpu.memref_slice %arg10[%add3A_45, %dma_start3A] : memref<768x16xf32, #tpu.memory_space<vmem>> -> memref<128x16xf32, #tpu.memory_space<vmem>>
    %dma_start3A_87 = arith.constant 0 : i32
    %dma_start3A_88 = tpu.memref_slice %arg8[%add3A_41, %dma_start3A_87] : memref<6x128xi32, #tpu.memory_space<vmem>> -> memref<1x128xi32, #tpu.memory_space<vmem>>
    %dma_start3A_89 = tpu.memref_squeeze %dma_start3A_88 : memref<1x128xi32, #tpu.memory_space<vmem>> -> memref<128xi32, #tpu.memory_space<vmem>>
    %dma_start3A_90 = arith.constant 0 : i32
    %dma_start3A_91 = arith.constant 0 : i32
    %dma_start3A_92 = tpu.memref_slice %arg4[%dma_start3A_90, %dma_start3A_91] : memref<10000x16xf32, #tpu.memory_space<hbm>> -> memref<10000x16xf32, #tpu.memory_space<hbm>>
    tpu.enqueue_indirect_dma source(%dma_start3A_92 : memref<10000x16xf32, #tpu.memory_space<hbm>>) target(%dma_start3A_86 : memref<128x16xf32, #tpu.memory_space<vmem>>) offsets(%dma_start3A_89 : memref<128xi32, #tpu.memory_space<vmem>>) semaphore(%arg16 : memref<!tpu.dma_semaphore, #tpu.memory_space<semaphore_mem>>)
    %dma_start3A_93 = arith.constant 0 : i32
    %dma_start3A_94 = tpu.memref_slice %arg11[%add3A_53, %dma_start3A_93] : memref<768x8xf32, #tpu.memory_space<vmem>> -> memref<128x8xf32, #tpu.memory_space<vmem>>
    %dma_start3A_95 = arith.constant 0 : i32
    %dma_start3A_96 = tpu.memref_slice %arg8[%add3A_49, %dma_start3A_95] : memref<6x128xi32, #tpu.memory_space<vmem>> -> memref<1x128xi32, #tpu.memory_space<vmem>>
    %dma_start3A_97 = tpu.memref_squeeze %dma_start3A_96 : memref<1x128xi32, #tpu.memory_space<vmem>> -> memref<128xi32, #tpu.memory_space<vmem>>
    %dma_start3A_98 = arith.constant 0 : i32
    %dma_start3A_99 = arith.constant 0 : i32
    %dma_start3A_100 = tpu.memref_slice %arg5[%dma_start3A_98, %dma_start3A_99] : memref<10016x8xf32, #tpu.memory_space<hbm>> -> memref<10016x8xf32, #tpu.memory_space<hbm>>
    tpu.enqueue_indirect_dma source(%dma_start3A_100 : memref<10016x8xf32, #tpu.memory_space<hbm>>) target(%dma_start3A_94 : memref<128x8xf32, #tpu.memory_space<vmem>>) offsets(%dma_start3A_97 : memref<128xi32, #tpu.memory_space<vmem>>) semaphore(%arg17 : memref<!tpu.dma_semaphore, #tpu.memory_space<semaphore_mem>>)
    %dma_start3A_101 = arith.constant 0 : i32
    %dma_start3A_102 = tpu.memref_slice %arg12[%add3A_61, %dma_start3A_101] : memref<768x8xf32, #tpu.memory_space<vmem>> -> memref<128x8xf32, #tpu.memory_space<vmem>>
    %dma_start3A_103 = arith.constant 0 : i32
    %dma_start3A_104 = tpu.memref_slice %arg9[%add3A_57, %dma_start3A_103] : memref<6x128xi32, #tpu.memory_space<vmem>> -> memref<1x128xi32, #tpu.memory_space<vmem>>
    %dma_start3A_105 = tpu.memref_squeeze %dma_start3A_104 : memref<1x128xi32, #tpu.memory_space<vmem>> -> memref<128xi32, #tpu.memory_space<vmem>>
    %dma_start3A_106 = arith.constant 0 : i32
    %dma_start3A_107 = arith.constant 0 : i32
    %dma_start3A_108 = tpu.memref_slice %arg5[%dma_start3A_106, %dma_start3A_107] : memref<10016x8xf32, #tpu.memory_space<hbm>> -> memref<10016x8xf32, #tpu.memory_space<hbm>>
    tpu.enqueue_indirect_dma source(%dma_start3A_108 : memref<10016x8xf32, #tpu.memory_space<hbm>>) target(%dma_start3A_102 : memref<128x8xf32, #tpu.memory_space<vmem>>) offsets(%dma_start3A_105 : memref<128xi32, #tpu.memory_space<vmem>>) semaphore(%arg17 : memref<!tpu.dma_semaphore, #tpu.memory_space<semaphore_mem>>)
    %dma_start3A_109 = arith.constant 0 : i32
    %dma_start3A_110 = tpu.memref_slice %arg10[%add3A_69, %dma_start3A_109] : memref<768x16xf32, #tpu.memory_space<vmem>> -> memref<128x16xf32, #tpu.memory_space<vmem>>
    %dma_start3A_111 = arith.constant 0 : i32
    %dma_start3A_112 = tpu.memref_slice %arg8[%add3A_65, %dma_start3A_111] : memref<6x128xi32, #tpu.memory_space<vmem>> -> memref<1x128xi32, #tpu.memory_space<vmem>>
    %dma_start3A_113 = tpu.memref_squeeze %dma_start3A_112 : memref<1x128xi32, #tpu.memory_space<vmem>> -> memref<128xi32, #tpu.memory_space<vmem>>
    %dma_start3A_114 = arith.constant 0 : i32
    %dma_start3A_115 = arith.constant 0 : i32
    %dma_start3A_116 = tpu.memref_slice %arg4[%dma_start3A_114, %dma_start3A_115] : memref<10000x16xf32, #tpu.memory_space<hbm>> -> memref<10000x16xf32, #tpu.memory_space<hbm>>
    tpu.enqueue_indirect_dma source(%dma_start3A_116 : memref<10000x16xf32, #tpu.memory_space<hbm>>) target(%dma_start3A_110 : memref<128x16xf32, #tpu.memory_space<vmem>>) offsets(%dma_start3A_113 : memref<128xi32, #tpu.memory_space<vmem>>) semaphore(%arg16 : memref<!tpu.dma_semaphore, #tpu.memory_space<semaphore_mem>>)
    %dma_start3A_117 = arith.constant 0 : i32
    %dma_start3A_118 = tpu.memref_slice %arg11[%add3A_77, %dma_start3A_117] : memref<768x8xf32, #tpu.memory_space<vmem>> -> memref<128x8xf32, #tpu.memory_space<vmem>>
    %dma_start3A_119 = arith.constant 0 : i32
    %dma_start3A_120 = tpu.memref_slice %arg8[%add3A_73, %dma_start3A_119] : memref<6x128xi32, #tpu.memory_space<vmem>> -> memref<1x128xi32, #tpu.memory_space<vmem>>
    %dma_start3A_121 = tpu.memref_squeeze %dma_start3A_120 : memref<1x128xi32, #tpu.memory_space<vmem>> -> memref<128xi32, #tpu.memory_space<vmem>>
    %dma_start3A_122 = arith.constant 0 : i32
    %dma_start3A_123 = arith.constant 0 : i32
    %dma_start3A_124 = tpu.memref_slice %arg5[%dma_start3A_122, %dma_start3A_123] : memref<10016x8xf32, #tpu.memory_space<hbm>> -> memref<10016x8xf32, #tpu.memory_space<hbm>>
    tpu.enqueue_indirect_dma source(%dma_start3A_124 : memref<10016x8xf32, #tpu.memory_space<hbm>>) target(%dma_start3A_118 : memref<128x8xf32, #tpu.memory_space<vmem>>) offsets(%dma_start3A_121 : memref<128xi32, #tpu.memory_space<vmem>>) semaphore(%arg17 : memref<!tpu.dma_semaphore, #tpu.memory_space<semaphore_mem>>)
    %dma_start3A_125 = arith.constant 0 : i32
    %dma_start3A_126 = tpu.memref_slice %arg12[%add3A_85, %dma_start3A_125] : memref<768x8xf32, #tpu.memory_space<vmem>> -> memref<128x8xf32, #tpu.memory_space<vmem>>
    %dma_start3A_127 = arith.constant 0 : i32
    %dma_start3A_128 = tpu.memref_slice %arg9[%add3A_81, %dma_start3A_127] : memref<6x128xi32, #tpu.memory_space<vmem>> -> memref<1x128xi32, #tpu.memory_space<vmem>>
    %dma_start3A_129 = tpu.memref_squeeze %dma_start3A_128 : memref<1x128xi32, #tpu.memory_space<vmem>> -> memref<128xi32, #tpu.memory_space<vmem>>
    %dma_start3A_130 = arith.constant 0 : i32
    %dma_start3A_131 = arith.constant 0 : i32
    %dma_start3A_132 = tpu.memref_slice %arg5[%dma_start3A_130, %dma_start3A_131] : memref<10016x8xf32, #tpu.memory_space<hbm>> -> memref<10016x8xf32, #tpu.memory_space<hbm>>
    tpu.enqueue_indirect_dma source(%dma_start3A_132 : memref<10016x8xf32, #tpu.memory_space<hbm>>) target(%dma_start3A_126 : memref<128x8xf32, #tpu.memory_space<vmem>>) offsets(%dma_start3A_129 : memref<128xi32, #tpu.memory_space<vmem>>) semaphore(%arg17 : memref<!tpu.dma_semaphore, #tpu.memory_space<semaphore_mem>>)
    %scan3A = arith.constant 0 : i32
    %scan3A_133 = arith.constant 0 : i32
    %scan3A_134 = arith.constant 40 : i32
    %scan3A_135 = arith.addi %scan3A_133, %scan3A_134 : i32
    %scan3A_136 = arith.constant 1 : i32
    %scan3A_137 = scf.for %scan3A_278 = %scan3A_133 to %scan3A_135 step %scan3A_136 iter_args(%scan3A_279 = %scan3A) -> (i32)  : i32 {
      %ge3A = arith.constant 2 : i32
      %ge3A_280 = arith.cmpi sge, %scan3A_278, %ge3A : i32
      %convert_element_type3A_281 = arith.extui %ge3A_280 : i1 to i32
      %cond3A_282 = arith.constant 0 : i32
      %cond3A_283 = arith.cmpi ne, %convert_element_type3A_281, %cond3A_282 : i32
      scf.if %cond3A_283 {
        %sub3A = arith.constant 2 : i32
        %sub3A_467 = arith.subi %scan3A_278, %sub3A : i32
        %rem3A_468 = arith.constant 3 : i32
        %rem3A_469 = arith.remsi %sub3A_467, %rem3A_468 : i32
        %mul3A_470 = arith.constant 256 : i32
        %mul3A_471 = arith.muli %rem3A_469, %mul3A_470 : i32
        %add3A_472 = arith.constant 0 : i32
        %add3A_473 = arith.addi %mul3A_471, %add3A_472 : i32
        %mul3A_474 = arith.constant 2 : i32
        %mul3A_475 = arith.muli %rem3A_469, %mul3A_474 : i32
        %add3A_476 = arith.constant 0 : i32
        %add3A_477 = arith.addi %mul3A_475, %add3A_476 : i32
        %mul3A_478 = arith.constant 256 : i32
        %mul3A_479 = arith.muli %rem3A_469, %mul3A_478 : i32
        %add3A_480 = arith.constant 0 : i32
        %add3A_481 = arith.addi %mul3A_479, %add3A_480 : i32
        %mul3A_482 = arith.constant 2 : i32
        %mul3A_483 = arith.muli %rem3A_469, %mul3A_482 : i32
        %add3A_484 = arith.constant 0 : i32
        %add3A_485 = arith.addi %mul3A_483, %add3A_484 : i32
        %mul3A_486 = arith.constant 256 : i32
        %mul3A_487 = arith.muli %rem3A_469, %mul3A_486 : i32
        %add3A_488 = arith.constant 128 : i32
        %add3A_489 = arith.addi %mul3A_487, %add3A_488 : i32
        %mul3A_490 = arith.constant 2 : i32
        %mul3A_491 = arith.muli %rem3A_469, %mul3A_490 : i32
        %add3A_492 = arith.constant 1 : i32
        %add3A_493 = arith.addi %mul3A_491, %add3A_492 : i32
        %mul3A_494 = arith.constant 256 : i32
        %mul3A_495 = arith.muli %rem3A_469, %mul3A_494 : i32
        %add3A_496 = arith.constant 128 : i32
        %add3A_497 = arith.addi %mul3A_495, %add3A_496 : i32
        %mul3A_498 = arith.constant 2 : i32
        %mul3A_499 = arith.muli %rem3A_469, %mul3A_498 : i32
        %add3A_500 = arith.constant 1 : i32
        %add3A_501 = arith.addi %mul3A_499, %add3A_500 : i32
        %dma_wait3A_502 = arith.constant 0 : i32
        %dma_wait3A_503 = tpu.memref_slice %arg10[%add3A_473, %dma_wait3A_502] : memref<768x16xf32, #tpu.memory_space<vmem>> -> memref<128x16xf32, #tpu.memory_space<vmem>>
        %dma_wait3A_504 = arith.constant 0 : i32
        %dma_wait3A_505 = tpu.memref_slice %arg9[%add3A_477, %dma_wait3A_504] : memref<6x128xi32, #tpu.memory_space<vmem>> -> memref<1x128xi32, #tpu.memory_space<vmem>>
        %dma_wait3A_506 = tpu.memref_squeeze %dma_wait3A_505 : memref<1x128xi32, #tpu.memory_space<vmem>> -> memref<128xi32, #tpu.memory_space<vmem>>
        %dma_wait3A_507 = arith.constant 0 : i32
        %dma_wait3A_508 = arith.constant 0 : i32
        %dma_wait3A_509 = tpu.memref_slice %arg14[%dma_wait3A_507, %dma_wait3A_508] : memref<10016x16xf32, #tpu.memory_space<vmem_shared>> -> memref<10016x16xf32, #tpu.memory_space<vmem_shared>>
        tpu.wait_indirect_dma semaphore(%arg18 : memref<!tpu.dma_semaphore, #tpu.memory_space<semaphore_mem>>) src(%dma_wait3A_503 : memref<128x16xf32, #tpu.memory_space<vmem>>) dst(%dma_wait3A_509 : memref<10016x16xf32, #tpu.memory_space<vmem_shared>>)
        %dma_wait3A_510 = arith.constant 0 : i32
        %dma_wait3A_511 = tpu.memref_slice %arg13[%add3A_481, %dma_wait3A_510] : memref<768x8xf32, #tpu.memory_space<vmem>> -> memref<128x8xf32, #tpu.memory_space<vmem>>
        %dma_wait3A_512 = arith.constant 0 : i32
        %dma_wait3A_513 = tpu.memref_slice %arg9[%add3A_485, %dma_wait3A_512] : memref<6x128xi32, #tpu.memory_space<vmem>> -> memref<1x128xi32, #tpu.memory_space<vmem>>
        %dma_wait3A_514 = tpu.memref_squeeze %dma_wait3A_513 : memref<1x128xi32, #tpu.memory_space<vmem>> -> memref<128xi32, #tpu.memory_space<vmem>>
        %dma_wait3A_515 = arith.constant 0 : i32
        %dma_wait3A_516 = arith.constant 0 : i32
        %dma_wait3A_517 = tpu.memref_slice %arg15[%dma_wait3A_515, %dma_wait3A_516] : memref<10016x8xf32, #tpu.memory_space<vmem_shared>> -> memref<10016x8xf32, #tpu.memory_space<vmem_shared>>
        tpu.wait_indirect_dma semaphore(%arg18 : memref<!tpu.dma_semaphore, #tpu.memory_space<semaphore_mem>>) src(%dma_wait3A_511 : memref<128x8xf32, #tpu.memory_space<vmem>>) dst(%dma_wait3A_517 : memref<10016x8xf32, #tpu.memory_space<vmem_shared>>)
        %dma_wait3A_518 = arith.constant 0 : i32
        %dma_wait3A_519 = tpu.memref_slice %arg10[%add3A_489, %dma_wait3A_518] : memref<768x16xf32, #tpu.memory_space<vmem>> -> memref<128x16xf32, #tpu.memory_space<vmem>>
        %dma_wait3A_520 = arith.constant 0 : i32
        %dma_wait3A_521 = tpu.memref_slice %arg9[%add3A_493, %dma_wait3A_520] : memref<6x128xi32, #tpu.memory_space<vmem>> -> memref<1x128xi32, #tpu.memory_space<vmem>>
        %dma_wait3A_522 = tpu.memref_squeeze %dma_wait3A_521 : memref<1x128xi32, #tpu.memory_space<vmem>> -> memref<128xi32, #tpu.memory_space<vmem>>
        %dma_wait3A_523 = arith.constant 0 : i32
        %dma_wait3A_524 = arith.constant 0 : i32
        %dma_wait3A_525 = tpu.memref_slice %arg14[%dma_wait3A_523, %dma_wait3A_524] : memref<10016x16xf32, #tpu.memory_space<vmem_shared>> -> memref<10016x16xf32, #tpu.memory_space<vmem_shared>>
        tpu.wait_indirect_dma semaphore(%arg18 : memref<!tpu.dma_semaphore, #tpu.memory_space<semaphore_mem>>) src(%dma_wait3A_519 : memref<128x16xf32, #tpu.memory_space<vmem>>) dst(%dma_wait3A_525 : memref<10016x16xf32, #tpu.memory_space<vmem_shared>>)
        %dma_wait3A_526 = arith.constant 0 : i32
        %dma_wait3A_527 = tpu.memref_slice %arg13[%add3A_497, %dma_wait3A_526] : memref<768x8xf32, #tpu.memory_space<vmem>> -> memref<128x8xf32, #tpu.memory_space<vmem>>
        %dma_wait3A_528 = arith.constant 0 : i32
        %dma_wait3A_529 = tpu.memref_slice %arg9[%add3A_501, %dma_wait3A_528] : memref<6x128xi32, #tpu.memory_space<vmem>> -> memref<1x128xi32, #tpu.memory_space<vmem>>
        %dma_wait3A_530 = tpu.memref_squeeze %dma_wait3A_529 : memref<1x128xi32, #tpu.memory_space<vmem>> -> memref<128xi32, #tpu.memory_space<vmem>>
        %dma_wait3A_531 = arith.constant 0 : i32
        %dma_wait3A_532 = arith.constant 0 : i32
        %dma_wait3A_533 = tpu.memref_slice %arg15[%dma_wait3A_531, %dma_wait3A_532] : memref<10016x8xf32, #tpu.memory_space<vmem_shared>> -> memref<10016x8xf32, #tpu.memory_space<vmem_shared>>
        tpu.wait_indirect_dma semaphore(%arg18 : memref<!tpu.dma_semaphore, #tpu.memory_space<semaphore_mem>>) src(%dma_wait3A_527 : memref<128x8xf32, #tpu.memory_space<vmem>>) dst(%dma_wait3A_533 : memref<10016x8xf32, #tpu.memory_space<vmem_shared>>)
      } else {
      }
      %add3A_284 = arith.constant 1 : i32
      %add3A_285 = arith.addi %scan3A_278, %add3A_284 : i32
      %lt3A = arith.constant 40 : i32
      %lt3A_286 = arith.cmpi slt, %add3A_285, %lt3A : i32
      %convert_element_type3A_287 = arith.extui %lt3A_286 : i1 to i32
      %cond3A_288 = arith.constant 0 : i32
      %cond3A_289 = arith.cmpi ne, %convert_element_type3A_287, %cond3A_288 : i32
      scf.if %cond3A_289 {
        %add3A_467 = arith.constant 1 : i32
        %add3A_468 = arith.addi %scan3A_278, %add3A_467 : i32
        %rem3A_469 = arith.constant 3 : i32
        %rem3A_470 = arith.remsi %add3A_468, %rem3A_469 : i32
        %mul3A_471 = arith.constant 80 : i32
        %mul3A_472 = arith.muli %add3A, %mul3A_471 : i32
        %mul3A_473 = arith.constant 2 : i32
        %mul3A_474 = arith.muli %add3A_468, %mul3A_473 : i32
        %add3A_475 = arith.addi %mul3A_472, %mul3A_474 : i32
        %mul3A_476 = arith.constant 2 : i32
        %mul3A_477 = arith.muli %rem3A_470, %mul3A_476 : i32
        "tpu.region"() ({
          %run_scoped3A = tpu.sem_alloc : memref<!tpu.dma_semaphore, #tpu.memory_space<semaphore_mem>>
          %dma_start3A_578 = arith.constant 0 : i32
          %dma_start3A_579 = tpu.memref_slice %arg8[%mul3A_477, %dma_start3A_578] : memref<6x128xi32, #tpu.memory_space<vmem>> -> memref<2x128xi32, #tpu.memory_space<vmem>>
          %dma_start3A_580 = arith.constant 0 : i32
          %dma_start3A_581 = tpu.memref_slice %arg2[%add3A_475, %dma_start3A_580] : memref<2560x128xi32, #tpu.memory_space<hbm>> -> memref<2x128xi32, #tpu.memory_space<hbm>>
          %dma_start3A_582 = arith.constant 0 : i32
          %dma_start3A_583 = tpu.memref_slice %arg8[%mul3A_477, %dma_start3A_582] : memref<6x128xi32, #tpu.memory_space<vmem>> -> memref<2x128xi32, #tpu.memory_space<vmem>>
          %dma_start3A_584 = arith.constant 0 : i32
          %dma_start3A_585 = tpu.memref_slice %arg2[%add3A_475, %dma_start3A_584] : memref<2560x128xi32, #tpu.memory_space<hbm>> -> memref<2x128xi32, #tpu.memory_space<hbm>>
          tpu.enqueue_dma source(%dma_start3A_585 : memref<2x128xi32, #tpu.memory_space<hbm>>) target(%dma_start3A_583 : memref<2x128xi32, #tpu.memory_space<vmem>>) target_semaphore(%run_scoped3A : memref<!tpu.dma_semaphore, #tpu.memory_space<semaphore_mem>>)
          %dma_wait3A_586 = arith.constant 0 : i32
          %dma_wait3A_587 = tpu.memref_slice %arg8[%mul3A_477, %dma_wait3A_586] : memref<6x128xi32, #tpu.memory_space<vmem>> -> memref<2x128xi32, #tpu.memory_space<vmem>>
          %dma_wait3A_588 = arith.constant 0 : i32
          %dma_wait3A_589 = tpu.memref_slice %arg2[%add3A_475, %dma_wait3A_588] : memref<2560x128xi32, #tpu.memory_space<hbm>> -> memref<2x128xi32, #tpu.memory_space<hbm>>
          %dma_wait3A_590 = arith.constant 0 : i32
          %dma_wait3A_591 = tpu.memref_slice %arg8[%mul3A_477, %dma_wait3A_590] : memref<6x128xi32, #tpu.memory_space<vmem>> -> memref<2x128xi32, #tpu.memory_space<vmem>>
          %dma_wait3A_592 = arith.constant 0 : i32
          %dma_wait3A_593 = tpu.memref_slice %arg2[%add3A_475, %dma_wait3A_592] : memref<2560x128xi32, #tpu.memory_space<hbm>> -> memref<2x128xi32, #tpu.memory_space<hbm>>
          tpu.wait_dma2 semaphore(%run_scoped3A : memref<!tpu.dma_semaphore, #tpu.memory_space<semaphore_mem>>) src(%dma_wait3A_593 : memref<2x128xi32, #tpu.memory_space<hbm>>) dst(%dma_wait3A_591 : memref<2x128xi32, #tpu.memory_space<vmem>>)
          tpu.yield
        }) : () -> ()
        %mul3A_478 = arith.constant 2 : i32
        %mul3A_479 = arith.muli %rem3A_470, %mul3A_478 : i32
        "tpu.region"() ({
          %run_scoped3A = tpu.sem_alloc : memref<!tpu.dma_semaphore, #tpu.memory_space<semaphore_mem>>
          %dma_start3A_578 = arith.constant 0 : i32
          %dma_start3A_579 = tpu.memref_slice %arg9[%mul3A_479, %dma_start3A_578] : memref<6x128xi32, #tpu.memory_space<vmem>> -> memref<2x128xi32, #tpu.memory_space<vmem>>
          %dma_start3A_580 = arith.constant 0 : i32
          %dma_start3A_581 = tpu.memref_slice %arg3[%add3A_475, %dma_start3A_580] : memref<2560x128xi32, #tpu.memory_space<hbm>> -> memref<2x128xi32, #tpu.memory_space<hbm>>
          %dma_start3A_582 = arith.constant 0 : i32
          %dma_start3A_583 = tpu.memref_slice %arg9[%mul3A_479, %dma_start3A_582] : memref<6x128xi32, #tpu.memory_space<vmem>> -> memref<2x128xi32, #tpu.memory_space<vmem>>
          %dma_start3A_584 = arith.constant 0 : i32
          %dma_start3A_585 = tpu.memref_slice %arg3[%add3A_475, %dma_start3A_584] : memref<2560x128xi32, #tpu.memory_space<hbm>> -> memref<2x128xi32, #tpu.memory_space<hbm>>
          tpu.enqueue_dma source(%dma_start3A_585 : memref<2x128xi32, #tpu.memory_space<hbm>>) target(%dma_start3A_583 : memref<2x128xi32, #tpu.memory_space<vmem>>) target_semaphore(%run_scoped3A : memref<!tpu.dma_semaphore, #tpu.memory_space<semaphore_mem>>)
          %dma_wait3A_586 = arith.constant 0 : i32
          %dma_wait3A_587 = tpu.memref_slice %arg9[%mul3A_479, %dma_wait3A_586] : memref<6x128xi32, #tpu.memory_space<vmem>> -> memref<2x128xi32, #tpu.memory_space<vmem>>
          %dma_wait3A_588 = arith.constant 0 : i32
          %dma_wait3A_589 = tpu.memref_slice %arg3[%add3A_475, %dma_wait3A_588] : memref<2560x128xi32, #tpu.memory_space<hbm>> -> memref<2x128xi32, #tpu.memory_space<hbm>>
          %dma_wait3A_590 = arith.constant 0 : i32
          %dma_wait3A_591 = tpu.memref_slice %arg9[%mul3A_479, %dma_wait3A_590] : memref<6x128xi32, #tpu.memory_space<vmem>> -> memref<2x128xi32, #tpu.memory_space<vmem>>
          %dma_wait3A_592 = arith.constant 0 : i32
          %dma_wait3A_593 = tpu.memref_slice %arg3[%add3A_475, %dma_wait3A_592] : memref<2560x128xi32, #tpu.memory_space<hbm>> -> memref<2x128xi32, #tpu.memory_space<hbm>>
          tpu.wait_dma2 semaphore(%run_scoped3A : memref<!tpu.dma_semaphore, #tpu.memory_space<semaphore_mem>>) src(%dma_wait3A_593 : memref<2x128xi32, #tpu.memory_space<hbm>>) dst(%dma_wait3A_591 : memref<2x128xi32, #tpu.memory_space<vmem>>)
          tpu.yield
        }) : () -> ()
        %rem3A_480 = arith.constant 3 : i32
        %rem3A_481 = arith.remsi %add3A_468, %rem3A_480 : i32
        %mul3A_482 = arith.constant 2 : i32
        %mul3A_483 = arith.muli %rem3A_481, %mul3A_482 : i32
        %add3A_484 = arith.constant 0 : i32
        %add3A_485 = arith.addi %mul3A_483, %add3A_484 : i32
        %mul3A_486 = arith.constant 256 : i32
        %mul3A_487 = arith.muli %rem3A_481, %mul3A_486 : i32
        %add3A_488 = arith.constant 0 : i32
        %add3A_489 = arith.addi %mul3A_487, %add3A_488 : i32
        %mul3A_490 = arith.constant 2 : i32
        %mul3A_491 = arith.muli %rem3A_481, %mul3A_490 : i32
        %add3A_492 = arith.constant 0 : i32
        %add3A_493 = arith.addi %mul3A_491, %add3A_492 : i32
        %mul3A_494 = arith.constant 256 : i32
        %mul3A_495 = arith.muli %rem3A_481, %mul3A_494 : i32
        %add3A_496 = arith.constant 0 : i32
        %add3A_497 = arith.addi %mul3A_495, %add3A_496 : i32
        %mul3A_498 = arith.constant 2 : i32
        %mul3A_499 = arith.muli %rem3A_481, %mul3A_498 : i32
        %add3A_500 = arith.constant 0 : i32
        %add3A_501 = arith.addi %mul3A_499, %add3A_500 : i32
        %mul3A_502 = arith.constant 256 : i32
        %mul3A_503 = arith.muli %rem3A_481, %mul3A_502 : i32
        %add3A_504 = arith.constant 0 : i32
        %add3A_505 = arith.addi %mul3A_503, %add3A_504 : i32
        %mul3A_506 = arith.constant 2 : i32
        %mul3A_507 = arith.muli %rem3A_481, %mul3A_506 : i32
        %add3A_508 = arith.constant 1 : i32
        %add3A_509 = arith.addi %mul3A_507, %add3A_508 : i32
        %mul3A_510 = arith.constant 256 : i32
        %mul3A_511 = arith.muli %rem3A_481, %mul3A_510 : i32
        %add3A_512 = arith.constant 128 : i32
        %add3A_513 = arith.addi %mul3A_511, %add3A_512 : i32
        %mul3A_514 = arith.constant 2 : i32
        %mul3A_515 = arith.muli %rem3A_481, %mul3A_514 : i32
        %add3A_516 = arith.constant 1 : i32
        %add3A_517 = arith.addi %mul3A_515, %add3A_516 : i32
        %mul3A_518 = arith.constant 256 : i32
        %mul3A_519 = arith.muli %rem3A_481, %mul3A_518 : i32
        %add3A_520 = arith.constant 128 : i32
        %add3A_521 = arith.addi %mul3A_519, %add3A_520 : i32
        %mul3A_522 = arith.constant 2 : i32
        %mul3A_523 = arith.muli %rem3A_481, %mul3A_522 : i32
        %add3A_524 = arith.constant 1 : i32
        %add3A_525 = arith.addi %mul3A_523, %add3A_524 : i32
        %mul3A_526 = arith.constant 256 : i32
        %mul3A_527 = arith.muli %rem3A_481, %mul3A_526 : i32
        %add3A_528 = arith.constant 128 : i32
        %add3A_529 = arith.addi %mul3A_527, %add3A_528 : i32
        %dma_start3A_530 = arith.constant 0 : i32
        %dma_start3A_531 = tpu.memref_slice %arg10[%add3A_489, %dma_start3A_530] : memref<768x16xf32, #tpu.memory_space<vmem>> -> memref<128x16xf32, #tpu.memory_space<vmem>>
        %dma_start3A_532 = arith.constant 0 : i32
        %dma_start3A_533 = tpu.memref_slice %arg8[%add3A_485, %dma_start3A_532] : memref<6x128xi32, #tpu.memory_space<vmem>> -> memref<1x128xi32, #tpu.memory_space<vmem>>
        %dma_start3A_534 = tpu.memref_squeeze %dma_start3A_533 : memref<1x128xi32, #tpu.memory_space<vmem>> -> memref<128xi32, #tpu.memory_space<vmem>>
        %dma_start3A_535 = arith.constant 0 : i32
        %dma_start3A_536 = arith.constant 0 : i32
        %dma_start3A_537 = tpu.memref_slice %arg4[%dma_start3A_535, %dma_start3A_536] : memref<10000x16xf32, #tpu.memory_space<hbm>> -> memref<10000x16xf32, #tpu.memory_space<hbm>>
        tpu.enqueue_indirect_dma source(%dma_start3A_537 : memref<10000x16xf32, #tpu.memory_space<hbm>>) target(%dma_start3A_531 : memref<128x16xf32, #tpu.memory_space<vmem>>) offsets(%dma_start3A_534 : memref<128xi32, #tpu.memory_space<vmem>>) semaphore(%arg16 : memref<!tpu.dma_semaphore, #tpu.memory_space<semaphore_mem>>)
        %dma_start3A_538 = arith.constant 0 : i32
        %dma_start3A_539 = tpu.memref_slice %arg11[%add3A_497, %dma_start3A_538] : memref<768x8xf32, #tpu.memory_space<vmem>> -> memref<128x8xf32, #tpu.memory_space<vmem>>
        %dma_start3A_540 = arith.constant 0 : i32
        %dma_start3A_541 = tpu.memref_slice %arg8[%add3A_493, %dma_start3A_540] : memref<6x128xi32, #tpu.memory_space<vmem>> -> memref<1x128xi32, #tpu.memory_space<vmem>>
        %dma_start3A_542 = tpu.memref_squeeze %dma_start3A_541 : memref<1x128xi32, #tpu.memory_space<vmem>> -> memref<128xi32, #tpu.memory_space<vmem>>
        %dma_start3A_543 = arith.constant 0 : i32
        %dma_start3A_544 = arith.constant 0 : i32
        %dma_start3A_545 = tpu.memref_slice %arg5[%dma_start3A_543, %dma_start3A_544] : memref<10016x8xf32, #tpu.memory_space<hbm>> -> memref<10016x8xf32, #tpu.memory_space<hbm>>
        tpu.enqueue_indirect_dma source(%dma_start3A_545 : memref<10016x8xf32, #tpu.memory_space<hbm>>) target(%dma_start3A_539 : memref<128x8xf32, #tpu.memory_space<vmem>>) offsets(%dma_start3A_542 : memref<128xi32, #tpu.memory_space<vmem>>) semaphore(%arg17 : memref<!tpu.dma_semaphore, #tpu.memory_space<semaphore_mem>>)
        %dma_start3A_546 = arith.constant 0 : i32
        %dma_start3A_547 = tpu.memref_slice %arg12[%add3A_505, %dma_start3A_546] : memref<768x8xf32, #tpu.memory_space<vmem>> -> memref<128x8xf32, #tpu.memory_space<vmem>>
        %dma_start3A_548 = arith.constant 0 : i32
        %dma_start3A_549 = tpu.memref_slice %arg9[%add3A_501, %dma_start3A_548] : memref<6x128xi32, #tpu.memory_space<vmem>> -> memref<1x128xi32, #tpu.memory_space<vmem>>
        %dma_start3A_550 = tpu.memref_squeeze %dma_start3A_549 : memref<1x128xi32, #tpu.memory_space<vmem>> -> memref<128xi32, #tpu.memory_space<vmem>>
        %dma_start3A_551 = arith.constant 0 : i32
        %dma_start3A_552 = arith.constant 0 : i32
        %dma_start3A_553 = tpu.memref_slice %arg5[%dma_start3A_551, %dma_start3A_552] : memref<10016x8xf32, #tpu.memory_space<hbm>> -> memref<10016x8xf32, #tpu.memory_space<hbm>>
        tpu.enqueue_indirect_dma source(%dma_start3A_553 : memref<10016x8xf32, #tpu.memory_space<hbm>>) target(%dma_start3A_547 : memref<128x8xf32, #tpu.memory_space<vmem>>) offsets(%dma_start3A_550 : memref<128xi32, #tpu.memory_space<vmem>>) semaphore(%arg17 : memref<!tpu.dma_semaphore, #tpu.memory_space<semaphore_mem>>)
        %dma_start3A_554 = arith.constant 0 : i32
        %dma_start3A_555 = tpu.memref_slice %arg10[%add3A_513, %dma_start3A_554] : memref<768x16xf32, #tpu.memory_space<vmem>> -> memref<128x16xf32, #tpu.memory_space<vmem>>
        %dma_start3A_556 = arith.constant 0 : i32
        %dma_start3A_557 = tpu.memref_slice %arg8[%add3A_509, %dma_start3A_556] : memref<6x128xi32, #tpu.memory_space<vmem>> -> memref<1x128xi32, #tpu.memory_space<vmem>>
        %dma_start3A_558 = tpu.memref_squeeze %dma_start3A_557 : memref<1x128xi32, #tpu.memory_space<vmem>> -> memref<128xi32, #tpu.memory_space<vmem>>
        %dma_start3A_559 = arith.constant 0 : i32
        %dma_start3A_560 = arith.constant 0 : i32
        %dma_start3A_561 = tpu.memref_slice %arg4[%dma_start3A_559, %dma_start3A_560] : memref<10000x16xf32, #tpu.memory_space<hbm>> -> memref<10000x16xf32, #tpu.memory_space<hbm>>
        tpu.enqueue_indirect_dma source(%dma_start3A_561 : memref<10000x16xf32, #tpu.memory_space<hbm>>) target(%dma_start3A_555 : memref<128x16xf32, #tpu.memory_space<vmem>>) offsets(%dma_start3A_558 : memref<128xi32, #tpu.memory_space<vmem>>) semaphore(%arg16 : memref<!tpu.dma_semaphore, #tpu.memory_space<semaphore_mem>>)
        %dma_start3A_562 = arith.constant 0 : i32
        %dma_start3A_563 = tpu.memref_slice %arg11[%add3A_521, %dma_start3A_562] : memref<768x8xf32, #tpu.memory_space<vmem>> -> memref<128x8xf32, #tpu.memory_space<vmem>>
        %dma_start3A_564 = arith.constant 0 : i32
        %dma_start3A_565 = tpu.memref_slice %arg8[%add3A_517, %dma_start3A_564] : memref<6x128xi32, #tpu.memory_space<vmem>> -> memref<1x128xi32, #tpu.memory_space<vmem>>
        %dma_start3A_566 = tpu.memref_squeeze %dma_start3A_565 : memref<1x128xi32, #tpu.memory_space<vmem>> -> memref<128xi32, #tpu.memory_space<vmem>>
        %dma_start3A_567 = arith.constant 0 : i32
        %dma_start3A_568 = arith.constant 0 : i32
        %dma_start3A_569 = tpu.memref_slice %arg5[%dma_start3A_567, %dma_start3A_568] : memref<10016x8xf32, #tpu.memory_space<hbm>> -> memref<10016x8xf32, #tpu.memory_space<hbm>>
        tpu.enqueue_indirect_dma source(%dma_start3A_569 : memref<10016x8xf32, #tpu.memory_space<hbm>>) target(%dma_start3A_563 : memref<128x8xf32, #tpu.memory_space<vmem>>) offsets(%dma_start3A_566 : memref<128xi32, #tpu.memory_space<vmem>>) semaphore(%arg17 : memref<!tpu.dma_semaphore, #tpu.memory_space<semaphore_mem>>)
        %dma_start3A_570 = arith.constant 0 : i32
        %dma_start3A_571 = tpu.memref_slice %arg12[%add3A_529, %dma_start3A_570] : memref<768x8xf32, #tpu.memory_space<vmem>> -> memref<128x8xf32, #tpu.memory_space<vmem>>
        %dma_start3A_572 = arith.constant 0 : i32
        %dma_start3A_573 = tpu.memref_slice %arg9[%add3A_525, %dma_start3A_572] : memref<6x128xi32, #tpu.memory_space<vmem>> -> memref<1x128xi32, #tpu.memory_space<vmem>>
        %dma_start3A_574 = tpu.memref_squeeze %dma_start3A_573 : memref<1x128xi32, #tpu.memory_space<vmem>> -> memref<128xi32, #tpu.memory_space<vmem>>
        %dma_start3A_575 = arith.constant 0 : i32
        %dma_start3A_576 = arith.constant 0 : i32
        %dma_start3A_577 = tpu.memref_slice %arg5[%dma_start3A_575, %dma_start3A_576] : memref<10016x8xf32, #tpu.memory_space<hbm>> -> memref<10016x8xf32, #tpu.memory_space<hbm>>
        tpu.enqueue_indirect_dma source(%dma_start3A_577 : memref<10016x8xf32, #tpu.memory_space<hbm>>) target(%dma_start3A_571 : memref<128x8xf32, #tpu.memory_space<vmem>>) offsets(%dma_start3A_574 : memref<128xi32, #tpu.memory_space<vmem>>) semaphore(%arg17 : memref<!tpu.dma_semaphore, #tpu.memory_space<semaphore_mem>>)
      } else {
      }
      %rem3A_290 = arith.constant 3 : i32
      %rem3A_291 = arith.remsi %scan3A_278, %rem3A_290 : i32
      %mul3A_292 = arith.constant 2 : i32
      %mul3A_293 = arith.muli %rem3A_291, %mul3A_292 : i32
      %add3A_294 = arith.constant 0 : i32
      %add3A_295 = arith.addi %mul3A_293, %add3A_294 : i32
      %mul3A_296 = arith.constant 256 : i32
      %mul3A_297 = arith.muli %rem3A_291, %mul3A_296 : i32
      %add3A_298 = arith.constant 0 : i32
      %add3A_299 = arith.addi %mul3A_297, %add3A_298 : i32
      %mul3A_300 = arith.constant 2 : i32
      %mul3A_301 = arith.muli %rem3A_291, %mul3A_300 : i32
      %add3A_302 = arith.constant 0 : i32
      %add3A_303 = arith.addi %mul3A_301, %add3A_302 : i32
      %mul3A_304 = arith.constant 256 : i32
      %mul3A_305 = arith.muli %rem3A_291, %mul3A_304 : i32
      %add3A_306 = arith.constant 0 : i32
      %add3A_307 = arith.addi %mul3A_305, %add3A_306 : i32
      %mul3A_308 = arith.constant 2 : i32
      %mul3A_309 = arith.muli %rem3A_291, %mul3A_308 : i32
      %add3A_310 = arith.constant 0 : i32
      %add3A_311 = arith.addi %mul3A_309, %add3A_310 : i32
      %mul3A_312 = arith.constant 256 : i32
      %mul3A_313 = arith.muli %rem3A_291, %mul3A_312 : i32
      %add3A_314 = arith.constant 0 : i32
      %add3A_315 = arith.addi %mul3A_313, %add3A_314 : i32
      %mul3A_316 = arith.constant 2 : i32
      %mul3A_317 = arith.muli %rem3A_291, %mul3A_316 : i32
      %add3A_318 = arith.constant 1 : i32
      %add3A_319 = arith.addi %mul3A_317, %add3A_318 : i32
      %mul3A_320 = arith.constant 256 : i32
      %mul3A_321 = arith.muli %rem3A_291, %mul3A_320 : i32
      %add3A_322 = arith.constant 128 : i32
      %add3A_323 = arith.addi %mul3A_321, %add3A_322 : i32
      %mul3A_324 = arith.constant 2 : i32
      %mul3A_325 = arith.muli %rem3A_291, %mul3A_324 : i32
      %add3A_326 = arith.constant 1 : i32
      %add3A_327 = arith.addi %mul3A_325, %add3A_326 : i32
      %mul3A_328 = arith.constant 256 : i32
      %mul3A_329 = arith.muli %rem3A_291, %mul3A_328 : i32
      %add3A_330 = arith.constant 128 : i32
      %add3A_331 = arith.addi %mul3A_329, %add3A_330 : i32
      %mul3A_332 = arith.constant 2 : i32
      %mul3A_333 = arith.muli %rem3A_291, %mul3A_332 : i32
      %add3A_334 = arith.constant 1 : i32
      %add3A_335 = arith.addi %mul3A_333, %add3A_334 : i32
      %mul3A_336 = arith.constant 256 : i32
      %mul3A_337 = arith.muli %rem3A_291, %mul3A_336 : i32
      %add3A_338 = arith.constant 128 : i32
      %add3A_339 = arith.addi %mul3A_337, %add3A_338 : i32
      %dma_wait3A_340 = arith.constant 0 : i32
      %dma_wait3A_341 = tpu.memref_slice %arg10[%add3A_299, %dma_wait3A_340] : memref<768x16xf32, #tpu.memory_space<vmem>> -> memref<128x16xf32, #tpu.memory_space<vmem>>
      %dma_wait3A_342 = arith.constant 0 : i32
      %dma_wait3A_343 = tpu.memref_slice %arg8[%add3A_295, %dma_wait3A_342] : memref<6x128xi32, #tpu.memory_space<vmem>> -> memref<1x128xi32, #tpu.memory_space<vmem>>
      %dma_wait3A_344 = tpu.memref_squeeze %dma_wait3A_343 : memref<1x128xi32, #tpu.memory_space<vmem>> -> memref<128xi32, #tpu.memory_space<vmem>>
      %dma_wait3A_345 = arith.constant 0 : i32
      %dma_wait3A_346 = arith.constant 0 : i32
      %dma_wait3A_347 = tpu.memref_slice %arg4[%dma_wait3A_345, %dma_wait3A_346] : memref<10000x16xf32, #tpu.memory_space<hbm>> -> memref<10000x16xf32, #tpu.memory_space<hbm>>
      tpu.wait_indirect_dma semaphore(%arg16 : memref<!tpu.dma_semaphore, #tpu.memory_space<semaphore_mem>>) src(%dma_wait3A_347 : memref<10000x16xf32, #tpu.memory_space<hbm>>) dst(%dma_wait3A_341 : memref<128x16xf32, #tpu.memory_space<vmem>>)
      %dma_wait3A_348 = arith.constant 0 : i32
      %dma_wait3A_349 = tpu.memref_slice %arg11[%add3A_307, %dma_wait3A_348] : memref<768x8xf32, #tpu.memory_space<vmem>> -> memref<128x8xf32, #tpu.memory_space<vmem>>
      %dma_wait3A_350 = arith.constant 0 : i32
      %dma_wait3A_351 = tpu.memref_slice %arg8[%add3A_303, %dma_wait3A_350] : memref<6x128xi32, #tpu.memory_space<vmem>> -> memref<1x128xi32, #tpu.memory_space<vmem>>
      %dma_wait3A_352 = tpu.memref_squeeze %dma_wait3A_351 : memref<1x128xi32, #tpu.memory_space<vmem>> -> memref<128xi32, #tpu.memory_space<vmem>>
      %dma_wait3A_353 = arith.constant 0 : i32
      %dma_wait3A_354 = arith.constant 0 : i32
      %dma_wait3A_355 = tpu.memref_slice %arg5[%dma_wait3A_353, %dma_wait3A_354] : memref<10016x8xf32, #tpu.memory_space<hbm>> -> memref<10016x8xf32, #tpu.memory_space<hbm>>
      tpu.wait_indirect_dma semaphore(%arg17 : memref<!tpu.dma_semaphore, #tpu.memory_space<semaphore_mem>>) src(%dma_wait3A_355 : memref<10016x8xf32, #tpu.memory_space<hbm>>) dst(%dma_wait3A_349 : memref<128x8xf32, #tpu.memory_space<vmem>>)
      %dma_wait3A_356 = arith.constant 0 : i32
      %dma_wait3A_357 = tpu.memref_slice %arg12[%add3A_315, %dma_wait3A_356] : memref<768x8xf32, #tpu.memory_space<vmem>> -> memref<128x8xf32, #tpu.memory_space<vmem>>
      %dma_wait3A_358 = arith.constant 0 : i32
      %dma_wait3A_359 = tpu.memref_slice %arg9[%add3A_311, %dma_wait3A_358] : memref<6x128xi32, #tpu.memory_space<vmem>> -> memref<1x128xi32, #tpu.memory_space<vmem>>
      %dma_wait3A_360 = tpu.memref_squeeze %dma_wait3A_359 : memref<1x128xi32, #tpu.memory_space<vmem>> -> memref<128xi32, #tpu.memory_space<vmem>>
      %dma_wait3A_361 = arith.constant 0 : i32
      %dma_wait3A_362 = arith.constant 0 : i32
      %dma_wait3A_363 = tpu.memref_slice %arg5[%dma_wait3A_361, %dma_wait3A_362] : memref<10016x8xf32, #tpu.memory_space<hbm>> -> memref<10016x8xf32, #tpu.memory_space<hbm>>
      tpu.wait_indirect_dma semaphore(%arg17 : memref<!tpu.dma_semaphore, #tpu.memory_space<semaphore_mem>>) src(%dma_wait3A_363 : memref<10016x8xf32, #tpu.memory_space<hbm>>) dst(%dma_wait3A_357 : memref<128x8xf32, #tpu.memory_space<vmem>>)
      %dma_wait3A_364 = arith.constant 0 : i32
      %dma_wait3A_365 = tpu.memref_slice %arg10[%add3A_323, %dma_wait3A_364] : memref<768x16xf32, #tpu.memory_space<vmem>> -> memref<128x16xf32, #tpu.memory_space<vmem>>
      %dma_wait3A_366 = arith.constant 0 : i32
      %dma_wait3A_367 = tpu.memref_slice %arg8[%add3A_319, %dma_wait3A_366] : memref<6x128xi32, #tpu.memory_space<vmem>> -> memref<1x128xi32, #tpu.memory_space<vmem>>
      %dma_wait3A_368 = tpu.memref_squeeze %dma_wait3A_367 : memref<1x128xi32, #tpu.memory_space<vmem>> -> memref<128xi32, #tpu.memory_space<vmem>>
      %dma_wait3A_369 = arith.constant 0 : i32
      %dma_wait3A_370 = arith.constant 0 : i32
      %dma_wait3A_371 = tpu.memref_slice %arg4[%dma_wait3A_369, %dma_wait3A_370] : memref<10000x16xf32, #tpu.memory_space<hbm>> -> memref<10000x16xf32, #tpu.memory_space<hbm>>
      tpu.wait_indirect_dma semaphore(%arg16 : memref<!tpu.dma_semaphore, #tpu.memory_space<semaphore_mem>>) src(%dma_wait3A_371 : memref<10000x16xf32, #tpu.memory_space<hbm>>) dst(%dma_wait3A_365 : memref<128x16xf32, #tpu.memory_space<vmem>>)
      %dma_wait3A_372 = arith.constant 0 : i32
      %dma_wait3A_373 = tpu.memref_slice %arg11[%add3A_331, %dma_wait3A_372] : memref<768x8xf32, #tpu.memory_space<vmem>> -> memref<128x8xf32, #tpu.memory_space<vmem>>
      %dma_wait3A_374 = arith.constant 0 : i32
      %dma_wait3A_375 = tpu.memref_slice %arg8[%add3A_327, %dma_wait3A_374] : memref<6x128xi32, #tpu.memory_space<vmem>> -> memref<1x128xi32, #tpu.memory_space<vmem>>
      %dma_wait3A_376 = tpu.memref_squeeze %dma_wait3A_375 : memref<1x128xi32, #tpu.memory_space<vmem>> -> memref<128xi32, #tpu.memory_space<vmem>>
      %dma_wait3A_377 = arith.constant 0 : i32
      %dma_wait3A_378 = arith.constant 0 : i32
      %dma_wait3A_379 = tpu.memref_slice %arg5[%dma_wait3A_377, %dma_wait3A_378] : memref<10016x8xf32, #tpu.memory_space<hbm>> -> memref<10016x8xf32, #tpu.memory_space<hbm>>
      tpu.wait_indirect_dma semaphore(%arg17 : memref<!tpu.dma_semaphore, #tpu.memory_space<semaphore_mem>>) src(%dma_wait3A_379 : memref<10016x8xf32, #tpu.memory_space<hbm>>) dst(%dma_wait3A_373 : memref<128x8xf32, #tpu.memory_space<vmem>>)
      %dma_wait3A_380 = arith.constant 0 : i32
      %dma_wait3A_381 = tpu.memref_slice %arg12[%add3A_339, %dma_wait3A_380] : memref<768x8xf32, #tpu.memory_space<vmem>> -> memref<128x8xf32, #tpu.memory_space<vmem>>
      %dma_wait3A_382 = arith.constant 0 : i32
      %dma_wait3A_383 = tpu.memref_slice %arg9[%add3A_335, %dma_wait3A_382] : memref<6x128xi32, #tpu.memory_space<vmem>> -> memref<1x128xi32, #tpu.memory_space<vmem>>
      %dma_wait3A_384 = tpu.memref_squeeze %dma_wait3A_383 : memref<1x128xi32, #tpu.memory_space<vmem>> -> memref<128xi32, #tpu.memory_space<vmem>>
      %dma_wait3A_385 = arith.constant 0 : i32
      %dma_wait3A_386 = arith.constant 0 : i32
      %dma_wait3A_387 = tpu.memref_slice %arg5[%dma_wait3A_385, %dma_wait3A_386] : memref<10016x8xf32, #tpu.memory_space<hbm>> -> memref<10016x8xf32, #tpu.memory_space<hbm>>
      tpu.wait_indirect_dma semaphore(%arg17 : memref<!tpu.dma_semaphore, #tpu.memory_space<semaphore_mem>>) src(%dma_wait3A_387 : memref<10016x8xf32, #tpu.memory_space<hbm>>) dst(%dma_wait3A_381 : memref<128x8xf32, #tpu.memory_space<vmem>>)
      %rem3A_388 = arith.constant 3 : i32
      %rem3A_389 = arith.remsi %scan3A_278, %rem3A_388 : i32
      %mul3A_390 = arith.constant 256 : i32
      %mul3A_391 = arith.muli %rem3A_389, %mul3A_390 : i32
      %broadcast_in_dim3A_392 = arith.constant 1 : i32
      %broadcast_in_dim3A_393 = vector.broadcast %broadcast_in_dim3A_392 : i32 to vector<16xi32>
      %parallel_loop3A_394 = arith.constant 0 : i32
      %parallel_loop3A_395 = arith.constant 16 : i32
      %parallel_loop3A_396 = arith.constant 1 : i32
      scf.for %parallel_loop3A_467 = %parallel_loop3A_394 to %parallel_loop3A_395 step %parallel_loop3A_396  : i32 {
        %parallel_loop3A_468 = arith.constant 16 : i32
        %parallel_loop3A_469 = arith.muli %parallel_loop3A_468, %parallel_loop3A_467 : i32
        %parallel_loop3A_470 = vector.broadcast %parallel_loop3A_469 : i32 to vector<16xi32>
        %parallel_loop3A_471 = arith.addi %parallel_loop3A_470, %iota3A : vector<16xi32>
        %parallel_loop3A_472 = vector.broadcast %mul3A_391 : i32 to vector<16xi32>
        %parallel_loop3A_473 = arith.addi %parallel_loop3A_472, %parallel_loop3A_471 : vector<16xi32>
        %parallel_loop3A_474 = tpu.vector_load_idx %arg11[%parallel_loop3A_473, %broadcast_in_dim3A_7] : memref<768x8xf32, #tpu.memory_space<vmem>>[vector<16xi32>, vector<16xi32>], vector<16xf32>,
        %parallel_loop3A_475 = vector.broadcast %mul3A_391 : i32 to vector<16xi32>
        %parallel_loop3A_476 = arith.addi %parallel_loop3A_475, %parallel_loop3A_471 : vector<16xi32>
        %parallel_loop3A_477 = tpu.vector_load_idx %arg12[%parallel_loop3A_476, %broadcast_in_dim3A_393] : memref<768x8xf32, #tpu.memory_space<vmem>>[vector<16xi32>, vector<16xi32>], vector<16xf32>,
        %parallel_loop3A_478 = arith.addf %parallel_loop3A_474, %parallel_loop3A_477 : vector<16xf32>
        %parallel_loop3A_479 = arith.constant 2.000000e-01 : f32
        %parallel_loop3A_480 = vector.broadcast %parallel_loop3A_479 : f32 to vector<16xf32>
        %parallel_loop3A_481 = arith.mulf %parallel_loop3A_480, %parallel_loop3A_478 : vector<16xf32>
        %parallel_loop3A_482 = arith.maximumf %parallel_loop3A_478, %parallel_loop3A_481 : vector<16xf32>
        %parallel_loop3A_483 = math.exp %parallel_loop3A_482 : vector<16xf32>
        %parallel_loop3A_484 = vector.broadcast %mul3A_391 : i32 to vector<16xi32>
        %parallel_loop3A_485 = arith.addi %parallel_loop3A_484, %parallel_loop3A_471 : vector<16xi32>
        tpu.vector_store_idx %arg13[%parallel_loop3A_485, %broadcast_in_dim3A_7], %parallel_loop3A_483 : memref<768x8xf32, #tpu.memory_space<vmem>>[vector<16xi32>, vector<16xi32>], vector<16xf32>,
      } {sc.loop_unroll_factor = 4 : i64, sc.parallel_access}
      %parallel_loop3A_397 = arith.constant 0 : i32
      %parallel_loop3A_398 = arith.constant 256 : i32
      %parallel_loop3A_399 = arith.constant 1 : i32
      scf.for %parallel_loop3A_467 = %parallel_loop3A_397 to %parallel_loop3A_398 step %parallel_loop3A_399  : i32 {
        %parallel_loop3A_468 = arith.addi %mul3A_391, %parallel_loop3A_467 : i32
        %parallel_loop3A_469 = vector.broadcast %parallel_loop3A_468 : i32 to vector<16xi32>
        %parallel_loop3A_470 = arith.addi %parallel_loop3A_469, %broadcast_in_dim3A_7 : vector<16xi32>
        %parallel_loop3A_471 = tpu.vector_load_idx %arg13[%parallel_loop3A_470, %broadcast_in_dim3A_7] : memref<768x8xf32, #tpu.memory_space<vmem>>[vector<16xi32>, vector<16xi32>], vector<16xf32>,
        %parallel_loop3A_472 = arith.index_cast %parallel_loop3A_468 : i32 to index
        %parallel_loop3A_473 = arith.constant 0 : index
        %parallel_loop3A_474 = tpu.vector_load %arg10[%parallel_loop3A_472, %parallel_loop3A_473] {strides = array<i32>} : memref<768x16xf32, #tpu.memory_space<vmem>>, vector<16xf32>,
        %parallel_loop3A_475 = arith.mulf %parallel_loop3A_474, %parallel_loop3A_471 : vector<16xf32>
        %parallel_loop3A_476 = arith.index_cast %parallel_loop3A_468 : i32 to index
        %parallel_loop3A_477 = arith.constant 0 : index
        %parallel_loop3A_478 = tpu.vector_load %arg10[%parallel_loop3A_476, %parallel_loop3A_477] {strides = array<i32>} : memref<768x16xf32, #tpu.memory_space<vmem>>, vector<16xf32>,
        tpu.vector_store %arg10[%parallel_loop3A_476, %parallel_loop3A_477], %parallel_loop3A_475 {strides = array<i32>} : memref<768x16xf32, #tpu.memory_space<vmem>>, vector<16xf32>,
      } {sc.loop_unroll_factor = 8 : i64, sc.parallel_access}
      %rem3A_400 = arith.constant 3 : i32
      %rem3A_401 = arith.remsi %scan3A_278, %rem3A_400 : i32
      %mul3A_402 = arith.constant 256 : i32
      %mul3A_403 = arith.muli %rem3A_401, %mul3A_402 : i32
      %add3A_404 = arith.constant 0 : i32
      %add3A_405 = arith.addi %mul3A_403, %add3A_404 : i32
      %mul3A_406 = arith.constant 2 : i32
      %mul3A_407 = arith.muli %rem3A_401, %mul3A_406 : i32
      %add3A_408 = arith.constant 0 : i32
      %add3A_409 = arith.addi %mul3A_407, %add3A_408 : i32
      %mul3A_410 = arith.constant 256 : i32
      %mul3A_411 = arith.muli %rem3A_401, %mul3A_410 : i32
      %add3A_412 = arith.constant 0 : i32
      %add3A_413 = arith.addi %mul3A_411, %add3A_412 : i32
      %mul3A_414 = arith.constant 2 : i32
      %mul3A_415 = arith.muli %rem3A_401, %mul3A_414 : i32
      %add3A_416 = arith.constant 0 : i32
      %add3A_417 = arith.addi %mul3A_415, %add3A_416 : i32
      %mul3A_418 = arith.constant 256 : i32
      %mul3A_419 = arith.muli %rem3A_401, %mul3A_418 : i32
      %add3A_420 = arith.constant 128 : i32
      %add3A_421 = arith.addi %mul3A_419, %add3A_420 : i32
      %mul3A_422 = arith.constant 2 : i32
      %mul3A_423 = arith.muli %rem3A_401, %mul3A_422 : i32
      %add3A_424 = arith.constant 1 : i32
      %add3A_425 = arith.addi %mul3A_423, %add3A_424 : i32
      %mul3A_426 = arith.constant 256 : i32
      %mul3A_427 = arith.muli %rem3A_401, %mul3A_426 : i32
      %add3A_428 = arith.constant 128 : i32
      %add3A_429 = arith.addi %mul3A_427, %add3A_428 : i32
      %mul3A_430 = arith.constant 2 : i32
      %mul3A_431 = arith.muli %rem3A_401, %mul3A_430 : i32
      %add3A_432 = arith.constant 1 : i32
      %add3A_433 = arith.addi %mul3A_431, %add3A_432 : i32
      %dma_start3A_434 = arith.constant 0 : i32
      %dma_start3A_435 = tpu.memref_slice %arg10[%add3A_405, %dma_start3A_434] : memref<768x16xf32, #tpu.memory_space<vmem>> -> memref<128x16xf32, #tpu.memory_space<vmem>>
      %dma_start3A_436 = arith.constant 0 : i32
      %dma_start3A_437 = tpu.memref_slice %arg9[%add3A_409, %dma_start3A_436] : memref<6x128xi32, #tpu.memory_space<vmem>> -> memref<1x128xi32, #tpu.memory_space<vmem>>
      %dma_start3A_438 = tpu.memref_squeeze %dma_start3A_437 : memref<1x128xi32, #tpu.memory_space<vmem>> -> memref<128xi32, #tpu.memory_space<vmem>>
      %dma_start3A_439 = arith.constant 0 : i32
      %dma_start3A_440 = arith.constant 0 : i32
      %dma_start3A_441 = tpu.memref_slice %arg14[%dma_start3A_439, %dma_start3A_440] : memref<10016x16xf32, #tpu.memory_space<vmem_shared>> -> memref<10016x16xf32, #tpu.memory_space<vmem_shared>>
      tpu.enqueue_indirect_dma source(%dma_start3A_435 : memref<128x16xf32, #tpu.memory_space<vmem>>) target(%dma_start3A_441 : memref<10016x16xf32, #tpu.memory_space<vmem_shared>>) offsets(%dma_start3A_438 : memref<128xi32, #tpu.memory_space<vmem>>) semaphore(%arg18 : memref<!tpu.dma_semaphore, #tpu.memory_space<semaphore_mem>>) {add = true}
      %dma_start3A_442 = arith.constant 0 : i32
      %dma_start3A_443 = tpu.memref_slice %arg13[%add3A_413, %dma_start3A_442] : memref<768x8xf32, #tpu.memory_space<vmem>> -> memref<128x8xf32, #tpu.memory_space<vmem>>
      %dma_start3A_444 = arith.constant 0 : i32
      %dma_start3A_445 = tpu.memref_slice %arg9[%add3A_417, %dma_start3A_444] : memref<6x128xi32, #tpu.memory_space<vmem>> -> memref<1x128xi32, #tpu.memory_space<vmem>>
      %dma_start3A_446 = tpu.memref_squeeze %dma_start3A_445 : memref<1x128xi32, #tpu.memory_space<vmem>> -> memref<128xi32, #tpu.memory_space<vmem>>
      %dma_start3A_447 = arith.constant 0 : i32
      %dma_start3A_448 = arith.constant 0 : i32
      %dma_start3A_449 = tpu.memref_slice %arg15[%dma_start3A_447, %dma_start3A_448] : memref<10016x8xf32, #tpu.memory_space<vmem_shared>> -> memref<10016x8xf32, #tpu.memory_space<vmem_shared>>
      tpu.enqueue_indirect_dma source(%dma_start3A_443 : memref<128x8xf32, #tpu.memory_space<vmem>>) target(%dma_start3A_449 : memref<10016x8xf32, #tpu.memory_space<vmem_shared>>) offsets(%dma_start3A_446 : memref<128xi32, #tpu.memory_space<vmem>>) semaphore(%arg18 : memref<!tpu.dma_semaphore, #tpu.memory_space<semaphore_mem>>) {add = true}
      %dma_start3A_450 = arith.constant 0 : i32
      %dma_start3A_451 = tpu.memref_slice %arg10[%add3A_421, %dma_start3A_450] : memref<768x16xf32, #tpu.memory_space<vmem>> -> memref<128x16xf32, #tpu.memory_space<vmem>>
      %dma_start3A_452 = arith.constant 0 : i32
      %dma_start3A_453 = tpu.memref_slice %arg9[%add3A_425, %dma_start3A_452] : memref<6x128xi32, #tpu.memory_space<vmem>> -> memref<1x128xi32, #tpu.memory_space<vmem>>
      %dma_start3A_454 = tpu.memref_squeeze %dma_start3A_453 : memref<1x128xi32, #tpu.memory_space<vmem>> -> memref<128xi32, #tpu.memory_space<vmem>>
      %dma_start3A_455 = arith.constant 0 : i32
      %dma_start3A_456 = arith.constant 0 : i32
      %dma_start3A_457 = tpu.memref_slice %arg14[%dma_start3A_455, %dma_start3A_456] : memref<10016x16xf32, #tpu.memory_space<vmem_shared>> -> memref<10016x16xf32, #tpu.memory_space<vmem_shared>>
      tpu.enqueue_indirect_dma source(%dma_start3A_451 : memref<128x16xf32, #tpu.memory_space<vmem>>) target(%dma_start3A_457 : memref<10016x16xf32, #tpu.memory_space<vmem_shared>>) offsets(%dma_start3A_454 : memref<128xi32, #tpu.memory_space<vmem>>) semaphore(%arg18 : memref<!tpu.dma_semaphore, #tpu.memory_space<semaphore_mem>>) {add = true}
      %dma_start3A_458 = arith.constant 0 : i32
      %dma_start3A_459 = tpu.memref_slice %arg13[%add3A_429, %dma_start3A_458] : memref<768x8xf32, #tpu.memory_space<vmem>> -> memref<128x8xf32, #tpu.memory_space<vmem>>
      %dma_start3A_460 = arith.constant 0 : i32
      %dma_start3A_461 = tpu.memref_slice %arg9[%add3A_433, %dma_start3A_460] : memref<6x128xi32, #tpu.memory_space<vmem>> -> memref<1x128xi32, #tpu.memory_space<vmem>>
      %dma_start3A_462 = tpu.memref_squeeze %dma_start3A_461 : memref<1x128xi32, #tpu.memory_space<vmem>> -> memref<128xi32, #tpu.memory_space<vmem>>
      %dma_start3A_463 = arith.constant 0 : i32
      %dma_start3A_464 = arith.constant 0 : i32
      %dma_start3A_465 = tpu.memref_slice %arg15[%dma_start3A_463, %dma_start3A_464] : memref<10016x8xf32, #tpu.memory_space<vmem_shared>> -> memref<10016x8xf32, #tpu.memory_space<vmem_shared>>
      tpu.enqueue_indirect_dma source(%dma_start3A_459 : memref<128x8xf32, #tpu.memory_space<vmem>>) target(%dma_start3A_465 : memref<10016x8xf32, #tpu.memory_space<vmem_shared>>) offsets(%dma_start3A_462 : memref<128xi32, #tpu.memory_space<vmem>>) semaphore(%arg18 : memref<!tpu.dma_semaphore, #tpu.memory_space<semaphore_mem>>) {add = true}
      %scan3A_466 = arith.constant 0 : i32
      scf.yield %scan3A_466 : i32
    }
    %scan3A_138 = arith.constant 40 : i32
    %rem3A_139 = arith.constant 38 : i32
    %rem3A_140 = arith.constant 3 : i32
    %rem3A_141 = arith.remsi %rem3A_139, %rem3A_140 : i32
    %mul3A_142 = arith.constant 256 : i32
    %mul3A_143 = arith.muli %rem3A_141, %mul3A_142 : i32
    %add3A_144 = arith.constant 0 : i32
    %add3A_145 = arith.addi %mul3A_143, %add3A_144 : i32
    %mul3A_146 = arith.constant 2 : i32
    %mul3A_147 = arith.muli %rem3A_141, %mul3A_146 : i32
    %add3A_148 = arith.constant 0 : i32
    %add3A_149 = arith.addi %mul3A_147, %add3A_148 : i32
    %mul3A_150 = arith.constant 256 : i32
    %mul3A_151 = arith.muli %rem3A_141, %mul3A_150 : i32
    %add3A_152 = arith.constant 0 : i32
    %add3A_153 = arith.addi %mul3A_151, %add3A_152 : i32
    %mul3A_154 = arith.constant 2 : i32
    %mul3A_155 = arith.muli %rem3A_141, %mul3A_154 : i32
    %add3A_156 = arith.constant 0 : i32
    %add3A_157 = arith.addi %mul3A_155, %add3A_156 : i32
    %mul3A_158 = arith.constant 256 : i32
    %mul3A_159 = arith.muli %rem3A_141, %mul3A_158 : i32
    %add3A_160 = arith.constant 128 : i32
    %add3A_161 = arith.addi %mul3A_159, %add3A_160 : i32
    %mul3A_162 = arith.constant 2 : i32
    %mul3A_163 = arith.muli %rem3A_141, %mul3A_162 : i32
    %add3A_164 = arith.constant 1 : i32
    %add3A_165 = arith.addi %mul3A_163, %add3A_164 : i32
    %mul3A_166 = arith.constant 256 : i32
    %mul3A_167 = arith.muli %rem3A_141, %mul3A_166 : i32
    %add3A_168 = arith.constant 128 : i32
    %add3A_169 = arith.addi %mul3A_167, %add3A_168 : i32
    %mul3A_170 = arith.constant 2 : i32
    %mul3A_171 = arith.muli %rem3A_141, %mul3A_170 : i32
    %add3A_172 = arith.constant 1 : i32
    %add3A_173 = arith.addi %mul3A_171, %add3A_172 : i32
    %dma_wait3A = arith.constant 0 : i32
    %dma_wait3A_174 = tpu.memref_slice %arg10[%add3A_145, %dma_wait3A] : memref<768x16xf32, #tpu.memory_space<vmem>> -> memref<128x16xf32, #tpu.memory_space<vmem>>
    %dma_wait3A_175 = arith.constant 0 : i32
    %dma_wait3A_176 = tpu.memref_slice %arg9[%add3A_149, %dma_wait3A_175] : memref<6x128xi32, #tpu.memory_space<vmem>> -> memref<1x128xi32, #tpu.memory_space<vmem>>
    %dma_wait3A_177 = tpu.memref_squeeze %dma_wait3A_176 : memref<1x128xi32, #tpu.memory_space<vmem>> -> memref<128xi32, #tpu.memory_space<vmem>>
    %dma_wait3A_178 = arith.constant 0 : i32
    %dma_wait3A_179 = arith.constant 0 : i32
    %dma_wait3A_180 = tpu.memref_slice %arg14[%dma_wait3A_178, %dma_wait3A_179] : memref<10016x16xf32, #tpu.memory_space<vmem_shared>> -> memref<10016x16xf32, #tpu.memory_space<vmem_shared>>
    tpu.wait_indirect_dma semaphore(%arg18 : memref<!tpu.dma_semaphore, #tpu.memory_space<semaphore_mem>>) src(%dma_wait3A_174 : memref<128x16xf32, #tpu.memory_space<vmem>>) dst(%dma_wait3A_180 : memref<10016x16xf32, #tpu.memory_space<vmem_shared>>)
    %dma_wait3A_181 = arith.constant 0 : i32
    %dma_wait3A_182 = tpu.memref_slice %arg13[%add3A_153, %dma_wait3A_181] : memref<768x8xf32, #tpu.memory_space<vmem>> -> memref<128x8xf32, #tpu.memory_space<vmem>>
    %dma_wait3A_183 = arith.constant 0 : i32
    %dma_wait3A_184 = tpu.memref_slice %arg9[%add3A_157, %dma_wait3A_183] : memref<6x128xi32, #tpu.memory_space<vmem>> -> memref<1x128xi32, #tpu.memory_space<vmem>>
    %dma_wait3A_185 = tpu.memref_squeeze %dma_wait3A_184 : memref<1x128xi32, #tpu.memory_space<vmem>> -> memref<128xi32, #tpu.memory_space<vmem>>
    %dma_wait3A_186 = arith.constant 0 : i32
    %dma_wait3A_187 = arith.constant 0 : i32
    %dma_wait3A_188 = tpu.memref_slice %arg15[%dma_wait3A_186, %dma_wait3A_187] : memref<10016x8xf32, #tpu.memory_space<vmem_shared>> -> memref<10016x8xf32, #tpu.memory_space<vmem_shared>>
    tpu.wait_indirect_dma semaphore(%arg18 : memref<!tpu.dma_semaphore, #tpu.memory_space<semaphore_mem>>) src(%dma_wait3A_182 : memref<128x8xf32, #tpu.memory_space<vmem>>) dst(%dma_wait3A_188 : memref<10016x8xf32, #tpu.memory_space<vmem_shared>>)
    %dma_wait3A_189 = arith.constant 0 : i32
    %dma_wait3A_190 = tpu.memref_slice %arg10[%add3A_161, %dma_wait3A_189] : memref<768x16xf32, #tpu.memory_space<vmem>> -> memref<128x16xf32, #tpu.memory_space<vmem>>
    %dma_wait3A_191 = arith.constant 0 : i32
    %dma_wait3A_192 = tpu.memref_slice %arg9[%add3A_165, %dma_wait3A_191] : memref<6x128xi32, #tpu.memory_space<vmem>> -> memref<1x128xi32, #tpu.memory_space<vmem>>
    %dma_wait3A_193 = tpu.memref_squeeze %dma_wait3A_192 : memref<1x128xi32, #tpu.memory_space<vmem>> -> memref<128xi32, #tpu.memory_space<vmem>>
    %dma_wait3A_194 = arith.constant 0 : i32
    %dma_wait3A_195 = arith.constant 0 : i32
    %dma_wait3A_196 = tpu.memref_slice %arg14[%dma_wait3A_194, %dma_wait3A_195] : memref<10016x16xf32, #tpu.memory_space<vmem_shared>> -> memref<10016x16xf32, #tpu.memory_space<vmem_shared>>
    tpu.wait_indirect_dma semaphore(%arg18 : memref<!tpu.dma_semaphore, #tpu.memory_space<semaphore_mem>>) src(%dma_wait3A_190 : memref<128x16xf32, #tpu.memory_space<vmem>>) dst(%dma_wait3A_196 : memref<10016x16xf32, #tpu.memory_space<vmem_shared>>)
    %dma_wait3A_197 = arith.constant 0 : i32
    %dma_wait3A_198 = tpu.memref_slice %arg13[%add3A_169, %dma_wait3A_197] : memref<768x8xf32, #tpu.memory_space<vmem>> -> memref<128x8xf32, #tpu.memory_space<vmem>>
    %dma_wait3A_199 = arith.constant 0 : i32
    %dma_wait3A_200 = tpu.memref_slice %arg9[%add3A_173, %dma_wait3A_199] : memref<6x128xi32, #tpu.memory_space<vmem>> -> memref<1x128xi32, #tpu.memory_space<vmem>>
    %dma_wait3A_201 = tpu.memref_squeeze %dma_wait3A_200 : memref<1x128xi32, #tpu.memory_space<vmem>> -> memref<128xi32, #tpu.memory_space<vmem>>
    %dma_wait3A_202 = arith.constant 0 : i32
    %dma_wait3A_203 = arith.constant 0 : i32
    %dma_wait3A_204 = tpu.memref_slice %arg15[%dma_wait3A_202, %dma_wait3A_203] : memref<10016x8xf32, #tpu.memory_space<vmem_shared>> -> memref<10016x8xf32, #tpu.memory_space<vmem_shared>>
    tpu.wait_indirect_dma semaphore(%arg18 : memref<!tpu.dma_semaphore, #tpu.memory_space<semaphore_mem>>) src(%dma_wait3A_198 : memref<128x8xf32, #tpu.memory_space<vmem>>) dst(%dma_wait3A_204 : memref<10016x8xf32, #tpu.memory_space<vmem_shared>>)
    %rem3A_205 = arith.constant 39 : i32
    %rem3A_206 = arith.constant 3 : i32
    %rem3A_207 = arith.remsi %rem3A_205, %rem3A_206 : i32
    %mul3A_208 = arith.constant 256 : i32
    %mul3A_209 = arith.muli %rem3A_207, %mul3A_208 : i32
    %add3A_210 = arith.constant 0 : i32
    %add3A_211 = arith.addi %mul3A_209, %add3A_210 : i32
    %mul3A_212 = arith.constant 2 : i32
    %mul3A_213 = arith.muli %rem3A_207, %mul3A_212 : i32
    %add3A_214 = arith.constant 0 : i32
    %add3A_215 = arith.addi %mul3A_213, %add3A_214 : i32
    %mul3A_216 = arith.constant 256 : i32
    %mul3A_217 = arith.muli %rem3A_207, %mul3A_216 : i32
    %add3A_218 = arith.constant 0 : i32
    %add3A_219 = arith.addi %mul3A_217, %add3A_218 : i32
    %mul3A_220 = arith.constant 2 : i32
    %mul3A_221 = arith.muli %rem3A_207, %mul3A_220 : i32
    %add3A_222 = arith.constant 0 : i32
    %add3A_223 = arith.addi %mul3A_221, %add3A_222 : i32
    %mul3A_224 = arith.constant 256 : i32
    %mul3A_225 = arith.muli %rem3A_207, %mul3A_224 : i32
    %add3A_226 = arith.constant 128 : i32
    %add3A_227 = arith.addi %mul3A_225, %add3A_226 : i32
    %mul3A_228 = arith.constant 2 : i32
    %mul3A_229 = arith.muli %rem3A_207, %mul3A_228 : i32
    %add3A_230 = arith.constant 1 : i32
    %add3A_231 = arith.addi %mul3A_229, %add3A_230 : i32
    %mul3A_232 = arith.constant 256 : i32
    %mul3A_233 = arith.muli %rem3A_207, %mul3A_232 : i32
    %add3A_234 = arith.constant 128 : i32
    %add3A_235 = arith.addi %mul3A_233, %add3A_234 : i32
    %mul3A_236 = arith.constant 2 : i32
    %mul3A_237 = arith.muli %rem3A_207, %mul3A_236 : i32
    %add3A_238 = arith.constant 1 : i32
    %add3A_239 = arith.addi %mul3A_237, %add3A_238 : i32
    %dma_wait3A_240 = arith.constant 0 : i32
    %dma_wait3A_241 = tpu.memref_slice %arg10[%add3A_211, %dma_wait3A_240] : memref<768x16xf32, #tpu.memory_space<vmem>> -> memref<128x16xf32, #tpu.memory_space<vmem>>
    %dma_wait3A_242 = arith.constant 0 : i32
    %dma_wait3A_243 = tpu.memref_slice %arg9[%add3A_215, %dma_wait3A_242] : memref<6x128xi32, #tpu.memory_space<vmem>> -> memref<1x128xi32, #tpu.memory_space<vmem>>
    %dma_wait3A_244 = tpu.memref_squeeze %dma_wait3A_243 : memref<1x128xi32, #tpu.memory_space<vmem>> -> memref<128xi32, #tpu.memory_space<vmem>>
    %dma_wait3A_245 = arith.constant 0 : i32
    %dma_wait3A_246 = arith.constant 0 : i32
    %dma_wait3A_247 = tpu.memref_slice %arg14[%dma_wait3A_245, %dma_wait3A_246] : memref<10016x16xf32, #tpu.memory_space<vmem_shared>> -> memref<10016x16xf32, #tpu.memory_space<vmem_shared>>
    tpu.wait_indirect_dma semaphore(%arg18 : memref<!tpu.dma_semaphore, #tpu.memory_space<semaphore_mem>>) src(%dma_wait3A_241 : memref<128x16xf32, #tpu.memory_space<vmem>>) dst(%dma_wait3A_247 : memref<10016x16xf32, #tpu.memory_space<vmem_shared>>)
    %dma_wait3A_248 = arith.constant 0 : i32
    %dma_wait3A_249 = tpu.memref_slice %arg13[%add3A_219, %dma_wait3A_248] : memref<768x8xf32, #tpu.memory_space<vmem>> -> memref<128x8xf32, #tpu.memory_space<vmem>>
    %dma_wait3A_250 = arith.constant 0 : i32
    %dma_wait3A_251 = tpu.memref_slice %arg9[%add3A_223, %dma_wait3A_250] : memref<6x128xi32, #tpu.memory_space<vmem>> -> memref<1x128xi32, #tpu.memory_space<vmem>>
    %dma_wait3A_252 = tpu.memref_squeeze %dma_wait3A_251 : memref<1x128xi32, #tpu.memory_space<vmem>> -> memref<128xi32, #tpu.memory_space<vmem>>
    %dma_wait3A_253 = arith.constant 0 : i32
    %dma_wait3A_254 = arith.constant 0 : i32
    %dma_wait3A_255 = tpu.memref_slice %arg15[%dma_wait3A_253, %dma_wait3A_254] : memref<10016x8xf32, #tpu.memory_space<vmem_shared>> -> memref<10016x8xf32, #tpu.memory_space<vmem_shared>>
    tpu.wait_indirect_dma semaphore(%arg18 : memref<!tpu.dma_semaphore, #tpu.memory_space<semaphore_mem>>) src(%dma_wait3A_249 : memref<128x8xf32, #tpu.memory_space<vmem>>) dst(%dma_wait3A_255 : memref<10016x8xf32, #tpu.memory_space<vmem_shared>>)
    %dma_wait3A_256 = arith.constant 0 : i32
    %dma_wait3A_257 = tpu.memref_slice %arg10[%add3A_227, %dma_wait3A_256] : memref<768x16xf32, #tpu.memory_space<vmem>> -> memref<128x16xf32, #tpu.memory_space<vmem>>
    %dma_wait3A_258 = arith.constant 0 : i32
    %dma_wait3A_259 = tpu.memref_slice %arg9[%add3A_231, %dma_wait3A_258] : memref<6x128xi32, #tpu.memory_space<vmem>> -> memref<1x128xi32, #tpu.memory_space<vmem>>
    %dma_wait3A_260 = tpu.memref_squeeze %dma_wait3A_259 : memref<1x128xi32, #tpu.memory_space<vmem>> -> memref<128xi32, #tpu.memory_space<vmem>>
    %dma_wait3A_261 = arith.constant 0 : i32
    %dma_wait3A_262 = arith.constant 0 : i32
    %dma_wait3A_263 = tpu.memref_slice %arg14[%dma_wait3A_261, %dma_wait3A_262] : memref<10016x16xf32, #tpu.memory_space<vmem_shared>> -> memref<10016x16xf32, #tpu.memory_space<vmem_shared>>
    tpu.wait_indirect_dma semaphore(%arg18 : memref<!tpu.dma_semaphore, #tpu.memory_space<semaphore_mem>>) src(%dma_wait3A_257 : memref<128x16xf32, #tpu.memory_space<vmem>>) dst(%dma_wait3A_263 : memref<10016x16xf32, #tpu.memory_space<vmem_shared>>)
    %dma_wait3A_264 = arith.constant 0 : i32
    %dma_wait3A_265 = tpu.memref_slice %arg13[%add3A_235, %dma_wait3A_264] : memref<768x8xf32, #tpu.memory_space<vmem>> -> memref<128x8xf32, #tpu.memory_space<vmem>>
    %dma_wait3A_266 = arith.constant 0 : i32
    %dma_wait3A_267 = tpu.memref_slice %arg9[%add3A_239, %dma_wait3A_266] : memref<6x128xi32, #tpu.memory_space<vmem>> -> memref<1x128xi32, #tpu.memory_space<vmem>>
    %dma_wait3A_268 = tpu.memref_squeeze %dma_wait3A_267 : memref<1x128xi32, #tpu.memory_space<vmem>> -> memref<128xi32, #tpu.memory_space<vmem>>
    %dma_wait3A_269 = arith.constant 0 : i32
    %dma_wait3A_270 = arith.constant 0 : i32
    %dma_wait3A_271 = tpu.memref_slice %arg15[%dma_wait3A_269, %dma_wait3A_270] : memref<10016x8xf32, #tpu.memory_space<vmem_shared>> -> memref<10016x8xf32, #tpu.memory_space<vmem_shared>>
    tpu.wait_indirect_dma semaphore(%arg18 : memref<!tpu.dma_semaphore, #tpu.memory_space<semaphore_mem>>) src(%dma_wait3A_265 : memref<128x8xf32, #tpu.memory_space<vmem>>) dst(%dma_wait3A_271 : memref<10016x8xf32, #tpu.memory_space<vmem_shared>>)
    %barrier3A_272 = arith.constant 0 : index
    tpu.barrier barrier_id(%barrier3A_272)
    "tpu.region"() ({
      %run_scoped3A = tpu.sem_alloc : memref<!tpu.dma_semaphore, #tpu.memory_space<semaphore_mem>>
      %dma_start3A_278 = arith.constant 0 : i32
      %dma_start3A_279 = tpu.memref_slice %arg6[%arg0, %mul3A_14, %dma_start3A_278] : memref<2x10000x16xf32, #tpu.memory_space<hbm>> -> memref<1x624x16xf32, #tpu.memory_space<hbm>>
      %dma_start3A_280 = tpu.memref_squeeze %dma_start3A_279 : memref<1x624x16xf32, #tpu.memory_space<hbm>> -> memref<624x16xf32, #tpu.memory_space<hbm>>
      %dma_start3A_281 = arith.constant 0 : i32
      %dma_start3A_282 = tpu.memref_slice %arg14[%mul3A_14, %dma_start3A_281] : memref<10016x16xf32, #tpu.memory_space<vmem_shared>> -> memref<624x16xf32, #tpu.memory_space<vmem_shared>>
      tpu.enqueue_dma source(%dma_start3A_282 : memref<624x16xf32, #tpu.memory_space<vmem_shared>>) target(%dma_start3A_280 : memref<624x16xf32, #tpu.memory_space<hbm>>) target_semaphore(%run_scoped3A : memref<!tpu.dma_semaphore, #tpu.memory_space<semaphore_mem>>)
      %dma_wait3A_283 = arith.constant 0 : i32
      %dma_wait3A_284 = tpu.memref_slice %arg6[%arg0, %mul3A_14, %dma_wait3A_283] : memref<2x10000x16xf32, #tpu.memory_space<hbm>> -> memref<1x624x16xf32, #tpu.memory_space<hbm>>
      %dma_wait3A_285 = tpu.memref_squeeze %dma_wait3A_284 : memref<1x624x16xf32, #tpu.memory_space<hbm>> -> memref<624x16xf32, #tpu.memory_space<hbm>>
      %dma_wait3A_286 = arith.constant 0 : i32
      %dma_wait3A_287 = tpu.memref_slice %arg14[%mul3A_14, %dma_wait3A_286] : memref<10016x16xf32, #tpu.memory_space<vmem_shared>> -> memref<624x16xf32, #tpu.memory_space<vmem_shared>>
      tpu.wait_dma2 semaphore(%run_scoped3A : memref<!tpu.dma_semaphore, #tpu.memory_space<semaphore_mem>>) src(%dma_wait3A_287 : memref<624x16xf32, #tpu.memory_space<vmem_shared>>) dst(%dma_wait3A_285 : memref<624x16xf32, #tpu.memory_space<hbm>>)
      tpu.yield
    }) : () -> ()
    "tpu.region"() ({
      %run_scoped3A = tpu.sem_alloc : memref<!tpu.dma_semaphore, #tpu.memory_space<semaphore_mem>>
      %dma_start3A_278 = arith.constant 0 : i32
      %dma_start3A_279 = tpu.memref_slice %arg7[%arg0, %mul3A_14, %dma_start3A_278] : memref<2x10000x8xf32, #tpu.memory_space<hbm>> -> memref<1x624x8xf32, #tpu.memory_space<hbm>>
      %dma_start3A_280 = tpu.memref_squeeze %dma_start3A_279 : memref<1x624x8xf32, #tpu.memory_space<hbm>> -> memref<624x8xf32, #tpu.memory_space<hbm>>
      %dma_start3A_281 = arith.constant 0 : i32
      %dma_start3A_282 = tpu.memref_slice %arg15[%mul3A_14, %dma_start3A_281] : memref<10016x8xf32, #tpu.memory_space<vmem_shared>> -> memref<624x8xf32, #tpu.memory_space<vmem_shared>>
      tpu.enqueue_dma source(%dma_start3A_282 : memref<624x8xf32, #tpu.memory_space<vmem_shared>>) target(%dma_start3A_280 : memref<624x8xf32, #tpu.memory_space<hbm>>) target_semaphore(%run_scoped3A : memref<!tpu.dma_semaphore, #tpu.memory_space<semaphore_mem>>)
      %dma_wait3A_283 = arith.constant 0 : i32
      %dma_wait3A_284 = tpu.memref_slice %arg7[%arg0, %mul3A_14, %dma_wait3A_283] : memref<2x10000x8xf32, #tpu.memory_space<hbm>> -> memref<1x624x8xf32, #tpu.memory_space<hbm>>
      %dma_wait3A_285 = tpu.memref_squeeze %dma_wait3A_284 : memref<1x624x8xf32, #tpu.memory_space<hbm>> -> memref<624x8xf32, #tpu.memory_space<hbm>>
      %dma_wait3A_286 = arith.constant 0 : i32
      %dma_wait3A_287 = tpu.memref_slice %arg15[%mul3A_14, %dma_wait3A_286] : memref<10016x8xf32, #tpu.memory_space<vmem_shared>> -> memref<624x8xf32, #tpu.memory_space<vmem_shared>>
      tpu.wait_dma2 semaphore(%run_scoped3A : memref<!tpu.dma_semaphore, #tpu.memory_space<semaphore_mem>>) src(%dma_wait3A_287 : memref<624x8xf32, #tpu.memory_space<vmem_shared>>) dst(%dma_wait3A_285 : memref<624x8xf32, #tpu.memory_space<hbm>>)
      tpu.yield
    }) : () -> ()
    %eq3A_273 = arith.constant 15 : i32
    %eq3A_274 = arith.cmpi eq, %arg1, %eq3A_273 : i32
    %convert_element_type3A_275 = arith.extui %eq3A_274 : i1 to i32
    %cond3A_276 = arith.constant 0 : i32
    %cond3A_277 = arith.cmpi ne, %convert_element_type3A_275, %cond3A_276 : i32
    scf.if %cond3A_277 {
      "tpu.region"() ({
        %run_scoped3A = tpu.sem_alloc : memref<!tpu.dma_semaphore, #tpu.memory_space<semaphore_mem>>
        %dma_start3A_278 = arith.constant 9984 : i32
        %dma_start3A_279 = arith.constant 0 : i32
        %dma_start3A_280 = tpu.memref_slice %arg6[%arg0, %dma_start3A_278, %dma_start3A_279] : memref<2x10000x16xf32, #tpu.memory_space<hbm>> -> memref<1x16x16xf32, #tpu.memory_space<hbm>>
        %dma_start3A_281 = tpu.memref_squeeze %dma_start3A_280 : memref<1x16x16xf32, #tpu.memory_space<hbm>> -> memref<16x16xf32, #tpu.memory_space<hbm>>
        %dma_start3A_282 = arith.constant 9984 : i32
        %dma_start3A_283 = arith.constant 0 : i32
        %dma_start3A_284 = tpu.memref_slice %arg14[%dma_start3A_282, %dma_start3A_283] : memref<10016x16xf32, #tpu.memory_space<vmem_shared>> -> memref<16x16xf32, #tpu.memory_space<vmem_shared>>
        tpu.enqueue_dma source(%dma_start3A_284 : memref<16x16xf32, #tpu.memory_space<vmem_shared>>) target(%dma_start3A_281 : memref<16x16xf32, #tpu.memory_space<hbm>>) target_semaphore(%run_scoped3A : memref<!tpu.dma_semaphore, #tpu.memory_space<semaphore_mem>>)
        %dma_wait3A_285 = arith.constant 9984 : i32
        %dma_wait3A_286 = arith.constant 0 : i32
        %dma_wait3A_287 = tpu.memref_slice %arg6[%arg0, %dma_wait3A_285, %dma_wait3A_286] : memref<2x10000x16xf32, #tpu.memory_space<hbm>> -> memref<1x16x16xf32, #tpu.memory_space<hbm>>
        %dma_wait3A_288 = tpu.memref_squeeze %dma_wait3A_287 : memref<1x16x16xf32, #tpu.memory_space<hbm>> -> memref<16x16xf32, #tpu.memory_space<hbm>>
        %dma_wait3A_289 = arith.constant 9984 : i32
        %dma_wait3A_290 = arith.constant 0 : i32
        %dma_wait3A_291 = tpu.memref_slice %arg14[%dma_wait3A_289, %dma_wait3A_290] : memref<10016x16xf32, #tpu.memory_space<vmem_shared>> -> memref<16x16xf32, #tpu.memory_space<vmem_shared>>
        tpu.wait_dma2 semaphore(%run_scoped3A : memref<!tpu.dma_semaphore, #tpu.memory_space<semaphore_mem>>) src(%dma_wait3A_291 : memref<16x16xf32, #tpu.memory_space<vmem_shared>>) dst(%dma_wait3A_288 : memref<16x16xf32, #tpu.memory_space<hbm>>)
        tpu.yield
      }) : () -> ()
      "tpu.region"() ({
        %run_scoped3A = tpu.sem_alloc : memref<!tpu.dma_semaphore, #tpu.memory_space<semaphore_mem>>
        %dma_start3A_278 = arith.constant 9984 : i32
        %dma_start3A_279 = arith.constant 0 : i32
        %dma_start3A_280 = tpu.memref_slice %arg7[%arg0, %dma_start3A_278, %dma_start3A_279] : memref<2x10000x8xf32, #tpu.memory_space<hbm>> -> memref<1x16x8xf32, #tpu.memory_space<hbm>>
        %dma_start3A_281 = tpu.memref_squeeze %dma_start3A_280 : memref<1x16x8xf32, #tpu.memory_space<hbm>> -> memref<16x8xf32, #tpu.memory_space<hbm>>
        %dma_start3A_282 = arith.constant 9984 : i32
        %dma_start3A_283 = arith.constant 0 : i32
        %dma_start3A_284 = tpu.memref_slice %arg15[%dma_start3A_282, %dma_start3A_283] : memref<10016x8xf32, #tpu.memory_space<vmem_shared>> -> memref<16x8xf32, #tpu.memory_space<vmem_shared>>
        tpu.enqueue_dma source(%dma_start3A_284 : memref<16x8xf32, #tpu.memory_space<vmem_shared>>) target(%dma_start3A_281 : memref<16x8xf32, #tpu.memory_space<hbm>>) target_semaphore(%run_scoped3A : memref<!tpu.dma_semaphore, #tpu.memory_space<semaphore_mem>>)
        %dma_wait3A_285 = arith.constant 9984 : i32
        %dma_wait3A_286 = arith.constant 0 : i32
        %dma_wait3A_287 = tpu.memref_slice %arg7[%arg0, %dma_wait3A_285, %dma_wait3A_286] : memref<2x10000x8xf32, #tpu.memory_space<hbm>> -> memref<1x16x8xf32, #tpu.memory_space<hbm>>
        %dma_wait3A_288 = tpu.memref_squeeze %dma_wait3A_287 : memref<1x16x8xf32, #tpu.memory_space<hbm>> -> memref<16x8xf32, #tpu.memory_space<hbm>>
        %dma_wait3A_289 = arith.constant 9984 : i32
        %dma_wait3A_290 = arith.constant 0 : i32
        %dma_wait3A_291 = tpu.memref_slice %arg15[%dma_wait3A_289, %dma_wait3A_290] : memref<10016x8xf32, #tpu.memory_space<vmem_shared>> -> memref<16x8xf32, #tpu.memory_space<vmem_shared>>
        tpu.wait_dma2 semaphore(%run_scoped3A : memref<!tpu.dma_semaphore, #tpu.memory_space<semaphore_mem>>) src(%dma_wait3A_291 : memref<16x8xf32, #tpu.memory_space<vmem_shared>>) dst(%dma_wait3A_288 : memref<16x8xf32, #tpu.memory_space<hbm>>)
        tpu.yield
      }) : () -> ()
    } else {
    }
    return
  }
}

module attributes {stable_mosaic.version = 14 : i64} {
  func.func @_matmul2_kernel(%arg0: i32, %arg1: memref<1000x128xf32, #tpu.memory_space<vmem>>, %arg2: memref<128x64xf32, #tpu.memory_space<vmem>>, %arg3: memref<128x16xf32, #tpu.memory_space<vmem>>, %arg4: memref<1000x64xf32, #tpu.memory_space<vmem>>, %arg5: memref<1000x16xf32, #tpu.memory_space<vmem>>) attributes {dimension_semantics = [#tpu.dimension_semantics<arbitrary>], iteration_bounds = array<i64: 10>, scalar_prefetch = 0 : i64, scratch_operands = 0 : i64, tpu.core_type = #tpu.core_type<tc>, window_params = [{transform_indices = @transform_0, window_bounds = array<i64: 1000, 128>}, {pipeline_mode = #tpu.pipeline_mode<synchronous>, transform_indices = @transform_1, window_bounds = array<i64: 128, 64>}, {pipeline_mode = #tpu.pipeline_mode<synchronous>, transform_indices = @transform_2, window_bounds = array<i64: 128, 16>}, {transform_indices = @transform_3, window_bounds = array<i64: 1000, 64>}, {transform_indices = @transform_4, window_bounds = array<i64: 1000, 16>}]} {
    %get3A = arith.constant 0 : index
    %get3A_0 = arith.constant 0 : index
    %get3A_1 = vector.load %arg1[%get3A, %get3A_0] : memref<1000x128xf32, #tpu.memory_space<vmem>>, vector<1000x128xf32>
    %get3A_2 = arith.constant 0 : index
    %get3A_3 = arith.constant 0 : index
    %get3A_4 = vector.load %arg2[%get3A_2, %get3A_3] : memref<128x64xf32, #tpu.memory_space<vmem>>, vector<128x64xf32>
    %dot_general3A = arith.constant dense<0.000000e+00> : vector<1000x64xf32>
    %dot_general3A_5 = tpu.matmul %get3A_1, %get3A_4, %dot_general3A {dimension_numbers = #tpu.dot_dimension_numbers<[1], [0], [0], [1], [0, 0, 1, 1], [], []>, transpose_lhs_hint = false} : vector<1000x128xf32>, vector<128x64xf32>, vector<1000x64xf32> -> vector<1000x64xf32>
    %swap3A = arith.constant 0 : index
    %swap3A_6 = arith.constant 0 : index
    %swap3A_7 = vector.load %arg4[%swap3A, %swap3A_6] : memref<1000x64xf32, #tpu.memory_space<vmem>>, vector<1000x64xf32>
    tpu.vector_store %arg4[%swap3A, %swap3A_6], %dot_general3A_5 {strides = array<i32>} : memref<1000x64xf32, #tpu.memory_space<vmem>>, vector<1000x64xf32>,
    %get3A_8 = arith.constant 0 : index
    %get3A_9 = arith.constant 0 : index
    %get3A_10 = vector.load %arg3[%get3A_8, %get3A_9] : memref<128x16xf32, #tpu.memory_space<vmem>>, vector<128x16xf32>
    %dot_general3A_11 = arith.constant dense<0.000000e+00> : vector<1000x16xf32>
    %dot_general3A_12 = tpu.matmul %get3A_1, %get3A_10, %dot_general3A_11 {dimension_numbers = #tpu.dot_dimension_numbers<[1], [0], [0], [1], [0, 0, 1, 1], [], []>, transpose_lhs_hint = false} : vector<1000x128xf32>, vector<128x16xf32>, vector<1000x16xf32> -> vector<1000x16xf32>
    %swap3A_13 = arith.constant 0 : index
    %swap3A_14 = arith.constant 0 : index
    %swap3A_15 = vector.load %arg5[%swap3A_13, %swap3A_14] : memref<1000x16xf32, #tpu.memory_space<vmem>>, vector<1000x16xf32>
    tpu.vector_store %arg5[%swap3A_13, %swap3A_14], %dot_general3A_12 {strides = array<i32>} : memref<1000x16xf32, #tpu.memory_space<vmem>>, vector<1000x16xf32>,
    return
  }
  func.func @transform_0(%arg0: i32) -> (i32, i32) {
    %c0_i32 = arith.constant 0 : i32
    %c0_i32_0 = arith.constant 0 : i32
    return %arg0, %c0_i32 : i32, i32
  }
  func.func @transform_1(%arg0: i32) -> (i32, i32) {
    %c0_i32 = arith.constant 0 : i32
    %c0_i32_0 = arith.constant 0 : i32
    %c0_i32_1 = arith.constant 0 : i32
    return %c0_i32, %c0_i32_0 : i32, i32
  }
  func.func @transform_2(%arg0: i32) -> (i32, i32) {
    %c0_i32 = arith.constant 0 : i32
    %c0_i32_0 = arith.constant 0 : i32
    %c0_i32_1 = arith.constant 0 : i32
    return %c0_i32, %c0_i32_0 : i32, i32
  }
  func.func @transform_3(%arg0: i32) -> (i32, i32) {
    %c0_i32 = arith.constant 0 : i32
    %c0_i32_0 = arith.constant 0 : i32
    return %arg0, %c0_i32 : i32, i32
  }
  func.func @transform_4(%arg0: i32) -> (i32, i32) {
    %c0_i32 = arith.constant 0 : i32
    %c0_i32_0 = arith.constant 0 : i32
    return %arg0, %c0_i32 : i32, i32
  }
}

module attributes {stable_mosaic.version = 14 : i64} {
  func.func @_combine1_kernel(%arg0: i32, %arg1: memref<2x1000x64xf32, #tpu.memory_space<vmem>>, %arg2: memref<2x1000x8xf32, #tpu.memory_space<vmem>>, %arg3: memref<1000x64xf32, #tpu.memory_space<vmem>>, %arg4: memref<1000x16xf32, #tpu.memory_space<vmem>>, %arg5: memref<8x64xf32, #tpu.memory_space<vmem>>, %arg6: memref<64x16xf32, #tpu.memory_space<vmem>>, %arg7: memref<64x8xf32, #tpu.memory_space<vmem>>, %arg8: memref<1x64xf32, #tpu.memory_space<vmem>>, %arg9: memref<1000x16xf32, #tpu.memory_space<vmem>>, %arg10: memref<1000x8xf32, #tpu.memory_space<vmem>>) attributes {dimension_semantics = [#tpu.dimension_semantics<arbitrary>], iteration_bounds = array<i64: 10>, scalar_prefetch = 0 : i64, scratch_operands = 0 : i64, tpu.core_type = #tpu.core_type<tc>, window_params = [{transform_indices = @transform_0, window_bounds = array<i64: 2, 1000, 64>}, {transform_indices = @transform_1, window_bounds = array<i64: 2, 1000, 8>}, {transform_indices = @transform_2, window_bounds = array<i64: 1000, 64>}, {transform_indices = @transform_3, window_bounds = array<i64: 1000, 16>}, {pipeline_mode = #tpu.pipeline_mode<synchronous>, transform_indices = @transform_4, window_bounds = array<i64: 8, 64>}, {pipeline_mode = #tpu.pipeline_mode<synchronous>, transform_indices = @transform_5, window_bounds = array<i64: 64, 16>}, {pipeline_mode = #tpu.pipeline_mode<synchronous>, transform_indices = @transform_6, window_bounds = array<i64: 64, 8>}, {pipeline_mode = #tpu.pipeline_mode<synchronous>, transform_indices = @transform_7, window_bounds = array<i64: 1, 64>}, {transform_indices = @transform_8, window_bounds = array<i64: 1000, 16>}, {transform_indices = @transform_9, window_bounds = array<i64: 1000, 8>}]} {
    %get3A = arith.constant 0 : index
    %get3A_0 = arith.constant 0 : index
    %get3A_1 = vector.load %arg3[%get3A, %get3A_0] : memref<1000x64xf32, #tpu.memory_space<vmem>>, vector<1000x64xf32>
    %get3A_2 = arith.constant 0 : index
    %get3A_3 = arith.constant 0 : index
    %get3A_4 = vector.load %arg4[%get3A_2, %get3A_3] : memref<1000x16xf32, #tpu.memory_space<vmem>>, vector<1000x16xf32>
    %slice3A = vector.extract_strided_slice %get3A_4 {offsets = [0, 0], sizes = [1000, 8], strides = [1, 1]} : vector<1000x16xf32> to vector<1000x8xf32>
    %slice3A_5 = vector.extract_strided_slice %get3A_4 {offsets = [0, 8], sizes = [1000, 8], strides = [1, 1]} : vector<1000x16xf32> to vector<1000x8xf32>
    %add3A = arith.addf %slice3A, %slice3A_5 : vector<1000x8xf32>
    %mul3A = arith.constant 2.000000e-01 : f32
    %mul3A_6 = vector.broadcast %mul3A : f32 to vector<1000x8xf32>
    %mul3A_7 = arith.mulf %mul3A_6, %add3A : vector<1000x8xf32>
    %max3A = arith.maximumf %add3A, %mul3A_7 : vector<1000x8xf32>
    %exp3A = math.exp %max3A : vector<1000x8xf32>
    %get3A_8 = arith.constant 0 : index
    %get3A_9 = arith.constant 0 : index
    %get3A_10 = vector.load %arg5[%get3A_8, %get3A_9] : memref<8x64xf32, #tpu.memory_space<vmem>>, vector<8x64xf32>
    %get3A_11 = arith.constant 0 : index
    %get3A_12 = arith.constant 0 : index
    %get3A_13 = arith.constant 0 : index
    %get3A_14 = vector.load %arg2[%get3A_11, %get3A_12, %get3A_13] : memref<2x1000x8xf32, #tpu.memory_space<vmem>>, vector<1x1000x8xf32>
    %get3A_15 = vector.shape_cast %get3A_14 : vector<1x1000x8xf32> to vector<1000x8xf32>
    %add3A_16 = arith.constant 0.000000e+00 : f32
    %add3A_17 = vector.broadcast %add3A_16 : f32 to vector<1000x8xf32>
    %add3A_18 = arith.addf %add3A_17, %get3A_15 : vector<1000x8xf32>
    %get3A_19 = arith.constant 1 : index
    %get3A_20 = arith.constant 0 : index
    %get3A_21 = arith.constant 0 : index
    %get3A_22 = vector.load %arg2[%get3A_19, %get3A_20, %get3A_21] : memref<2x1000x8xf32, #tpu.memory_space<vmem>>, vector<1x1000x8xf32>
    %get3A_23 = vector.shape_cast %get3A_22 : vector<1x1000x8xf32> to vector<1000x8xf32>
    %add3A_24 = arith.addf %add3A_18, %get3A_23 : vector<1000x8xf32>
    %add3A_25 = arith.addf %add3A_24, %exp3A : vector<1000x8xf32>
    %dot_general3A = arith.constant dense<0.000000e+00> : vector<1000x64xf32>
    %dot_general3A_26 = tpu.matmul %add3A_25, %get3A_10, %dot_general3A {dimension_numbers = #tpu.dot_dimension_numbers<[1], [0], [0], [1], [0, 0, 1, 1], [], []>, transpose_lhs_hint = false} : vector<1000x8xf32>, vector<8x64xf32>, vector<1000x64xf32> -> vector<1000x64xf32>
    %dot_general3A_27 = arith.constant dense<0.000000e+00> : vector<1000x64xf32>
    %dot_general3A_28 = tpu.matmul %exp3A, %get3A_10, %dot_general3A_27 {dimension_numbers = #tpu.dot_dimension_numbers<[1], [0], [0], [1], [0, 0, 1, 1], [], []>, transpose_lhs_hint = false} : vector<1000x8xf32>, vector<8x64xf32>, vector<1000x64xf32> -> vector<1000x64xf32>
    %get3A_29 = arith.constant 0 : index
    %get3A_30 = arith.constant 0 : index
    %get3A_31 = arith.constant 0 : index
    %get3A_32 = vector.load %arg1[%get3A_29, %get3A_30, %get3A_31] : memref<2x1000x64xf32, #tpu.memory_space<vmem>>, vector<1x1000x64xf32>
    %get3A_33 = vector.shape_cast %get3A_32 : vector<1x1000x64xf32> to vector<1000x64xf32>
    %add3A_34 = arith.constant 0.000000e+00 : f32
    %add3A_35 = vector.broadcast %add3A_34 : f32 to vector<1000x64xf32>
    %add3A_36 = arith.addf %add3A_35, %get3A_33 : vector<1000x64xf32>
    %get3A_37 = arith.constant 1 : index
    %get3A_38 = arith.constant 0 : index
    %get3A_39 = arith.constant 0 : index
    %get3A_40 = vector.load %arg1[%get3A_37, %get3A_38, %get3A_39] : memref<2x1000x64xf32, #tpu.memory_space<vmem>>, vector<1x1000x64xf32>
    %get3A_41 = vector.shape_cast %get3A_40 : vector<1x1000x64xf32> to vector<1000x64xf32>
    %add3A_42 = arith.addf %add3A_36, %get3A_41 : vector<1000x64xf32>
    %mul3A_43 = arith.mulf %dot_general3A_28, %get3A_1 : vector<1000x64xf32>
    %add3A_44 = arith.addf %add3A_42, %mul3A_43 : vector<1000x64xf32>
    %div3A = arith.divf %add3A_44, %dot_general3A_26 : vector<1000x64xf32>
    %get3A_45 = arith.constant 0 : index
    %get3A_46 = arith.constant 0 : index
    %get3A_47 = vector.load %arg8[%get3A_45, %get3A_46] : memref<1x64xf32, #tpu.memory_space<vmem>>, vector<1x64xf32>
    %add3A_48 = vector.broadcast %get3A_47 : vector<1x64xf32> to vector<1000x64xf32>
    %add3A_49 = arith.addf %div3A, %add3A_48 : vector<1000x64xf32>
    %gt3A = arith.constant 0.000000e+00 : f32
    %gt3A_50 = vector.broadcast %gt3A : f32 to vector<1000x64xf32>
    %gt3A_51 = arith.cmpf ogt, %add3A_49, %gt3A_50 : vector<1000x64xf32>
    %min3A = arith.constant 0.000000e+00 : f32
    %min3A_52 = vector.broadcast %min3A : f32 to vector<1000x64xf32>
    %min3A_53 = arith.minimumf %add3A_49, %min3A_52 : vector<1000x64xf32>
    %exp3A_54 = math.exp %min3A_53 : vector<1000x64xf32>
    %sub3A = arith.constant 1.000000e+00 : f32
    %sub3A_55 = vector.broadcast %sub3A : f32 to vector<1000x64xf32>
    %sub3A_56 = arith.subf %exp3A_54, %sub3A_55 : vector<1000x64xf32>
    %select_n3A = arith.select %gt3A_51, %add3A_49, %sub3A_56 : vector<1000x64xi1>, vector<1000x64xf32>
    %get3A_57 = arith.constant 0 : index
    %get3A_58 = arith.constant 0 : index
    %get3A_59 = vector.load %arg6[%get3A_57, %get3A_58] : memref<64x16xf32, #tpu.memory_space<vmem>>, vector<64x16xf32>
    %dot_general3A_60 = arith.constant dense<0.000000e+00> : vector<1000x16xf32>
    %dot_general3A_61 = tpu.matmul %select_n3A, %get3A_59, %dot_general3A_60 {dimension_numbers = #tpu.dot_dimension_numbers<[1], [0], [0], [1], [0, 0, 1, 1], [], []>, transpose_lhs_hint = false} : vector<1000x64xf32>, vector<64x16xf32>, vector<1000x16xf32> -> vector<1000x16xf32>
    %swap3A = arith.constant 0 : index
    %swap3A_62 = arith.constant 0 : index
    %swap3A_63 = vector.load %arg9[%swap3A, %swap3A_62] : memref<1000x16xf32, #tpu.memory_space<vmem>>, vector<1000x16xf32>
    tpu.vector_store %arg9[%swap3A, %swap3A_62], %dot_general3A_61 {strides = array<i32>} : memref<1000x16xf32, #tpu.memory_space<vmem>>, vector<1000x16xf32>,
    %get3A_64 = arith.constant 0 : index
    %get3A_65 = arith.constant 0 : index
    %get3A_66 = vector.load %arg7[%get3A_64, %get3A_65] : memref<64x8xf32, #tpu.memory_space<vmem>>, vector<64x8xf32>
    %dot_general3A_67 = arith.constant dense<0.000000e+00> : vector<1000x8xf32>
    %dot_general3A_68 = tpu.matmul %select_n3A, %get3A_66, %dot_general3A_67 {dimension_numbers = #tpu.dot_dimension_numbers<[1], [0], [0], [1], [0, 0, 1, 1], [], []>, transpose_lhs_hint = false} : vector<1000x64xf32>, vector<64x8xf32>, vector<1000x8xf32> -> vector<1000x8xf32>
    %swap3A_69 = arith.constant 0 : index
    %swap3A_70 = arith.constant 0 : index
    %swap3A_71 = vector.load %arg10[%swap3A_69, %swap3A_70] : memref<1000x8xf32, #tpu.memory_space<vmem>>, vector<1000x8xf32>
    tpu.vector_store %arg10[%swap3A_69, %swap3A_70], %dot_general3A_68 {strides = array<i32>} : memref<1000x8xf32, #tpu.memory_space<vmem>>, vector<1000x8xf32>,
    return
  }
  func.func @transform_0(%arg0: i32) -> (i32, i32, i32) {
    %c0_i32 = arith.constant 0 : i32
    %c0_i32_0 = arith.constant 0 : i32
    %c0_i32_1 = arith.constant 0 : i32
    return %c0_i32, %arg0, %c0_i32_0 : i32, i32, i32
  }
  func.func @transform_1(%arg0: i32) -> (i32, i32, i32) {
    %c0_i32 = arith.constant 0 : i32
    %c0_i32_0 = arith.constant 0 : i32
    %c0_i32_1 = arith.constant 0 : i32
    return %c0_i32, %arg0, %c0_i32_0 : i32, i32, i32
  }
  func.func @transform_2(%arg0: i32) -> (i32, i32) {
    %c0_i32 = arith.constant 0 : i32
    %c0_i32_0 = arith.constant 0 : i32
    return %arg0, %c0_i32 : i32, i32
  }
  func.func @transform_3(%arg0: i32) -> (i32, i32) {
    %c0_i32 = arith.constant 0 : i32
    %c0_i32_0 = arith.constant 0 : i32
    return %arg0, %c0_i32 : i32, i32
  }
  func.func @transform_4(%arg0: i32) -> (i32, i32) {
    %c0_i32 = arith.constant 0 : i32
    %c0_i32_0 = arith.constant 0 : i32
    %c0_i32_1 = arith.constant 0 : i32
    return %c0_i32, %c0_i32_0 : i32, i32
  }
  func.func @transform_5(%arg0: i32) -> (i32, i32) {
    %c0_i32 = arith.constant 0 : i32
    %c0_i32_0 = arith.constant 0 : i32
    %c0_i32_1 = arith.constant 0 : i32
    return %c0_i32, %c0_i32_0 : i32, i32
  }
  func.func @transform_6(%arg0: i32) -> (i32, i32) {
    %c0_i32 = arith.constant 0 : i32
    %c0_i32_0 = arith.constant 0 : i32
    %c0_i32_1 = arith.constant 0 : i32
    return %c0_i32, %c0_i32_0 : i32, i32
  }
  func.func @transform_7(%arg0: i32) -> (i32, i32) {
    %c0_i32 = arith.constant 0 : i32
    %c0_i32_0 = arith.constant 0 : i32
    %c0_i32_1 = arith.constant 0 : i32
    return %c0_i32, %c0_i32_0 : i32, i32
  }
  func.func @transform_8(%arg0: i32) -> (i32, i32) {
    %c0_i32 = arith.constant 0 : i32
    %c0_i32_0 = arith.constant 0 : i32
    return %arg0, %c0_i32 : i32, i32
  }
  func.func @transform_9(%arg0: i32) -> (i32, i32) {
    %c0_i32 = arith.constant 0 : i32
    %c0_i32_0 = arith.constant 0 : i32
    return %arg0, %c0_i32 : i32, i32
  }
}

module attributes {stable_mosaic.version = 14 : i64} {
  func.func @_combine2_kernel(%arg0: i32, %arg1: memref<2x1000x16xf32, #tpu.memory_space<vmem>>, %arg2: memref<2x1000x8xf32, #tpu.memory_space<vmem>>, %arg3: memref<1000x16xf32, #tpu.memory_space<vmem>>, %arg4: memref<1000x8xf32, #tpu.memory_space<vmem>>, %arg5: memref<1x16xf32, #tpu.memory_space<vmem>>, %arg6: memref<1000x16xf32, #tpu.memory_space<vmem>>) attributes {dimension_semantics = [#tpu.dimension_semantics<arbitrary>], iteration_bounds = array<i64: 10>, scalar_prefetch = 0 : i64, scratch_operands = 0 : i64, tpu.core_type = #tpu.core_type<tc>, window_params = [{transform_indices = @transform_0, window_bounds = array<i64: 2, 1000, 16>}, {transform_indices = @transform_1, window_bounds = array<i64: 2, 1000, 8>}, {transform_indices = @transform_2, window_bounds = array<i64: 1000, 16>}, {transform_indices = @transform_3, window_bounds = array<i64: 1000, 8>}, {pipeline_mode = #tpu.pipeline_mode<synchronous>, transform_indices = @transform_4, window_bounds = array<i64: 1, 16>}, {transform_indices = @transform_5, window_bounds = array<i64: 1000, 16>}]} {
    %get3A = arith.constant 0 : index
    %get3A_0 = arith.constant 0 : index
    %get3A_1 = vector.load %arg3[%get3A, %get3A_0] : memref<1000x16xf32, #tpu.memory_space<vmem>>, vector<1000x16xf32>
    %get3A_2 = arith.constant 0 : index
    %get3A_3 = arith.constant 0 : index
    %get3A_4 = vector.load %arg4[%get3A_2, %get3A_3] : memref<1000x8xf32, #tpu.memory_space<vmem>>, vector<1000x8xf32>
    %slice3A = vector.extract_strided_slice %get3A_4 {offsets = [0, 0], sizes = [1000, 1], strides = [1, 1]} : vector<1000x8xf32> to vector<1000x1xf32>
    %slice3A_5 = vector.extract_strided_slice %get3A_4 {offsets = [0, 1], sizes = [1000, 1], strides = [1, 1]} : vector<1000x8xf32> to vector<1000x1xf32>
    %add3A = arith.addf %slice3A, %slice3A_5 : vector<1000x1xf32>
    %mul3A = arith.constant 2.000000e-01 : f32
    %mul3A_6 = vector.broadcast %mul3A : f32 to vector<1000x1xf32>
    %mul3A_7 = arith.mulf %mul3A_6, %add3A : vector<1000x1xf32>
    %max3A = arith.maximumf %add3A, %mul3A_7 : vector<1000x1xf32>
    %exp3A = math.exp %max3A : vector<1000x1xf32>
    %get3A_8 = arith.constant 0 : index
    %get3A_9 = arith.constant 0 : index
    %get3A_10 = arith.constant 0 : index
    %get3A_11 = vector.load %arg2[%get3A_8, %get3A_9, %get3A_10] : memref<2x1000x8xf32, #tpu.memory_space<vmem>>, vector<1x1000x8xf32>
    %get3A_12 = vector.shape_cast %get3A_11 : vector<1x1000x8xf32> to vector<1000x8xf32>
    %slice3A_13 = vector.extract_strided_slice %get3A_12 {offsets = [0, 0], sizes = [1000, 1], strides = [1, 1]} : vector<1000x8xf32> to vector<1000x1xf32>
    %add3A_14 = arith.constant 0.000000e+00 : f32
    %add3A_15 = vector.broadcast %add3A_14 : f32 to vector<1000x1xf32>
    %add3A_16 = arith.addf %add3A_15, %slice3A_13 : vector<1000x1xf32>
    %get3A_17 = arith.constant 1 : index
    %get3A_18 = arith.constant 0 : index
    %get3A_19 = arith.constant 0 : index
    %get3A_20 = vector.load %arg2[%get3A_17, %get3A_18, %get3A_19] : memref<2x1000x8xf32, #tpu.memory_space<vmem>>, vector<1x1000x8xf32>
    %get3A_21 = vector.shape_cast %get3A_20 : vector<1x1000x8xf32> to vector<1000x8xf32>
    %slice3A_22 = vector.extract_strided_slice %get3A_21 {offsets = [0, 0], sizes = [1000, 1], strides = [1, 1]} : vector<1000x8xf32> to vector<1000x1xf32>
    %add3A_23 = arith.addf %add3A_16, %slice3A_22 : vector<1000x1xf32>
    %add3A_24 = arith.addf %add3A_23, %exp3A : vector<1000x1xf32>
    %get3A_25 = arith.constant 0 : index
    %get3A_26 = arith.constant 0 : index
    %get3A_27 = arith.constant 0 : index
    %get3A_28 = vector.load %arg1[%get3A_25, %get3A_26, %get3A_27] : memref<2x1000x16xf32, #tpu.memory_space<vmem>>, vector<1x1000x16xf32>
    %get3A_29 = vector.shape_cast %get3A_28 : vector<1x1000x16xf32> to vector<1000x16xf32>
    %add3A_30 = arith.constant 0.000000e+00 : f32
    %add3A_31 = vector.broadcast %add3A_30 : f32 to vector<1000x16xf32>
    %add3A_32 = arith.addf %add3A_31, %get3A_29 : vector<1000x16xf32>
    %get3A_33 = arith.constant 1 : index
    %get3A_34 = arith.constant 0 : index
    %get3A_35 = arith.constant 0 : index
    %get3A_36 = vector.load %arg1[%get3A_33, %get3A_34, %get3A_35] : memref<2x1000x16xf32, #tpu.memory_space<vmem>>, vector<1x1000x16xf32>
    %get3A_37 = vector.shape_cast %get3A_36 : vector<1x1000x16xf32> to vector<1000x16xf32>
    %add3A_38 = arith.addf %add3A_32, %get3A_37 : vector<1000x16xf32>
    %mul3A_39 = vector.broadcast %exp3A : vector<1000x1xf32> to vector<1000x16xf32>
    %mul3A_40 = arith.mulf %mul3A_39, %get3A_1 : vector<1000x16xf32>
    %add3A_41 = arith.addf %add3A_38, %mul3A_40 : vector<1000x16xf32>
    %div3A = vector.broadcast %add3A_24 : vector<1000x1xf32> to vector<1000x16xf32>
    %div3A_42 = arith.divf %add3A_41, %div3A : vector<1000x16xf32>
    %get3A_43 = arith.constant 0 : index
    %get3A_44 = arith.constant 0 : index
    %get3A_45 = vector.load %arg5[%get3A_43, %get3A_44] : memref<1x16xf32, #tpu.memory_space<vmem>>, vector<1x16xf32>
    %add3A_46 = vector.broadcast %get3A_45 : vector<1x16xf32> to vector<1000x16xf32>
    %add3A_47 = arith.addf %div3A_42, %add3A_46 : vector<1000x16xf32>
    %swap3A = arith.constant 0 : index
    %swap3A_48 = arith.constant 0 : index
    %swap3A_49 = vector.load %arg6[%swap3A, %swap3A_48] : memref<1000x16xf32, #tpu.memory_space<vmem>>, vector<1000x16xf32>
    tpu.vector_store %arg6[%swap3A, %swap3A_48], %add3A_47 {strides = array<i32>} : memref<1000x16xf32, #tpu.memory_space<vmem>>, vector<1000x16xf32>,
    return
  }
  func.func @transform_0(%arg0: i32) -> (i32, i32, i32) {
    %c0_i32 = arith.constant 0 : i32
    %c0_i32_0 = arith.constant 0 : i32
    %c0_i32_1 = arith.constant 0 : i32
    return %c0_i32, %arg0, %c0_i32_0 : i32, i32, i32
  }
  func.func @transform_1(%arg0: i32) -> (i32, i32, i32) {
    %c0_i32 = arith.constant 0 : i32
    %c0_i32_0 = arith.constant 0 : i32
    %c0_i32_1 = arith.constant 0 : i32
    return %c0_i32, %arg0, %c0_i32_0 : i32, i32, i32
  }
  func.func @transform_2(%arg0: i32) -> (i32, i32) {
    %c0_i32 = arith.constant 0 : i32
    %c0_i32_0 = arith.constant 0 : i32
    return %arg0, %c0_i32 : i32, i32
  }
  func.func @transform_3(%arg0: i32) -> (i32, i32) {
    %c0_i32 = arith.constant 0 : i32
    %c0_i32_0 = arith.constant 0 : i32
    return %arg0, %c0_i32 : i32, i32
  }
  func.func @transform_4(%arg0: i32) -> (i32, i32) {
    %c0_i32 = arith.constant 0 : i32
    %c0_i32_0 = arith.constant 0 : i32
    %c0_i32_1 = arith.constant 0 : i32
    return %c0_i32, %c0_i32_0 : i32, i32
  }
  func.func @transform_5(%arg0: i32) -> (i32, i32) {
    %c0_i32 = arith.constant 0 : i32
    %c0_i32_0 = arith.constant 0 : i32
    return %arg0, %c0_i32 : i32, i32
  }
}

</mosaic_0001>

<sc_bundles>
// kernel: kernel.10.cloned.1.call-start
scs
__scs_entry_jumppad:
0x0: {  	(pc) =	sbr.rel $0x88, $3  }
0x1: {  	(tag) =	ssettag $0x0;
	lr =	simm.s32 $0x1  }
0x2: {  	[smem:$0x3F97] =	sst lr;
	_ =	strace $0xD0000000  }
0x3: {  	_ = 	snop  }
0x4: {  	_ = 	snop  }
0x5: {  	_ = 	snop  }
0x6: {  	_ = 	snop  }
0x7: {  	_ = 	snop  }
__scs_overlays_trampoline_lowered:
0x8: {  	[smem:$0x3FA6] =	sst s0  }
0x9: {  	[smem:$0x3FA7] =	sst s1  }
0xa: {  	[smem:$0x3FA8] =	sst s2  }
0xb: {  	[smem:$0x3FA9] =	sst s3  }
0xc: {  	[smem:$0x3FAA] =	sst s4  }
0xd: {  	[smem:$0x3FAB] =	sst s5  }
0xe: {  	[smem:$0x3FAC] =	sst s6  }
0xf: {  	[smem:$0x3FAD] =	sst s7  }
0x10: {  	[smem:$0x3FAE] =	sst s8  }
0x11: {  	[smem:$0x3FAF] =	sst s9;
	s0 =	simm.s32 @!p0 $0x0  }
0x12: {  	s1 =	sld [smem:$0x3F95];
	s0 =	simm.s32 @p0 $0x1  }
0x13: {  	[smem:$0x3FB0] =	sst s0;
	s0 =	simm.s32 @!p1 $0x0  }
0x14: {  	s2 =	sld [smem:$0x3F94];
	s0 =	simm.s32 @p1 $0x1  }
0x15: {  	[smem:$0x3FB1] =	sst s0;
	s0 =	simm.s32 @!p2 $0x0  }
0x16: {  	s3 =	sld [smem:$0x3FDB];
	s0 =	simm.s32 @p2 $0x1  }
0x17: {  	s4 =	simm.s32 $0x1BF5;
	[smem:$0x3FB3] =	sst s0  }
0x18: {  	s0 =	sld [smem:$0x3F96];
	_ =	swait.ge [sflag:s4], $0x0  }
0x19: {  	s7 =	sld [smem:$0x3F97]  }
0x1a: {  	s8 =	sadd.s32 $0xFFFFE003, lr  }
0x1b: {  	s9 =	sadd.s32 $0xFFFFFEF7, lr;
	s5 =	simm.s32 $0xFFFFFFFF;
	p2 =	slt.u32 s8, $0xFFFFF086  }
0x1c: {  	p1 =	slt.u32 s9, $0xF7A;
	s5 =	simm.s32 @!p2 $0x0  }
0x1d: {  	s5 =	simm.s32 @p1 $0x1;
	p0 =	seq.s32 s7, s2  }
0x1e: {  	s7 =	smul.u32 @!p0 $0xF7A, s2;
	p2 =	seq.s32 @!p0 s5, $0x0  }
0x1f: {  	s9 =	smul.u32 $0xF7A, s1;
	s8 =	simm.s32 @!p0 $0x1BF5;
	p2 =	por !p2, p0  }
0x20: {  	[sflag:s8] =	ssyncset.s32 @!p0 $0xFFFFF086;
	s6 =	sadd.s32 @!p0 s3, s7;
	s7 =	simm.s32 @!p0 $0x108  }
0x21: {  	s3 =	sadd.s32 s3, s9;
	s6 =	sadd.s32 @!p0 $0x88, s6;
	s7 =	simm.s32 @p2 $0x1082  }
0x22: {  	[simem:s7], [sflag:s8] =	dma.local @!p0 [hbm:s6], $0xF7A  }
0x23: {  	s9 =	sor.u32 $0xD0000000, s2;
	s6 =	simm.s32 $0x108;
	_ =	swait.ge @!p0 [sflag:s8], $0x0  }
0x24: {  	s3 =	sadd.s32 $0x88, s3;
	s6 =	simm.s32 @!p1 $0x1082;
	[sflag:s4] =	ssyncset.s32 $0xFFFFF086  }
0x25: {  	[simem:s6], [sflag:s4] =	dma.local [hbm:s3], $0xF7A  }
0x26: {  	[smem:$0x3F97] =	sst s1;
	(tag) =	ssettag s2;
	_ =	strace s9  }
0x27: {  	s1 =	sld [smem:$0x3FA7]  }
0x28: {  	s2 =	sld [smem:$0x3FA8]  }
0x29: {  	s4 =	sld [smem:$0x3FAA]  }
0x2a: {  	p0 =	seq.s32 s5, $0x0;
	s5 =	sld [smem:$0x3FAB]  }
0x2b: {  	s6 =	sld [smem:$0x3FAC]  }
0x2c: {  	s7 =	sld [smem:$0x3FAD]  }
0x2d: {  	s3 =	simm.s32 $0x108;
	s8 =	sld [smem:$0x3FAE]  }
0x2e: {  	s3 =	simm.s32 @!p0 $0x1082;
	s9 =	sld [smem:$0x3FAF]  }
0x2f: {  	lr =	sadd.s32 s0, s3;
	s0 =	sld [smem:$0x3FA6]  }
0x30: {  	s3 =	sld [smem:$0x3FA9]  }
0x31: {  	[smem:$0x3FB2] =	sst s10  }
0x32: {  	s10 =	sld [smem:$0x3FB0];
	_ =	sdelay $0x3  }
0x33: {  	p0 =	seq.s32 s10, $0x1;
	s10 =	sld [smem:$0x3FB2];
	_ =	sdelay $0x3  }
0x34: {  	[smem:$0x3FB2] =	sst s10  }
0x35: {  	s10 =	sld [smem:$0x3FB1];
	_ =	sdelay $0x3  }
0x36: {  	p1 =	seq.s32 s10, $0x1;
	s10 =	sld [smem:$0x3FB2];
	_ =	sdelay $0x3  }
0x37: {  	[smem:$0x3FB2] =	sst s10  }
0x38: {  	s10 =	sld [smem:$0x3FB3]  }
0x39: {  	_ = 	snop;
	(pc) =	sbr.ind lr, $3  }
0x3a: {  	_ = 	snop  }
0x3b: {  	_ = 	snop  }
0x3c: {  	p2 =	seq.s32 s10, $0x1;
	s10 =	sld [smem:$0x3FB2]  }
0x3d: {  	_ =	shalt  }
0x3e: {  	_ =	shalt  }
0x3f: {  	_ =	shalt  }
0x40: {  	_ =	shalt  }
0x41: {  	_ =	shalt  }
0x42: {  	_ =	shalt  }
0x43: {  	_ =	shalt  }
0x44: {  	_ =	shalt  }
0x45: {  	_ =	shalt  }
0x46: {  	_ =	shalt  }
0x47: {  	_ =	shalt  }
0x48: {  	_ =	shalt  }
0x49: {  	_ =	shalt  }
0x4a: {  	_ =	shalt  }
0x4b: {  	_ =	shalt  }
0x4c: {  	_ =	shalt  }
0x4d: {  	_ =	shalt  }
0x4e: {  	_ =	shalt  }
0x4f: {  	_ =	shalt  }
0x50: {  	_ =	shalt  }
0x51: {  	_ =	shalt  }
0x52: {  	_ =	shalt  }
0x53: {  	_ =	shalt  }
0x54: {  	_ =	shalt  }
0x55: {  	_ =	shalt  }
0x56: {  	_ =	shalt  }
0x57: {  	_ =	shalt  }
0x58: {  	_ =	shalt  }
0x59: {  	_ =	shalt  }
0x5a: {  	_ =	shalt  }
0x5b: {  	_ =	shalt  }
0x5c: {  	_ =	shalt  }
0x5d: {  	_ =	shalt  }
0x5e: {  	_ =	shalt  }
0x5f: {  	_ =	shalt  }
0x60: {  	_ =	shalt  }
0x61: {  	_ =	shalt  }
0x62: {  	_ =	shalt  }
0x63: {  	_ =	shalt  }
0x64: {  	_ =	shalt  }
0x65: {  	_ =	shalt  }
0x66: {  	_ =	shalt  }
0x67: {  	_ =	shalt  }
0x68: {  	_ =	shalt  }
0x69: {  	_ =	shalt  }
0x6a: {  	_ =	shalt  }
0x6b: {  	_ =	shalt  }
0x6c: {  	_ =	shalt  }
0x6d: {  	_ =	shalt  }
0x6e: {  	_ =	shalt  }
0x6f: {  	_ =	shalt  }
0x70: {  	_ =	shalt  }
0x71: {  	_ =	shalt  }
0x72: {  	_ =	shalt  }
0x73: {  	_ =	shalt  }
0x74: {  	_ =	shalt  }
0x75: {  	_ =	shalt  }
0x76: {  	_ =	shalt  }
0x77: {  	_ =	shalt  }
0x78: {  	_ =	shalt  }
0x79: {  	_ =	shalt  }
0x7a: {  	_ =	shalt  }
0x7b: {  	_ =	shalt  }
0x7c: {  	_ =	shalt  }
0x7d: {  	_ =	shalt  }
0x7e: {  	_ =	shalt  }
0x7f: {  	_ =	shalt  }
0x80: {  	_ =	shalt  }
0x81: {  	_ =	shalt  }
0x82: {  	_ =	shalt  }
0x83: {  	_ =	shalt  }
0x84: {  	_ =	shalt  }
0x85: {  	_ =	shalt  }
0x86: {  	_ =	shalt  }
0x87: {  	_ =	shalt  }
.Lfunc_end0:
.L_simem_size_0:
called_computation.1_lowered:
.L_overlay_start_0:
0x88: {  	s2 =	sld [smem:$0x3FD9]  }
0x89: {  	s3 =	sld [smem:$0x3FFE];
	_ =	sdelay $0x1  }
0x8a: {  	s1 =	srdreg.scid  }
0x8b: {  	s0 =	sand.u32 $0x1, s1  }
0x8c: {  	s17 =	sshll.u32 s0, $0xA;
	s2 =	sadd.s32 s3, s2  }
0x8d: {  	s2 =	sadd.s32 s2, s17  }
0x8e: {  	[smem:$0x3FBE] =	sst s2  }
0x8f: {  	_ = 	snop  }
0x90: {  	s2 =	sld [smem:$0x3FD0];
	(tm) =	ssettm $0x1  }
0x91: {  	s18 =	sld [smem:$0x3FFB];
	_ =	sdelay $0x3  }
0x92: {  	_ =	strace s18  }
0x93: {  	s3 =	sld [smem:$0x3FFC];
	_ =	sdelay $0x3  }
0x94: {  	_ =	strace s3  }
0x95: {  	s3 =	sld [smem:$0x3FFD];
	_ =	sdelay $0x3  }
0x96: {  	_ =	strace s3  }
0x97: {  	_ =	strace $0x8FFFFFFF  }
0x98: {  	s19 =	sld [smem:$0x3FDB];
	_ =	sdelay $0x1  }
0x99: {  	s4 =	simm.s32 $_scs_section_size  }
0x9a: {  	s5 =	simm.s32 $_size__tile_overlayer_lowered;
	s6 =	simm.s32 $_tile_overlayer_lowered  }
0x9b: {  	s22 =	simm.s32 $0x1BFF;
	s21 =	sshll.u32 s6, $0x1;
	s3 =	sadd.s32 s4, s19  }
0x9c: {  	s7 =	simm.s32 $0x0;
	s20 =	sshll.u32 s5, $0x1;
	s5 =	sadd.s32 s21, s3  }
0x9d: {  	[timem:s7], [sflag:s22] =	dma.local [hbm:s5], s20  }
0x9e: {  	_ =	swait.ge [sflag:s22], s20  }
0x9f: {  	s4 =	ssub.s32 $0x0, s20;
	[sflag:s22] =	ssyncset.done $0x0  }
0xa0: {  	[sflag:s22] =	ssyncadd.s32 s4;
	_ =	sdelay $0x1  }
0xa1: {  	s23 =	simm.s32 $0x1B8B  }
0xa2: {  	_ =	swait.ge [sflag:s23], $0x1  }
0xa3: {  	[sflag:s23] =	ssyncset.done $0x0  }
0xa4: {  	s25 =	simm.s32 $0x1B8E;
	s24 =	sld [smem:$0x3FFE];
	[sflag:s23] =	ssyncadd.s32 $0xFFFFFFFF  }
0xa5: {  	s26 =	simm.s32 $execute0_lowered;
	[smem:$0x3FD2] =	sst s25  }
0xa6: {  	s5 =	sshll.u32 s26, $0x1;
	_ =	strace $0x80000049;
	[dreg:$0x1] =	wrdreg $0xFFFFFFFF  }
0xa7: {  	s28 =	simm.s32 $_size_execute0_lowered;
	s3 =	sadd.s32 s3, s5;
	[dreg:$0x0] =	wrdreg $0x0  }
0xa8: {  	s5 =	sshll.u32 s28, $0x1;
	[dreg:$0x2] =	wrdreg s3  }
0xa9: {  	[dreg:$0x3] =	wrdreg s5  }
0xaa: {  	[dreg:$0x4] =	wrdreg $0xC0  }
0xab: {  	_ =	task [dreg:s7], $0x5FFFF  }
0xac: {  	[dreg:$0x1] =	wrdreg $0xFFFFFFFF  }
0xad: {  	[dreg:$0x0] =	wrdreg $0x60  }
0xae: {  	[dreg:$0x2] =	wrdreg s24  }
0xaf: {  	[dreg:$0x3] =	wrdreg s2  }
0xb0: {  	[dreg:$0x4] =	wrdreg $0x7E000  }
0xb1: {  	[dreg:$0x5] =	wrdreg $0xA5200  }
0xb2: {  	[dreg:$0x6] =	wrdreg $0x9  }
0xb3: {  	_ =	task.clear_ibuf [dreg:s7], $0x7FFFF;
	_ =	strace $0x90000049  }
0xb4: {  	s29 =	simm.s32 $0x9;
	_ =	strace $0x8000004B  }
0xb5: {  	_ =	swait.ge [sflag:s29], $0x1  }
0xb6: {  	[sflag:s29] =	ssyncadd.s32 $0xFFFFFFFF  }
0xb7: {  	_ =	strace $0x9000004B  }
0xb8: {  	_ =	sfence  }
0xb9: {  	s30 =	sld [smem:$0x0];
	_ =	sdelay $0x2  }
0xba: {  	s31 =	sshll.u32 s1, $0xD;
	s1 =	sshrl.u32 s1, $0x2  }
0xbb: {  	s3 =	sand.u32 $0x4000, s31;
	s1 =	sadd.s32 s1, s30  }
0xbc: {  	s0 =	sor.u32 s3, s0;
	s1 =	sshll.u32 s1, $0x11  }
0xbd: {  	s0 =	sor.u32 s1, s0  }
0xbe: {  	s0 =	sadd.s32 $0x8F2B, s0  }
0xbf: {  	[sflag:s0] =	ssyncadd.remote.s32 $0x1  }
0xc0: {  	_ =	sfence.sel $0xFFFF  }
0xc1: {  	[dreg:$0x0] =	wrdreg $0xFFFFFFFF;
	(pc) =	sbr.abs _section_cstart, $3  }
0xc2: {  	[dreg:$0x1] =	wrdreg $0xFFFFFFFF  }
0xc3: {  	_ =	task.clear_ibuf [dreg:s7], $0x2FFFF;
	_ =	strace $0x9FFFFFFF  }
0xc4: {  	(tm) =	ssettm $0x7FFFFFFF  }
0xc5: {  	_ =	shalt  }
tec
execute0_lowered:
.L_overlay_start_1:
0x0: {  	(tag) =	ssettag $0x1  }
0x1: {  	s0 =	rddreg [dreg:$0x0]  }
0x2: {  	s1 =	rddreg [dreg:$0x1]  }
0x3: {  	s2 =	rddreg [dreg:$0x2]  }
0x4: {  	s3 =	rddreg [dreg:$0x3]  }
0x5: {  	s4 =	simm.s32 $0x0;
	s6 =	srdreg.scid;
	s21 =	stileid.u32  }
0x6: {  	s28 =	simm.s32 $0x4;
	s31 =	simm.s32 $0x80;
	[smem:$0x7FF] =	sst s4  }
0x7: {  	s5 =	sadd.s32 $0x2800, s0;
	s7 =	sadd.s32 $0x47400, s0;
	s11 =	smul.u32 $0x270, s21  }
0x8: {  	s8 =	sadd.s32 $0xC800, s0;
	s10 =	sadd.s32 $0xF000, s0;
	s14 =	smul.u32 $0x2700, s21  }
0x9: {  	s6 =	sand.u32 $0x1, s6;
	s0 =	sadd.s32 $0x18E00, s0;
	s18 =	smul.u32 $0x1380, s21  }
0xa: {  	s29 =	sadd.s32 $0x13800, s3;
	p0 =	sne.s32 s21, $0xF;
	_ =	strace $0x8000004A  }
0xb: {  	s9 =	ssub.s32 $0x2, s6;
	s13 =	sshll.u32 s6, $0x4;
	s19 =	smul.u32 $0x27100, s6  }
0xc: {  	s6 =	smul.u32 $0x13880, s6;
	s12 =	sshrl.u32 s9, $0x1;
	s13 =	sor.u32 s21, s13  }
0xd: {  	s26 =	sadd.s32 $0x100, s11;
	s23 =	sadd.s32 s14, s2;
	s11 =	sadd.s32 $0x200, s11  }
0xe: {  	s24 =	sadd.s32 s18, s3;
	s17 =	ssub.s32 s9, s12;
	s15 =	sshll.u32 s26, $0x4  }
0xf: {  	s9 =	sshll.u32 s11, $0x4;
	s16 =	sshll.u32 s26, $0x3;
	s11 =	sshll.u32 s11, $0x3  }
0x10: {  	s25 =	smul.u32 $0x500, s13;
	s14 =	sadd.s32 s14, s19;
	[dreg:$0x9] =	wrdreg s23  }
0x11: {  	s26 =	sadd.s32 $0x27000, s2;
	[dreg:$0xa] =	wrdreg s24;
	s30 =	sadd.s32 s15, s2  }
0x12: {  	s12 =	sshrl.u32 s19, $0x3;
	s15 =	sadd.s32 s9, s2;
	[dreg:$0x5] =	wrdreg s30  }
0x13: {  	s20 =	sadd.s32 s16, s3;
	s22 =	sadd.s32 s11, s3;
	[dreg:$0x6] =	wrdreg s15  }
0x14: {  	s14 =	sshrl.u32 s14, $0x3;
	s16 =	sadd.s32 s18, s6;
	[dreg:$0x7] =	wrdreg s20  }
0x15: {  	s6 =	sshrl.u32 s6, $0x3;
	s11 =	simm.s32 $0x2;
	[dreg:$0x8] =	wrdreg s22  }
0x16: {  	s30 =	sadd.s32 s10, s14;
	s10 =	sadd.s32 s10, s12;
	s15 =	sadd.s32 s5, s25  }
0x17: {  	s18 =	sadd.s32 s7, s25;
	s19 =	sshrl.u32 s16, $0x3;
	[dreg:$0xb] =	wrdreg s30  }
0x18: {  	s20 =	smul.u32 $0x2800, s13;
	s13 =	simm.s32 $0x3;
	[dreg:$0xc] =	wrdreg s15  }
0x19: {  	s14 =	simm.s32 $0x0;
	[dreg:$0xd] =	wrdreg s18;
	s22 =	sadd.s32 s0, s19  }
0x1a: {  	s0 =	sadd.s32 s0, s6;
	s25 =	sadd.s32 $0x4E00, s10;
	[dreg:$0xe] =	wrdreg s22  }
0x1b: {  	v3 =	vlaneseq.u32;
	s30 =	smax.u32 s17, $0x1;
	s6 =	simm.s32 $0x4E00;
	[dreg:$0xf] =	wrdreg s25  }
0x1c: {  	v0 =	vimm.f32 $0.0e+00;
	v1 =	vshrl.u32 v3, $0x3;
	s10 =	simm.s32 $0x1;
	s0 =	sadd.s32 $0x2700, s0;
	[dreg:$0x11] =	wrdreg s30  }
0x1d: {  	v2 =	vand.u32 $0x7, v3;
	v3 =	vmul.u32 $0x8, v3;
	v1 =	vmul.u32 $0x8, v1;
	s25 =	simm.s32 $0x6600;
	[dreg:$0x10] =	wrdreg s0;
	s0 =	simm.s32 $0x3600  }
.LBB2_1:
0x1e: {  	s17 =	simm.s32 $0x2670  }
0x1f: {  	[tilespmem:s17+$0xFFFFFF90] =	vst v0  }
0x20: {  	[tilespmem:s17+$0x0] =	vst v0  }
0x21: {  	[tilespmem:s17+$0xFFFFFFF0] =	vst v0  }
0x22: {  	[tilespmem:s17+$0xFFFFFFE0] =	vst v0  }
0x23: {  	[tilespmem:s17+$0xFFFFFFD0] =	vst v0  }
0x24: {  	[tilespmem:s17+$0xFFFFFFC0] =	vst v0  }
0x25: {  	s18 =	simm.s32 $0x0;
	[tilespmem:s17+$0xFFFFFFB0] =	vst v0  }
.LBB2_2:
0x26: {  	s18 =	sadd.s32 $0x8, s18;
	[tilespmem:s17+$0xFFFFFFA0] =	vst v0;
	s17 =	sadd.s32 $0x80, s17;
	s19 =	simm.s32 $0x20E  }
0x27: {  	[tilespmem:s17+$0xFFFFFF90] =	vst v0;
	p1 =	slt.u32 s18, $0xF8  }
0x28: {  	[tilespmem:s17+$0x0] =	vst v0  }
.Ltmp0:
0x29: {  	[tilespmem:s17+$0xFFFFFFF0] =	vst v0;
	(pc) =	sbr.rel @p1 .LBB2_2-.Ltmp0, $4  }
0x2a: {  	[tilespmem:s17+$0xFFFFFFE0] =	vst v0  }
0x2b: {  	[tilespmem:s17+$0xFFFFFFD0] =	vst v0  }
0x2c: {  	[tilespmem:s17+$0xFFFFFFC0] =	vst v0  }
0x2d: {  	[tilespmem:s17+$0xFFFFFFB0] =	vst v0  }
0x2e: {  	s18 =	simm.s32 $0x202;
	s21 =	simm.s32 $0x20C  }
0x2f: {  	v4 =	vmov s19;
	s15 =	simm.s32 $0x204;
	s16 =	simm.s32 $0x206;
	v5 =	vmov s18;
	v6 =	vmov s21  }
0x30: {  	s22 =	simm.s32 $0x200;
	s30 =	simm.s32 $0x208;
	s9 =	simm.s32 $0x20A;
	v4 =	vshll.u32 v4, $0x3;
	v7 =	vmov s15;
	v8 =	vmov s16  }
0x31: {  	s19 =	simm.s32 $0x216;
	v9 =	vmov s22;
	v10 =	vmov s30;
	v11 =	vmov s9  }
0x32: {  	s21 =	simm.s32 $0x210;
	v15 =	vmov s19;
	s22 =	simm.s32 $0x218;
	v6 =	vshll.u32 v6, $0x3;
	v9 =	vshll.u32 v9, $0x3  }
0x33: {  	s30 =	simm.s32 $0x21A;
	v5 =	vshll.u32 v5, $0x3;
	v16 =	vmov s21;
	v17 =	vmov s22  }
0x34: {  	v62 =	vmov s30;
	v6 =	vor.u32 v1, v6;
	v5 =	vor.u32 v1, v5  }
0x35: {  	v12 =	vor.u32 v2, v6;
	v6 =	vshll.u32 v7, $0x3;
	v7 =	vshll.u32 v8, $0x3  }
0x36: {  	v8 =	vor.u32 v1, v9;
	v9 =	vshll.u32 v10, $0x3;
	v10 =	vshll.u32 v11, $0x3  }
0x37: {  	v11 =	vor.u32 v1, v4;
	v13 =	vor.u32 v2, v5;
	v6 =	vor.u32 v1, v6  }
0x38: {  	v7 =	vor.u32 v1, v7;
	v9 =	vor.u32 v1, v9;
	v10 =	vor.u32 v1, v10  }
0x39: {  	s16 =	simm.s32 $0x21C;
	v8 =	vor.u32 v2, v8;
	v14 =	vor.u32 v2, v6;
	v7 =	vor.u32 v2, v7  }
0x3a: {  	s12 =	simm.s32 $0x21E;
	v4 =	vor.u32 v2, v9;
	v6 =	vor.u32 v2, v11;
	v11 =	vmov s16  }
0x3b: {  	[tilespmem:s17+$0xFFFFFFA0] =	vst v0;
	s15 =	simm.s32 $0x212;
	v9 =	vmov s12;
	v5 =	vor.u32 v2, v10;
	v11 =	vshll.u32 v11, $0x3  }
0x3c: {  	s18 =	simm.s32 $0x214;
	v10 =	vmov s15;
	v9 =	vshll.u32 v9, $0x3;
	v11 =	vor.u32 v1, v11;
	[tilespmem:v12+s25+$0x0] =	vst.idx.msk $0xffff, v0  }
0x3d: {  	v10 =	vshll.u32 v10, $0x3;
	v12 =	vmov s18;
	v18 =	vor.u32 v2, v11;
	[tilespmem:v13+s25+$0x0] =	vst.idx.msk $0xffff, v0  }
0x3e: {  	v13 =	vshll.u32 v17, $0x3;
	[tilespmem:v8+s25+$0x0] =	vst.idx.msk $0xffff, v0;
	v8 =	vshll.u32 v16, $0x3;
	v11 =	vshll.u32 v12, $0x3  }
0x3f: {  	v12 =	vshll.u32 v15, $0x3;
	v13 =	vor.u32 v1, v13;
	[tilespmem:v14+s25+$0x0] =	vst.idx.msk $0xffff, v0;
	v8 =	vor.u32 v1, v8  }
0x40: {  	v14 =	vshll.u32 v62, $0x3;
	[tilespmem:v7+s25+$0x0] =	vst.idx.msk $0xffff, v0;
	v7 =	vor.u32 v1, v10;
	v15 =	vor.u32 v1, v11  }
0x41: {  	v63 =	vor.u32 v1, v12;
	v11 =	vor.u32 v1, v9;
	v13 =	vor.u32 v2, v13  }
0x42: {  	v12 =	vor.u32 v1, v14;
	v10 =	vor.u32 v2, v8;
	v8 =	vor.u32 v2, v7  }
0x43: {  	s17 =	simm.s32 $0x8;
	s18 =	simm.s32 $0x22E;
	v9 =	vor.u32 v2, v15;
	v7 =	vor.u32 v2, v63;
	[tilespmem:v18+s25+$0x0] =	vst.idx.msk $0xffff, v0  }
.LBB2_4:
0x44: {  	s19 =	sadd.s32 $0xFFFFFFF4, s18;
	s21 =	sadd.s32 $0xFFFFFFFE, s18;
	v14 =	vmov s18;
	s17 =	sadd.s32 $0x8, s17;
	v12 =	vor.u32 v2, v12;
	v11 =	vor.u32 v2, v11;
	[tilespmem:v4+s25+$0x0] =	vst.idx.msk $0xffff, v0;
	v4 =	vmovc v13  }
0x45: {  	s22 =	sadd.s32 $0xFFFFFFF8, s18;
	v13 =	vmov s19;
	s19 =	sadd.s32 $0xFFFFFFF6, s18;
	v15 =	vmov s21;
	v14 =	vshll.u32 v14, $0x3;
	p1 =	slt.u32 s17, $0x78;
	[tilespmem:v5+s25+$0x0] =	vst.idx.msk $0xffff, v0;
	v5 =	vmovc v12  }
0x46: {  	s21 =	sadd.s32 $0xFFFFFFF2, s18;
	v16 =	vmov s22;
	s22 =	sadd.s32 $0xFFFFFFFC, s18;
	v12 =	vmov s19;
	s19 =	sadd.s32 $0xFFFFFFFA, s18;
	v15 =	vshll.u32 v15, $0x3;
	[tilespmem:v6+s25+$0x0] =	vst.idx.msk $0xffff, v0;
	v6 =	vmovc v11  }
0x47: {  	v11 =	vmov s21;
	v17 =	vmov s19;
	v15 =	vor.u32 v1, v15;
	[tilespmem:v10+s25+$0x0] =	vst.idx.msk $0xffff, v0  }
0x48: {  	v10 =	vshll.u32 v11, $0x3;
	v11 =	vmov s22;
	v15 =	vor.u32 v2, v15;
	[tilespmem:v8+s25+$0x0] =	vst.idx.msk $0xffff, v0  }
0x49: {  	v12 =	vshll.u32 v12, $0x3;
	v8 =	vshll.u32 v13, $0x3;
	v13 =	vshll.u32 v16, $0x3;
	[tilespmem:v9+s25+$0x0] =	vst.idx.msk $0xffff, v0  }
.Ltmp1:
0x4a: {  	v11 =	vshll.u32 v11, $0x3;
	v9 =	vor.u32 v1, v10;
	v10 =	vshll.u32 v17, $0x3;
	[tilespmem:v7+s25+$0x0] =	vst.idx.msk $0xffff, v0;
	(pc) =	sbr.rel @p1 .LBB2_4-.Ltmp1, $4  }
0x4b: {  	v16 =	vor.u32 v1, v12;
	v13 =	vor.u32 v1, v13;
	v7 =	vor.u32 v1, v8  }
0x4c: {  	v12 =	vor.u32 v1, v11;
	v11 =	vor.u32 v1, v14;
	v17 =	vor.u32 v1, v10  }
0x4d: {  	v10 =	vor.u32 v2, v9;
	v8 =	vor.u32 v2, v7;
	[tilespmem:v15+s25+$0x0] =	vst.idx.msk $0xffff, v0  }
0x4e: {  	s18 =	sadd.s32 $0x10, s18;
	v9 =	vor.u32 v2, v16;
	v7 =	vor.u32 v2, v13;
	v13 =	vor.u32 v2, v17  }
0x4f: {  	_ =	sdelay $0x3  }
0x50: {  	[tilespmem:v4+s25+$0x0] =	vst.idx.msk $0xffff, v0  }
0x51: {  	[tilespmem:v5+s25+$0x0] =	vst.idx.msk $0xffff, v0  }
0x52: {  	[tilespmem:v6+s25+$0x0] =	vst.idx.msk $0xffff, v0  }
0x53: {  	v4 =	vor.u32 v2, v12;
	[tilespmem:v10+s25+$0x0] =	vst.idx.msk $0xffff, v0  }
0x54: {  	v5 =	vor.u32 v2, v11;
	[tilespmem:v8+s25+$0x0] =	vst.idx.msk $0xffff, v0  }
0x55: {  	[tilespmem:v9+s25+$0x0] =	vst.idx.msk $0xffff, v0  }
0x56: {  	[tilespmem:v7+s25+$0x0] =	vst.idx.msk $0xffff, v0  }
0x57: {  	[tilespmem:v13+s25+$0x0] =	vst.idx.msk $0xffff, v0  }
0x58: {  	[tilespmem:v4+s25+$0x0] =	vst.idx.msk $0xffff, v0  }
0x59: {  	s12 =	simm.s32 $0x2600;
	[tilespmem:v5+s25+$0x0] =	vst.idx.msk $0xffff, v0  }
0x5a: {  	[spmem:s23] =	stream.linear.scatter [tilespmem:s12], [sflag:$0x4], $0x1000, $0x38;
	[tilespmem:$0xB8B0] =	vst v63  }
0x5b: {  	_ =	swait.ge [sflag:s28], $0x1000  }
0x5c: {  	[sflag:s28] =	ssyncset.done $0x0  }
0x5d: {  	s9 =	rddreg [dreg:$0x5];
	[sflag:s28] =	ssyncadd.s32 $0xFFFFF000  }
0x5e: {  	[spmem:s9] =	stream.linear.scatter [tilespmem:s12], [sflag:$0x4], $0x1000, $0x38;
	[tilespmem:$0xB8B0] =	vst v63  }
0x5f: {  	_ =	swait.ge [sflag:s28], $0x1000  }
0x60: {  	[sflag:s28] =	ssyncset.done $0x0  }
0x61: {  	s15 =	rddreg [dreg:$0x6];
	[sflag:s28] =	ssyncadd.s32 $0xFFFFF000  }
0x62: {  	[spmem:s15] =	stream.linear.scatter [tilespmem:s12], [sflag:$0x4], $0x700, $0x38;
	[tilespmem:$0xB8B0] =	vst v63  }
0x63: {  	_ =	swait.ge [sflag:s28], $0x700  }
0x64: {  	[sflag:s28] =	ssyncset.done $0x0  }
0x65: {  	s16 =	simm.s32 $0x7600;
	[sflag:s28] =	ssyncadd.s32 $0xFFFFF900  }
0x66: {  	[spmem:s24] =	stream.linear.scatter [tilespmem:s16], [sflag:$0x4], $0x800, $0x38;
	[tilespmem:$0xB8B0] =	vst v63  }
0x67: {  	_ =	swait.ge [sflag:s28], $0x800  }
0x68: {  	[sflag:s28] =	ssyncset.done $0x0  }
0x69: {  	s17 =	rddreg [dreg:$0x7];
	[sflag:s28] =	ssyncadd.s32 $0xFFFFF800  }
0x6a: {  	[spmem:s17] =	stream.linear.scatter [tilespmem:s16], [sflag:$0x4], $0x800, $0x38;
	[tilespmem:$0xB8B0] =	vst v63  }
0x6b: {  	_ =	swait.ge [sflag:s28], $0x800  }
0x6c: {  	[sflag:s28] =	ssyncset.done $0x0  }
0x6d: {  	s18 =	rddreg [dreg:$0x8];
	[sflag:s28] =	ssyncadd.s32 $0xFFFFF800  }
0x6e: {  	[spmem:s18] =	stream.linear.scatter [tilespmem:s16], [sflag:$0x4], $0x380, $0x38;
	[tilespmem:$0xB8B0] =	vst v63  }
0x6f: {  	_ =	swait.ge [sflag:s28], $0x380  }
0x70: {  	[sflag:s28] =	ssyncset.done $0x0  }
0x71: {  	s17 =	simm.s32 @!p0 $0x2600;
	[sflag:s28] =	ssyncadd.s32 $0xFFFFFC80  }
0x72: {  	[spmem:s26] =	stream.linear.scatter @!p0 [tilespmem:s17], [sflag:$0x4], $0x100, $0x38;
	[tilespmem:$0xB8B0] =	vst v63  }
0x73: {  	s17 =	simm.s32 @!p0 $0x4  }
0x74: {  	_ =	swait.ge @!p0 [sflag:s17], $0x100  }
0x75: {  	[sflag:s17] =	ssyncset.done @!p0 $0x0  }
0x76: {  	s18 =	simm.s32 @!p0 $0x7600;
	[sflag:s17] =	ssyncadd.s32 @!p0 $0xFFFFFF00  }
0x77: {  	[spmem:s29] =	stream.linear.scatter @!p0 [tilespmem:s18], [sflag:$0x4], $0x80, $0x38;
	[tilespmem:$0xB8B0] =	vst v63  }
0x78: {  	_ =	swait.ge @!p0 [sflag:s17], $0x80  }
0x79: {  	[sflag:s17] =	ssyncset.done @!p0 $0x0  }
0x7a: {  	[sflag:s17] =	ssyncadd.s32 @!p0 $0xFFFFFF80  }
0x7b: {  	[bflag:$0x0] =	sbarrier.arrive $0xFFFF  }
0x7c: {  	s18 =	simm.s32 $0x0;
	s19 =	rddreg [dreg:$0xc]  }
0x7d: {  	[tilespmem:s18], [sflag:$0x4] =	stream.linear.gather [hbm4b:s19+s18], $0x100, $0x38;
	[tilespmem:$0xB8B0] =	vst v63  }
0x7e: {  	_ =	swait.ge [sflag:s28], $0x100  }
0x7f: {  	[sflag:s28] =	ssyncset.done $0x0  }
0x80: {  	s22 =	simm.s32 $0x300;
	s21 =	rddreg [dreg:$0xd];
	[sflag:s28] =	ssyncadd.s32 $0xFFFFFF00  }
0x81: {  	[tilespmem:s22], [sflag:$0x4] =	stream.linear.gather [hbm4b:s21+s18], $0x100, $0x38;
	[tilespmem:$0xB8B0] =	vst v63  }
0x82: {  	_ =	swait.ge [sflag:s28], $0x100  }
0x83: {  	[sflag:s28] =	ssyncset.done $0x0  }
0x84: {  	s23 =	simm.s32 $0x600;
	[sflag:s28] =	ssyncadd.s32 $0xFFFFFF00  }
0x85: {  	[tilespmem:s23], [sflag:$0x1] =	stream.indirect.gather [hbm4b:s1+s31], $0x10, s18, s31, $0xb8;
	[tilespmem:$0xB8B0] =	vst v63  }
0x86: {  	_ = 	snop  }
0x87: {  	[tilespmem:s0], [sflag:$0x2] =	stream.indirect.gather [hbm4b:s8+s31], $0x8, s18, s31, $0xb8;
	[tilespmem:$0xB8B0] =	vst v63  }
0x88: {  	_ = 	snop  }
0x89: {  	[tilespmem:s6], [sflag:$0x2] =	stream.indirect.gather [hbm4b:s8+s31], $0x8, s22, s31, $0xb8;
	[tilespmem:$0xB8B0] =	vst v63  }
0x8a: {  	s24 =	simm.s32 $0xE00  }
0x8b: {  	[tilespmem:s24], [sflag:$0x1] =	stream.indirect.gather [hbm4b:s1+s31], $0x10, s31, s31, $0xb8;
	[tilespmem:$0xB8B0] =	vst v63  }
0x8c: {  	s15 =	smov.u32 s26;
	s26 =	simm.s32 $0x3A00  }
0x8d: {  	[tilespmem:s26], [sflag:$0x2] =	stream.indirect.gather [hbm4b:s8+s31], $0x8, s31, s31, $0xb8;
	[tilespmem:$0xB8B0] =	vst v63  }
0x8e: {  	s30 =	simm.s32 $0x5200;
	s16 =	smov.u32 s29;
	s29 =	simm.s32 $0x380  }
0x8f: {  	[tilespmem:s30], [sflag:$0x2] =	stream.indirect.gather [hbm4b:s8+s31], $0x8, s29, s31, $0xb8;
	[tilespmem:$0xB8B0] =	vst v63  }
.LBB2_6:
0x90: {  	p1 =	slt.u32 s18, $0x2  }
0x91: {  	s17 =	simm.s32 @!p1 $0x3  }
0x92: {  	_ =	swait.ge @!p1 [sflag:s17], $0x800  }
0x93: {  	[sflag:s17] =	ssyncset.done @!p1 $0x0  }
0x94: {  	[sflag:s17] =	ssyncadd.s32 @!p1 $0xFFFFF800  }
0x95: {  	_ =	swait.ge @!p1 [sflag:s17], $0x400  }
0x96: {  	[sflag:s17] =	ssyncset.done @!p1 $0x0  }
0x97: {  	[sflag:s17] =	ssyncadd.s32 @!p1 $0xFFFFFC00  }
0x98: {  	_ =	swait.ge @!p1 [sflag:s17], $0x800  }
0x99: {  	[sflag:s17] =	ssyncset.done @!p1 $0x0  }
0x9a: {  	[sflag:s17] =	ssyncadd.s32 @!p1 $0xFFFFF800  }
0x9b: {  	_ =	swait.ge @!p1 [sflag:s17], $0x400  }
0x9c: {  	p2 =	seq.s32 @!p1 s18, $0x27;
	[sflag:s17] =	ssyncset.done @!p1 $0x0  }
0x9d: {  	p2 =	por p1, !p2;
	[sflag:s17] =	ssyncadd.s32 @!p1 $0xFFFFFC00;
	s17 =	simm.s32 @!p1 $0x28  }
0x9e: {  	s17 =	sadd.s32 @p2 $0x1, s18  }
0x9f: {  	s19 =	smul.u32 @p2 $0xAB, s17;
	_ =	sdelay $0x1  }
0xa0: {  	s19 =	sshrl.u32 @p2 s19, $0x9  }
0xa1: {  	s19 =	sand.u32 @p2 $0x7F, s19  }
0xa2: {  	s19 =	smul.u32 @p2 $0x3, s19  }
0xa3: {  	s21 =	sshll.u32 @p2 s17, $0x8  }
0xa4: {  	s21 =	sadd.s32 @p2 s20, s21;
	s19 =	ssub.s32 @p2 s17, s19  }
0xa5: {  	s21 =	sshrl.u32 @p2 s21, $0x3;
	s19 =	sand.u32 @p2 $0xFF, s19  }
0xa6: {  	s23 =	sadd.s32 @p2 s5, s21;
	s22 =	sshll.u32 @p2 s19, $0x8  }
0xa7: {  	[tilespmem:s22], [sflag:$0x4] =	stream.linear.gather @p2 [hbm4b:s23+s4], $0x100, $0x38;
	[tilespmem:$0xB8B0] =	vst v63  }
0xa8: {  	_ =	swait.ge @p2 [sflag:s28], $0x100  }
0xa9: {  	[sflag:s28] =	ssyncset.done @p2 $0x0  }
0xaa: {  	s21 =	sadd.s32 @p2 s7, s21;
	s23 =	sadd.s32 @p2 $0x300, s22;
	[sflag:s28] =	ssyncadd.s32 @p2 $0xFFFFFF00  }
0xab: {  	[tilespmem:s23], [sflag:$0x4] =	stream.linear.gather @p2 [hbm4b:s21+s4], $0x100, $0x38;
	[tilespmem:$0xB8B0] =	vst v63  }
0xac: {  	_ =	swait.ge @p2 [sflag:s28], $0x100  }
0xad: {  	s21 =	sshll.u32 @p2 s19, $0xC;
	[sflag:s28] =	ssyncset.done @p2 $0x0  }
0xae: {  	s19 =	sshll.u32 @p2 s19, $0xB;
	s21 =	sor.u32 @p2 $0x600, s21;
	[sflag:s28] =	ssyncadd.s32 @p2 $0xFFFFFF00  }
0xaf: {  	[tilespmem:s21], [sflag:$0x1] =	stream.indirect.gather @p2 [hbm4b:s1+s31], $0x10, s22, s31, $0xb8;
	[tilespmem:$0xB8B0] =	vst v63  }
0xb0: {  	s21 =	sadd.s32 @p2 $0x3600, s19  }
0xb1: {  	[tilespmem:s21], [sflag:$0x2] =	stream.indirect.gather @p2 [hbm4b:s8+s31], $0x8, s22, s31, $0xb8;
	[tilespmem:$0xB8B0] =	vst v63  }
0xb2: {  	s19 =	sadd.s32 @p2 $0x4E00, s19;
	s21 =	sor.u32 @p2 $0x80, s22  }
0xb3: {  	[tilespmem:s19], [sflag:$0x2] =	stream.indirect.gather @p2 [hbm4b:s8+s31], $0x8, s23, s31, $0xb8;
	[tilespmem:$0xB8B0] =	vst v63  }
0xb4: {  	s19 =	sshll.u32 @p2 s21, $0x4  }
0xb5: {  	s19 =	sor.u32 @p2 $0x600, s19  }
0xb6: {  	[tilespmem:s19], [sflag:$0x1] =	stream.indirect.gather @p2 [hbm4b:s1+s31], $0x10, s21, s31, $0xb8;
	[tilespmem:$0xB8B0] =	vst v63  }
0xb7: {  	s19 =	sshll.u32 @p2 s21, $0x3  }
0xb8: {  	s23 =	sadd.s32 @p2 $0x3600, s19  }
0xb9: {  	[tilespmem:s23], [sflag:$0x2] =	stream.indirect.gather @p2 [hbm4b:s8+s31], $0x8, s21, s31, $0xb8;
	[tilespmem:$0xB8B0] =	vst v63  }
0xba: {  	s19 =	sadd.s32 @p2 $0x4E00, s19;
	s21 =	sadd.s32 @p2 $0x380, s22  }
0xbb: {  	[tilespmem:s19], [sflag:$0x2] =	stream.indirect.gather @p2 [hbm4b:s8+s31], $0x8, s21, s31, $0xb8;
	[tilespmem:$0xB8B0] =	vst v63  }
0xbc: {  	_ =	swait.ge [sflag:s10], $0x800  }
0xbd: {  	s29 =	sand.u32 $0xFF, s18;
	[sflag:s10] =	ssyncset.done $0x0  }
0xbe: {  	s19 =	smul.u32 $0xAB, s29;
	[sflag:s10] =	ssyncadd.s32 $0xFFFFF800  }
0xbf: {  	_ =	swait.ge [sflag:s11], $0x400  }
0xc0: {  	s19 =	sshrl.u32 s19, $0x9;
	[sflag:s11] =	ssyncset.done $0x0  }
0xc1: {  	s19 =	smul.u32 $0x3, s19;
	[sflag:s11] =	ssyncadd.s32 $0xFFFFFC00  }
0xc2: {  	_ =	swait.ge [sflag:s11], $0x400  }
0xc3: {  	s30 =	ssub.s32 s18, s19;
	[sflag:s11] =	ssyncset.done $0x0  }
0xc4: {  	s19 =	sand.u32 $0xFF, s30;
	[sflag:s11] =	ssyncadd.s32 $0xFFFFFC00  }
0xc5: {  	s9 =	simm.s32 $0x20;
	s18 =	sshll.u32 s19, $0x8;
	_ =	swait.ge [sflag:s10], $0x800  }
0xc6: {  	s21 =	sor.u32 s18, s9;
	[sflag:s10] =	ssyncset.done $0x0  }
0xc7: {  	s12 =	simm.s32 $0x0;
	v4 =	vmov s21;
	[sflag:s10] =	ssyncadd.s32 $0xFFFFF800  }
0xc8: {  	s23 =	simm.s32 $0x10;
	s22 =	sor.u32 s18, s12;
	v4 =	vshll.u32 v4, $0x3;
	_ =	swait.ge [sflag:s11], $0x400  }
0xc9: {  	s21 =	sor.u32 s18, s23;
	v5 =	vmov s22;
	v18 =	vor.u32 v3, v4;
	[sflag:s11] =	ssyncset.done $0x0  }
0xca: {  	v5 =	vshll.u32 v5, $0x3;
	v4 =	vmov s21;
	v7 =	vor.u32 $0x1, v18;
	[sflag:s11] =	ssyncadd.s32 $0xFFFFFC00  }
0xcb: {  	v6 =	vor.u32 v3, v5;
	v4 =	vshll.u32 v4, $0x3;
	_ =	swait.ge [sflag:s11], $0x400  }
0xcc: {  	s24 =	simm.s32 $0x30;
	v8 =	vor.u32 $0x1, v6;
	v4 =	vor.u32 v3, v4;
	[sflag:s11] =	ssyncset.done $0x0  }
0xcd: {  	s26 =	sor.u32 s18, s24;
	v9 =	vor.u32 $0x1, v4;
	[sflag:s11] =	ssyncadd.s32 $0xFFFFFC00  }
0xce: {  	v5 =	vmov s26;
	v11 =	vld.idx.msk [tilespmem:v18+s0+$0x0], $0xffff  }
0xcf: {  	v5 =	vshll.u32 v5, $0x3;
	v7 =	vld.idx.msk [tilespmem:v7+s6+$0x0], $0xffff  }
0xd0: {  	s29 =	simm.s32 $0x60;
	v5 =	vor.u32 v3, v5;
	v13 =	vld.idx.msk [tilespmem:v6+s0+$0x0], $0xffff  }
0xd1: {  	s21 =	sor.u32 s18, s29;
	v12 =	vor.u32 $0x1, v5;
	v8 =	vld.idx.msk [tilespmem:v8+s6+$0x0], $0xffff  }
0xd2: {  	v10 =	vmov s21;
	v14 =	vld.idx.msk [tilespmem:v9+s6+$0x0], $0xffff  }
0xd3: {  	s30 =	simm.s32 $0x40;
	s12 =	simm.s32 $0x50;
	v9 =	vshll.u32 v10, $0x3;
	v15 =	vld.idx.msk [tilespmem:v4+s0+$0x0], $0xffff  }
0xd4: {  	s9 =	simm.s32 $0x70;
	s23 =	sor.u32 s18, s12;
	s21 =	sor.u32 s18, s30;
	v10 =	vor.u32 v3, v9  }
0xd5: {  	s22 =	sor.u32 s18, s9;
	v19 =	vmov s23;
	v9 =	vmov s21;
	v16 =	vor.u32 $0x1, v10  }
0xd6: {  	v20 =	vmov s22;
	v12 =	vld.idx.msk [tilespmem:v12+s6+$0x0], $0xffff;
	v11 =	vadd.f32 v7, v11;
	v7 =	vshll.u32 v9, $0x3  }
0xd7: {  	v17 =	vld.idx.msk [tilespmem:v5+s0+$0x0], $0xffff;
	v9 =	vshll.u32 v19, $0x3;
	v19 =	vshll.u32 v20, $0x3;
	v7 =	vor.u32 v3, v7  }
0xd8: {  	v13 =	vadd.f32 v8, v13;
	v14 =	vadd.f32 v14, v15;
	v9 =	vor.u32 v3, v9  }
0xd9: {  	v8 =	vor.u32 v3, v19;
	v21 =	vmul.f32 $2.000000030e-01, v11;
	v20 =	vor.u32 $0x1, v7  }
0xda: {  	v15 =	vld.idx.msk [tilespmem:v16+s6+$0x0], $0xffff;
	v19 =	vor.u32 $0x1, v8;
	v16 =	vmul.f32 $2.000000030e-01, v13  }
0xdb: {  	v22 =	vld.idx.msk [tilespmem:v10+s0+$0x0], $0xffff;
	v23 =	vmul.f32 $2.000000030e-01, v14;
	v11 =	vmax.f32 v11, v21;
	v21 =	vor.u32 $0x1, v9  }
0xdc: {  	s24 =	simm.s32 $0x80;
	s23 =	simm.s32 $0xA0;
	v12 =	vadd.f32 v12, v17;
	v13 =	vmax.f32 v13, v16;
	v17 =	vld.idx.msk [tilespmem:v7+s0+$0x0], $0xffff  }
0xdd: {  	s26 =	sor.u32 s18, s24;
	s21 =	sor.u32 s18, s23;
	v14 =	vmax.f32 v14, v23;
	v11 =	vmul.f32 $1.442695020e+00, v11;
	v29 =	vmul.f32 $1.442695020e+00, v13;
	v23 =	vld.idx.msk [tilespmem:v9+s0+$0x0], $0xffff  }
0xde: {  	s30 =	simm.s32 $0xB0;
	v13 =	vmov s21;
	v16 =	vmul.f32 $1.442695020e+00, v14;
	v14 =	vmov s26;
	v20 =	vld.idx.msk [tilespmem:v20+s6+$0x0], $0xffff  }
0xdf: {  	s21 =	sor.u32 s18, s30;
	v13 =	vshll.u32 v13, $0x3;
	(erf) = vpow2.f32 v11;
	v11 =	vmul.f32 $2.000000030e-01, v12;
	v26 =	vld.idx.msk [tilespmem:v19+s6+$0x0], $0xffff  }
0xe0: {  	s29 =	simm.s32 $0x90;
	v14 =	vshll.u32 v14, $0x3;
	v24 =	vmov s21;
	v22 =	vadd.f32 v15, v22;
	v21 =	vld.idx.msk [tilespmem:v21+s6+$0x0], $0xffff  }
0xe1: {  	s22 =	sor.u32 s18, s29;
	v14 =	vor.u32 v3, v14;
	v12 =	vmax.f32 v12, v11;
	v11 =	vor.u32 v3, v13;
	v13 =	vld.idx.msk [tilespmem:v8+s0+$0x0], $0xffff  }
0xe2: {  	v19 =	vmul.f32 $2.000000030e-01, v22;
	v15 =	vmul.f32 $1.442695020e+00, v12;
	v12 =	vmov s22  }
0xe3: {  	v30 =	vor.u32 $0x1, v14;
	v27 =	vor.u32 $0x1, v11;
	v12 =	vshll.u32 v12, $0x3  }
0xe4: {  	v19 =	vmax.f32 v22, v19;
	v22 =	vshll.u32 v24, $0x3;
	v12 =	vor.u32 v3, v12  }
0xe5: {  	v28 =	vmul.f32 $1.442695020e+00, v19;
	v25 =	vadd.f32 v20, v17;
	v24 =	vor.u32 $0x1, v12  }
0xe6: {  	v17 =	vld.idx.msk [tilespmem:v14+s0+$0x0], $0xffff;
	v23 =	vadd.f32 v21, v23;
	v21 =	vadd.f32 v26, v13;
	v13 =	vor.u32 v3, v22  }
0xe7: {  	v19 =	vld.idx.msk [tilespmem:v11+s0+$0x0], $0xffff;
	(erf) = vpow2.f32 v28;
	v22 =	vor.u32 $0x1, v13  }
0xe8: {  	v28 =	vmul.f32 $2.000000030e-01, v25;
	v20 =	vld.idx.msk [tilespmem:v27+s6+$0x0], $0xffff;
	v26 =	vpop (erf);
	v27 =	vmul.f32 $2.000000030e-01, v23  }
0xe9: {  	s21 =	simm.s32 $0x8;
	s22 =	simm.s32 $0xF0;
	(erf) = vpow2.f32 v29;
	[tilespmem:v18+s25+$0x0] =	vst.idx.msk $0xffff, v26;
	v18 =	vld.idx.msk [tilespmem:v30+s6+$0x0], $0xffff;
	v26 =	vmul.f32 $2.000000030e-01, v21  }
.LBB2_7:
0xea: {  	s23 =	sadd.s32 $0xFFFFFFE0, s22;
	s30 =	sadd.s32 $0xFFFFFFF0, s22;
	s21 =	sadd.s32 $0x4, s21;
	v29 =	vld.idx.msk [tilespmem:v24+s6+$0x0], $0xffff;
	v24 =	vmax.f32 v25, v28;
	v23 =	vmax.f32 v23, v27;
	(erf) = vpow2.f32 v16;
	v30 =	vmovc v14  }
0xeb: {  	s24 =	sadd.s32 $0xFFFFFFD0, s22;
	s30 =	sor.u32 s18, s30;
	p1 =	slt.u32 s21, $0xC;
	v27 =	vld.idx.msk [tilespmem:v12+s0+$0x0], $0xffff;
	v31 =	vmul.f32 $1.442695020e+00, v24;
	v16 =	vmul.f32 $1.442695020e+00, v23;
	v14 =	vmax.f32 v21, v26;
	v26 =	vmovc v4;
	v4 =	vmovc v9  }
0xec: {  	v32 =	vmovc v5;
	s24 =	sor.u32 s18, s24;
	s23 =	sor.u32 s18, s23;
	v9 =	vmovc v12;
	v21 =	vmov s30;
	s30 =	sor.u32 s18, s22;
	v28 =	vld.idx.msk [tilespmem:v22+s6+$0x0], $0xffff;
	(erf) = vpow2.f32 v15;
	v15 =	vmul.f32 $1.442695020e+00, v14  }
0xed: {  	v5 =	vmovc v8;
	v8 =	vmovc v13;
	v12 =	vmov s24;
	v19 =	vadd.f32 v20, v19;
	v14 =	vshll.u32 v21, $0x3;
	v21 =	vld.idx.msk [tilespmem:v13+s0+$0x0], $0xffff  }
0xee: {  	v13 =	vmov s23;
	v23 =	vmov s30;
	v33 =	vor.u32 v3, v14  }
0xef: {  	v12 =	vshll.u32 v12, $0x3;
	v22 =	vmul.f32 $2.000000030e-01, v19;
	v34 =	vor.u32 $0x1, v33  }
0xf0: {  	v14 =	vor.u32 v3, v12;
	v12 =	vshll.u32 v13, $0x3;
	v13 =	vshll.u32 v23, $0x3;
	v20 =	vpop (erf)  }
0xf1: {  	v35 =	vor.u32 $0x1, v14;
	v12 =	vor.u32 v3, v12;
	v19 =	vmax.f32 v19, v22;
	[tilespmem:v10+s25+$0x0] =	vst.idx.msk $0xffff, v20  }
.Ltmp2:
0xf2: {  	v13 =	vor.u32 v3, v13;
	v24 =	vor.u32 $0x1, v12;
	v37 =	vmul.f32 $1.442695020e+00, v19;
	v36 =	vpop (erf);
	(pc) =	sbr.rel @p1 .LBB2_7-.Ltmp2, $4  }
0xf3: {  	v25 =	vadd.f32 v18, v17;
	v22 =	vor.u32 $0x1, v13;
	v23 =	vadd.f32 v29, v27;
	v19 =	vld.idx.msk [tilespmem:v33+s0+$0x0], $0xffff;
	v18 =	vpop (erf)  }
0xf4: {  	v10 =	vmov v11;
	v21 =	vadd.f32 v28, v21;
	v20 =	vld.idx.msk [tilespmem:v34+s6+$0x0], $0xffff;
	(erf) = vpow2.f32 v37;
	[tilespmem:v6+s25+$0x0] =	vst.idx.msk $0xffff, v36  }
0xf5: {  	v11 =	vmov v33;
	v28 =	vmul.f32 $2.000000030e-01, v25;
	v27 =	vmul.f32 $2.000000030e-01, v23;
	v17 =	vld.idx.msk [tilespmem:v14+s0+$0x0], $0xffff;
	[tilespmem:v26+s25+$0x0] =	vst.idx.msk $0xffff, v18;
	v6 =	vpop (erf)  }
0xf6: {  	s22 =	sadd.s32 $0x40, s22;
	v26 =	vmul.f32 $2.000000030e-01, v21;
	v18 =	vld.idx.msk [tilespmem:v35+s6+$0x0], $0xffff;
	(erf) = vpow2.f32 v31;
	[tilespmem:v32+s25+$0x0] =	vst.idx.msk $0xffff, v6;
	v6 =	vmovc v7;
	v7 =	vmov v30  }
0xf7: {  	_ =	sdelay $0x3  }
0xf8: {  	v24 =	vld.idx.msk [tilespmem:v24+s6+$0x0], $0xffff  }
0xf9: {  	v29 =	vld.idx.msk [tilespmem:v12+s0+$0x0], $0xffff  }
0xfa: {  	v50 =	vld.idx.msk [tilespmem:v22+s6+$0x0], $0xffff;
	v19 =	vadd.f32 v20, v19  }
0xfb: {  	v51 =	vmax.f32 v25, v28;
	v52 =	vld.idx.msk [tilespmem:v13+s0+$0x0], $0xffff  }
0xfc: {  	v23 =	vmax.f32 v23, v27;
	(erf) = vpow2.f32 v16;
	v53 =	vmul.f32 $2.000000030e-01, v19  }
0xfd: {  	v22 =	vmul.f32 $1.442695020e+00, v51;
	v23 =	vmul.f32 $1.442695020e+00, v23  }
0xfe: {  	v21 =	vmax.f32 v21, v26;
	v17 =	vadd.f32 v18, v17;
	v16 =	vmax.f32 v19, v53  }
0xff: {  	(erf) = vpow2.f32 v15;
	v55 =	vadd.f32 v24, v29;
	v16 =	vmul.f32 $1.442695020e+00, v16  }
0x100: {  	v54 =	vmul.f32 $1.442695020e+00, v21;
	v56 =	vadd.f32 v50, v52;
	v57 =	vmul.f32 $2.000000030e-01, v17  }
0x101: {  	v58 =	vmul.f32 $2.000000030e-01, v55;
	(erf) = vpow2.f32 v16  }
0x102: {  	v59 =	vmul.f32 $2.000000030e-01, v56;
	v17 =	vmax.f32 v17, v57;
	(erf) = vpow2.f32 v22  }
0x103: {  	v16 =	vmax.f32 v55, v58;
	v17 =	vmul.f32 $1.442695020e+00, v17;
	(erf) = vpow2.f32 v23  }
0x104: {  	v15 =	vmax.f32 v56, v59;
	v16 =	vmul.f32 $1.442695020e+00, v16;
	(erf) = vpow2.f32 v54  }
0x105: {  	v15 =	vmul.f32 $1.442695020e+00, v15;
	(erf) = vpow2.f32 v17  }
0x106: {  	v60 =	vpop (erf);
	(erf) = vpow2.f32 v16  }
0x107: {  	[tilespmem:v10+s25+$0x0] =	vst.idx.msk $0xffff, v60;
	v10 =	vpop (erf);
	(erf) = vpow2.f32 v15  }
0x108: {  	v61 =	vpop (erf);
	[tilespmem:v6+s25+$0x0] =	vst.idx.msk $0xffff, v10  }
0x109: {  	v6 =	vpop (erf);
	[tilespmem:v4+s25+$0x0] =	vst.idx.msk $0xffff, v61  }
0x10a: {  	s21 =	sadd.s32 $0xFFFFFFF8, s18;
	[tilespmem:v5+s25+$0x0] =	vst.idx.msk $0xffff, v6;
	v4 =	vpop (erf)  }
0x10b: {  	s22 =	sshll.u32 s21, $0x3;
	v5 =	vpop (erf);
	[tilespmem:v11+s25+$0x0] =	vst.idx.msk $0xffff, v4  }
0x10c: {  	s21 =	sadd.s32 $0x78, s22;
	v4 =	vpop (erf);
	[tilespmem:v7+s25+$0x0] =	vst.idx.msk $0xffff, v5  }
0x10d: {  	v5 =	vmov s21;
	[tilespmem:v9+s25+$0x0] =	vst.idx.msk $0xffff, v4;
	v4 =	vpop (erf)  }
0x10e: {  	s23 =	sadd.s32 $0x48, s22;
	[tilespmem:v8+s25+$0x0] =	vst.idx.msk $0xffff, v4;
	v4 =	vpop (erf)  }
0x10f: {  	s26 =	sadd.s32 $0x58, s22;
	v7 =	vmov s23;
	v6 =	vpop (erf);
	[tilespmem:v14+s25+$0x0] =	vst.idx.msk $0xffff, v4  }
0x110: {  	s29 =	sadd.s32 $0x68, s22;
	v10 =	vmov s26;
	[tilespmem:v12+s25+$0x0] =	vst.idx.msk $0xffff, v6;
	v6 =	vpop (erf)  }
0x111: {  	s30 =	sshll.u32 s19, $0xC;
	s12 =	sadd.s32 $0x40, s22;
	v63 =	vmov s29;
	[tilespmem:v13+s25+$0x0] =	vst.idx.msk $0xffff, v6  }
0x112: {  	s24 =	sadd.s32 $0x50, s22;
	s21 =	sor.u32 $0x640, s30;
	v4 =	vmov s12;
	v11 =	vld.idx.msk [tilespmem:v5+s25+$0x0], $0xffff  }
0x113: {  	v6 =	vmov s24;
	s24 =	sadd.s32 $0x60, s22;
	v13 =	vld [tilespmem:s21+$0x30]  }
0x114: {  	s22 =	sadd.s32 $0x70, s22;
	v62 =	vmov s24;
	v8 =	vld.idx.msk [tilespmem:v7+s25+$0x0], $0xffff  }
0x115: {  	v5 =	vld.idx.msk [tilespmem:v10+s25+$0x0], $0xffff;
	v10 =	vmov s22  }
0x116: {  	v7 =	vld.idx.msk [tilespmem:v63+s25+$0x0], $0xffff  }
0x117: {  	v9 =	vld.idx.msk [tilespmem:v4+s25+$0x0], $0xffff  }
0x118: {  	v6 =	vld.idx.msk [tilespmem:v6+s25+$0x0], $0xffff;
	v11 =	vmul.f32 v13, v11  }
0x119: {  	s23 =	simm.s32 $0x0;
	s22 =	smov.u32 s21;
	v4 =	vld.idx.msk [tilespmem:v62+s25+$0x0], $0xffff  }
.LBB2_9:
0x11a: {  	s24 =	sadd.s32 s23, s18;
	s23 =	sadd.s32 $0x8, s23;
	v12 =	vld.idx.msk [tilespmem:v10+s25+$0x0], $0xffff;
	[tilespmem:s21+$0x30] =	vst v11  }
0x11b: {  	s24 =	sshll.u32 s24, $0x3;
	p1 =	slt.u32 s23, $0xF8;
	v11 =	vld [tilespmem:s21+$0xFFFFFFC0]  }
0x11c: {  	s26 =	sadd.s32 $0x40, s24;
	s29 =	sadd.s32 $0x48, s24;
	s9 =	sadd.s32 $0x78, s24;
	v13 =	vld [tilespmem:s21+$0xFFFFFFD0]  }
0x11d: {  	s12 =	sadd.s32 $0x60, s24;
	v14 =	vmov s26;
	v15 =	vmov s29;
	s26 =	sadd.s32 $0x50, s24;
	s29 =	sadd.s32 $0x58, s24;
	v16 =	vmov s9;
	v17 =	vld [tilespmem:s21+$0xFFFFFFE0]  }
0x11e: {  	v20 =	vmov s12;
	s9 =	sadd.s32 $0x68, s24;
	s12 =	sadd.s32 $0x70, s24;
	v18 =	vmov s26;
	v19 =	vmov s29;
	v21 =	vld [tilespmem:s21+$0xFFFFFFF0]  }
0x11f: {  	v22 =	vmov s9;
	v10 =	vmov s12;
	v23 =	vld [tilespmem:s21+$0x0]  }
0x120: {  	v9 =	vmul.f32 v11, v9;
	v11 =	vld [tilespmem:s21+$0x10]  }
0x121: {  	v8 =	vmul.f32 v13, v8;
	v13 =	vld [tilespmem:s21+$0x20]  }
0x122: {  	s21 =	sadd.s32 $0x80, s21;
	v16 =	vld.idx.msk [tilespmem:v16+s25+$0x0], $0xffff;
	[tilespmem:s22+$0xFFFFFFC0] =	vst v9;
	v6 =	vmul.f32 v17, v6  }
0x123: {  	v17 =	vld [tilespmem:s21+$0x30];
	[tilespmem:s22+$0xFFFFFFD0] =	vst v8;
	v5 =	vmul.f32 v21, v5  }
0x124: {  	v9 =	vld.idx.msk [tilespmem:v14+s25+$0x0], $0xffff;
	[tilespmem:s22+$0xFFFFFFE0] =	vst v6;
	v4 =	vmul.f32 v23, v4  }
.Ltmp3:
0x125: {  	v8 =	vld.idx.msk [tilespmem:v15+s25+$0x0], $0xffff;
	[tilespmem:s22+$0xFFFFFFF0] =	vst v5;
	v7 =	vmul.f32 v11, v7;
	(pc) =	sbr.rel @p1 .LBB2_9-.Ltmp3, $4  }
0x126: {  	v6 =	vld.idx.msk [tilespmem:v18+s25+$0x0], $0xffff;
	[tilespmem:s22+$0x0] =	vst v4;
	v12 =	vmul.f32 v13, v12  }
0x127: {  	v5 =	vld.idx.msk [tilespmem:v19+s25+$0x0], $0xffff;
	[tilespmem:s22+$0x10] =	vst v7  }
0x128: {  	v4 =	vld.idx.msk [tilespmem:v20+s25+$0x0], $0xffff;
	v11 =	vmul.f32 v17, v16;
	[tilespmem:s22+$0x20] =	vst v12;
	s22 =	smov.u32 s21  }
0x129: {  	v7 =	vld.idx.msk [tilespmem:v22+s25+$0x0], $0xffff  }
0x12a: {  	_ =	sdelay $0x3  }
0x12b: {  	v10 =	vld.idx.msk [tilespmem:v10+s25+$0x0], $0xffff  }
0x12c: {  	v12 =	vld [tilespmem:s21+$0xFFFFFFC0]  }
0x12d: {  	v13 =	vld [tilespmem:s21+$0xFFFFFFD0]  }
0x12e: {  	v14 =	vld [tilespmem:s21+$0xFFFFFFE0]  }
0x12f: {  	v15 =	vld [tilespmem:s21+$0xFFFFFFF0]  }
0x130: {  	v16 =	vld [tilespmem:s21+$0x0]  }
0x131: {  	v62 =	vld [tilespmem:s21+$0x10];
	v9 =	vmul.f32 v12, v9  }
0x132: {  	[tilespmem:s21+$0x30] =	vst v11;
	v63 =	vld [tilespmem:s21+$0x20];
	v8 =	vmul.f32 v13, v8  }
0x133: {  	v6 =	vmul.f32 v14, v6;
	[tilespmem:s22+$0xFFFFFFC0] =	vst v9  }
0x134: {  	v5 =	vmul.f32 v15, v5;
	[tilespmem:s22+$0xFFFFFFD0] =	vst v8  }
0x135: {  	v4 =	vmul.f32 v16, v4;
	[tilespmem:s22+$0xFFFFFFE0] =	vst v6  }
0x136: {  	[tilespmem:s22+$0xFFFFFFF0] =	vst v5;
	v5 =	vmul.f32 v62, v7  }
0x137: {  	[tilespmem:s22+$0x0] =	vst v4;
	v4 =	vmul.f32 v63, v10  }
0x138: {  	[tilespmem:s22+$0x10] =	vst v5  }
0x139: {  	s9 =	sor.u32 $0x600, s30;
	s12 =	sadd.s32 $0x300, s18;
	s23 =	sshll.u32 s19, $0xB;
	[tilespmem:s22+$0x20] =	vst v4  }
0x13a: {  	[spmem:s2] =	stream.indirect.scatter.add.f32 [tilespmem:s9], [sflag:$0x3], $0x10, s12, s31, $0xb8;
	[tilespmem:$0xB8B0] =	vst v63  }
0x13b: {  	s24 =	sor.u32 $0x80, s18;
	p1 =	slt.u32 s17, $0x28;
	s9 =	sadd.s32 $0x6600, s23  }
0x13c: {  	[spmem:s3] =	stream.indirect.scatter.add.f32 [tilespmem:s9], [sflag:$0x3], $0x8, s12, s31, $0xb8;
	[tilespmem:$0xB8B0] =	vst v63  }
.Ltmp4:
0x13d: {  	s26 =	sshll.u32 s24, $0x4;
	(pc) =	sbr.rel @p1 .LBB2_6-.Ltmp4, $4  }
0x13e: {  	s29 =	sadd.s32 $0x380, s18;
	s30 =	sshll.u32 s24, $0x3;
	s9 =	sadd.s32 $0x600, s26  }
0x13f: {  	[spmem:s2] =	stream.indirect.scatter.add.f32 [tilespmem:s9], [sflag:$0x3], $0x10, s29, s31, $0xb8;
	[tilespmem:$0xB8B0] =	vst v63  }
0x140: {  	s18 =	smov.u32 s17;
	s9 =	sadd.s32 $0x6600, s30  }
0x141: {  	[spmem:s3] =	stream.indirect.scatter.add.f32 [tilespmem:s9], [sflag:$0x3], $0x8, s29, s31, $0xb8;
	[tilespmem:$0xB8B0] =	vst v63  }
0x142: {  	_ =	swait.ge [sflag:s13], $0x800  }
0x143: {  	[sflag:s13] =	ssyncset.done $0x0  }
0x144: {  	[sflag:s13] =	ssyncadd.s32 $0xFFFFF800  }
0x145: {  	_ =	swait.ge [sflag:s13], $0x400  }
0x146: {  	[sflag:s13] =	ssyncset.done $0x0  }
0x147: {  	[sflag:s13] =	ssyncadd.s32 $0xFFFFFC00  }
0x148: {  	_ =	swait.ge [sflag:s13], $0x800  }
0x149: {  	[sflag:s13] =	ssyncset.done $0x0  }
0x14a: {  	[sflag:s13] =	ssyncadd.s32 $0xFFFFF800  }
0x14b: {  	_ =	swait.ge [sflag:s13], $0x400  }
0x14c: {  	[sflag:s13] =	ssyncset.done $0x0  }
0x14d: {  	[sflag:s13] =	ssyncadd.s32 $0xFFFFFC00  }
0x14e: {  	_ =	swait.ge [sflag:s13], $0x800  }
0x14f: {  	[sflag:s13] =	ssyncset.done $0x0  }
0x150: {  	[sflag:s13] =	ssyncadd.s32 $0xFFFFF800  }
0x151: {  	_ =	swait.ge [sflag:s13], $0x400  }
0x152: {  	[sflag:s13] =	ssyncset.done $0x0  }
0x153: {  	[sflag:s13] =	ssyncadd.s32 $0xFFFFFC00  }
0x154: {  	_ =	swait.ge [sflag:s13], $0x800  }
0x155: {  	[sflag:s13] =	ssyncset.done $0x0  }
0x156: {  	[sflag:s13] =	ssyncadd.s32 $0xFFFFF800  }
0x157: {  	_ =	swait.ge [sflag:s13], $0x400  }
0x158: {  	[sflag:s13] =	ssyncset.done $0x0  }
0x159: {  	[sflag:s13] =	ssyncadd.s32 $0xFFFFFC00  }
0x15a: {  	s9 =	stileid.u32;
	[bflag:$0x0] =	sbarrier.arrive $0xFFFF  }
0x15b: {  	s9 =	sshll.u32 s9, $0x6;
	s23 =	rddreg [dreg:$0x9]  }
0x15c: {  	s9 =	sor.u32 $0x1C04, s9;
	s17 =	rddreg [dreg:$0xb];
	s12 =	sshrl.u32 s23, $0x3  }
0x15d: {  	[hbm:s17], [sflag:s9] =	dma.local [spmem:s12], $0x4E0  }
0x15e: {  	_ =	swait.ge [sflag:s28], $0x4E0  }
0x15f: {  	[sflag:s28] =	ssyncset.done $0x0;
	s24 =	rddreg [dreg:$0xa]  }
0x160: {  	s26 =	rddreg [dreg:$0xe];
	[sflag:s28] =	ssyncadd.s32 $0xFFFFFB20;
	s22 =	sshrl.u32 s24, $0x3  }
0x161: {  	[hbm:s26], [sflag:s9] =	dma.local [spmem:s22], $0x270  }
0x162: {  	_ =	swait.ge [sflag:s28], $0x270  }
0x163: {  	s12 =	sshrl.u32 @!p0 s15, $0x3;
	[sflag:s28] =	ssyncset.done $0x0  }
0x164: {  	s26 =	smov.u32 s15;
	s15 =	rddreg [dreg:$0xf];
	[sflag:s28] =	ssyncadd.s32 $0xFFFFFD90  }
0x165: {  	[hbm:s15], [sflag:s9] =	dma.local @!p0 [spmem:s12], $0x20  }
0x166: {  	s12 =	simm.s32 @!p0 $0x4  }
0x167: {  	_ =	swait.ge @!p0 [sflag:s12], $0x20  }
0x168: {  	[sflag:s12] =	ssyncset.done @!p0 $0x0  }
0x169: {  	s17 =	sshrl.u32 @!p0 s16, $0x3;
	s15 =	rddreg [dreg:$0x10];
	[sflag:s12] =	ssyncadd.s32 @!p0 $0xFFFFFFE0  }
0x16a: {  	[hbm:s15], [sflag:s9] =	dma.local @!p0 [spmem:s17], $0x10  }
0x16b: {  	_ =	swait.ge @!p0 [sflag:s12], $0x10  }
0x16c: {  	s14 =	sadd.s32 $0x1, s14;
	s30 =	rddreg [dreg:$0x11]  }
0x16d: {  	p1 =	sne.s32 s14, s30  }
.Ltmp5:
0x16e: {  	_ = 	snop;
	(pc) =	sbr.rel @p1 .LBB2_1-.Ltmp5, $3  }
0x16f: {  	_ =	sdelay $0x1  }
0x170: {  	[sflag:s12] =	ssyncset.done @!p0 $0x0  }
0x171: {  	s29 =	smov.u32 s16;
	[sflag:s12] =	ssyncadd.s32 @!p0 $0xFFFFFFF0  }
0x172: {  	_ =	sfence.sel $0x180000  }
0x173: {  	[bflag:$0x0] =	sbarrier.arrive $0xFFFF  }
0x174: {  	_ =	strace $0x9000004A  }
0x175: {  	s0 =	stileid.u32;
	[bflag:$0x2] =	sbarrier.arrive $0xFFFF  }
0x176: {  	p0 =	sne.s32 s0, $0x0;
	s0 =	rddreg [dreg:$0x4]  }
0x177: {  	s0 =	sadd.s32 @!p0 $0x100000, s0  }
0x178: {  	[sflag:s0] =	ssyncadd.tile.s32 @!p0 $0x1;
	_ =	shalt  }
.Lfunc_end2:
_tile_overlayer_lowered:
.L_overlay_start_2:
0x179: {  	(tag) =	ssettag $0x2  }
0x17a: {  	s0 =	rddreg [dreg:$0x0];
	s2 =	stileid.u32  }
0x17b: {  	s1 =	rddreg [dreg:$0x1];
	p0 =	sne.s32 s2, $0x0  }
0x17c: {  	s3 =	rddreg [dreg:$0x2];
	[bflag:$0x3] =	sbarrier.arrive $0xFFFF;
	s2 =	simm.s32 @!p0 $0x1C04  }
0x17d: {  	[timem:s3], [sflag:s2] =	dma.local @!p0 [hbm:s0], s1  }
0x17e: {  	s0 =	simm.s32 @!p0 $0x4  }
0x17f: {  	_ =	swait.ge @!p0 [sflag:s0], s1  }
0x180: {  	s1 =	ssub.s32 @!p0 $0x0, s1;
	[sflag:s0] =	ssyncset.done @!p0 $0x0  }
0x181: {  	[sflag:s0] =	ssyncadd.s32 @!p0 s1  }
0x182: {  	[bflag:$0x3] =	sbarrier.arrive $0xFFFF  }
0x183: {  	_ =	shalt  }

// kernel: kernel.7.cloned.1.call-start
scs
__scs_entry_jumppad:
0x0: {  	(pc) =	sbr.rel $0x88, $3  }
0x1: {  	(tag) =	ssettag $0x0;
	lr =	simm.s32 $0x1  }
0x2: {  	[smem:$0x3F97] =	sst lr;
	_ =	strace $0xD0000000  }
0x3: {  	_ = 	snop  }
0x4: {  	_ = 	snop  }
0x5: {  	_ = 	snop  }
0x6: {  	_ = 	snop  }
0x7: {  	_ = 	snop  }
__scs_overlays_trampoline_lowered:
0x8: {  	[smem:$0x3FA6] =	sst s0  }
0x9: {  	[smem:$0x3FA7] =	sst s1  }
0xa: {  	[smem:$0x3FA8] =	sst s2  }
0xb: {  	[smem:$0x3FA9] =	sst s3  }
0xc: {  	[smem:$0x3FAA] =	sst s4  }
0xd: {  	[smem:$0x3FAB] =	sst s5  }
0xe: {  	[smem:$0x3FAC] =	sst s6  }
0xf: {  	[smem:$0x3FAD] =	sst s7  }
0x10: {  	[smem:$0x3FAE] =	sst s8  }
0x11: {  	[smem:$0x3FAF] =	sst s9;
	s0 =	simm.s32 @!p0 $0x0  }
0x12: {  	s1 =	sld [smem:$0x3F95];
	s0 =	simm.s32 @p0 $0x1  }
0x13: {  	[smem:$0x3FB0] =	sst s0;
	s0 =	simm.s32 @!p1 $0x0  }
0x14: {  	s2 =	sld [smem:$0x3F94];
	s0 =	simm.s32 @p1 $0x1  }
0x15: {  	[smem:$0x3FB1] =	sst s0;
	s0 =	simm.s32 @!p2 $0x0  }
0x16: {  	s3 =	sld [smem:$0x3FDB];
	s0 =	simm.s32 @p2 $0x1  }
0x17: {  	s4 =	simm.s32 $0x1BF5;
	[smem:$0x3FB3] =	sst s0  }
0x18: {  	s0 =	sld [smem:$0x3F96];
	_ =	swait.ge [sflag:s4], $0x0  }
0x19: {  	s7 =	sld [smem:$0x3F97]  }
0x1a: {  	s8 =	sadd.s32 $0xFFFFE003, lr  }
0x1b: {  	s9 =	sadd.s32 $0xFFFFFEF7, lr;
	s5 =	simm.s32 $0xFFFFFFFF;
	p2 =	slt.u32 s8, $0xFFFFF086  }
0x1c: {  	p1 =	slt.u32 s9, $0xF7A;
	s5 =	simm.s32 @!p2 $0x0  }
0x1d: {  	s5 =	simm.s32 @p1 $0x1;
	p0 =	seq.s32 s7, s2  }
0x1e: {  	s7 =	smul.u32 @!p0 $0xF7A, s2;
	p2 =	seq.s32 @!p0 s5, $0x0  }
0x1f: {  	s9 =	smul.u32 $0xF7A, s1;
	s8 =	simm.s32 @!p0 $0x1BF5;
	p2 =	por !p2, p0  }
0x20: {  	[sflag:s8] =	ssyncset.s32 @!p0 $0xFFFFF086;
	s6 =	sadd.s32 @!p0 s3, s7;
	s7 =	simm.s32 @!p0 $0x108  }
0x21: {  	s3 =	sadd.s32 s3, s9;
	s6 =	sadd.s32 @!p0 $0x88, s6;
	s7 =	simm.s32 @p2 $0x1082  }
0x22: {  	[simem:s7], [sflag:s8] =	dma.local @!p0 [hbm:s6], $0xF7A  }
0x23: {  	s9 =	sor.u32 $0xD0000000, s2;
	s6 =	simm.s32 $0x108;
	_ =	swait.ge @!p0 [sflag:s8], $0x0  }
0x24: {  	s3 =	sadd.s32 $0x88, s3;
	s6 =	simm.s32 @!p1 $0x1082;
	[sflag:s4] =	ssyncset.s32 $0xFFFFF086  }
0x25: {  	[simem:s6], [sflag:s4] =	dma.local [hbm:s3], $0xF7A  }
0x26: {  	[smem:$0x3F97] =	sst s1;
	(tag) =	ssettag s2;
	_ =	strace s9  }
0x27: {  	s1 =	sld [smem:$0x3FA7]  }
0x28: {  	s2 =	sld [smem:$0x3FA8]  }
0x29: {  	s4 =	sld [smem:$0x3FAA]  }
0x2a: {  	p0 =	seq.s32 s5, $0x0;
	s5 =	sld [smem:$0x3FAB]  }
0x2b: {  	s6 =	sld [smem:$0x3FAC]  }
0x2c: {  	s7 =	sld [smem:$0x3FAD]  }
0x2d: {  	s3 =	simm.s32 $0x108;
	s8 =	sld [smem:$0x3FAE]  }
0x2e: {  	s3 =	simm.s32 @!p0 $0x1082;
	s9 =	sld [smem:$0x3FAF]  }
0x2f: {  	lr =	sadd.s32 s0, s3;
	s0 =	sld [smem:$0x3FA6]  }
0x30: {  	s3 =	sld [smem:$0x3FA9]  }
0x31: {  	[smem:$0x3FB2] =	sst s10  }
0x32: {  	s10 =	sld [smem:$0x3FB0];
	_ =	sdelay $0x3  }
0x33: {  	p0 =	seq.s32 s10, $0x1;
	s10 =	sld [smem:$0x3FB2];
	_ =	sdelay $0x3  }
0x34: {  	[smem:$0x3FB2] =	sst s10  }
0x35: {  	s10 =	sld [smem:$0x3FB1];
	_ =	sdelay $0x3  }
0x36: {  	p1 =	seq.s32 s10, $0x1;
	s10 =	sld [smem:$0x3FB2];
	_ =	sdelay $0x3  }
0x37: {  	[smem:$0x3FB2] =	sst s10  }
0x38: {  	s10 =	sld [smem:$0x3FB3]  }
0x39: {  	_ = 	snop;
	(pc) =	sbr.ind lr, $3  }
0x3a: {  	_ = 	snop  }
0x3b: {  	_ = 	snop  }
0x3c: {  	p2 =	seq.s32 s10, $0x1;
	s10 =	sld [smem:$0x3FB2]  }
0x3d: {  	_ =	shalt  }
0x3e: {  	_ =	shalt  }
0x3f: {  	_ =	shalt  }
0x40: {  	_ =	shalt  }
0x41: {  	_ =	shalt  }
0x42: {  	_ =	shalt  }
0x43: {  	_ =	shalt  }
0x44: {  	_ =	shalt  }
0x45: {  	_ =	shalt  }
0x46: {  	_ =	shalt  }
0x47: {  	_ =	shalt  }
0x48: {  	_ =	shalt  }
0x49: {  	_ =	shalt  }
0x4a: {  	_ =	shalt  }
0x4b: {  	_ =	shalt  }
0x4c: {  	_ =	shalt  }
0x4d: {  	_ =	shalt  }
0x4e: {  	_ =	shalt  }
0x4f: {  	_ =	shalt  }
0x50: {  	_ =	shalt  }
0x51: {  	_ =	shalt  }
0x52: {  	_ =	shalt  }
0x53: {  	_ =	shalt  }
0x54: {  	_ =	shalt  }
0x55: {  	_ =	shalt  }
0x56: {  	_ =	shalt  }
0x57: {  	_ =	shalt  }
0x58: {  	_ =	shalt  }
0x59: {  	_ =	shalt  }
0x5a: {  	_ =	shalt  }
0x5b: {  	_ =	shalt  }
0x5c: {  	_ =	shalt  }
0x5d: {  	_ =	shalt  }
0x5e: {  	_ =	shalt  }
0x5f: {  	_ =	shalt  }
0x60: {  	_ =	shalt  }
0x61: {  	_ =	shalt  }
0x62: {  	_ =	shalt  }
0x63: {  	_ =	shalt  }
0x64: {  	_ =	shalt  }
0x65: {  	_ =	shalt  }
0x66: {  	_ =	shalt  }
0x67: {  	_ =	shalt  }
0x68: {  	_ =	shalt  }
0x69: {  	_ =	shalt  }
0x6a: {  	_ =	shalt  }
0x6b: {  	_ =	shalt  }
0x6c: {  	_ =	shalt  }
0x6d: {  	_ =	shalt  }
0x6e: {  	_ =	shalt  }
0x6f: {  	_ =	shalt  }
0x70: {  	_ =	shalt  }
0x71: {  	_ =	shalt  }
0x72: {  	_ =	shalt  }
0x73: {  	_ =	shalt  }
0x74: {  	_ =	shalt  }
0x75: {  	_ =	shalt  }
0x76: {  	_ =	shalt  }
0x77: {  	_ =	shalt  }
0x78: {  	_ =	shalt  }
0x79: {  	_ =	shalt  }
0x7a: {  	_ =	shalt  }
0x7b: {  	_ =	shalt  }
0x7c: {  	_ =	shalt  }
0x7d: {  	_ =	shalt  }
0x7e: {  	_ =	shalt  }
0x7f: {  	_ =	shalt  }
0x80: {  	_ =	shalt  }
0x81: {  	_ =	shalt  }
0x82: {  	_ =	shalt  }
0x83: {  	_ =	shalt  }
0x84: {  	_ =	shalt  }
0x85: {  	_ =	shalt  }
0x86: {  	_ =	shalt  }
0x87: {  	_ =	shalt  }
.Lfunc_end0:
.L_simem_size_0:
called_computation_lowered:
.L_overlay_start_0:
0x88: {  	s2 =	sld [smem:$0x3FD9]  }
0x89: {  	s3 =	sld [smem:$0x3FFE];
	_ =	sdelay $0x1  }
0x8a: {  	s1 =	srdreg.scid  }
0x8b: {  	s0 =	sand.u32 $0x1, s1  }
0x8c: {  	s17 =	sshll.u32 s0, $0xA;
	s2 =	sadd.s32 s3, s2  }
0x8d: {  	s2 =	sadd.s32 s2, s17  }
0x8e: {  	[smem:$0x3FBE] =	sst s2  }
0x8f: {  	_ = 	snop  }
0x90: {  	s2 =	sld [smem:$0x3FD0];
	(tm) =	ssettm $0x1  }
0x91: {  	s18 =	sld [smem:$0x3FFB];
	_ =	sdelay $0x3  }
0x92: {  	_ =	strace s18  }
0x93: {  	s3 =	sld [smem:$0x3FFC];
	_ =	sdelay $0x3  }
0x94: {  	_ =	strace s3  }
0x95: {  	s3 =	sld [smem:$0x3FFD];
	_ =	sdelay $0x3  }
0x96: {  	_ =	strace s3  }
0x97: {  	_ =	strace $0x8FFFFFFF  }
0x98: {  	s19 =	sld [smem:$0x3FDB];
	_ =	sdelay $0x1  }
0x99: {  	s4 =	simm.s32 $_scs_section_size  }
0x9a: {  	s5 =	simm.s32 $_size__tile_overlayer_lowered;
	s6 =	simm.s32 $_tile_overlayer_lowered  }
0x9b: {  	s22 =	simm.s32 $0x1BFF;
	s21 =	sshll.u32 s6, $0x1;
	s3 =	sadd.s32 s4, s19  }
0x9c: {  	s7 =	simm.s32 $0x0;
	s20 =	sshll.u32 s5, $0x1;
	s5 =	sadd.s32 s21, s3  }
0x9d: {  	[timem:s7], [sflag:s22] =	dma.local [hbm:s5], s20  }
0x9e: {  	_ =	swait.ge [sflag:s22], s20  }
0x9f: {  	s4 =	ssub.s32 $0x0, s20;
	[sflag:s22] =	ssyncset.done $0x0  }
0xa0: {  	[sflag:s22] =	ssyncadd.s32 s4;
	_ =	sdelay $0x1  }
0xa1: {  	s23 =	simm.s32 $0x1B8B  }
0xa2: {  	_ =	swait.ge [sflag:s23], $0x1  }
0xa3: {  	[sflag:s23] =	ssyncset.done $0x0  }
0xa4: {  	s25 =	simm.s32 $0x1B8E;
	s24 =	sld [smem:$0x3FFE];
	[sflag:s23] =	ssyncadd.s32 $0xFFFFFFFF  }
0xa5: {  	s26 =	simm.s32 $execute0_lowered;
	[smem:$0x3FD2] =	sst s25  }
0xa6: {  	s5 =	sshll.u32 s26, $0x1;
	_ =	strace $0x80000046;
	[dreg:$0x1] =	wrdreg $0xFFFFFFFF  }
0xa7: {  	s28 =	simm.s32 $_size_execute0_lowered;
	s3 =	sadd.s32 s3, s5;
	[dreg:$0x0] =	wrdreg $0x0  }
0xa8: {  	s5 =	sshll.u32 s28, $0x1;
	[dreg:$0x2] =	wrdreg s3  }
0xa9: {  	[dreg:$0x3] =	wrdreg s5  }
0xaa: {  	[dreg:$0x4] =	wrdreg $0xC0  }
0xab: {  	_ =	task [dreg:s7], $0x5FFFF  }
0xac: {  	[dreg:$0x1] =	wrdreg $0xFFFFFFFF  }
0xad: {  	[dreg:$0x0] =	wrdreg $0x60  }
0xae: {  	[dreg:$0x2] =	wrdreg s24  }
0xaf: {  	[dreg:$0x3] =	wrdreg s2  }
0xb0: {  	[dreg:$0x4] =	wrdreg $0x13E000  }
0xb1: {  	[dreg:$0x5] =	wrdreg $0x1DA800  }
0xb2: {  	[dreg:$0x6] =	wrdreg $0x9  }
0xb3: {  	_ =	task.clear_ibuf [dreg:s7], $0x7FFFF;
	_ =	strace $0x90000046  }
0xb4: {  	s29 =	simm.s32 $0x9;
	_ =	strace $0x80000048  }
0xb5: {  	_ =	swait.ge [sflag:s29], $0x1  }
0xb6: {  	[sflag:s29] =	ssyncadd.s32 $0xFFFFFFFF  }
0xb7: {  	_ =	strace $0x90000048  }
0xb8: {  	_ =	sfence  }
0xb9: {  	s30 =	sld [smem:$0x0];
	_ =	sdelay $0x2  }
0xba: {  	s31 =	sshll.u32 s1, $0xD;
	s1 =	sshrl.u32 s1, $0x2  }
0xbb: {  	s3 =	sand.u32 $0x4000, s31;
	s1 =	sadd.s32 s1, s30  }
0xbc: {  	s0 =	sor.u32 s3, s0;
	s1 =	sshll.u32 s1, $0x11  }
0xbd: {  	s0 =	sor.u32 s1, s0  }
0xbe: {  	s0 =	sadd.s32 $0x8F2B, s0  }
0xbf: {  	[sflag:s0] =	ssyncadd.remote.s32 $0x1  }
0xc0: {  	_ =	sfence.sel $0xFFFF  }
0xc1: {  	[dreg:$0x0] =	wrdreg $0xFFFFFFFF;
	(pc) =	sbr.abs _section_cstart, $3  }
0xc2: {  	[dreg:$0x1] =	wrdreg $0xFFFFFFFF  }
0xc3: {  	_ =	task.clear_ibuf [dreg:s7], $0x2FFFF;
	_ =	strace $0x9FFFFFFF  }
0xc4: {  	(tm) =	ssettm $0x7FFFFFFF  }
0xc5: {  	_ =	shalt  }
tec
execute0_lowered:
.L_overlay_start_1:
0x0: {  	(tag) =	ssettag $0x1  }
0x1: {  	s0 =	rddreg [dreg:$0x0]  }
0x2: {  	s1 =	rddreg [dreg:$0x1]  }
0x3: {  	s2 =	rddreg [dreg:$0x2]  }
0x4: {  	s3 =	rddreg [dreg:$0x3];
	s4 =	simm.s32 $0x0;
	s6 =	srdreg.scid  }
0x5: {  	s17 =	stileid.u32;
	s28 =	simm.s32 $0x4;
	s31 =	simm.s32 $0x80  }
0x6: {  	[smem:$0x7FF] =	sst s4;
	s5 =	sadd.s32 $0x2800, s0;
	s7 =	sadd.s32 $0x47400, s0  }
0x7: {  	s8 =	sadd.s32 $0x33A00, s0;
	s9 =	sadd.s32 $0x51400, s0;
	s11 =	smul.u32 $0x270, s17  }
0x8: {  	s6 =	sand.u32 $0x1, s6;
	s0 =	sadd.s32 $0x78600, s0;
	s14 =	smul.u32 $0x9C00, s17  }
0x9: {  	s16 =	smul.u32 $0x1380, s17;
	s21 =	sadd.s32 $0x13800, s3;
	p0 =	sne.s32 s17, $0xF  }
0xa: {  	_ =	strace $0x80000047;
	s10 =	ssub.s32 $0x2, s6;
	s30 =	smul.u32 $0x9C400, s6  }
0xb: {  	s13 =	sshll.u32 s6, $0x4;
	s6 =	smul.u32 $0x13880, s6;
	[dreg:$0xc] =	wrdreg s21  }
0xc: {  	s12 =	sshrl.u32 s10, $0x1;
	s26 =	sadd.s32 $0x100, s11;
	s18 =	sadd.s32 s14, s2  }
0xd: {  	s11 =	sadd.s32 $0x200, s11;
	s19 =	sadd.s32 s16, s3;
	s10 =	ssub.s32 s10, s12  }
0xe: {  	s12 =	sor.u32 s17, s13;
	s15 =	sshll.u32 s26, $0x6;
	s29 =	sshll.u32 s11, $0x6  }
0xf: {  	s13 =	sshll.u32 s26, $0x3;
	s11 =	sshll.u32 s11, $0x3;
	[dreg:$0x5] =	wrdreg s18  }
0x10: {  	s22 =	sadd.s32 s14, s30;
	s14 =	sadd.s32 $0x9C000, s2;
	[dreg:$0x8] =	wrdreg s19  }
0x11: {  	s23 =	sshrl.u32 s30, $0x3;
	s15 =	sadd.s32 s15, s2;
	[dreg:$0xb] =	wrdreg s14  }
0x12: {  	s25 =	sadd.s32 s16, s6;
	s13 =	sadd.s32 s13, s3;
	[dreg:$0x6] =	wrdreg s15  }
0x13: {  	s6 =	sshrl.u32 s6, $0x3;
	s11 =	sadd.s32 s11, s3;
	[dreg:$0x9] =	wrdreg s13  }
0x14: {  	s20 =	smul.u32 $0x500, s12;
	s30 =	smax.u32 s10, $0x1;
	[dreg:$0xa] =	wrdreg s11  }
0x15: {  	s15 =	sadd.s32 s29, s2;
	s13 =	sshrl.u32 s22, $0x3;
	[dreg:$0x13] =	wrdreg s30  }
0x16: {  	s26 =	sshrl.u32 s25, $0x3;
	[dreg:$0x7] =	wrdreg s15;
	s13 =	sadd.s32 s9, s13  }
0x17: {  	s25 =	simm.s32 $0x12600;
	s24 =	sadd.s32 s5, s20;
	[dreg:$0xd] =	wrdreg s13  }
0x18: {  	s10 =	simm.s32 $0x1;
	s11 =	sadd.s32 s7, s20;
	[dreg:$0xe] =	wrdreg s24  }
0x19: {  	s9 =	sadd.s32 s9, s23;
	s20 =	smul.u32 $0x2800, s12;
	[dreg:$0xf] =	wrdreg s11  }
0x1a: {  	v4 =	vlaneseq.u32;
	s11 =	sadd.s32 s0, s26;
	s0 =	sadd.s32 s0, s6;
	s29 =	sadd.s32 $0x13800, s9  }
0x1b: {  	v0 =	vimm.f32 $0.0e+00;
	v1 =	vshrl.u32 v4, $0x3;
	s26 =	simm.s32 $0x8600;
	s6 =	simm.s32 $0xF600;
	[dreg:$0x10] =	wrdreg s11  }
0x1c: {  	v3 =	vand.u32 $0x7, v4;
	v4 =	vor.u32 $0x8, v4;
	v2 =	vmul.u32 $0x8, v1;
	s13 =	simm.s32 $0x0;
	[dreg:$0x11] =	wrdreg s29;
	s0 =	sadd.s32 $0x2700, s0  }
0x1d: {  	v5 =	vor.u32 $0x2, v1;
	v6 =	vor.u32 $0x4, v1;
	v7 =	vor.u32 $0x6, v1;
	s11 =	simm.s32 $0x2;
	[dreg:$0x12] =	wrdreg s0;
	s0 =	simm.s32 $0xC600  }
.LBB2_1:
0x1e: {  	[tilespmem:s26+$0x0] =	vst v0  }
0x1f: {  	[tilespmem:s26+$0x1F0] =	vst v0  }
0x20: {  	[tilespmem:s26+$0x1E0] =	vst v0  }
0x21: {  	[tilespmem:s26+$0x1D0] =	vst v0  }
0x22: {  	[tilespmem:s26+$0x1C0] =	vst v0  }
0x23: {  	[tilespmem:s26+$0x1B0] =	vst v0  }
0x24: {  	[tilespmem:s26+$0x1A0] =	vst v0  }
0x25: {  	[tilespmem:s26+$0x190] =	vst v0  }
0x26: {  	[tilespmem:s26+$0x180] =	vst v0  }
0x27: {  	[tilespmem:s26+$0x170] =	vst v0  }
0x28: {  	[tilespmem:s26+$0x160] =	vst v0  }
0x29: {  	[tilespmem:s26+$0x150] =	vst v0  }
0x2a: {  	[tilespmem:s26+$0x140] =	vst v0  }
0x2b: {  	[tilespmem:s26+$0x130] =	vst v0  }
0x2c: {  	[tilespmem:s26+$0x120] =	vst v0  }
0x2d: {  	[tilespmem:s26+$0x110] =	vst v0  }
0x2e: {  	[tilespmem:s26+$0x100] =	vst v0  }
0x2f: {  	[tilespmem:s26+$0xF0] =	vst v0  }
0x30: {  	[tilespmem:s26+$0xE0] =	vst v0  }
0x31: {  	[tilespmem:s26+$0xD0] =	vst v0  }
0x32: {  	[tilespmem:s26+$0xC0] =	vst v0  }
0x33: {  	[tilespmem:s26+$0xB0] =	vst v0  }
0x34: {  	[tilespmem:s26+$0xA0] =	vst v0  }
0x35: {  	[tilespmem:s26+$0x90] =	vst v0  }
0x36: {  	[tilespmem:s26+$0x80] =	vst v0  }
0x37: {  	[tilespmem:s26+$0x70] =	vst v0  }
0x38: {  	[tilespmem:s26+$0x60] =	vst v0  }
0x39: {  	[tilespmem:s26+$0x50] =	vst v0  }
0x3a: {  	[tilespmem:s26+$0x40] =	vst v0  }
0x3b: {  	[tilespmem:s26+$0x30] =	vst v0  }
0x3c: {  	s12 =	simm.s32 $0x0;
	[tilespmem:s26+$0x20] =	vst v0;
	s9 =	simm.s32 $0x8600  }
.LBB2_2:
0x3d: {  	s12 =	sadd.s32 $0x8, s12;
	[tilespmem:s9+$0x10] =	vst v0;
	s9 =	sadd.s32 $0x200, s9;
	s15 =	simm.s32 $0x20E  }
0x3e: {  	[tilespmem:s9+$0x0] =	vst v0;
	p1 =	slt.u32 s12, $0xF8  }
0x3f: {  	[tilespmem:s9+$0x1F0] =	vst v0  }
0x40: {  	[tilespmem:s9+$0x1E0] =	vst v0  }
0x41: {  	[tilespmem:s9+$0x1D0] =	vst v0  }
0x42: {  	[tilespmem:s9+$0x1C0] =	vst v0  }
0x43: {  	[tilespmem:s9+$0x1B0] =	vst v0  }
0x44: {  	[tilespmem:s9+$0x1A0] =	vst v0  }
0x45: {  	[tilespmem:s9+$0x190] =	vst v0  }
0x46: {  	[tilespmem:s9+$0x180] =	vst v0  }
0x47: {  	[tilespmem:s9+$0x170] =	vst v0  }
0x48: {  	[tilespmem:s9+$0x160] =	vst v0  }
0x49: {  	[tilespmem:s9+$0x150] =	vst v0  }
0x4a: {  	[tilespmem:s9+$0x140] =	vst v0  }
0x4b: {  	[tilespmem:s9+$0x130] =	vst v0  }
0x4c: {  	[tilespmem:s9+$0x120] =	vst v0  }
0x4d: {  	[tilespmem:s9+$0x110] =	vst v0  }
0x4e: {  	[tilespmem:s9+$0x100] =	vst v0  }
0x4f: {  	[tilespmem:s9+$0xF0] =	vst v0  }
0x50: {  	[tilespmem:s9+$0xE0] =	vst v0  }
0x51: {  	[tilespmem:s9+$0xD0] =	vst v0  }
0x52: {  	[tilespmem:s9+$0xC0] =	vst v0  }
0x53: {  	[tilespmem:s9+$0xB0] =	vst v0  }
0x54: {  	[tilespmem:s9+$0xA0] =	vst v0  }
0x55: {  	[tilespmem:s9+$0x90] =	vst v0  }
0x56: {  	[tilespmem:s9+$0x80] =	vst v0  }
0x57: {  	[tilespmem:s9+$0x70] =	vst v0  }
.Ltmp0:
0x58: {  	[tilespmem:s9+$0x60] =	vst v0;
	(pc) =	sbr.rel @p1 .LBB2_2-.Ltmp0, $4  }
0x59: {  	[tilespmem:s9+$0x50] =	vst v0  }
0x5a: {  	[tilespmem:s9+$0x40] =	vst v0  }
0x5b: {  	[tilespmem:s9+$0x30] =	vst v0  }
0x5c: {  	[tilespmem:s9+$0x20] =	vst v0  }
0x5d: {  	s12 =	simm.s32 $0x202;
	s16 =	simm.s32 $0x20C  }
0x5e: {  	[dreg:$0x14] =	wrdreg s13;
	v8 =	vmov s15;
	s23 =	simm.s32 $0x204;
	s24 =	simm.s32 $0x206;
	v9 =	vmov s12;
	v10 =	vmov s16  }
0x5f: {  	s29 =	simm.s32 $0x200;
	s30 =	simm.s32 $0x208;
	s13 =	simm.s32 $0x20A;
	v8 =	vshll.u32 v8, $0x3;
	v11 =	vmov s23;
	v12 =	vmov s24  }
0x60: {  	v13 =	vmov s29;
	v14 =	vmov s30;
	v15 =	vmov s13  }
0x61: {  	s23 =	simm.s32 $0x216;
	s24 =	simm.s32 $0x210;
	s29 =	simm.s32 $0x218;
	v10 =	vshll.u32 v10, $0x3;
	v13 =	vshll.u32 v13, $0x3;
	v9 =	vshll.u32 v9, $0x3  }
0x62: {  	s30 =	simm.s32 $0x21A;
	v19 =	vmov s23;
	v20 =	vmov s24;
	v21 =	vmov s29  }
0x63: {  	v62 =	vmov s30;
	v10 =	vor.u32 v2, v10;
	v9 =	vor.u32 v2, v9  }
0x64: {  	v16 =	vor.u32 v3, v10;
	v10 =	vshll.u32 v11, $0x3;
	v11 =	vshll.u32 v12, $0x3  }
0x65: {  	v12 =	vor.u32 v2, v13;
	v13 =	vshll.u32 v14, $0x3;
	v14 =	vshll.u32 v15, $0x3  }
0x66: {  	v15 =	vor.u32 v2, v8;
	v17 =	vor.u32 v3, v9;
	v10 =	vor.u32 v2, v10  }
0x67: {  	v11 =	vor.u32 v2, v11;
	v13 =	vor.u32 v2, v13;
	v14 =	vor.u32 v2, v14  }
0x68: {  	s17 =	simm.s32 $0x21C;
	v12 =	vor.u32 v3, v12;
	v18 =	vor.u32 v3, v10;
	v11 =	vor.u32 v3, v11  }
0x69: {  	s15 =	simm.s32 $0x21E;
	v8 =	vor.u32 v3, v13;
	v10 =	vor.u32 v3, v15;
	v15 =	vmov s17  }
0x6a: {  	s16 =	simm.s32 $0x212;
	[tilespmem:s9+$0x10] =	vst v0;
	v13 =	vmov s15;
	v9 =	vor.u32 v3, v14;
	v15 =	vshll.u32 v15, $0x3  }
0x6b: {  	s22 =	simm.s32 $0x214;
	v14 =	vmov s16;
	v13 =	vshll.u32 v13, $0x3;
	v15 =	vor.u32 v2, v15;
	[tilespmem:v16+s25+$0x0] =	vst.idx.msk $0xffff, v0  }
0x6c: {  	v14 =	vshll.u32 v14, $0x3;
	v16 =	vmov s22;
	v22 =	vor.u32 v3, v15;
	[tilespmem:v17+s25+$0x0] =	vst.idx.msk $0xffff, v0  }
0x6d: {  	v17 =	vshll.u32 v21, $0x3;
	[tilespmem:v12+s25+$0x0] =	vst.idx.msk $0xffff, v0;
	v12 =	vshll.u32 v20, $0x3;
	v15 =	vshll.u32 v16, $0x3  }
0x6e: {  	v16 =	vshll.u32 v19, $0x3;
	v17 =	vor.u32 v2, v17;
	[tilespmem:v18+s25+$0x0] =	vst.idx.msk $0xffff, v0;
	v12 =	vor.u32 v2, v12  }
0x6f: {  	v18 =	vshll.u32 v62, $0x3;
	[tilespmem:v11+s25+$0x0] =	vst.idx.msk $0xffff, v0;
	v11 =	vor.u32 v2, v14;
	v19 =	vor.u32 v2, v15  }
0x70: {  	v63 =	vor.u32 v2, v16;
	v15 =	vor.u32 v2, v13;
	v17 =	vor.u32 v3, v17  }
0x71: {  	v16 =	vor.u32 v2, v18;
	v14 =	vor.u32 v3, v12;
	v12 =	vor.u32 v3, v11  }
0x72: {  	s9 =	simm.s32 $0x8;
	s12 =	simm.s32 $0x22E;
	v13 =	vor.u32 v3, v19;
	v11 =	vor.u32 v3, v63;
	[tilespmem:v22+s25+$0x0] =	vst.idx.msk $0xffff, v0  }
.LBB2_4:
0x73: {  	s15 =	sadd.s32 $0xFFFFFFF4, s12;
	s16 =	sadd.s32 $0xFFFFFFFE, s12;
	v18 =	vmov s12;
	s9 =	sadd.s32 $0x8, s9;
	v16 =	vor.u32 v3, v16;
	v15 =	vor.u32 v3, v15;
	[tilespmem:v8+s25+$0x0] =	vst.idx.msk $0xffff, v0;
	v8 =	vmovc v17  }
0x74: {  	s17 =	sadd.s32 $0xFFFFFFF8, s12;
	v17 =	vmov s15;
	s15 =	sadd.s32 $0xFFFFFFF6, s12;
	v19 =	vmov s16;
	v18 =	vshll.u32 v18, $0x3;
	p1 =	slt.u32 s9, $0x78;
	[tilespmem:v9+s25+$0x0] =	vst.idx.msk $0xffff, v0;
	v9 =	vmovc v16  }
0x75: {  	s16 =	sadd.s32 $0xFFFFFFF2, s12;
	v20 =	vmov s17;
	s17 =	sadd.s32 $0xFFFFFFFC, s12;
	v16 =	vmov s15;
	s15 =	sadd.s32 $0xFFFFFFFA, s12;
	v19 =	vshll.u32 v19, $0x3;
	[tilespmem:v10+s25+$0x0] =	vst.idx.msk $0xffff, v0;
	v10 =	vmovc v15  }
0x76: {  	v15 =	vmov s16;
	v21 =	vmov s15;
	v19 =	vor.u32 v2, v19;
	[tilespmem:v14+s25+$0x0] =	vst.idx.msk $0xffff, v0  }
0x77: {  	v14 =	vshll.u32 v15, $0x3;
	v15 =	vmov s17;
	v19 =	vor.u32 v3, v19;
	[tilespmem:v12+s25+$0x0] =	vst.idx.msk $0xffff, v0  }
0x78: {  	v16 =	vshll.u32 v16, $0x3;
	v12 =	vshll.u32 v17, $0x3;
	v17 =	vshll.u32 v20, $0x3;
	[tilespmem:v13+s25+$0x0] =	vst.idx.msk $0xffff, v0  }
.Ltmp1:
0x79: {  	v15 =	vshll.u32 v15, $0x3;
	v13 =	vor.u32 v2, v14;
	v14 =	vshll.u32 v21, $0x3;
	[tilespmem:v11+s25+$0x0] =	vst.idx.msk $0xffff, v0;
	(pc) =	sbr.rel @p1 .LBB2_4-.Ltmp1, $4  }
0x7a: {  	v20 =	vor.u32 v2, v16;
	v17 =	vor.u32 v2, v17;
	v11 =	vor.u32 v2, v12  }
0x7b: {  	v16 =	vor.u32 v2, v15;
	v15 =	vor.u32 v2, v18;
	v21 =	vor.u32 v2, v14  }
0x7c: {  	v14 =	vor.u32 v3, v13;
	v12 =	vor.u32 v3, v11;
	[tilespmem:v19+s25+$0x0] =	vst.idx.msk $0xffff, v0  }
0x7d: {  	s12 =	sadd.s32 $0x10, s12;
	v13 =	vor.u32 v3, v20;
	v11 =	vor.u32 v3, v17;
	v17 =	vor.u32 v3, v21  }
0x7e: {  	_ =	sdelay $0x3  }
0x7f: {  	[tilespmem:v8+s25+$0x0] =	vst.idx.msk $0xffff, v0  }
0x80: {  	[tilespmem:v9+s25+$0x0] =	vst.idx.msk $0xffff, v0  }
0x81: {  	[tilespmem:v10+s25+$0x0] =	vst.idx.msk $0xffff, v0  }
0x82: {  	v8 =	vor.u32 v3, v16;
	[tilespmem:v14+s25+$0x0] =	vst.idx.msk $0xffff, v0  }
0x83: {  	v63 =	vor.u32 v3, v15;
	[tilespmem:v12+s25+$0x0] =	vst.idx.msk $0xffff, v0  }
0x84: {  	[tilespmem:v13+s25+$0x0] =	vst.idx.msk $0xffff, v0  }
0x85: {  	[tilespmem:v11+s25+$0x0] =	vst.idx.msk $0xffff, v0  }
0x86: {  	[tilespmem:v17+s25+$0x0] =	vst.idx.msk $0xffff, v0  }
0x87: {  	[tilespmem:v8+s25+$0x0] =	vst.idx.msk $0xffff, v0  }
0x88: {  	[tilespmem:v63+s25+$0x0] =	vst.idx.msk $0xffff, v0  }
0x89: {  	[spmem:s18] =	stream.linear.scatter [tilespmem:s26], [sflag:$0x4], $0x4000, $0x38;
	[tilespmem:$0x1EE10] =	vst v63  }
0x8a: {  	_ =	swait.ge [sflag:s28], $0x4000  }
0x8b: {  	[sflag:s28] =	ssyncset.done $0x0  }
0x8c: {  	s9 =	rddreg [dreg:$0x6];
	[sflag:s28] =	ssyncadd.s32 $0xFFFFC000  }
0x8d: {  	[spmem:s9] =	stream.linear.scatter [tilespmem:s26], [sflag:$0x4], $0x4000, $0x38;
	[tilespmem:$0x1EE10] =	vst v63  }
0x8e: {  	_ =	swait.ge [sflag:s28], $0x4000  }
0x8f: {  	[sflag:s28] =	ssyncset.done $0x0  }
0x90: {  	s16 =	rddreg [dreg:$0x7];
	[sflag:s28] =	ssyncadd.s32 $0xFFFFC000  }
0x91: {  	[spmem:s16] =	stream.linear.scatter [tilespmem:s26], [sflag:$0x4], $0x1C00, $0x38;
	[tilespmem:$0x1EE10] =	vst v63  }
0x92: {  	_ =	swait.ge [sflag:s28], $0x1C00  }
0x93: {  	[sflag:s28] =	ssyncset.done $0x0  }
0x94: {  	s12 =	simm.s32 $0x13600;
	[sflag:s28] =	ssyncadd.s32 $0xFFFFE400  }
0x95: {  	[spmem:s19] =	stream.linear.scatter [tilespmem:s12], [sflag:$0x4], $0x800, $0x38;
	[tilespmem:$0x1EE10] =	vst v63  }
0x96: {  	_ =	swait.ge [sflag:s28], $0x800  }
0x97: {  	[sflag:s28] =	ssyncset.done $0x0  }
0x98: {  	s17 =	rddreg [dreg:$0x9];
	[sflag:s28] =	ssyncadd.s32 $0xFFFFF800  }
0x99: {  	[spmem:s17] =	stream.linear.scatter [tilespmem:s12], [sflag:$0x4], $0x800, $0x38;
	[tilespmem:$0x1EE10] =	vst v63  }
0x9a: {  	_ =	swait.ge [sflag:s28], $0x800  }
0x9b: {  	[sflag:s28] =	ssyncset.done $0x0  }
0x9c: {  	s18 =	rddreg [dreg:$0xa];
	[sflag:s28] =	ssyncadd.s32 $0xFFFFF800  }
0x9d: {  	[spmem:s18] =	stream.linear.scatter [tilespmem:s12], [sflag:$0x4], $0x380, $0x38;
	[tilespmem:$0x1EE10] =	vst v63  }
0x9e: {  	_ =	swait.ge [sflag:s28], $0x380  }
0x9f: {  	[sflag:s28] =	ssyncset.done $0x0  }
0xa0: {  	s9 =	simm.s32 @!p0 $0x8600;
	[sflag:s28] =	ssyncadd.s32 $0xFFFFFC80  }
0xa1: {  	[spmem:s14] =	stream.linear.scatter @!p0 [tilespmem:s9], [sflag:$0x4], $0x400, $0x38;
	[tilespmem:$0x1EE10] =	vst v63  }
0xa2: {  	s9 =	simm.s32 @!p0 $0x4  }
0xa3: {  	_ =	swait.ge @!p0 [sflag:s9], $0x400  }
0xa4: {  	[sflag:s9] =	ssyncset.done @!p0 $0x0  }
0xa5: {  	s12 =	simm.s32 @!p0 $0x13600;
	[sflag:s9] =	ssyncadd.s32 @!p0 $0xFFFFFC00  }
0xa6: {  	[spmem:s21] =	stream.linear.scatter @!p0 [tilespmem:s12], [sflag:$0x4], $0x80, $0x38;
	[tilespmem:$0x1EE10] =	vst v63  }
0xa7: {  	_ =	swait.ge @!p0 [sflag:s9], $0x80  }
0xa8: {  	[sflag:s9] =	ssyncset.done @!p0 $0x0  }
0xa9: {  	[sflag:s9] =	ssyncadd.s32 @!p0 $0xFFFFFF80  }
0xaa: {  	[bflag:$0x0] =	sbarrier.arrive $0xFFFF  }
0xab: {  	s9 =	simm.s32 $0x0;
	s19 =	rddreg [dreg:$0xe]  }
0xac: {  	[tilespmem:s9], [sflag:$0x4] =	stream.linear.gather [hbm4b:s19+s9], $0x100, $0x38;
	[tilespmem:$0x1EE10] =	vst v63  }
0xad: {  	_ =	swait.ge [sflag:s28], $0x100  }
0xae: {  	[sflag:s28] =	ssyncset.done $0x0  }
0xaf: {  	s13 =	simm.s32 $0x300;
	s21 =	rddreg [dreg:$0xf];
	[sflag:s28] =	ssyncadd.s32 $0xFFFFFF00  }
0xb0: {  	[tilespmem:s13], [sflag:$0x4] =	stream.linear.gather [hbm4b:s21+s9], $0x100, $0x38;
	[tilespmem:$0x1EE10] =	vst v63  }
0xb1: {  	_ =	swait.ge [sflag:s28], $0x100  }
0xb2: {  	[sflag:s28] =	ssyncset.done $0x0  }
0xb3: {  	s22 =	simm.s32 $0x600;
	[sflag:s28] =	ssyncadd.s32 $0xFFFFFF00  }
0xb4: {  	[tilespmem:s22], [sflag:$0x1] =	stream.indirect.gather [hbm4b:s8+s31], $0x40, s9, s31, $0xb8;
	[tilespmem:$0x1EE10] =	vst v63  }
0xb5: {  	_ = 	snop  }
0xb6: {  	[tilespmem:s0], [sflag:$0x2] =	stream.indirect.gather [hbm4b:s1+s31], $0x10, s9, s31, $0xb8;
	[tilespmem:$0x1EE10] =	vst v63  }
0xb7: {  	_ = 	snop  }
0xb8: {  	[tilespmem:s6], [sflag:$0x2] =	stream.indirect.gather [hbm4b:s1+s31], $0x10, s13, s31, $0xb8;
	[tilespmem:$0x1EE10] =	vst v63  }
0xb9: {  	s23 =	simm.s32 $0x2600  }
0xba: {  	[tilespmem:s23], [sflag:$0x1] =	stream.indirect.gather [hbm4b:s8+s31], $0x40, s31, s31, $0xb8;
	[tilespmem:$0x1EE10] =	vst v63  }
0xbb: {  	s24 =	simm.s32 $0xCE00  }
0xbc: {  	[tilespmem:s24], [sflag:$0x2] =	stream.indirect.gather [hbm4b:s1+s31], $0x10, s31, s31, $0xb8;
	[tilespmem:$0x1EE10] =	vst v63  }
0xbd: {  	s29 =	simm.s32 $0x380;
	s30 =	simm.s32 $0xFE00  }
0xbe: {  	[tilespmem:s30], [sflag:$0x2] =	stream.indirect.gather [hbm4b:s1+s31], $0x10, s29, s31, $0xb8;
	[tilespmem:$0x1EE10] =	vst v63  }
.LBB2_6:
0xbf: {  	p1 =	slt.u32 s9, $0x2  }
0xc0: {  	s12 =	simm.s32 @!p1 $0x3  }
0xc1: {  	_ =	swait.ge @!p1 [sflag:s12], $0x2000  }
0xc2: {  	[sflag:s12] =	ssyncset.done @!p1 $0x0  }
0xc3: {  	[sflag:s12] =	ssyncadd.s32 @!p1 $0xFFFFE000  }
0xc4: {  	_ =	swait.ge @!p1 [sflag:s12], $0x400  }
0xc5: {  	[sflag:s12] =	ssyncset.done @!p1 $0x0  }
0xc6: {  	[sflag:s12] =	ssyncadd.s32 @!p1 $0xFFFFFC00  }
0xc7: {  	_ =	swait.ge @!p1 [sflag:s12], $0x2000  }
0xc8: {  	[sflag:s12] =	ssyncset.done @!p1 $0x0  }
0xc9: {  	p2 =	seq.s32 @!p1 s9, $0x27;
	[sflag:s12] =	ssyncadd.s32 @!p1 $0xFFFFE000  }
0xca: {  	s30 =	simm.s32 @!p1 $0x28;
	p2 =	por p1, !p2;
	_ =	swait.ge @!p1 [sflag:s12], $0x400  }
0xcb: {  	s30 =	sadd.s32 @p2 $0x1, s9;
	[sflag:s12] =	ssyncset.done @!p1 $0x0  }
0xcc: {  	[sflag:s12] =	ssyncadd.s32 @!p1 $0xFFFFFC00;
	s12 =	smul.u32 @p2 $0xAB, s30;
	_ =	sdelay $0x1  }
0xcd: {  	s12 =	sshrl.u32 @p2 s12, $0x9  }
0xce: {  	s12 =	sand.u32 @p2 $0x7F, s12  }
0xcf: {  	s12 =	smul.u32 @p2 $0x3, s12  }
0xd0: {  	s15 =	sshll.u32 @p2 s30, $0x8  }
0xd1: {  	s15 =	sadd.s32 @p2 s20, s15;
	s12 =	ssub.s32 @p2 s30, s12  }
0xd2: {  	s15 =	sshrl.u32 @p2 s15, $0x3;
	s12 =	sand.u32 @p2 $0xFF, s12  }
0xd3: {  	s17 =	sadd.s32 @p2 s5, s15;
	s16 =	sshll.u32 @p2 s12, $0x8  }
0xd4: {  	[tilespmem:s16], [sflag:$0x4] =	stream.linear.gather @p2 [hbm4b:s17+s4], $0x100, $0x38;
	[tilespmem:$0x1EE10] =	vst v63  }
0xd5: {  	_ =	swait.ge @p2 [sflag:s28], $0x100  }
0xd6: {  	[sflag:s28] =	ssyncset.done @p2 $0x0  }
0xd7: {  	s15 =	sadd.s32 @p2 s7, s15;
	s17 =	sadd.s32 @p2 $0x300, s16;
	[sflag:s28] =	ssyncadd.s32 @p2 $0xFFFFFF00  }
0xd8: {  	[tilespmem:s17], [sflag:$0x4] =	stream.linear.gather @p2 [hbm4b:s15+s4], $0x100, $0x38;
	[tilespmem:$0x1EE10] =	vst v63  }
0xd9: {  	_ =	swait.ge @p2 [sflag:s28], $0x100  }
0xda: {  	s15 =	sshll.u32 @p2 s12, $0xE;
	[sflag:s28] =	ssyncset.done @p2 $0x0  }
0xdb: {  	s12 =	sshll.u32 @p2 s12, $0xC;
	s15 =	sor.u32 @p2 $0x600, s15;
	[sflag:s28] =	ssyncadd.s32 @p2 $0xFFFFFF00  }
0xdc: {  	[tilespmem:s15], [sflag:$0x1] =	stream.indirect.gather @p2 [hbm4b:s8+s31], $0x40, s16, s31, $0xb8;
	[tilespmem:$0x1EE10] =	vst v63  }
0xdd: {  	s15 =	sor.u32 @p2 $0xC600, s12  }
0xde: {  	[tilespmem:s15], [sflag:$0x2] =	stream.indirect.gather @p2 [hbm4b:s1+s31], $0x10, s16, s31, $0xb8;
	[tilespmem:$0x1EE10] =	vst v63  }
0xdf: {  	s12 =	sadd.s32 @p2 $0xF600, s12;
	s15 =	sor.u32 @p2 $0x80, s16  }
0xe0: {  	[tilespmem:s12], [sflag:$0x2] =	stream.indirect.gather @p2 [hbm4b:s1+s31], $0x10, s17, s31, $0xb8;
	[tilespmem:$0x1EE10] =	vst v63  }
0xe1: {  	s12 =	sshll.u32 @p2 s15, $0x6  }
0xe2: {  	s12 =	sor.u32 @p2 $0x600, s12  }
0xe3: {  	[tilespmem:s12], [sflag:$0x1] =	stream.indirect.gather @p2 [hbm4b:s8+s31], $0x40, s15, s31, $0xb8;
	[tilespmem:$0x1EE10] =	vst v63  }
0xe4: {  	s12 =	sshll.u32 @p2 s15, $0x4  }
0xe5: {  	s17 =	sor.u32 @p2 $0xC600, s12  }
0xe6: {  	[tilespmem:s17], [sflag:$0x2] =	stream.indirect.gather @p2 [hbm4b:s1+s31], $0x10, s15, s31, $0xb8;
	[tilespmem:$0x1EE10] =	vst v63  }
0xe7: {  	s12 =	sadd.s32 @p2 $0xF600, s12;
	s15 =	sadd.s32 @p2 $0x380, s16  }
0xe8: {  	[tilespmem:s12], [sflag:$0x2] =	stream.indirect.gather @p2 [hbm4b:s1+s31], $0x10, s15, s31, $0xb8;
	[tilespmem:$0x1EE10] =	vst v63  }
0xe9: {  	_ =	swait.ge [sflag:s10], $0x2000  }
0xea: {  	s13 =	sand.u32 $0xFF, s9;
	[sflag:s10] =	ssyncset.done $0x0  }
0xeb: {  	s12 =	smul.u32 $0xAB, s13;
	[sflag:s10] =	ssyncadd.s32 $0xFFFFE000  }
0xec: {  	_ =	swait.ge [sflag:s11], $0x800  }
0xed: {  	s12 =	sshrl.u32 s12, $0x9;
	[sflag:s11] =	ssyncset.done $0x0  }
0xee: {  	s12 =	smul.u32 $0x3, s12;
	[sflag:s11] =	ssyncadd.s32 $0xFFFFF800  }
0xef: {  	_ =	swait.ge [sflag:s11], $0x800  }
0xf0: {  	s14 =	ssub.s32 s9, s12;
	[sflag:s11] =	ssyncset.done $0x0  }
0xf1: {  	s18 =	sand.u32 $0xFF, s14;
	[sflag:s11] =	ssyncadd.s32 $0xFFFFF800  }
0xf2: {  	s15 =	simm.s32 $0x4;
	s17 =	sshll.u32 s18, $0x8;
	_ =	swait.ge [sflag:s10], $0x2000  }
0xf3: {  	s9 =	sor.u32 s17, s15;
	[sflag:s10] =	ssyncset.done $0x0  }
0xf4: {  	s16 =	simm.s32 $0x0;
	v10 =	vor.u32 s9, v1;
	[sflag:s10] =	ssyncadd.s32 $0xFFFFE000  }
0xf5: {  	s19 =	simm.s32 $0x2;
	s9 =	sor.u32 s17, s16;
	v8 =	vshll.u32 v10, $0x4;
	_ =	swait.ge [sflag:s11], $0x800  }
0xf6: {  	s21 =	sor.u32 s17, s19;
	v11 =	vor.u32 s9, v1;
	v9 =	vor.u32 v3, v8;
	[sflag:s11] =	ssyncset.done $0x0  }
0xf7: {  	v13 =	vor.u32 s21, v1;
	v8 =	vor.u32 v4, v8;
	v12 =	vshll.u32 v11, $0x4;
	[sflag:s11] =	ssyncadd.s32 $0xFFFFF800  }
0xf8: {  	v15 =	vshll.u32 v13, $0x4;
	v14 =	vor.u32 v3, v12;
	v12 =	vor.u32 v4, v12;
	_ =	swait.ge [sflag:s11], $0x800  }
0xf9: {  	v17 =	vor.u32 v3, v15;
	[sflag:s11] =	ssyncset.done $0x0  }
0xfa: {  	[sflag:s11] =	ssyncadd.s32 $0xFFFFF800  }
0xfb: {  	s13 =	simm.s32 $0xC;
	v9 =	vld.idx.msk [tilespmem:v9+s0+$0x0], $0xffff  }
0xfc: {  	s22 =	simm.s32 $0x6;
	s15 =	sor.u32 s17, s13;
	v11 =	vshll.u32 v11, $0x3;
	v16 =	vld.idx.msk [tilespmem:v8+s6+$0x0], $0xffff  }
0xfd: {  	s23 =	sor.u32 s17, s22;
	v25 =	vor.u32 s15, v1;
	v15 =	vor.u32 v4, v15;
	v22 =	vor.u32 v3, v11;
	v11 =	vld.idx.msk [tilespmem:v12+s6+$0x0], $0xffff  }
0xfe: {  	v8 =	vor.u32 s23, v1;
	v12 =	vld.idx.msk [tilespmem:v17+s0+$0x0], $0xffff;
	v17 =	vshll.u32 v25, $0x4  }
0xff: {  	s14 =	simm.s32 $0xE;
	v14 =	vld.idx.msk [tilespmem:v14+s0+$0x0], $0xffff;
	v18 =	vshll.u32 v8, $0x4;
	v24 =	vor.u32 v3, v17  }
0x100: {  	s16 =	sor.u32 s17, s14;
	v19 =	vor.u32 v3, v18  }
0x101: {  	s24 =	simm.s32 $0x8;
	v13 =	vshll.u32 v13, $0x3;
	v26 =	vor.u32 s16, v1;
	v18 =	vor.u32 v4, v18  }
0x102: {  	s9 =	sor.u32 s17, s24;
	v10 =	vshll.u32 v10, $0x3;
	v23 =	vor.u32 v3, v13;
	v15 =	vld.idx.msk [tilespmem:v15+s6+$0x0], $0xffff;
	v17 =	vor.u32 v4, v17  }
0x103: {  	v13 =	vor.u32 s9, v1;
	v28 =	vshll.u32 v26, $0x4;
	v9 =	vadd.f32 v16, v9  }
0x104: {  	s29 =	simm.s32 $0xA;
	v21 =	vshll.u32 v13, $0x4;
	v30 =	vor.u32 v3, v28;
	s23 =	simm.s32 $0x16;
	v11 =	vadd.f32 v11, v14;
	v14 =	vld.idx.msk [tilespmem:v24+s0+$0x0], $0xffff  }
0x105: {  	s12 =	sor.u32 s17, s29;
	v28 =	vor.u32 v4, v28;
	v8 =	vshll.u32 v8, $0x3;
	s29 =	sor.u32 s17, s23;
	v20 =	vmul.f32 $2.000000030e-01, v9;
	v19 =	vld.idx.msk [tilespmem:v19+s0+$0x0], $0xffff  }
0x106: {  	v8 =	vor.u32 v3, v8;
	v61 =	vor.u32 s29, v1;
	v16 =	vor.u32 s12, v1;
	v18 =	vld.idx.msk [tilespmem:v18+s6+$0x0], $0xffff  }
0x107: {  	v12 =	vadd.f32 v15, v12;
	v27 =	vshll.u32 v16, $0x4;
	v15 =	vld.idx.msk [tilespmem:v17+s6+$0x0], $0xffff;
	v9 =	vmax.f32 v9, v20  }
0x108: {  	v29 =	vor.u32 v3, v27;
	v17 =	vmul.f32 $2.000000030e-01, v11;
	v9 =	vmul.f32 $1.442695020e+00, v9  }
0x109: {  	v27 =	vor.u32 v4, v27;
	v20 =	vor.u32 v3, v21;
	v21 =	vor.u32 v4, v21  }
0x10a: {  	v11 =	vmax.f32 v11, v17;
	v17 =	vor.u32 v3, v10;
	(erf) = vpow2.f32 v9  }
0x10b: {  	v9 =	vshll.u32 v13, $0x3;
	v13 =	vshll.u32 v16, $0x3;
	v16 =	vadd.f32 v18, v19  }
0x10c: {  	s19 =	simm.s32 $0x10;
	v14 =	vadd.f32 v15, v14;
	v18 =	vmul.f32 $2.000000030e-01, v12;
	v19 =	vshll.u32 v26, $0x3  }
0x10d: {  	s9 =	sor.u32 s17, s19;
	v9 =	vor.u32 v3, v9;
	v10 =	vor.u32 v3, v19;
	v24 =	vmul.f32 $2.000000030e-01, v16  }
0x10e: {  	s21 =	simm.s32 $0x14;
	v28 =	vld.idx.msk [tilespmem:v28+s6+$0x0], $0xffff;
	v19 =	vor.u32 s9, v1;
	v12 =	vmax.f32 v12, v18;
	v18 =	vmul.f32 $1.442695020e+00, v11  }
0x10f: {  	s12 =	sor.u32 s17, s21;
	v15 =	vld.idx.msk [tilespmem:v29+s0+$0x0], $0xffff;
	v11 =	vor.u32 v3, v13;
	v26 =	vmul.f32 $1.442695020e+00, v12;
	v12 =	vmax.f32 v16, v24  }
0x110: {  	s22 =	simm.s32 $0x12;
	v31 =	vld.idx.msk [tilespmem:v20+s0+$0x0], $0xffff;
	(erf) = vpow2.f32 v18;
	v16 =	vmul.f32 $1.442695020e+00, v12;
	v12 =	vor.u32 s12, v1  }
0x111: {  	s24 =	sor.u32 s17, s22;
	v13 =	vld.idx.msk [tilespmem:v21+s6+$0x0], $0xffff;
	v20 =	vmul.f32 $2.000000030e-01, v14;
	v21 =	vshll.u32 v19, $0x4;
	v18 =	vshll.u32 v12, $0x4  }
0x112: {  	v24 =	vld.idx.msk [tilespmem:v27+s6+$0x0], $0xffff;
	(erf) = vpow2.f32 v26;
	v26 =	vor.u32 s24, v1;
	v29 =	vor.u32 v3, v18  }
0x113: {  	v27 =	vld.idx.msk [tilespmem:v30+s0+$0x0], $0xffff;
	v14 =	vmax.f32 v14, v20;
	v32 =	vshll.u32 v26, $0x4;
	v33 =	vor.u32 v4, v18  }
0x114: {  	v34 =	vor.u32 v3, v21;
	v14 =	vmul.f32 $1.442695020e+00, v14;
	v36 =	vor.u32 v3, v32  }
0x115: {  	v35 =	vor.u32 v4, v21;
	v18 =	vshll.u32 v61, $0x4;
	v32 =	vor.u32 v4, v32  }
0x116: {  	(erf) = vpow2.f32 v14;
	v14 =	vshll.u32 v19, $0x3;
	v21 =	vor.u32 v3, v18  }
0x117: {  	(erf) = vpow2.f32 v16;
	v62 =	vadd.f32 v24, v15;
	v20 =	vld.idx.msk [tilespmem:v29+s0+$0x0], $0xffff;
	v29 =	vadd.f32 v13, v31  }
0x118: {  	v18 =	vor.u32 v4, v18;
	v14 =	vor.u32 v3, v14;
	v27 =	vadd.f32 v28, v27;
	v13 =	vpop (erf);
	v24 =	vld.idx.msk [tilespmem:v33+s6+$0x0], $0xffff  }
0x119: {  	v15 =	vshll.u32 v26, $0x3;
	v28 =	vmul.f32 $2.000000030e-01, v62;
	v19 =	vld.idx.msk [tilespmem:v36+s0+$0x0], $0xffff;
	[tilespmem:v17+s25+$0x0] =	vst.idx.msk $0xffff, v13;
	v16 =	vpop (erf);
	v26 =	vmul.f32 $2.000000030e-01, v29  }
0x11a: {  	v63 =	vmul.f32 $2.000000030e-01, v27;
	v13 =	vld.idx.msk [tilespmem:v34+s0+$0x0], $0xffff;
	v17 =	vshll.u32 v61, $0x3;
	[tilespmem:v22+s25+$0x0] =	vst.idx.msk $0xffff, v16;
	v22 =	vshll.u32 v25, $0x3  }
0x11b: {  	v28 =	vmax.f32 v62, v28;
	v16 =	vld.idx.msk [tilespmem:v35+s6+$0x0], $0xffff;
	v25 =	vpop (erf);
	v22 =	vor.u32 v3, v22;
	v26 =	vmax.f32 v29, v26  }
0x11c: {  	s9 =	simm.s32 $0x8;
	s12 =	simm.s32 $0x1E;
	v27 =	vmax.f32 v27, v63;
	[tilespmem:v23+s25+$0x0] =	vst.idx.msk $0xffff, v25;
	v23 =	vld.idx.msk [tilespmem:v32+s6+$0x0], $0xffff;
	v25 =	vmul.f32 $1.442695020e+00, v28;
	v26 =	vmul.f32 $1.442695020e+00, v26  }
.LBB2_7:
0x11d: {  	s15 =	sadd.s32 $0xFFFFFFFA, s12;
	s16 =	sadd.s32 $0xFFFFFFFC, s12;
	s19 =	sadd.s32 $0xFFFFFFFE, s12;
	v28 =	vor.u32 v3, v15;
	v29 =	vld.idx.msk [tilespmem:v21+s0+$0x0], $0xffff;
	v15 =	vor.u32 v3, v17;
	v17 =	vmul.f32 $1.442695020e+00, v27;
	v27 =	vmovc v9  }
0x11e: {  	s9 =	sadd.s32 $0x4, s9;
	v20 =	vadd.f32 v24, v20;
	v9 =	vmov v14;
	s15 =	sor.u32 s17, s15;
	s19 =	sor.u32 s17, s19;
	v30 =	vld.idx.msk [tilespmem:v18+s6+$0x0], $0xffff;
	(erf) = vpow2.f32 v26  }
0x11f: {  	p1 =	slt.u32 s9, $0x7C;
	v14 =	vor.u32 s15, v1;
	s15 =	sor.u32 s17, s16;
	v31 =	vor.u32 s19, v1;
	s16 =	sor.u32 s17, s12;
	(erf) = vpow2.f32 v25;
	v18 =	vpop (erf)  }
0x120: {  	v25 =	vmul.f32 $2.000000030e-01, v20;
	v24 =	vor.u32 s15, v1;
	v21 =	vshll.u32 v31, $0x4;
	[tilespmem:v22+s25+$0x0] =	vst.idx.msk $0xffff, v18;
	v18 =	vpop (erf)  }
0x121: {  	v22 =	vshll.u32 v14, $0x4;
	v32 =	vor.u32 s16, v1;
	v26 =	vor.u32 v3, v21;
	[tilespmem:v8+s25+$0x0] =	vst.idx.msk $0xffff, v18;
	v8 =	vmovc v10  }
0x122: {  	v18 =	vshll.u32 v24, $0x4;
	v33 =	vor.u32 v4, v21;
	v20 =	vmax.f32 v20, v25;
	v10 =	vmovc v15  }
0x123: {  	v25 =	vor.u32 v3, v22;
	v15 =	vshll.u32 v32, $0x4;
	v20 =	vmul.f32 $1.442695020e+00, v20  }
0x124: {  	v22 =	vor.u32 v4, v22;
	v34 =	vor.u32 v3, v18;
	v35 =	vor.u32 v4, v18  }
0x125: {  	v21 =	vor.u32 v3, v15;
	v18 =	vor.u32 v4, v15;
	(erf) = vpow2.f32 v20  }
0x126: {  	v23 =	vadd.f32 v23, v19;
	v20 =	vld.idx.msk [tilespmem:v26+s0+$0x0], $0xffff;
	v26 =	vadd.f32 v16, v13;
	(erf) = vpow2.f32 v17  }
.Ltmp2:
0x127: {  	v14 =	vshll.u32 v14, $0x3;
	v15 =	vshll.u32 v24, $0x3;
	v29 =	vadd.f32 v30, v29;
	v24 =	vld.idx.msk [tilespmem:v33+s6+$0x0], $0xffff;
	v16 =	vpop (erf);
	(pc) =	sbr.rel @p1 .LBB2_7-.Ltmp2, $4  }
0x128: {  	v30 =	vmul.f32 $2.000000030e-01, v23;
	v17 =	vshll.u32 v32, $0x3;
	v13 =	vld.idx.msk [tilespmem:v25+s0+$0x0], $0xffff;
	v25 =	vmul.f32 $2.000000030e-01, v26;
	[tilespmem:v27+s25+$0x0] =	vst.idx.msk $0xffff, v16;
	v19 =	vpop (erf)  }
0x129: {  	v14 =	vor.u32 v3, v14;
	v33 =	vshll.u32 v12, $0x3;
	v27 =	vmul.f32 $2.000000030e-01, v29;
	v16 =	vld.idx.msk [tilespmem:v22+s6+$0x0], $0xffff;
	[tilespmem:v11+s25+$0x0] =	vst.idx.msk $0xffff, v19  }
0x12a: {  	v22 =	vor.u32 v3, v33;
	v19 =	vld.idx.msk [tilespmem:v34+s0+$0x0], $0xffff;
	v32 =	vmax.f32 v26, v25;
	v25 =	vmax.f32 v23, v30  }
0x12b: {  	s12 =	sadd.s32 $0x8, s12;
	v12 =	vmovc v31;
	v11 =	vmovc v28;
	v27 =	vmax.f32 v29, v27;
	v23 =	vld.idx.msk [tilespmem:v35+s6+$0x0], $0xffff;
	v26 =	vmul.f32 $1.442695020e+00, v32;
	v25 =	vmul.f32 $1.442695020e+00, v25  }
0x12c: {  	_ =	sdelay $0x3  }
0x12d: {  	v21 =	vld.idx.msk [tilespmem:v21+s0+$0x0], $0xffff  }
0x12e: {  	v18 =	vld.idx.msk [tilespmem:v18+s6+$0x0], $0xffff  }
0x12f: {  	v20 =	vadd.f32 v24, v20;
	_ =	sdelay $0x1  }
0x130: {  	v24 =	vmul.f32 $2.000000030e-01, v20;
	v13 =	vadd.f32 v16, v13  }
0x131: {  	(erf) = vpow2.f32 v26;
	v16 =	vmul.f32 $1.442695020e+00, v27;
	v19 =	vadd.f32 v23, v19  }
0x132: {  	v20 =	vmax.f32 v20, v24;
	v18 =	vadd.f32 v18, v21;
	v21 =	vmul.f32 $2.000000030e-01, v13  }
0x133: {  	v20 =	vmul.f32 $1.442695020e+00, v20;
	v23 =	vmul.f32 $2.000000030e-01, v19  }
0x134: {  	(erf) = vpow2.f32 v25;
	v24 =	vmul.f32 $2.000000030e-01, v18;
	v13 =	vmax.f32 v13, v21  }
0x135: {  	(erf) = vpow2.f32 v20;
	v19 =	vmax.f32 v19, v23;
	v13 =	vmul.f32 $1.442695020e+00, v13  }
0x136: {  	(erf) = vpow2.f32 v16;
	v16 =	vmul.f32 $1.442695020e+00, v19;
	v18 =	vmax.f32 v18, v24  }
0x137: {  	v18 =	vmul.f32 $1.442695020e+00, v18;
	(erf) = vpow2.f32 v13  }
0x138: {  	(erf) = vpow2.f32 v16  }
0x139: {  	v12 =	vshll.u32 v12, $0x3;
	(erf) = vpow2.f32 v18  }
0x13a: {  	v12 =	vor.u32 v3, v12;
	v13 =	vpop (erf)  }
0x13b: {  	v16 =	vpop (erf);
	[tilespmem:v22+s25+$0x0] =	vst.idx.msk $0xffff, v13  }
0x13c: {  	s9 =	sadd.s32 $0xFFFFFFF8, s17;
	v13 =	vpop (erf);
	[tilespmem:v8+s25+$0x0] =	vst.idx.msk $0xffff, v16  }
0x13d: {  	v15 =	vor.u32 v3, v15;
	s24 =	sshll.u32 s9, $0x3;
	v8 =	vpop (erf);
	[tilespmem:v9+s25+$0x0] =	vst.idx.msk $0xffff, v13  }
0x13e: {  	s16 =	sadd.s32 $0x78, s24;
	v13 =	vor.u32 v3, v17;
	v9 =	vpop (erf);
	[tilespmem:v11+s25+$0x0] =	vst.idx.msk $0xffff, v8  }
0x13f: {  	[tilespmem:v12+s25+$0x0] =	vst.idx.msk $0xffff, v9;
	v8 =	vpop (erf);
	v9 =	vor.u32 s16, v1  }
0x140: {  	s23 =	sadd.s32 $0x40, s24;
	[tilespmem:v10+s25+$0x0] =	vst.idx.msk $0xffff, v8;
	v8 =	vpop (erf)  }
0x141: {  	s29 =	sadd.s32 $0x48, s24;
	v10 =	vor.u32 s23, v1;
	[tilespmem:v14+s25+$0x0] =	vst.idx.msk $0xffff, v8;
	v8 =	vpop (erf)  }
0x142: {  	s15 =	sadd.s32 $0x58, s24;
	v11 =	vor.u32 s29, v1;
	[tilespmem:v15+s25+$0x0] =	vst.idx.msk $0xffff, v8;
	v8 =	vpop (erf)  }
0x143: {  	s19 =	sshll.u32 s18, $0xE;
	v12 =	vor.u32 s15, v1;
	[tilespmem:v13+s25+$0x0] =	vst.idx.msk $0xffff, v8  }
0x144: {  	s21 =	sor.u32 $0x700, s19;
	v9 =	vld.idx.msk [tilespmem:v9+s25+$0x0], $0xffff  }
0x145: {  	v14 =	vld [tilespmem:s21+$0xC0]  }
0x146: {  	v10 =	vld.idx.msk [tilespmem:v10+s25+$0x0], $0xffff  }
0x147: {  	v11 =	vld.idx.msk [tilespmem:v11+s25+$0x0], $0xffff  }
0x148: {  	v12 =	vld.idx.msk [tilespmem:v12+s25+$0x0], $0xffff  }
0x149: {  	v54 =	vld [tilespmem:s21+$0xFFFFFF40]  }
0x14a: {  	v55 =	vld [tilespmem:s21+$0xFFFFFF80]  }
0x14b: {  	s12 =	sadd.s32 $0x50, s24;
	v21 =	vld [tilespmem:s21+$0xFFFFFFC0]  }
0x14c: {  	s22 =	sadd.s32 $0x68, s24;
	v8 =	vor.u32 s12, v1;
	v23 =	vld [tilespmem:s21+$0x0]  }
0x14d: {  	s9 =	sadd.s32 $0x60, s24;
	s24 =	sadd.s32 $0x70, s24;
	v15 =	vor.u32 s22, v1;
	v24 =	vld [tilespmem:s21+$0x40]  }
0x14e: {  	v16 =	vor.u32 s24, v1;
	v58 =	vld [tilespmem:s21+$0xFFFFFF50]  }
0x14f: {  	v59 =	vld [tilespmem:s21+$0xFFFFFF90]  }
0x150: {  	v17 =	vor.u32 s16, v5;
	v60 =	vld [tilespmem:s21+$0x90]  }
0x151: {  	v8 =	vld.idx.msk [tilespmem:v8+s25+$0x0], $0xffff  }
0x152: {  	v13 =	vor.u32 s9, v1;
	v9 =	vmul.f32 v9, v14;
	v14 =	vld.idx.msk [tilespmem:v15+s25+$0x0], $0xffff  }
0x153: {  	v15 =	vld.idx.msk [tilespmem:v16+s25+$0x0], $0xffff  }
0x154: {  	v16 =	vld [tilespmem:s21+$0xD0];
	[tilespmem:s21+$0xC0] =	vst v9  }
0x155: {  	v9 =	vld.idx.msk [tilespmem:v17+s25+$0x0], $0xffff  }
0x156: {  	v11 =	vmul.f32 v11, v54;
	v17 =	vld [tilespmem:s21+$0xFFFFFF00]  }
0x157: {  	v13 =	vld.idx.msk [tilespmem:v13+s25+$0x0], $0xffff  }
0x158: {  	v26 =	vld [tilespmem:s21+$0xFFFFFF20];
	[tilespmem:s21+$0xFFFFFF40] =	vst v11;
	v11 =	vmul.f32 v12, v21  }
0x159: {  	v20 =	vor.u32 s16, v6;
	v62 =	vld [tilespmem:s21+$0xFFFFFFE0];
	v8 =	vmul.f32 v8, v55  }
0x15a: {  	v22 =	vor.u32 s23, v5;
	[tilespmem:s21+$0xFFFFFFC0] =	vst v11;
	v11 =	vmul.f32 v14, v24;
	v24 =	vld [tilespmem:s21+$0x50];
	v9 =	vmul.f32 v9, v16  }
0x15b: {  	[tilespmem:s21+$0xFFFFFF80] =	vst v8;
	v16 =	vor.u32 s29, v5;
	v10 =	vmul.f32 v10, v17;
	v17 =	vld [tilespmem:s21+$0x80]  }
0x15c: {  	v8 =	vmul.f32 v13, v23;
	v23 =	vld [tilespmem:s21+$0x10];
	[tilespmem:s21+$0xD0] =	vst v9;
	v9 =	vor.u32 s15, v5  }
0x15d: {  	v57 =	vor.u32 s22, v5;
	[tilespmem:s21+$0xFFFFFF00] =	vst v10;
	v10 =	vld [tilespmem:s21+$0xE0]  }
0x15e: {  	v56 =	vld.idx.msk [tilespmem:v20+s25+$0x0], $0xffff;
	v20 =	vor.u32 s9, v5  }
0x15f: {  	v21 =	vor.u32 s24, v5;
	v12 =	vld.idx.msk [tilespmem:v22+s25+$0x0], $0xffff  }
0x160: {  	[tilespmem:s21+$0x0] =	vst v8;
	v13 =	vld.idx.msk [tilespmem:v16+s25+$0x0], $0xffff;
	v8 =	vmul.f32 v15, v17  }
0x161: {  	[tilespmem:s21+$0x40] =	vst v11;
	v16 =	vor.u32 s16, v7;
	v9 =	vld.idx.msk [tilespmem:v9+s25+$0x0], $0xffff  }
0x162: {  	[tilespmem:s21+$0x80] =	vst v8;
	v8 =	vld.idx.msk [tilespmem:v57+s25+$0x0], $0xffff  }
0x163: {  	v25 =	vor.u32 s12, v5;
	v11 =	vld.idx.msk [tilespmem:v20+s25+$0x0], $0xffff;
	v10 =	vmul.f32 v56, v10  }
0x164: {  	v15 =	vld.idx.msk [tilespmem:v21+s25+$0x0], $0xffff  }
0x165: {  	v22 =	vor.u32 s29, v6;
	v21 =	vld [tilespmem:s21+$0xFFFFFFD0];
	[tilespmem:s21+$0xE0] =	vst v10  }
0x166: {  	v10 =	vld.idx.msk [tilespmem:v16+s25+$0x0], $0xffff  }
0x167: {  	v61 =	vor.u32 s22, v6;
	v13 =	vmul.f32 v13, v58;
	v16 =	vld [tilespmem:s21+$0xFFFFFF10]  }
0x168: {  	v14 =	vld.idx.msk [tilespmem:v25+s25+$0x0], $0xffff  }
0x169: {  	v25 =	vor.u32 s15, v6;
	v17 =	vld [tilespmem:s21+$0xF0];
	[tilespmem:s21+$0xFFFFFF50] =	vst v13;
	v8 =	vmul.f32 v8, v24  }
0x16a: {  	v20 =	vor.u32 s23, v6;
	v9 =	vmul.f32 v9, v21;
	v21 =	vld.idx.msk [tilespmem:v22+s25+$0x0], $0xffff  }
0x16b: {  	v13 =	vor.u32 s24, v6;
	v11 =	vmul.f32 v11, v23;
	v23 =	vld [tilespmem:s21+$0x20];
	[tilespmem:s21+$0x50] =	vst v8  }
0x16c: {  	[tilespmem:s21+$0xFFFFFFD0] =	vst v9;
	v8 =	vld.idx.msk [tilespmem:v61+s25+$0x0], $0xffff;
	v12 =	vmul.f32 v12, v16  }
0x16d: {  	[tilespmem:s21+$0x10] =	vst v11;
	v11 =	vmul.f32 v15, v60;
	v15 =	vld [tilespmem:s21+$0xFFFFFFA0];
	v16 =	vor.u32 s12, v6  }
0x16e: {  	v9 =	vld.idx.msk [tilespmem:v25+s25+$0x0], $0xffff;
	[tilespmem:s21+$0xFFFFFF10] =	vst v12  }
0x16f: {  	v14 =	vmul.f32 v14, v59;
	[tilespmem:s21+$0x90] =	vst v11;
	v12 =	vor.u32 s9, v6;
	v20 =	vld.idx.msk [tilespmem:v20+s25+$0x0], $0xffff  }
0x170: {  	v11 =	vld.idx.msk [tilespmem:v13+s25+$0x0], $0xffff  }
0x171: {  	[tilespmem:s21+$0xFFFFFF90] =	vst v14;
	v13 =	vld [tilespmem:s21+$0xFFFFFF60]  }
0x172: {  	v16 =	vld.idx.msk [tilespmem:v16+s25+$0x0], $0xffff  }
0x173: {  	v14 =	vor.u32 s23, v7;
	v10 =	vmul.f32 v10, v17;
	v17 =	vld [tilespmem:s21+$0x60]  }
0x174: {  	v63 =	vor.u32 s29, v7;
	v12 =	vld.idx.msk [tilespmem:v12+s25+$0x0], $0xffff;
	v20 =	vmul.f32 v20, v26  }
0x175: {  	v24 =	vor.u32 s12, v7;
	[tilespmem:s21+$0xF0] =	vst v10;
	v9 =	vmul.f32 v9, v62  }
0x176: {  	v25 =	vor.u32 s15, v7;
	v13 =	vmul.f32 v21, v13;
	[tilespmem:s21+$0xFFFFFF20] =	vst v20;
	v20 =	vld [tilespmem:s21+$0xA0]  }
0x177: {  	v21 =	vor.u32 s9, v7;
	[tilespmem:s21+$0xFFFFFFE0] =	vst v9;
	v10 =	vmul.f32 v16, v15;
	v15 =	vld [tilespmem:s21+$0xFFFFFF30]  }
0x178: {  	v9 =	vor.u32 s22, v7;
	[tilespmem:s21+$0xFFFFFF60] =	vst v13;
	v14 =	vld.idx.msk [tilespmem:v14+s25+$0x0], $0xffff  }
0x179: {  	v22 =	vld.idx.msk [tilespmem:v63+s25+$0x0], $0xffff;
	[tilespmem:s21+$0xFFFFFFA0] =	vst v10;
	v10 =	vmul.f32 v12, v23;
	v12 =	vmul.f32 v8, v17;
	v8 =	vor.u32 s24, v7  }
0x17a: {  	v23 =	vld.idx.msk [tilespmem:v24+s25+$0x0], $0xffff  }
0x17b: {  	v24 =	vld.idx.msk [tilespmem:v25+s25+$0x0], $0xffff;
	[tilespmem:s21+$0x20] =	vst v10;
	v11 =	vmul.f32 v11, v20  }
0x17c: {  	s23 =	simm.s32 $0x0;
	s22 =	smov.u32 s21;
	[tilespmem:s21+$0x60] =	vst v12;
	v25 =	vld.idx.msk [tilespmem:v21+s25+$0x0], $0xffff  }
.LBB2_9:
0x17d: {  	s9 =	sadd.s32 s23, s17;
	s23 =	sadd.s32 $0x8, s23;
	v10 =	vmul.f32 v14, v15;
	v26 =	vld.idx.msk [tilespmem:v9+s25+$0x0], $0xffff;
	[tilespmem:s21+$0xA0] =	vst v11  }
0x17e: {  	s9 =	sshll.u32 s9, $0x3;
	p1 =	slt.u32 s23, $0xF8;
	v27 =	vld.idx.msk [tilespmem:v8+s25+$0x0], $0xffff  }
0x17f: {  	s12 =	sadd.s32 $0x40, s9;
	s15 =	sadd.s32 $0x48, s9;
	s24 =	sadd.s32 $0x78, s9;
	[tilespmem:s21+$0xFFFFFF30] =	vst v10;
	v28 =	vld [tilespmem:s21+$0xFFFFFF70]  }
0x180: {  	s16 =	sadd.s32 $0x50, s9;
	s29 =	sadd.s32 $0x58, s9;
	s14 =	sadd.s32 $0x60, s9;
	v8 =	vor.u32 s12, v1;
	v9 =	vor.u32 s15, v1;
	v10 =	vor.u32 s24, v1;
	v29 =	vld [tilespmem:s21+$0xFFFFFFB0]  }
0x181: {  	s13 =	sadd.s32 $0x68, s9;
	s9 =	sadd.s32 $0x70, s9;
	v30 =	vor.u32 s16, v1;
	v31 =	vor.u32 s29, v1;
	v32 =	vor.u32 s14, v1;
	v33 =	vld [tilespmem:s21+$0xFFFFFFF0]  }
0x182: {  	v34 =	vor.u32 s12, v5;
	v35 =	vor.u32 s13, v1;
	v36 =	vor.u32 s9, v1;
	v37 =	vld [tilespmem:s21+$0x30]  }
0x183: {  	v38 =	vor.u32 s15, v5;
	v39 =	vor.u32 s16, v5;
	v40 =	vor.u32 s29, v5;
	v41 =	vld [tilespmem:s21+$0x70]  }
0x184: {  	v42 =	vor.u32 s14, v5;
	v43 =	vor.u32 s13, v5;
	v44 =	vor.u32 s9, v5;
	v45 =	vld [tilespmem:s21+$0xB0]  }
0x185: {  	v21 =	vor.u32 s12, v6;
	v20 =	vor.u32 s15, v6;
	v18 =	vor.u32 s16, v6;
	s21 =	sadd.s32 $0x200, s21;
	v46 =	vld.idx.msk [tilespmem:v10+s25+$0x0], $0xffff  }
0x186: {  	v19 =	vor.u32 s29, v6;
	v16 =	vor.u32 s14, v6;
	v15 =	vor.u32 s13, v6;
	v47 =	vld [tilespmem:s21+$0xC0]  }
0x187: {  	v14 =	vor.u32 s12, v7;
	v12 =	vor.u32 s15, v7;
	v17 =	vor.u32 s9, v6;
	v48 =	vld.idx.msk [tilespmem:v8+s25+$0x0], $0xffff  }
0x188: {  	v13 =	vor.u32 s16, v7;
	v11 =	vor.u32 s29, v7;
	v10 =	vor.u32 s14, v7;
	v49 =	vld.idx.msk [tilespmem:v9+s25+$0x0], $0xffff  }
0x189: {  	v50 =	vor.u32 s24, v5;
	v8 =	vor.u32 s9, v7;
	v9 =	vor.u32 s13, v7;
	v30 =	vld.idx.msk [tilespmem:v30+s25+$0x0], $0xffff  }
0x18a: {  	v22 =	vmul.f32 v22, v28;
	v23 =	vmul.f32 v23, v29;
	v31 =	vld.idx.msk [tilespmem:v31+s25+$0x0], $0xffff  }
0x18b: {  	v24 =	vmul.f32 v24, v33;
	v28 =	vld.idx.msk [tilespmem:v32+s25+$0x0], $0xffff;
	v29 =	vmul.f32 v46, v47  }
0x18c: {  	v32 =	vld.idx.msk [tilespmem:v35+s25+$0x0], $0xffff;
	[tilespmem:s22+$0xFFFFFF70] =	vst v22;
	v22 =	vmul.f32 v25, v37;
	v25 =	vmul.f32 v26, v41  }
0x18d: {  	v27 =	vmul.f32 v27, v45;
	v26 =	vld.idx.msk [tilespmem:v36+s25+$0x0], $0xffff;
	[tilespmem:s21+$0xC0] =	vst v29  }
0x18e: {  	v29 =	vld.idx.msk [tilespmem:v50+s25+$0x0], $0xffff;
	[tilespmem:s22+$0xFFFFFFB0] =	vst v23  }
0x18f: {  	v23 =	vld [tilespmem:s21+$0xD0];
	[tilespmem:s22+$0xFFFFFFF0] =	vst v24  }
0x190: {  	v24 =	vld [tilespmem:s21+$0xFFFFFF00];
	[tilespmem:s22+$0x30] =	vst v22  }
0x191: {  	v22 =	vld [tilespmem:s21+$0xFFFFFF40];
	[tilespmem:s22+$0x70] =	vst v25  }
0x192: {  	v33 =	vor.u32 s24, v6;
	v25 =	vld [tilespmem:s21+$0xFFFFFF80];
	[tilespmem:s22+$0xB0] =	vst v27;
	s22 =	smov.u32 s21  }
0x193: {  	v27 =	vld [tilespmem:s21+$0xFFFFFFC0]  }
0x194: {  	v35 =	vld [tilespmem:s21+$0x0];
	v23 =	vmul.f32 v29, v23  }
0x195: {  	v24 =	vmul.f32 v48, v24;
	v29 =	vld [tilespmem:s21+$0x40]  }
0x196: {  	v22 =	vmul.f32 v49, v22;
	v36 =	vld [tilespmem:s21+$0x80];
	[tilespmem:s21+$0xD0] =	vst v23  }
0x197: {  	[tilespmem:s21+$0xFFFFFF00] =	vst v24;
	v23 =	vmul.f32 v30, v25;
	v24 =	vld.idx.msk [tilespmem:v33+s25+$0x0], $0xffff  }
0x198: {  	[tilespmem:s21+$0xFFFFFF40] =	vst v22;
	v22 =	vmul.f32 v31, v27;
	v25 =	vld [tilespmem:s21+$0xE0]  }
0x199: {  	v27 =	vld.idx.msk [tilespmem:v34+s25+$0x0], $0xffff;
	[tilespmem:s21+$0xFFFFFF80] =	vst v23;
	v23 =	vmul.f32 v28, v35  }
0x19a: {  	v28 =	vld.idx.msk [tilespmem:v38+s25+$0x0], $0xffff;
	[tilespmem:s21+$0xFFFFFFC0] =	vst v22;
	v22 =	vmul.f32 v32, v29  }
0x19b: {  	v29 =	vld.idx.msk [tilespmem:v39+s25+$0x0], $0xffff;
	[tilespmem:s21+$0x0] =	vst v23;
	v23 =	vmul.f32 v26, v36;
	v26 =	vor.u32 s24, v7  }
0x19c: {  	v30 =	vld.idx.msk [tilespmem:v40+s25+$0x0], $0xffff;
	[tilespmem:s21+$0x40] =	vst v22  }
0x19d: {  	v22 =	vld.idx.msk [tilespmem:v42+s25+$0x0], $0xffff;
	[tilespmem:s21+$0x80] =	vst v23;
	v23 =	vmul.f32 v24, v25  }
0x19e: {  	v24 =	vld.idx.msk [tilespmem:v43+s25+$0x0], $0xffff  }
0x19f: {  	v25 =	vld.idx.msk [tilespmem:v44+s25+$0x0], $0xffff;
	[tilespmem:s21+$0xE0] =	vst v23  }
0x1a0: {  	v23 =	vld.idx.msk [tilespmem:v26+s25+$0x0], $0xffff  }
0x1a1: {  	v26 =	vld [tilespmem:s21+$0xF0]  }
0x1a2: {  	v31 =	vld [tilespmem:s21+$0xFFFFFF10]  }
0x1a3: {  	v32 =	vld [tilespmem:s21+$0xFFFFFF50]  }
0x1a4: {  	v33 =	vld [tilespmem:s21+$0xFFFFFF90]  }
0x1a5: {  	v34 =	vld [tilespmem:s21+$0xFFFFFFD0]  }
0x1a6: {  	v35 =	vld [tilespmem:s21+$0x10];
	v23 =	vmul.f32 v23, v26  }
0x1a7: {  	v26 =	vmul.f32 v27, v31;
	v27 =	vld [tilespmem:s21+$0x50]  }
0x1a8: {  	v28 =	vmul.f32 v28, v32;
	v31 =	vld [tilespmem:s21+$0x90];
	[tilespmem:s21+$0xF0] =	vst v23  }
0x1a9: {  	[tilespmem:s21+$0xFFFFFF10] =	vst v26;
	v23 =	vld [tilespmem:s21+$0xFFFFFF20];
	v26 =	vmul.f32 v29, v33  }
0x1aa: {  	v21 =	vld.idx.msk [tilespmem:v21+s25+$0x0], $0xffff;
	[tilespmem:s21+$0xFFFFFF50] =	vst v28;
	v28 =	vmul.f32 v30, v34  }
0x1ab: {  	v20 =	vld.idx.msk [tilespmem:v20+s25+$0x0], $0xffff;
	[tilespmem:s21+$0xFFFFFF90] =	vst v26;
	v22 =	vmul.f32 v22, v35  }
0x1ac: {  	v18 =	vld.idx.msk [tilespmem:v18+s25+$0x0], $0xffff;
	[tilespmem:s21+$0xFFFFFFD0] =	vst v28;
	v24 =	vmul.f32 v24, v27  }
0x1ad: {  	v19 =	vld.idx.msk [tilespmem:v19+s25+$0x0], $0xffff;
	[tilespmem:s21+$0x10] =	vst v22;
	v22 =	vmul.f32 v25, v31  }
0x1ae: {  	v16 =	vld.idx.msk [tilespmem:v16+s25+$0x0], $0xffff;
	[tilespmem:s21+$0x50] =	vst v24  }
0x1af: {  	v24 =	vld.idx.msk [tilespmem:v15+s25+$0x0], $0xffff;
	[tilespmem:s21+$0x90] =	vst v22  }
0x1b0: {  	v15 =	vmul.f32 v21, v23;
	v17 =	vld.idx.msk [tilespmem:v17+s25+$0x0], $0xffff  }
0x1b1: {  	v21 =	vld [tilespmem:s21+$0xFFFFFF60]  }
0x1b2: {  	[tilespmem:s21+$0xFFFFFF20] =	vst v15;
	v15 =	vld [tilespmem:s21+$0xFFFFFFA0]  }
0x1b3: {  	v22 =	vld [tilespmem:s21+$0xFFFFFFE0]  }
0x1b4: {  	v23 =	vld [tilespmem:s21+$0x20]  }
0x1b5: {  	v25 =	vld [tilespmem:s21+$0x60]  }
0x1b6: {  	v20 =	vmul.f32 v20, v21;
	v21 =	vld [tilespmem:s21+$0xA0]  }
0x1b7: {  	v14 =	vld.idx.msk [tilespmem:v14+s25+$0x0], $0xffff;
	v18 =	vmul.f32 v18, v15  }
.Ltmp3:
0x1b8: {  	v15 =	vld [tilespmem:s21+$0xFFFFFF30];
	[tilespmem:s21+$0xFFFFFF60] =	vst v20;
	v19 =	vmul.f32 v19, v22;
	(pc) =	sbr.rel @p1 .LBB2_9-.Ltmp3, $4  }
0x1b9: {  	v22 =	vld.idx.msk [tilespmem:v12+s25+$0x0], $0xffff;
	[tilespmem:s21+$0xFFFFFFA0] =	vst v18;
	v12 =	vmul.f32 v16, v23  }
0x1ba: {  	v23 =	vld.idx.msk [tilespmem:v13+s25+$0x0], $0xffff;
	[tilespmem:s21+$0xFFFFFFE0] =	vst v19;
	v13 =	vmul.f32 v24, v25  }
0x1bb: {  	v24 =	vld.idx.msk [tilespmem:v11+s25+$0x0], $0xffff;
	[tilespmem:s21+$0x20] =	vst v12;
	v11 =	vmul.f32 v17, v21  }
0x1bc: {  	v25 =	vld.idx.msk [tilespmem:v10+s25+$0x0], $0xffff;
	[tilespmem:s21+$0x60] =	vst v13  }
0x1bd: {  	_ =	sdelay $0x3  }
0x1be: {  	v9 =	vld.idx.msk [tilespmem:v9+s25+$0x0], $0xffff  }
0x1bf: {  	v10 =	vld [tilespmem:s21+$0xFFFFFF70]  }
0x1c0: {  	v61 =	vld [tilespmem:s21+$0xFFFFFFB0]  }
0x1c1: {  	v12 =	vld [tilespmem:s21+$0xFFFFFFF0]  }
0x1c2: {  	v13 =	vld [tilespmem:s21+$0x30]  }
0x1c3: {  	v62 =	vld [tilespmem:s21+$0x70]  }
0x1c4: {  	[tilespmem:s21+$0xA0] =	vst v11;
	v14 =	vmul.f32 v14, v15;
	v16 =	vld [tilespmem:s21+$0xB0]  }
0x1c5: {  	v8 =	vld.idx.msk [tilespmem:v8+s25+$0x0], $0xffff;
	v10 =	vmul.f32 v22, v10  }
0x1c6: {  	[tilespmem:s21+$0xFFFFFF30] =	vst v14;
	v11 =	vmul.f32 v23, v61  }
0x1c7: {  	v12 =	vmul.f32 v24, v12;
	[tilespmem:s22+$0xFFFFFF70] =	vst v10  }
0x1c8: {  	v63 =	vmul.f32 v25, v13;
	[tilespmem:s22+$0xFFFFFFB0] =	vst v11  }
0x1c9: {  	v9 =	vmul.f32 v9, v62;
	[tilespmem:s22+$0xFFFFFFF0] =	vst v12  }
0x1ca: {  	v8 =	vmul.f32 v8, v16;
	[tilespmem:s22+$0x30] =	vst v63  }
0x1cb: {  	s9 =	sor.u32 $0x600, s19;
	s12 =	sadd.s32 $0x300, s17;
	[tilespmem:s22+$0x70] =	vst v9  }
0x1cc: {  	s13 =	sor.u32 $0x80, s17;
	s24 =	sadd.s32 $0x380, s17;
	[tilespmem:s22+$0xB0] =	vst v8;
	s22 =	sshll.u32 s18, $0xB  }
0x1cd: {  	[spmem:s2] =	stream.indirect.scatter.add.f32 [tilespmem:s9], [sflag:$0x3], $0x40, s12, s31, $0xb8;
	[tilespmem:$0x1EE10] =	vst v63  }
0x1ce: {  	p1 =	slt.u32 s30, $0x28;
	s23 =	sshll.u32 s13, $0x6;
	s9 =	sadd.s32 $0x12600, s22  }
0x1cf: {  	[spmem:s3] =	stream.indirect.scatter.add.f32 [tilespmem:s9], [sflag:$0x3], $0x8, s12, s31, $0xb8;
	[tilespmem:$0x1EE10] =	vst v63  }
.Ltmp4:
0x1d0: {  	s29 =	sshll.u32 s13, $0x3;
	s9 =	sadd.s32 $0x600, s23;
	(pc) =	sbr.rel @p1 .LBB2_6-.Ltmp4, $4  }
0x1d1: {  	[spmem:s2] =	stream.indirect.scatter.add.f32 [tilespmem:s9], [sflag:$0x3], $0x40, s24, s31, $0xb8;
	[tilespmem:$0x1EE10] =	vst v63  }
0x1d2: {  	s9 =	sadd.s32 $0x12600, s29  }
0x1d3: {  	[spmem:s3] =	stream.indirect.scatter.add.f32 [tilespmem:s9], [sflag:$0x3], $0x8, s24, s31, $0xb8;
	[tilespmem:$0x1EE10] =	vst v63  }
0x1d4: {  	s9 =	smov.u32 s30  }
0x1d5: {  	s9 =	simm.s32 $0x3  }
0x1d6: {  	_ =	swait.ge [sflag:s9], $0x2000  }
0x1d7: {  	[sflag:s9] =	ssyncset.done $0x0  }
0x1d8: {  	[sflag:s9] =	ssyncadd.s32 $0xFFFFE000  }
0x1d9: {  	_ =	swait.ge [sflag:s9], $0x400  }
0x1da: {  	[sflag:s9] =	ssyncset.done $0x0  }
0x1db: {  	[sflag:s9] =	ssyncadd.s32 $0xFFFFFC00  }
0x1dc: {  	_ =	swait.ge [sflag:s9], $0x2000  }
0x1dd: {  	[sflag:s9] =	ssyncset.done $0x0  }
0x1de: {  	[sflag:s9] =	ssyncadd.s32 $0xFFFFE000  }
0x1df: {  	_ =	swait.ge [sflag:s9], $0x400  }
0x1e0: {  	[sflag:s9] =	ssyncset.done $0x0  }
0x1e1: {  	[sflag:s9] =	ssyncadd.s32 $0xFFFFFC00  }
0x1e2: {  	_ =	swait.ge [sflag:s9], $0x2000  }
0x1e3: {  	[sflag:s9] =	ssyncset.done $0x0  }
0x1e4: {  	[sflag:s9] =	ssyncadd.s32 $0xFFFFE000  }
0x1e5: {  	_ =	swait.ge [sflag:s9], $0x400  }
0x1e6: {  	[sflag:s9] =	ssyncset.done $0x0  }
0x1e7: {  	[sflag:s9] =	ssyncadd.s32 $0xFFFFFC00  }
0x1e8: {  	_ =	swait.ge [sflag:s9], $0x2000  }
0x1e9: {  	[sflag:s9] =	ssyncset.done $0x0  }
0x1ea: {  	[sflag:s9] =	ssyncadd.s32 $0xFFFFE000  }
0x1eb: {  	_ =	swait.ge [sflag:s9], $0x400  }
0x1ec: {  	[sflag:s9] =	ssyncset.done $0x0  }
0x1ed: {  	[sflag:s9] =	ssyncadd.s32 $0xFFFFFC00  }
0x1ee: {  	s22 =	stileid.u32;
	[bflag:$0x0] =	sbarrier.arrive $0xFFFF  }
0x1ef: {  	s9 =	sshll.u32 s22, $0x6;
	s18 =	rddreg [dreg:$0x5]  }
0x1f0: {  	s9 =	sor.u32 $0x1C04, s9;
	s13 =	rddreg [dreg:$0xd];
	s12 =	sshrl.u32 s18, $0x3  }
0x1f1: {  	[hbm:s13], [sflag:s9] =	dma.local [spmem:s12], $0x1380  }
0x1f2: {  	_ =	swait.ge [sflag:s28], $0x1380  }
0x1f3: {  	[sflag:s28] =	ssyncset.done $0x0;
	s19 =	rddreg [dreg:$0x8]  }
0x1f4: {  	s24 =	rddreg [dreg:$0x10];
	[sflag:s28] =	ssyncadd.s32 $0xFFFFEC80;
	s23 =	sshrl.u32 s19, $0x3  }
0x1f5: {  	[hbm:s24], [sflag:s9] =	dma.local [spmem:s23], $0x270  }
0x1f6: {  	_ =	swait.ge [sflag:s28], $0x270  }
0x1f7: {  	[sflag:s28] =	ssyncset.done $0x0;
	s14 =	rddreg [dreg:$0xb]  }
0x1f8: {  	s13 =	rddreg [dreg:$0x11];
	[sflag:s28] =	ssyncadd.s32 $0xFFFFFD90;
	s12 =	sshrl.u32 @!p0 s14, $0x3  }
0x1f9: {  	[hbm:s13], [sflag:s9] =	dma.local @!p0 [spmem:s12], $0x80  }
0x1fa: {  	s12 =	simm.s32 @!p0 $0x4  }
0x1fb: {  	_ =	swait.ge @!p0 [sflag:s12], $0x80  }
0x1fc: {  	[sflag:s12] =	ssyncset.done @!p0 $0x0;
	s21 =	rddreg [dreg:$0xc]  }
0x1fd: {  	s15 =	rddreg [dreg:$0x12];
	[sflag:s12] =	ssyncadd.s32 @!p0 $0xFFFFFF80;
	s13 =	sshrl.u32 @!p0 s21, $0x3  }
0x1fe: {  	[hbm:s15], [sflag:s9] =	dma.local @!p0 [spmem:s13], $0x10  }
0x1ff: {  	_ =	swait.ge @!p0 [sflag:s12], $0x10  }
0x200: {  	s29 =	rddreg [dreg:$0x14]  }
0x201: {  	s30 =	rddreg [dreg:$0x13];
	s13 =	sadd.s32 $0x1, s29  }
0x202: {  	p1 =	sne.s32 s13, s30  }
.Ltmp5:
0x203: {  	_ = 	snop;
	(pc) =	sbr.rel @p1 .LBB2_1-.Ltmp5, $3  }
0x204: {  	_ =	sdelay $0x1  }
0x205: {  	[sflag:s12] =	ssyncset.done @!p0 $0x0  }
0x206: {  	[sflag:s12] =	ssyncadd.s32 @!p0 $0xFFFFFFF0  }
0x207: {  	_ =	sfence.sel $0x180000  }
0x208: {  	[bflag:$0x0] =	sbarrier.arrive $0xFFFF  }
0x209: {  	_ =	strace $0x90000047  }
0x20a: {  	s0 =	stileid.u32;
	[bflag:$0x2] =	sbarrier.arrive $0xFFFF  }
0x20b: {  	p0 =	sne.s32 s0, $0x0;
	s0 =	rddreg [dreg:$0x4]  }
0x20c: {  	s0 =	sadd.s32 @!p0 $0x100000, s0  }
0x20d: {  	[sflag:s0] =	ssyncadd.tile.s32 @!p0 $0x1;
	_ =	shalt  }
.Lfunc_end2:
_tile_overlayer_lowered:
.L_overlay_start_2:
0x20e: {  	(tag) =	ssettag $0x2  }
0x20f: {  	s0 =	rddreg [dreg:$0x0];
	s2 =	stileid.u32  }
0x210: {  	s1 =	rddreg [dreg:$0x1];
	p0 =	sne.s32 s2, $0x0  }
0x211: {  	s3 =	rddreg [dreg:$0x2];
	[bflag:$0x3] =	sbarrier.arrive $0xFFFF;
	s2 =	simm.s32 @!p0 $0x1C04  }
0x212: {  	[timem:s3], [sflag:s2] =	dma.local @!p0 [hbm:s0], s1  }
0x213: {  	s0 =	simm.s32 @!p0 $0x4  }
0x214: {  	_ =	swait.ge @!p0 [sflag:s0], s1  }
0x215: {  	s1 =	ssub.s32 @!p0 $0x0, s1;
	[sflag:s0] =	ssyncset.done @!p0 $0x0  }
0x216: {  	[sflag:s0] =	ssyncadd.s32 @!p0 s1  }
0x217: {  	[bflag:$0x3] =	sbarrier.arrive $0xFFFF  }
0x218: {  	_ =	shalt  }

</sc_bundles>
